<compile_context>
chip_gen: v7x
topology: tpu7x:2x2x1
jax: 0.10.2.dev20260603
libtpu: 0.0.44.dev20260713+nightly
codegen_flags: <defaults>
</compile_context>

<pallas_src>
import math

import jax
import jax.numpy as jnp
from jax.experimental import pallas as pl
from jax.experimental.pallas import tpu as pltpu

B_, T_, C_, IMG_, P_ = 1, 8, 3, 224, 16
NPATCH = (IMG_ // P_) ** 2
S = T_ * NPATCH
D = 768
NH, DH = 12, 64
E, K, L, DFF = 8, 2, 2, 2048

BLK = 128
A = S * K
G_MOE = (A + E * (BLK - 1) + BLK - 1) // BLK
PAD_ROWS = G_MOE * BLK
NQ = 4
SQ = S // NQ

_INTERPRET = False


def _bf16_rne(x):
    u = jax.lax.bitcast_convert_type(x, jnp.int32)
    r = (u + jnp.int32(0x7FFF) + ((u >> 16) & jnp.int32(1))) & jnp.int32(-65536)
    return jax.lax.bitcast_convert_type(r, jnp.float32)


def _ln_ref(x, g, b):
    m = jnp.mean(x, axis=-1, keepdims=True)
    v = jnp.var(x, axis=-1, keepdims=True)
    return (x - m) / jnp.sqrt(v + 1e-5) * g + b


def _patch_kernel(p_ref, w_ref, b_ref, pos_ref, o_ref):
    o_ref[...] = p_ref[...] @ w_ref[...] + b_ref[...] + pos_ref[...]


def _patch_proj(patches, patch_w, patch_b, pos_emb):
    return pl.pallas_call(
        _patch_kernel,
        out_shape=jax.ShapeDtypeStruct((S, D), jnp.float32),
        interpret=_INTERPRET,
    )(patches, patch_w, patch_b.reshape(1, D), pos_emb)


def _qkv_kernel(h_ref, w_ref, qb_ref, qkv_ref):
    qkv_ref[...] = h_ref[...] @ w_ref[...] + qb_ref[...]


def _qkv_proj(h, w, qb):
    return pl.pallas_call(
        _qkv_kernel,
        out_shape=jax.ShapeDtypeStruct((S, 3 * D), jnp.float32),
        interpret=_INTERPRET,
    )(h, w, qb.reshape(1, 3 * D))


def _attn_kernel(q_ref, k_ref, v_ref, bt_ref, o_ref):
    logits = jax.lax.dot_general(
        q_ref[0, 0], k_ref[0, 0], (((1,), (1,)), ((), ()))) * 0.125
    ri = jax.lax.broadcasted_iota(jnp.int32, (SQ, 1), 0)
    bias = jnp.where(ri < NPATCH, bt_ref[0, 0], bt_ref[0, 1])
    logits = logits + bias
    m = jnp.max(logits, axis=-1, keepdims=True)
    p = jnp.exp(logits - m)
    p = p / jnp.sum(p, axis=-1, keepdims=True)
    o_ref[0] = (p @ v_ref[0, 0]).astype(jnp.bfloat16)


def _attention(qkv, btab):
    qkv4 = qkv.reshape(S, 3, NH, DH).transpose(1, 2, 0, 3)
    out = pl.pallas_call(
        _attn_kernel,
        grid=(NH, NQ),
        in_specs=[
            pl.BlockSpec((1, 1, SQ, DH), lambda h, qb: (0, h, qb, 0)),
            pl.BlockSpec((1, 1, S, DH), lambda h, qb: (1, h, 0, 0)),
            pl.BlockSpec((1, 1, S, DH), lambda h, qb: (2, h, 0, 0)),
            pl.BlockSpec((1, 2, 1, S), lambda h, qb: (h, qb, 0, 0)),
        ],
        out_specs=pl.BlockSpec((1, SQ, DH), lambda h, qb: (h, qb, 0)),
        out_shape=jax.ShapeDtypeStruct((NH, S, DH), jnp.bfloat16),
        interpret=_INTERPRET,
    )(qkv4, qkv4, qkv4, btab)
    return out.astype(jnp.float32).transpose(1, 0, 2).reshape(S, D)


def _oproj_kernel(x_ref, ao_ref, ow_ref, ob_ref, x1_ref):
    x1_ref[...] = x_ref[...] + (ao_ref[...] @ ow_ref[...] + ob_ref[...])


def _out_proj(x, ao, ow, ob):
    return pl.pallas_call(
        _oproj_kernel,
        out_shape=jax.ShapeDtypeStruct((S, D), jnp.float32),
        interpret=_INTERPRET,
    )(x, ao, ow, ob.reshape(1, D))


def _moe_kernel(be_ref, bv_ref, hs_ref, w1_ref, b1_ref, w2_ref, b2_ref, o_ref):
    g = pl.program_id(0)

    @pl.when(bv_ref[g] == 1)
    def _():
        mid = jax.nn.gelu(hs_ref[...] @ w1_ref[0] + b1_ref[0])
        mid = _bf16_rne(mid)
        o_ref[...] = mid @ w2_ref[0] + b2_ref[0]

    @pl.when(bv_ref[g] == 0)
    def _():
        o_ref[...] = jnp.zeros_like(o_ref)


def _moe_gemm(hs, w1, b1, w2, b2, block_expert, block_valid):
    grid_spec = pltpu.PrefetchScalarGridSpec(
        num_scalar_prefetch=2,
        grid=(G_MOE,),
        in_specs=[
            pl.BlockSpec((BLK, D), lambda g, be, bv: (g, 0)),
            pl.BlockSpec((1, D, DFF), lambda g, be, bv: (be[g], 0, 0)),
            pl.BlockSpec((1, 1, DFF), lambda g, be, bv: (be[g], 0, 0)),
            pl.BlockSpec((1, DFF, D), lambda g, be, bv: (be[g], 0, 0)),
            pl.BlockSpec((1, 1, D), lambda g, be, bv: (be[g], 0, 0)),
        ],
        out_specs=pl.BlockSpec((BLK, D), lambda g, be, bv: (g, 0)),
    )
    return pl.pallas_call(
        _moe_kernel,
        grid_spec=grid_spec,
        out_shape=jax.ShapeDtypeStruct((PAD_ROWS, D), jnp.float32),
        interpret=_INTERPRET,
    )(block_expert, block_valid, hs, w1, b1.reshape(E, 1, DFF), w2,
      b2.reshape(E, 1, D))


def _final_kernel(x_ref, g_ref, b_ref, o_ref):
    x = x_ref[...]
    m = jnp.mean(x, axis=-1, keepdims=True)
    v = jnp.mean((x - m) ** 2, axis=-1, keepdims=True)
    o_ref[...] = (x - m) / jnp.sqrt(v + 1e-5) * g_ref[...] + b_ref[...]


def _final_ln(x, g, b):
    return pl.pallas_call(
        _final_kernel,
        out_shape=jax.ShapeDtypeStruct((S, D), jnp.float32),
        interpret=_INTERPRET,
    )(x, g.reshape(1, D), b.reshape(1, D))


def _route(rlog):
    vals, idx = jax.lax.top_k(rlog, K)
    gates = jax.nn.softmax(vals, axis=-1)
    ef = idx.reshape(A).astype(jnp.int32)
    gf = gates.reshape(A)
    tf = (jnp.arange(A, dtype=jnp.int32) // K)
    oh = (ef[:, None] == jnp.arange(E, dtype=jnp.int32)[None, :]).astype(jnp.int32)
    ccum = jnp.cumsum(oh, axis=0)
    counts = ccum[-1]
    rank = jnp.take_along_axis(ccum, ef[:, None], axis=1)[:, 0] - 1
    segpad = ((counts + BLK - 1) // BLK) * BLK
    starts = jnp.concatenate(
        [jnp.zeros((1,), jnp.int32), jnp.cumsum(segpad)[:-1]])
    pos = starts[ef] + rank
    cumcnt = jnp.concatenate(
        [jnp.zeros((1,), jnp.int32), jnp.cumsum(counts)[:-1]])
    perm = jnp.argsort(ef, stable=True)
    gidx = jnp.arange(G_MOE, dtype=jnp.int32)
    blk_starts = starts // BLK
    block_expert = (jnp.sum(gidx[:, None] >= blk_starts[None, :], axis=1)
                    - 1).astype(jnp.int32)
    total_blocks = jnp.sum(segpad) // BLK
    block_valid = (gidx < total_blocks).astype(jnp.int32)
    slot = jnp.arange(PAD_ROWS, dtype=jnp.int32)
    eslot = block_expert[slot // BLK]
    r = slot - starts[eslot]
    valid = r < counts[eslot]
    src = cumcnt[eslot] + jnp.where(valid, r, 0)
    a = perm[src]
    sort_tok = jnp.where(valid, tf[a], 0)
    sort_gate = jnp.where(valid, gf[a], jnp.float32(0))
    return sort_tok, sort_gate, block_expert, block_valid, pos


def _shadow_attn(xs, ln1_g, ln1_b, qkv_w, qkv_b, out_w, out_b, tbias,
                 frame_ids):
    h = _ln_ref(xs, ln1_g, ln1_b)
    qkv = h @ qkv_w + qkv_b
    q, k, v = jnp.split(qkv, 3, axis=-1)
    q = q.reshape(1, S, NH, DH).transpose(0, 2, 1, 3)
    k = k.reshape(1, S, NH, DH).transpose(0, 2, 1, 3)
    v = v.reshape(1, S, NH, DH).transpose(0, 2, 1, 3)
    logits = jnp.einsum('bhqd,bhkd->bhqk', q, k) / math.sqrt(DH)
    bias = tbias[:, frame_ids][:, :, frame_ids]
    logits = logits + bias[None]
    attn = jax.nn.softmax(logits, axis=-1)
    o = jnp.einsum('bhqk,bhkd->bhqd', attn, v)
    o = o.transpose(0, 2, 1, 3).reshape(1, S, D) @ out_w + out_b
    return xs + o


def kernel(video, text_state, patch_w, patch_b, pos_emb, ln1_g, ln1_b,
           qkv_w, qkv_b, out_w, out_b, tbias, ln2_g, ln2_b, text_w,
           router_w, w1, b1, w2, b2, final_g, final_b):
    b, t, c, hh, ww = video.shape
    nh_, nw_ = hh // P_, ww // P_
    patches = video.reshape(b, t, c, nh_, P_, nw_, P_)
    patches = patches.transpose(0, 1, 3, 5, 2, 4, 6).reshape(
        t * nh_ * nw_, c * P_ * P_)

    x = _patch_proj(patches, patch_w, patch_b, pos_emb)
    xs = (patches @ patch_w + patch_b + pos_emb)[None]
    frame_ids = jnp.arange(S) // NPATCH

    diagnostics = []
    for l in range(L):
        h1 = _ln_ref(x, ln1_g[l], ln1_b[l])
        qkv = _qkv_proj(h1, qkv_w[l], qkv_b[l])
        btab = jnp.repeat(tbias[l], NPATCH, axis=-1)[:, :, None, :]
        ao = _attention(qkv, btab)
        x1 = _out_proj(x, ao, out_w[l], out_b[l])

        xs1 = _shadow_attn(xs, ln1_g[l], ln1_b[l], qkv_w[l], qkv_b[l],
                           out_w[l], out_b[l], tbias[l], frame_ids)

        h2s = _ln_ref(xs1, ln2_g[l], ln2_b[l])
        cond = h2s + (text_state @ text_w[l])[:, None, :]
        rlog = (cond @ router_w[l])[0]
        diagnostics.append(jax.nn.softmax(rlog, axis=-1).mean(axis=0))

        sort_tok, sort_gate, block_expert, block_valid, pos = _route(rlog)
        hs = h2s[0][sort_tok]
        eo = _moe_gemm(hs, w1[l], b1[l], w2[l], b2[l],
                       block_expert, block_valid)
        eo_b = jax.lax.reduce_precision(eo, 8, 7)
        gate_b = jax.lax.reduce_precision(sort_gate, 8, 7)
        pos2 = pos.reshape(S, K)
        y = (eo_b[pos2[:, 0]] * gate_b[pos2[:, 0], None]
             + eo_b[pos2[:, 1]] * gate_b[pos2[:, 1], None])
        x = x1 + y
        xs = xs1 + y[None]

    xf = _final_ln(x, final_g, final_b)
    return xf.reshape(1, S, D), jnp.stack(diagnostics)

# --- scband reference (transcript-rebuilt; emitter-appended) ---
"""Pipeline reference for scband-temporal-mo-evi-tencoder-88484916232437 (READ-ONLY COPY).

The authoritative reference and input builder live on the scoring server;
editing this copy changes nothing except your own understanding.
"""

import jax, jax.numpy as jnp
import numpy as np
import math

B, T, C, IMG, P = 1, 8, 3, 224, 16
NPATCH = (IMG // P) ** 2  # 196
S = T * NPATCH            # 1568 tokens
D, NH = 768, 12
DH = D // NH
E, K, L, DFF = 8, 2, 2, 2048


def _ln(x, g, b):
    m = jnp.mean(x, axis=-1, keepdims=True)
    v = jnp.var(x, axis=-1, keepdims=True)
    return (x - m) / jnp.sqrt(v + 1e-5) * g + b


def setup_inputs(seed: int = 0) -> dict:
    key = jax.random.key(seed)
    ks = jax.random.split(key, 24)
    s = 0.02
    inp = {}
    inp['video'] = jax.random.normal(ks[0], (B, T, C, IMG, IMG), dtype=jnp.float32)
    inp['text_state'] = jax.random.normal(ks[1], (B, D), dtype=jnp.float32)
    inp['patch_w'] = jax.random.normal(ks[2], (C * P * P, D), dtype=jnp.float32) * s
    inp['patch_b'] = jnp.zeros((D,), dtype=jnp.float32)
    inp['pos_emb'] = jax.random.normal(ks[3], (S, D), dtype=jnp.float32) * s
    inp['ln1_g'] = jnp.ones((L, D), dtype=jnp.float32)
    inp['ln1_b'] = jnp.zeros((L, D), dtype=jnp.float32)
    inp['qkv_w'] = jax.random.normal(ks[4], (L, D, 3 * D), dtype=jnp.float32) * s
    inp['qkv_b'] = jnp.zeros((L, 3 * D), dtype=jnp.float32)
    inp['out_w'] = jax.random.normal(ks[5], (L, D, D), dtype=jnp.float32) * s
    inp['out_b'] = jnp.zeros((L, D), dtype=jnp.float32)
    inp['tbias'] = jax.random.normal(ks[6], (L, NH, T, T), dtype=jnp.float32) * s
    inp['ln2_g'] = jnp.ones((L, D), dtype=jnp.float32)
    inp['ln2_b'] = jnp.zeros((L, D), dtype=jnp.float32)
    inp['text_w'] = jax.random.normal(ks[7], (L, D, D), dtype=jnp.float32) * s
    inp['router_w'] = jax.random.normal(ks[8], (L, D, E), dtype=jnp.float32) * s
    inp['w1'] = jax.random.normal(ks[9], (L, E, D, DFF), dtype=jnp.float32) * s
    inp['b1'] = jnp.zeros((L, E, DFF), dtype=jnp.float32)
    inp['w2'] = jax.random.normal(ks[10], (L, E, DFF, D), dtype=jnp.float32) * s
    inp['b2'] = jnp.zeros((L, E, D), dtype=jnp.float32)
    inp['final_g'] = jnp.ones((D,), dtype=jnp.float32)
    inp['final_b'] = jnp.zeros((D,), dtype=jnp.float32)
    return inp


def reference(video, text_state, patch_w, patch_b, pos_emb, ln1_g, ln1_b,
              qkv_w, qkv_b, out_w, out_b, tbias, ln2_g, ln2_b, text_w,
              router_w, w1, b1, w2, b2, final_g, final_b):
    b, t, c, hh, ww = video.shape
    nh_, nw_ = hh // P, ww // P
    # VideoEmbedder: patchify + linear proj + spatio-temporal positional embedding
    x = video.reshape(b, t, c, nh_, P, nw_, P)
    x = x.transpose(0, 1, 3, 5, 2, 4, 6).reshape(b, t * nh_ * nw_, c * P * P)
    x = x @ patch_w + patch_b + pos_emb[None]

    frame_ids = jnp.arange(S) // NPATCH
    diagnostics = []
    for l in range(L):
        # TemporalBiasMultiHeadSelfAttention (pre-norm, residual)
        h = _ln(x, ln1_g[l], ln1_b[l])
        qkv = h @ qkv_w[l] + qkv_b[l]
        q, k, v = jnp.split(qkv, 3, axis=-1)
        q = q.reshape(b, S, NH, DH).transpose(0, 2, 1, 3)
        k = k.reshape(b, S, NH, DH).transpose(0, 2, 1, 3)
        v = v.reshape(b, S, NH, DH).transpose(0, 2, 1, 3)
        logits = jnp.einsum('bhqd,bhkd->bhqk', q, k) / math.sqrt(DH)
        bias = tbias[l][:, frame_ids][:, :, frame_ids]  # [NH, S, S]
        logits = logits + bias[None]
        attn = jax.nn.softmax(logits, axis=-1)
        o = jnp.einsum('bhqk,bhkd->bhqd', attn, v)
        o = o.transpose(0, 2, 1, 3).reshape(b, S, D) @ out_w[l] + out_b[l]
        x = x + o

        # MoEFeedForward with caption conditioning (pre-norm, residual)
        h = _ln(x, ln2_g[l], ln2_b[l])
        cond = h + (text_state @ text_w[l])[:, None, :]
        rlog = cond @ router_w[l]  # [B, S, E]
        vals, idx = jax.lax.top_k(rlog, K)
        gates = jax.nn.softmax(vals, axis=-1)
        gfull = (jax.nn.one_hot(idx, E, dtype=x.dtype) * gates[..., None]).sum(axis=-2)  # [B,S,E]
        hmid = jax.nn.gelu(jnp.einsum('bsd,edf->bsef', h, w1[l]) + b1[l])
        eo = jnp.einsum('bsef,efd->bsed', hmid, w2[l]) + b2[l]
        y = jnp.einsum('bsed,bse->bsd', eo, gfull)
        x = x + y
        diagnostics.append(jax.nn.softmax(rlog, axis=-1).mean(axis=(0, 1)))  # expert load per layer

    x = _ln(x, final_g, final_b)
    return x, jnp.stack(diagnostics)

if __name__ == "__main__":
    import jax
    _d = setup_inputs()
    print(jax.jit(kernel)(*tuple(_d.values())))

</pallas_src>

<mosaic_0001>
module attributes {stable_mosaic.version = 14 : i64} {
  func.func @_patch_kernel(%arg0: memref<1568x768xf32, #tpu.memory_space<vmem>>, %arg1: memref<768x768xf32, #tpu.memory_space<vmem>>, %arg2: memref<1x768xf32, #tpu.memory_space<vmem>>, %arg3: memref<1568x768xf32, #tpu.memory_space<vmem>>, %arg4: memref<1568x768xf32, #tpu.memory_space<vmem>>) attributes {dimension_semantics = [], scalar_prefetch = 0 : i64, scratch_operands = 0 : i64, tpu.core_type = #tpu.core_type<tc>} {
    %get3A = arith.constant 0 : index
    %get3A_0 = arith.constant 0 : index
    %get3A_1 = vector.load %arg0[%get3A, %get3A_0] : memref<1568x768xf32, #tpu.memory_space<vmem>>, vector<1568x768xf32>
    %get3A_2 = arith.constant 0 : index
    %get3A_3 = arith.constant 0 : index
    %get3A_4 = vector.load %arg1[%get3A_2, %get3A_3] : memref<768x768xf32, #tpu.memory_space<vmem>>, vector<768x768xf32>
    %dot_general3A = arith.constant dense<0.000000e+00> : vector<1568x768xf32>
    %dot_general3A_5 = tpu.matmul %get3A_1, %get3A_4, %dot_general3A {dimension_numbers = #tpu.dot_dimension_numbers<[1], [0], [0], [1], [0, 0, 1, 1], [], []>, transpose_lhs_hint = false} : vector<1568x768xf32>, vector<768x768xf32>, vector<1568x768xf32> -> vector<1568x768xf32>
    %get3A_6 = arith.constant 0 : index
    %get3A_7 = arith.constant 0 : index
    %get3A_8 = vector.load %arg2[%get3A_6, %get3A_7] : memref<1x768xf32, #tpu.memory_space<vmem>>, vector<1x768xf32>
    %add3A = vector.broadcast %get3A_8 : vector<1x768xf32> to vector<1568x768xf32>
    %add3A_9 = arith.addf %dot_general3A_5, %add3A : vector<1568x768xf32>
    %get3A_10 = arith.constant 0 : index
    %get3A_11 = arith.constant 0 : index
    %get3A_12 = vector.load %arg3[%get3A_10, %get3A_11] : memref<1568x768xf32, #tpu.memory_space<vmem>>, vector<1568x768xf32>
    %add3A_13 = arith.addf %add3A_9, %get3A_12 : vector<1568x768xf32>
    %swap3A = arith.constant 0 : index
    %swap3A_14 = arith.constant 0 : index
    %swap3A_15 = vector.load %arg4[%swap3A, %swap3A_14] : memref<1568x768xf32, #tpu.memory_space<vmem>>, vector<1568x768xf32>
    tpu.vector_store %arg4[%swap3A, %swap3A_14], %add3A_13 {strides = array<i32>} : memref<1568x768xf32, #tpu.memory_space<vmem>>, vector<1568x768xf32>,
    return
  }
}

module attributes {stable_mosaic.version = 14 : i64} {
  func.func @_qkv_kernel(%arg0: memref<1568x768xf32, #tpu.memory_space<vmem>>, %arg1: memref<768x2304xf32, #tpu.memory_space<vmem>>, %arg2: memref<1x2304xf32, #tpu.memory_space<vmem>>, %arg3: memref<1568x2304xf32, #tpu.memory_space<vmem>>) attributes {dimension_semantics = [], scalar_prefetch = 0 : i64, scratch_operands = 0 : i64, tpu.core_type = #tpu.core_type<tc>} {
    %get3A = arith.constant 0 : index
    %get3A_0 = arith.constant 0 : index
    %get3A_1 = vector.load %arg0[%get3A, %get3A_0] : memref<1568x768xf32, #tpu.memory_space<vmem>>, vector<1568x768xf32>
    %get3A_2 = arith.constant 0 : index
    %get3A_3 = arith.constant 0 : index
    %get3A_4 = vector.load %arg1[%get3A_2, %get3A_3] : memref<768x2304xf32, #tpu.memory_space<vmem>>, vector<768x2304xf32>
    %dot_general3A = arith.constant dense<0.000000e+00> : vector<1568x2304xf32>
    %dot_general3A_5 = tpu.matmul %get3A_1, %get3A_4, %dot_general3A {dimension_numbers = #tpu.dot_dimension_numbers<[1], [0], [0], [1], [0, 0, 1, 1], [], []>, transpose_lhs_hint = false} : vector<1568x768xf32>, vector<768x2304xf32>, vector<1568x2304xf32> -> vector<1568x2304xf32>
    %get3A_6 = arith.constant 0 : index
    %get3A_7 = arith.constant 0 : index
    %get3A_8 = vector.load %arg2[%get3A_6, %get3A_7] : memref<1x2304xf32, #tpu.memory_space<vmem>>, vector<1x2304xf32>
    %add3A = vector.broadcast %get3A_8 : vector<1x2304xf32> to vector<1568x2304xf32>
    %add3A_9 = arith.addf %dot_general3A_5, %add3A : vector<1568x2304xf32>
    %swap3A = arith.constant 0 : index
    %swap3A_10 = arith.constant 0 : index
    %swap3A_11 = vector.load %arg3[%swap3A, %swap3A_10] : memref<1568x2304xf32, #tpu.memory_space<vmem>>, vector<1568x2304xf32>
    tpu.vector_store %arg3[%swap3A, %swap3A_10], %add3A_9 {strides = array<i32>} : memref<1568x2304xf32, #tpu.memory_space<vmem>>, vector<1568x2304xf32>,
    return
  }
}

module attributes {stable_mosaic.version = 14 : i64} {
  func.func @_attn_kernel(%arg0: i32, %arg1: i32, %arg2: memref<1x1x392x64xf32, #tpu.memory_space<vmem>>, %arg3: memref<1x1x1568x64xf32, #tpu.memory_space<vmem>>, %arg4: memref<1x1x1568x64xf32, #tpu.memory_space<vmem>>, %arg5: memref<1x2x1x1568xf32, #tpu.memory_space<vmem>>, %arg6: memref<1x392x64xbf16, #tpu.memory_space<vmem>>) attributes {dimension_semantics = [#tpu.dimension_semantics<arbitrary>, #tpu.dimension_semantics<arbitrary>], iteration_bounds = array<i64: 12, 4>, scalar_prefetch = 0 : i64, scratch_operands = 0 : i64, tpu.core_type = #tpu.core_type<tc>, window_params = [{transform_indices = @transform_0, window_bounds = array<i64: 1, 1, 392, 64>}, {transform_indices = @transform_1, window_bounds = array<i64: 1, 1, 1568, 64>}, {transform_indices = @transform_2, window_bounds = array<i64: 1, 1, 1568, 64>}, {transform_indices = @transform_3, window_bounds = array<i64: 1, 2, 1, 1568>}, {transform_indices = @transform_4, window_bounds = array<i64: 1, 392, 64>}]} {
    %get3A = arith.constant 0 : index
    %get3A_0 = arith.constant 0 : index
    %get3A_1 = arith.constant 0 : index
    %get3A_2 = arith.constant 0 : index
    %get3A_3 = vector.load %arg2[%get3A, %get3A_0, %get3A_1, %get3A_2] : memref<1x1x392x64xf32, #tpu.memory_space<vmem>>, vector<1x1x392x64xf32>
    %get3A_4 = vector.shape_cast %get3A_3 : vector<1x1x392x64xf32> to vector<392x64xf32>
    %get3A_5 = arith.constant 0 : index
    %get3A_6 = arith.constant 0 : index
    %get3A_7 = arith.constant 0 : index
    %get3A_8 = arith.constant 0 : index
    %get3A_9 = vector.load %arg3[%get3A_5, %get3A_6, %get3A_7, %get3A_8] : memref<1x1x1568x64xf32, #tpu.memory_space<vmem>>, vector<1x1x1568x64xf32>
    %get3A_10 = vector.shape_cast %get3A_9 : vector<1x1x1568x64xf32> to vector<1568x64xf32>
    %dot_general3A = arith.constant dense<0.000000e+00> : vector<392x1568xf32>
    %dot_general3A_11 = tpu.matmul %get3A_4, %get3A_10, %dot_general3A {dimension_numbers = #tpu.dot_dimension_numbers<[1], [1], [0], [0], [0, 0, 1, 0], [], []>, transpose_lhs_hint = false} : vector<392x64xf32>, vector<1568x64xf32>, vector<392x1568xf32> -> vector<392x1568xf32>
    %mul3A = arith.constant 1.250000e-01 : f32
    %mul3A_12 = vector.broadcast %mul3A : f32 to vector<392x1568xf32>
    %mul3A_13 = arith.mulf %dot_general3A_11, %mul3A_12 : vector<392x1568xf32>
    %iota3A = tpu.iota {dimensions = array<i32: 0>} : vector<392x1xi32>
    %lt3A = arith.constant 196 : i32
    %lt3A_14 = vector.broadcast %lt3A : i32 to vector<392x1xi32>
    %lt3A_15 = arith.cmpi slt, %iota3A, %lt3A_14 : vector<392x1xi32>
    %get3A_16 = arith.constant 0 : index
    %get3A_17 = arith.constant 0 : index
    %get3A_18 = arith.constant 0 : index
    %get3A_19 = arith.constant 0 : index
    %get3A_20 = vector.load %arg5[%get3A_16, %get3A_17, %get3A_18, %get3A_19] : memref<1x2x1x1568xf32, #tpu.memory_space<vmem>>, vector<1x1x1x1568xf32>
    %get3A_21 = vector.shape_cast %get3A_20 : vector<1x1x1x1568xf32> to vector<1x1568xf32>
    %get3A_22 = arith.constant 0 : index
    %get3A_23 = arith.constant 1 : index
    %get3A_24 = arith.constant 0 : index
    %get3A_25 = arith.constant 0 : index
    %get3A_26 = vector.load %arg5[%get3A_22, %get3A_23, %get3A_24, %get3A_25] : memref<1x2x1x1568xf32, #tpu.memory_space<vmem>>, vector<1x1x1x1568xf32>
    %get3A_27 = vector.shape_cast %get3A_26 : vector<1x1x1x1568xf32> to vector<1x1568xf32>
    %broadcast_in_dim3A = vector.shape_cast %lt3A_15 : vector<392x1xi1> to vector<392x1xi1>
    %broadcast_in_dim3A_28 = vector.broadcast %broadcast_in_dim3A : vector<392x1xi1> to vector<392x1568xi1>
    %broadcast_in_dim3A_29 = vector.shape_cast %get3A_21 : vector<1x1568xf32> to vector<1x1568xf32>
    %broadcast_in_dim3A_30 = vector.broadcast %broadcast_in_dim3A_29 : vector<1x1568xf32> to vector<392x1568xf32>
    %broadcast_in_dim3A_31 = vector.shape_cast %get3A_27 : vector<1x1568xf32> to vector<1x1568xf32>
    %broadcast_in_dim3A_32 = vector.broadcast %broadcast_in_dim3A_31 : vector<1x1568xf32> to vector<392x1568xf32>
    %select_n3A = arith.select %broadcast_in_dim3A_28, %broadcast_in_dim3A_30, %broadcast_in_dim3A_32 : vector<392x1568xi1>, vector<392x1568xf32>
    %add3A = arith.addf %mul3A_13, %select_n3A : vector<392x1568xf32>
    %reduce_max3A = arith.constant dense<0xFF800000> : vector<392xf32>
    %reduce_max3A_33 = vector.multi_reduction <maximumf>, %add3A, %reduce_max3A [1] : vector<392x1568xf32> to vector<392xf32>
    %broadcast_in_dim3A_34 = vector.shape_cast %reduce_max3A_33 : vector<392xf32> to vector<392x1xf32>
    %sub3A = vector.broadcast %broadcast_in_dim3A_34 : vector<392x1xf32> to vector<392x1568xf32>
    %sub3A_35 = arith.subf %add3A, %sub3A : vector<392x1568xf32>
    %exp3A = math.exp %sub3A_35 : vector<392x1568xf32>
    %reduce_sum3A = arith.constant dense<0.000000e+00> : vector<392xf32>
    %reduce_sum3A_36 = vector.multi_reduction <add>, %exp3A, %reduce_sum3A [1] : vector<392x1568xf32> to vector<392xf32>
    %broadcast_in_dim3A_37 = vector.shape_cast %reduce_sum3A_36 : vector<392xf32> to vector<392x1xf32>
    %div3A = vector.broadcast %broadcast_in_dim3A_37 : vector<392x1xf32> to vector<392x1568xf32>
    %div3A_38 = arith.divf %exp3A, %div3A : vector<392x1568xf32>
    %get3A_39 = arith.constant 0 : index
    %get3A_40 = arith.constant 0 : index
    %get3A_41 = arith.constant 0 : index
    %get3A_42 = arith.constant 0 : index
    %get3A_43 = vector.load %arg4[%get3A_39, %get3A_40, %get3A_41, %get3A_42] : memref<1x1x1568x64xf32, #tpu.memory_space<vmem>>, vector<1x1x1568x64xf32>
    %get3A_44 = vector.shape_cast %get3A_43 : vector<1x1x1568x64xf32> to vector<1568x64xf32>
    %dot_general3A_45 = arith.constant dense<0.000000e+00> : vector<392x64xf32>
    %dot_general3A_46 = tpu.matmul %div3A_38, %get3A_44, %dot_general3A_45 {dimension_numbers = #tpu.dot_dimension_numbers<[1], [0], [0], [1], [0, 0, 1, 1], [], []>, transpose_lhs_hint = false} : vector<392x1568xf32>, vector<1568x64xf32>, vector<392x64xf32> -> vector<392x64xf32>
    %convert_element_type3A = arith.truncf %dot_general3A_46 : vector<392x64xf32> to vector<392x64xbf16>
    %swap3A = arith.constant 0 : index
    %swap3A_47 = arith.constant 0 : index
    %swap3A_48 = arith.constant 0 : index
    %swap3A_49 = vector.load %arg6[%swap3A, %swap3A_47, %swap3A_48] : memref<1x392x64xbf16, #tpu.memory_space<vmem>>, vector<1x392x64xbf16>
    %swap3A_50 = vector.shape_cast %swap3A_49 : vector<1x392x64xbf16> to vector<392x64xbf16>
    %swap3A_51 = vector.shape_cast %convert_element_type3A : vector<392x64xbf16> to vector<1x392x64xbf16>
    tpu.vector_store %arg6[%swap3A, %swap3A_47, %swap3A_48], %swap3A_51 {strides = array<i32>} : memref<1x392x64xbf16, #tpu.memory_space<vmem>>, vector<1x392x64xbf16>,
    return
  }
  func.func @transform_0(%arg0: i32, %arg1: i32) -> (i32, i32, i32, i32) {
    %c0_i32 = arith.constant 0 : i32
    %c0_i32_0 = arith.constant 0 : i32
    %c0_i32_1 = arith.constant 0 : i32
    return %c0_i32, %arg0, %arg1, %c0_i32_0 : i32, i32, i32, i32
  }
  func.func @transform_1(%arg0: i32, %arg1: i32) -> (i32, i32, i32, i32) {
    %c1_i32 = arith.constant 1 : i32
    %c0_i32 = arith.constant 0 : i32
    %c0_i32_0 = arith.constant 0 : i32
    %c0_i32_1 = arith.constant 0 : i32
    return %c1_i32, %arg0, %c0_i32, %c0_i32_0 : i32, i32, i32, i32
  }
  func.func @transform_2(%arg0: i32, %arg1: i32) -> (i32, i32, i32, i32) {
    %c2_i32 = arith.constant 2 : i32
    %c0_i32 = arith.constant 0 : i32
    %c0_i32_0 = arith.constant 0 : i32
    %c0_i32_1 = arith.constant 0 : i32
    return %c2_i32, %arg0, %c0_i32, %c0_i32_0 : i32, i32, i32, i32
  }
  func.func @transform_3(%arg0: i32, %arg1: i32) -> (i32, i32, i32, i32) {
    %c0_i32 = arith.constant 0 : i32
    %c0_i32_0 = arith.constant 0 : i32
    %c0_i32_1 = arith.constant 0 : i32
    return %arg0, %arg1, %c0_i32, %c0_i32_0 : i32, i32, i32, i32
  }
  func.func @transform_4(%arg0: i32, %arg1: i32) -> (i32, i32, i32) {
    %c0_i32 = arith.constant 0 : i32
    %c0_i32_0 = arith.constant 0 : i32
    return %arg0, %arg1, %c0_i32 : i32, i32, i32
  }
}

module attributes {stable_mosaic.version = 14 : i64} {
  func.func @_moe_kernel(%arg0: i32, %arg1: memref<33xi32, #tpu.memory_space<smem>>, %arg2: memref<33xi32, #tpu.memory_space<smem>>, %arg3: memref<128x768xf32, #tpu.memory_space<vmem>>, %arg4: memref<1x768x2048xf32, #tpu.memory_space<vmem>>, %arg5: memref<1x1x2048xf32, #tpu.memory_space<vmem>>, %arg6: memref<1x2048x768xf32, #tpu.memory_space<vmem>>, %arg7: memref<1x1x768xf32, #tpu.memory_space<vmem>>, %arg8: memref<128x768xf32, #tpu.memory_space<vmem>>) attributes {dimension_semantics = [#tpu.dimension_semantics<arbitrary>], iteration_bounds = array<i64: 33>, scalar_prefetch = 2 : i64, scratch_operands = 0 : i64, tpu.core_type = #tpu.core_type<tc>, window_params = [{transform_indices = @transform_0, window_bounds = array<i64: 128, 768>}, {transform_indices = @transform_1, window_bounds = array<i64: 1, 768, 2048>}, {transform_indices = @transform_2, window_bounds = array<i64: 1, 1, 2048>}, {transform_indices = @transform_3, window_bounds = array<i64: 1, 2048, 768>}, {transform_indices = @transform_4, window_bounds = array<i64: 1, 1, 768>}, {transform_indices = @transform_5, window_bounds = array<i64: 128, 768>}]} {
    %get3A = arith.index_cast %arg0 : i32 to index
    %get3A_0 = memref.load %arg2[%get3A] : memref<33xi32, #tpu.memory_space<smem>>
    %eq3A = arith.constant 1 : i32
    %eq3A_1 = arith.cmpi eq, %get3A_0, %eq3A : i32
    %convert_element_type3A = arith.extui %eq3A_1 : i1 to i32
    %cond3A = arith.constant 0 : i32
    %cond3A_2 = arith.cmpi ne, %convert_element_type3A, %cond3A : i32
    scf.if %cond3A_2 {
      %get3A_10 = arith.constant 0 : index
      %get3A_11 = arith.constant 0 : index
      %get3A_12 = vector.load %arg3[%get3A_10, %get3A_11] : memref<128x768xf32, #tpu.memory_space<vmem>>, vector<128x768xf32>
      %get3A_13 = arith.constant 0 : index
      %get3A_14 = arith.constant 0 : index
      %get3A_15 = arith.constant 0 : index
      %get3A_16 = vector.load %arg4[%get3A_13, %get3A_14, %get3A_15] : memref<1x768x2048xf32, #tpu.memory_space<vmem>>, vector<1x768x2048xf32>
      %get3A_17 = vector.shape_cast %get3A_16 : vector<1x768x2048xf32> to vector<768x2048xf32>
      %dot_general3A = arith.constant dense<0.000000e+00> : vector<128x2048xf32>
      %dot_general3A_18 = tpu.matmul %get3A_12, %get3A_17, %dot_general3A {dimension_numbers = #tpu.dot_dimension_numbers<[1], [0], [0], [1], [0, 0, 1, 1], [], []>, transpose_lhs_hint = false} : vector<128x768xf32>, vector<768x2048xf32>, vector<128x2048xf32> -> vector<128x2048xf32>
      %get3A_19 = arith.constant 0 : index
      %get3A_20 = arith.constant 0 : index
      %get3A_21 = arith.constant 0 : index
      %get3A_22 = vector.load %arg5[%get3A_19, %get3A_20, %get3A_21] : memref<1x1x2048xf32, #tpu.memory_space<vmem>>, vector<1x1x2048xf32>
      %get3A_23 = vector.shape_cast %get3A_22 : vector<1x1x2048xf32> to vector<1x2048xf32>
      %add3A = vector.broadcast %get3A_23 : vector<1x2048xf32> to vector<128x2048xf32>
      %add3A_24 = arith.addf %dot_general3A_18, %add3A : vector<128x2048xf32>
      %integer_pow3A = arith.mulf %add3A_24, %add3A_24 : vector<128x2048xf32>
      %integer_pow3A_25 = arith.mulf %add3A_24, %integer_pow3A : vector<128x2048xf32>
      %mul3A = arith.constant 4.471500e-02 : f32
      %mul3A_26 = vector.broadcast %mul3A : f32 to vector<128x2048xf32>
      %mul3A_27 = arith.mulf %mul3A_26, %integer_pow3A_25 : vector<128x2048xf32>
      %add3A_28 = arith.addf %add3A_24, %mul3A_27 : vector<128x2048xf32>
      %mul3A_29 = arith.constant 0.797884583 : f32
      %mul3A_30 = vector.broadcast %mul3A_29 : f32 to vector<128x2048xf32>
      %mul3A_31 = arith.mulf %mul3A_30, %add3A_28 : vector<128x2048xf32>
      %tanh3A = math.tanh %mul3A_31 : vector<128x2048xf32>
      %add3A_32 = arith.constant 1.000000e+00 : f32
      %add3A_33 = vector.broadcast %add3A_32 : f32 to vector<128x2048xf32>
      %add3A_34 = arith.addf %add3A_33, %tanh3A : vector<128x2048xf32>
      %mul3A_35 = arith.constant 5.000000e-01 : f32
      %mul3A_36 = vector.broadcast %mul3A_35 : f32 to vector<128x2048xf32>
      %mul3A_37 = arith.mulf %mul3A_36, %add3A_34 : vector<128x2048xf32>
      %mul3A_38 = arith.mulf %add3A_24, %mul3A_37 : vector<128x2048xf32>
      %bitcast_convert_type3A = tpu.bitcast %mul3A_38 : vector<128x2048xf32> -> vector<128x2048xi32>
      %add3A_39 = arith.constant 32767 : i32
      %add3A_40 = vector.broadcast %add3A_39 : i32 to vector<128x2048xi32>
      %add3A_41 = arith.addi %bitcast_convert_type3A, %add3A_40 : vector<128x2048xi32>
      %shift_right_arithmetic3A = arith.constant 16 : i32
      %shift_right_arithmetic3A_42 = vector.broadcast %shift_right_arithmetic3A : i32 to vector<128x2048xi32>
      %shift_right_arithmetic3A_43 = arith.shrsi %bitcast_convert_type3A, %shift_right_arithmetic3A_42 : vector<128x2048xi32>
      %and3A = arith.constant 1 : i32
      %and3A_44 = vector.broadcast %and3A : i32 to vector<128x2048xi32>
      %and3A_45 = arith.andi %shift_right_arithmetic3A_43, %and3A_44 : vector<128x2048xi32>
      %add3A_46 = arith.addi %add3A_41, %and3A_45 : vector<128x2048xi32>
      %and3A_47 = arith.constant -65536 : i32
      %and3A_48 = vector.broadcast %and3A_47 : i32 to vector<128x2048xi32>
      %and3A_49 = arith.andi %add3A_46, %and3A_48 : vector<128x2048xi32>
      %bitcast_convert_type3A_50 = tpu.bitcast %and3A_49 : vector<128x2048xi32> -> vector<128x2048xf32>
      %get3A_51 = arith.constant 0 : index
      %get3A_52 = arith.constant 0 : index
      %get3A_53 = arith.constant 0 : index
      %get3A_54 = vector.load %arg6[%get3A_51, %get3A_52, %get3A_53] : memref<1x2048x768xf32, #tpu.memory_space<vmem>>, vector<1x2048x768xf32>
      %get3A_55 = vector.shape_cast %get3A_54 : vector<1x2048x768xf32> to vector<2048x768xf32>
      %dot_general3A_56 = arith.constant dense<0.000000e+00> : vector<128x768xf32>
      %dot_general3A_57 = tpu.matmul %bitcast_convert_type3A_50, %get3A_55, %dot_general3A_56 {dimension_numbers = #tpu.dot_dimension_numbers<[1], [0], [0], [1], [0, 0, 1, 1], [], []>, transpose_lhs_hint = false} : vector<128x2048xf32>, vector<2048x768xf32>, vector<128x768xf32> -> vector<128x768xf32>
      %get3A_58 = arith.constant 0 : index
      %get3A_59 = arith.constant 0 : index
      %get3A_60 = arith.constant 0 : index
      %get3A_61 = vector.load %arg7[%get3A_58, %get3A_59, %get3A_60] : memref<1x1x768xf32, #tpu.memory_space<vmem>>, vector<1x1x768xf32>
      %get3A_62 = vector.shape_cast %get3A_61 : vector<1x1x768xf32> to vector<1x768xf32>
      %add3A_63 = vector.broadcast %get3A_62 : vector<1x768xf32> to vector<128x768xf32>
      %add3A_64 = arith.addf %dot_general3A_57, %add3A_63 : vector<128x768xf32>
      %swap3A = arith.constant 0 : index
      %swap3A_65 = arith.constant 0 : index
      %swap3A_66 = vector.load %arg8[%swap3A, %swap3A_65] : memref<128x768xf32, #tpu.memory_space<vmem>>, vector<128x768xf32>
      tpu.vector_store %arg8[%swap3A, %swap3A_65], %add3A_64 {strides = array<i32>} : memref<128x768xf32, #tpu.memory_space<vmem>>, vector<128x768xf32>,
    } else {
    }
    %get3A_3 = arith.index_cast %arg0 : i32 to index
    %get3A_4 = memref.load %arg2[%get3A_3] : memref<33xi32, #tpu.memory_space<smem>>
    %eq3A_5 = arith.constant 0 : i32
    %eq3A_6 = arith.cmpi eq, %get3A_4, %eq3A_5 : i32
    %convert_element_type3A_7 = arith.extui %eq3A_6 : i1 to i32
    %cond3A_8 = arith.constant 0 : i32
    %cond3A_9 = arith.cmpi ne, %convert_element_type3A_7, %cond3A_8 : i32
    scf.if %cond3A_9 {
      %broadcast_in_dim3A = arith.constant 0.000000e+00 : f32
      %broadcast_in_dim3A_10 = vector.broadcast %broadcast_in_dim3A : f32 to vector<128x768xf32>
      %swap3A = arith.constant 0 : index
      %swap3A_11 = arith.constant 0 : index
      %swap3A_12 = vector.load %arg8[%swap3A, %swap3A_11] : memref<128x768xf32, #tpu.memory_space<vmem>>, vector<128x768xf32>
      tpu.vector_store %arg8[%swap3A, %swap3A_11], %broadcast_in_dim3A_10 {strides = array<i32>} : memref<128x768xf32, #tpu.memory_space<vmem>>, vector<128x768xf32>,
    } else {
    }
    return
  }
  func.func @transform_0(%arg0: i32, %arg1: memref<33xi32, #tpu.memory_space<smem>>, %arg2: memref<33xi32, #tpu.memory_space<smem>>) -> (i32, i32) {
    %c0_i32 = arith.constant 0 : i32
    %c0_i32_0 = arith.constant 0 : i32
    return %arg0, %c0_i32 : i32, i32
  }
  func.func @transform_1(%arg0: i32, %arg1: memref<33xi32, #tpu.memory_space<smem>>, %arg2: memref<33xi32, #tpu.memory_space<smem>>) -> (i32, i32, i32) {
    %get3A = arith.index_cast %arg0 : i32 to index
    %get3A_0 = memref.load %arg1[%get3A] : memref<33xi32, #tpu.memory_space<smem>>
    %c0_i32 = arith.constant 0 : i32
    %c0_i32_1 = arith.constant 0 : i32
    %c0_i32_2 = arith.constant 0 : i32
    return %get3A_0, %c0_i32, %c0_i32_1 : i32, i32, i32
  }
  func.func @transform_2(%arg0: i32, %arg1: memref<33xi32, #tpu.memory_space<smem>>, %arg2: memref<33xi32, #tpu.memory_space<smem>>) -> (i32, i32, i32) {
    %get3A = arith.index_cast %arg0 : i32 to index
    %get3A_0 = memref.load %arg1[%get3A] : memref<33xi32, #tpu.memory_space<smem>>
    %c0_i32 = arith.constant 0 : i32
    %c0_i32_1 = arith.constant 0 : i32
    %c0_i32_2 = arith.constant 0 : i32
    return %get3A_0, %c0_i32, %c0_i32_1 : i32, i32, i32
  }
  func.func @transform_3(%arg0: i32, %arg1: memref<33xi32, #tpu.memory_space<smem>>, %arg2: memref<33xi32, #tpu.memory_space<smem>>) -> (i32, i32, i32) {
    %get3A = arith.index_cast %arg0 : i32 to index
    %get3A_0 = memref.load %arg1[%get3A] : memref<33xi32, #tpu.memory_space<smem>>
    %c0_i32 = arith.constant 0 : i32
    %c0_i32_1 = arith.constant 0 : i32
    %c0_i32_2 = arith.constant 0 : i32
    return %get3A_0, %c0_i32, %c0_i32_1 : i32, i32, i32
  }
  func.func @transform_4(%arg0: i32, %arg1: memref<33xi32, #tpu.memory_space<smem>>, %arg2: memref<33xi32, #tpu.memory_space<smem>>) -> (i32, i32, i32) {
    %get3A = arith.index_cast %arg0 : i32 to index
    %get3A_0 = memref.load %arg1[%get3A] : memref<33xi32, #tpu.memory_space<smem>>
    %c0_i32 = arith.constant 0 : i32
    %c0_i32_1 = arith.constant 0 : i32
    %c0_i32_2 = arith.constant 0 : i32
    return %get3A_0, %c0_i32, %c0_i32_1 : i32, i32, i32
  }
  func.func @transform_5(%arg0: i32, %arg1: memref<33xi32, #tpu.memory_space<smem>>, %arg2: memref<33xi32, #tpu.memory_space<smem>>) -> (i32, i32) {
    %c0_i32 = arith.constant 0 : i32
    %c0_i32_0 = arith.constant 0 : i32
    return %arg0, %c0_i32 : i32, i32
  }
}

module attributes {stable_mosaic.version = 14 : i64} {
  func.func @_oproj_kernel(%arg0: memref<1568x768xf32, #tpu.memory_space<vmem>>, %arg1: memref<1568x768xf32, #tpu.memory_space<vmem>>, %arg2: memref<768x768xf32, #tpu.memory_space<vmem>>, %arg3: memref<1x768xf32, #tpu.memory_space<vmem>>, %arg4: memref<1568x768xf32, #tpu.memory_space<vmem>>) attributes {dimension_semantics = [], scalar_prefetch = 0 : i64, scratch_operands = 0 : i64, tpu.core_type = #tpu.core_type<tc>} {
    %get3A = arith.constant 0 : index
    %get3A_0 = arith.constant 0 : index
    %get3A_1 = vector.load %arg0[%get3A, %get3A_0] : memref<1568x768xf32, #tpu.memory_space<vmem>>, vector<1568x768xf32>
    %get3A_2 = arith.constant 0 : index
    %get3A_3 = arith.constant 0 : index
    %get3A_4 = vector.load %arg1[%get3A_2, %get3A_3] : memref<1568x768xf32, #tpu.memory_space<vmem>>, vector<1568x768xf32>
    %get3A_5 = arith.constant 0 : index
    %get3A_6 = arith.constant 0 : index
    %get3A_7 = vector.load %arg2[%get3A_5, %get3A_6] : memref<768x768xf32, #tpu.memory_space<vmem>>, vector<768x768xf32>
    %dot_general3A = arith.constant dense<0.000000e+00> : vector<1568x768xf32>
    %dot_general3A_8 = tpu.matmul %get3A_4, %get3A_7, %dot_general3A {dimension_numbers = #tpu.dot_dimension_numbers<[1], [0], [0], [1], [0, 0, 1, 1], [], []>, transpose_lhs_hint = false} : vector<1568x768xf32>, vector<768x768xf32>, vector<1568x768xf32> -> vector<1568x768xf32>
    %get3A_9 = arith.constant 0 : index
    %get3A_10 = arith.constant 0 : index
    %get3A_11 = vector.load %arg3[%get3A_9, %get3A_10] : memref<1x768xf32, #tpu.memory_space<vmem>>, vector<1x768xf32>
    %add3A = vector.broadcast %get3A_11 : vector<1x768xf32> to vector<1568x768xf32>
    %add3A_12 = arith.addf %dot_general3A_8, %add3A : vector<1568x768xf32>
    %add3A_13 = arith.addf %get3A_1, %add3A_12 : vector<1568x768xf32>
    %swap3A = arith.constant 0 : index
    %swap3A_14 = arith.constant 0 : index
    %swap3A_15 = vector.load %arg4[%swap3A, %swap3A_14] : memref<1568x768xf32, #tpu.memory_space<vmem>>, vector<1568x768xf32>
    tpu.vector_store %arg4[%swap3A, %swap3A_14], %add3A_13 {strides = array<i32>} : memref<1568x768xf32, #tpu.memory_space<vmem>>, vector<1568x768xf32>,
    return
  }
}

module attributes {stable_mosaic.version = 14 : i64} {
  func.func @_final_kernel(%arg0: memref<1568x768xf32, #tpu.memory_space<vmem>>, %arg1: memref<1x768xf32, #tpu.memory_space<vmem>>, %arg2: memref<1x768xf32, #tpu.memory_space<vmem>>, %arg3: memref<1568x768xf32, #tpu.memory_space<vmem>>) attributes {dimension_semantics = [], scalar_prefetch = 0 : i64, scratch_operands = 0 : i64, tpu.core_type = #tpu.core_type<tc>} {
    %get3A = arith.constant 0 : index
    %get3A_0 = arith.constant 0 : index
    %get3A_1 = vector.load %arg0[%get3A, %get3A_0] : memref<1568x768xf32, #tpu.memory_space<vmem>>, vector<1568x768xf32>
    %reduce_sum3A = arith.constant dense<0.000000e+00> : vector<1568xf32>
    %reduce_sum3A_2 = vector.multi_reduction <add>, %get3A_1, %reduce_sum3A [1] : vector<1568x768xf32> to vector<1568xf32>
    %broadcast_in_dim3A = vector.shape_cast %reduce_sum3A_2 : vector<1568xf32> to vector<1568x1xf32>
    %div3A = arith.constant 7.680000e+02 : f32
    %div3A_3 = vector.broadcast %div3A : f32 to vector<1568x1xf32>
    %div3A_4 = arith.divf %broadcast_in_dim3A, %div3A_3 : vector<1568x1xf32>
    %sub3A = vector.broadcast %div3A_4 : vector<1568x1xf32> to vector<1568x768xf32>
    %sub3A_5 = arith.subf %get3A_1, %sub3A : vector<1568x768xf32>
    %integer_pow3A = arith.mulf %sub3A_5, %sub3A_5 : vector<1568x768xf32>
    %reduce_sum3A_6 = arith.constant dense<0.000000e+00> : vector<1568xf32>
    %reduce_sum3A_7 = vector.multi_reduction <add>, %integer_pow3A, %reduce_sum3A_6 [1] : vector<1568x768xf32> to vector<1568xf32>
    %broadcast_in_dim3A_8 = vector.shape_cast %reduce_sum3A_7 : vector<1568xf32> to vector<1568x1xf32>
    %div3A_9 = arith.constant 7.680000e+02 : f32
    %div3A_10 = vector.broadcast %div3A_9 : f32 to vector<1568x1xf32>
    %div3A_11 = arith.divf %broadcast_in_dim3A_8, %div3A_10 : vector<1568x1xf32>
    %sub3A_12 = vector.broadcast %div3A_4 : vector<1568x1xf32> to vector<1568x768xf32>
    %sub3A_13 = arith.subf %get3A_1, %sub3A_12 : vector<1568x768xf32>
    %add3A = arith.constant 9.99999974E-6 : f32
    %add3A_14 = vector.broadcast %add3A : f32 to vector<1568x1xf32>
    %add3A_15 = arith.addf %div3A_11, %add3A_14 : vector<1568x1xf32>
    %sqrt3A = math.sqrt %add3A_15 : vector<1568x1xf32>
    %div3A_16 = vector.broadcast %sqrt3A : vector<1568x1xf32> to vector<1568x768xf32>
    %div3A_17 = arith.divf %sub3A_13, %div3A_16 : vector<1568x768xf32>
    %get3A_18 = arith.constant 0 : index
    %get3A_19 = arith.constant 0 : index
    %get3A_20 = vector.load %arg1[%get3A_18, %get3A_19] : memref<1x768xf32, #tpu.memory_space<vmem>>, vector<1x768xf32>
    %mul3A = vector.broadcast %get3A_20 : vector<1x768xf32> to vector<1568x768xf32>
    %mul3A_21 = arith.mulf %div3A_17, %mul3A : vector<1568x768xf32>
    %get3A_22 = arith.constant 0 : index
    %get3A_23 = arith.constant 0 : index
    %get3A_24 = vector.load %arg2[%get3A_22, %get3A_23] : memref<1x768xf32, #tpu.memory_space<vmem>>, vector<1x768xf32>
    %add3A_25 = vector.broadcast %get3A_24 : vector<1x768xf32> to vector<1568x768xf32>
    %add3A_26 = arith.addf %mul3A_21, %add3A_25 : vector<1568x768xf32>
    %swap3A = arith.constant 0 : index
    %swap3A_27 = arith.constant 0 : index
    %swap3A_28 = vector.load %arg3[%swap3A, %swap3A_27] : memref<1568x768xf32, #tpu.memory_space<vmem>>, vector<1568x768xf32>
    tpu.vector_store %arg3[%swap3A, %swap3A_27], %add3A_26 {strides = array<i32>} : memref<1568x768xf32, #tpu.memory_space<vmem>>, vector<1568x768xf32>,
    return
  }
}

</mosaic_0001>

<sc_bundles>
// kernel: gather_offload_async_start.10
scs
__scs_entry_jumppad:
0x0: {  	(pc) =	sbr.rel $0x88, $3  }
0x1: {  	(tag) =	ssettag $0x0;
	lr =	simm.s32 $0x1  }
0x2: {  	[smem:$0x3F8B] =	sst lr;
	_ =	strace $0xD0000000  }
0x3: {  	_ = 	snop  }
0x4: {  	_ = 	snop  }
0x5: {  	_ = 	snop  }
0x6: {  	_ = 	snop  }
0x7: {  	_ = 	snop  }
__scs_overlays_trampoline_lowered:
0x8: {  	[smem:$0x3F9A] =	sst s0  }
0x9: {  	[smem:$0x3F9B] =	sst s1  }
0xa: {  	[smem:$0x3F9C] =	sst s2  }
0xb: {  	[smem:$0x3F9D] =	sst s3  }
0xc: {  	[smem:$0x3F9E] =	sst s4  }
0xd: {  	[smem:$0x3F9F] =	sst s5  }
0xe: {  	[smem:$0x3FA0] =	sst s6  }
0xf: {  	[smem:$0x3FA1] =	sst s7  }
0x10: {  	[smem:$0x3FA2] =	sst s8  }
0x11: {  	[smem:$0x3FA3] =	sst s9;
	s0 =	simm.s32 @!p0 $0x0  }
0x12: {  	s1 =	sld [smem:$0x3F89];
	s0 =	simm.s32 @p0 $0x1  }
0x13: {  	[smem:$0x3FA4] =	sst s0;
	s0 =	simm.s32 @!p1 $0x0  }
0x14: {  	s2 =	sld [smem:$0x3F88];
	s0 =	simm.s32 @p1 $0x1  }
0x15: {  	[smem:$0x3FA5] =	sst s0;
	s0 =	simm.s32 @!p2 $0x0  }
0x16: {  	s3 =	sld [smem:$0x3FDB];
	s0 =	simm.s32 @p2 $0x1  }
0x17: {  	s4 =	simm.s32 $0x1BF5;
	[smem:$0x3FA7] =	sst s0  }
0x18: {  	s0 =	sld [smem:$0x3F8A];
	_ =	swait.ge [sflag:s4], $0x0  }
0x19: {  	s7 =	sld [smem:$0x3F8B]  }
0x1a: {  	s8 =	sadd.s32 $0xFFFFE003, lr  }
0x1b: {  	s9 =	sadd.s32 $0xFFFFFEF7, lr;
	s5 =	simm.s32 $0xFFFFFFFF;
	p2 =	slt.u32 s8, $0xFFFFF086  }
0x1c: {  	p1 =	slt.u32 s9, $0xF7A;
	s5 =	simm.s32 @!p2 $0x0  }
0x1d: {  	s5 =	simm.s32 @p1 $0x1;
	p0 =	seq.s32 s7, s2  }
0x1e: {  	s7 =	smul.u32 @!p0 $0xF7A, s2;
	p2 =	seq.s32 @!p0 s5, $0x0  }
0x1f: {  	s9 =	smul.u32 $0xF7A, s1;
	s8 =	simm.s32 @!p0 $0x1BF5;
	p2 =	por !p2, p0  }
0x20: {  	[sflag:s8] =	ssyncset.s32 @!p0 $0xFFFFF086;
	s6 =	sadd.s32 @!p0 s3, s7;
	s7 =	simm.s32 @!p0 $0x108  }
0x21: {  	s3 =	sadd.s32 s3, s9;
	s6 =	sadd.s32 @!p0 $0x88, s6;
	s7 =	simm.s32 @p2 $0x1082  }
0x22: {  	[simem:s7], [sflag:s8] =	dma.local @!p0 [hbm:s6], $0xF7A  }
0x23: {  	s9 =	sor.u32 $0xD0000000, s2;
	s6 =	simm.s32 $0x108;
	_ =	swait.ge @!p0 [sflag:s8], $0x0  }
0x24: {  	s3 =	sadd.s32 $0x88, s3;
	s6 =	simm.s32 @!p1 $0x1082;
	[sflag:s4] =	ssyncset.s32 $0xFFFFF086  }
0x25: {  	[simem:s6], [sflag:s4] =	dma.local [hbm:s3], $0xF7A  }
0x26: {  	[smem:$0x3F8B] =	sst s1;
	(tag) =	ssettag s2;
	_ =	strace s9  }
0x27: {  	s1 =	sld [smem:$0x3F9B]  }
0x28: {  	s2 =	sld [smem:$0x3F9C]  }
0x29: {  	s4 =	sld [smem:$0x3F9E]  }
0x2a: {  	p0 =	seq.s32 s5, $0x0;
	s5 =	sld [smem:$0x3F9F]  }
0x2b: {  	s6 =	sld [smem:$0x3FA0]  }
0x2c: {  	s7 =	sld [smem:$0x3FA1]  }
0x2d: {  	s3 =	simm.s32 $0x108;
	s8 =	sld [smem:$0x3FA2]  }
0x2e: {  	s3 =	simm.s32 @!p0 $0x1082;
	s9 =	sld [smem:$0x3FA3]  }
0x2f: {  	lr =	sadd.s32 s0, s3;
	s0 =	sld [smem:$0x3F9A]  }
0x30: {  	s3 =	sld [smem:$0x3F9D]  }
0x31: {  	[smem:$0x3FA6] =	sst s10  }
0x32: {  	s10 =	sld [smem:$0x3FA4];
	_ =	sdelay $0x3  }
0x33: {  	p0 =	seq.s32 s10, $0x1;
	s10 =	sld [smem:$0x3FA6];
	_ =	sdelay $0x3  }
0x34: {  	[smem:$0x3FA6] =	sst s10  }
0x35: {  	s10 =	sld [smem:$0x3FA5];
	_ =	sdelay $0x3  }
0x36: {  	p1 =	seq.s32 s10, $0x1;
	s10 =	sld [smem:$0x3FA6];
	_ =	sdelay $0x3  }
0x37: {  	[smem:$0x3FA6] =	sst s10  }
0x38: {  	s10 =	sld [smem:$0x3FA7]  }
0x39: {  	_ = 	snop;
	(pc) =	sbr.ind lr, $3  }
0x3a: {  	_ = 	snop  }
0x3b: {  	_ = 	snop  }
0x3c: {  	p2 =	seq.s32 s10, $0x1;
	s10 =	sld [smem:$0x3FA6]  }
0x3d: {  	_ =	shalt  }
0x3e: {  	_ =	shalt  }
0x3f: {  	_ =	shalt  }
0x40: {  	_ =	shalt  }
0x41: {  	_ =	shalt  }
0x42: {  	_ =	shalt  }
0x43: {  	_ =	shalt  }
0x44: {  	_ =	shalt  }
0x45: {  	_ =	shalt  }
0x46: {  	_ =	shalt  }
0x47: {  	_ =	shalt  }
0x48: {  	_ =	shalt  }
0x49: {  	_ =	shalt  }
0x4a: {  	_ =	shalt  }
0x4b: {  	_ =	shalt  }
0x4c: {  	_ =	shalt  }
0x4d: {  	_ =	shalt  }
0x4e: {  	_ =	shalt  }
0x4f: {  	_ =	shalt  }
0x50: {  	_ =	shalt  }
0x51: {  	_ =	shalt  }
0x52: {  	_ =	shalt  }
0x53: {  	_ =	shalt  }
0x54: {  	_ =	shalt  }
0x55: {  	_ =	shalt  }
0x56: {  	_ =	shalt  }
0x57: {  	_ =	shalt  }
0x58: {  	_ =	shalt  }
0x59: {  	_ =	shalt  }
0x5a: {  	_ =	shalt  }
0x5b: {  	_ =	shalt  }
0x5c: {  	_ =	shalt  }
0x5d: {  	_ =	shalt  }
0x5e: {  	_ =	shalt  }
0x5f: {  	_ =	shalt  }
0x60: {  	_ =	shalt  }
0x61: {  	_ =	shalt  }
0x62: {  	_ =	shalt  }
0x63: {  	_ =	shalt  }
0x64: {  	_ =	shalt  }
0x65: {  	_ =	shalt  }
0x66: {  	_ =	shalt  }
0x67: {  	_ =	shalt  }
0x68: {  	_ =	shalt  }
0x69: {  	_ =	shalt  }
0x6a: {  	_ =	shalt  }
0x6b: {  	_ =	shalt  }
0x6c: {  	_ =	shalt  }
0x6d: {  	_ =	shalt  }
0x6e: {  	_ =	shalt  }
0x6f: {  	_ =	shalt  }
0x70: {  	_ =	shalt  }
0x71: {  	_ =	shalt  }
0x72: {  	_ =	shalt  }
0x73: {  	_ =	shalt  }
0x74: {  	_ =	shalt  }
0x75: {  	_ =	shalt  }
0x76: {  	_ =	shalt  }
0x77: {  	_ =	shalt  }
0x78: {  	_ =	shalt  }
0x79: {  	_ =	shalt  }
0x7a: {  	_ =	shalt  }
0x7b: {  	_ =	shalt  }
0x7c: {  	_ =	shalt  }
0x7d: {  	_ =	shalt  }
0x7e: {  	_ =	shalt  }
0x7f: {  	_ =	shalt  }
0x80: {  	_ =	shalt  }
0x81: {  	_ =	shalt  }
0x82: {  	_ =	shalt  }
0x83: {  	_ =	shalt  }
0x84: {  	_ =	shalt  }
0x85: {  	_ =	shalt  }
0x86: {  	_ =	shalt  }
0x87: {  	_ =	shalt  }
.Lfunc_end0:
.L_simem_size_0:
called_computation.10_lowered:
.L_overlay_start_0:
0x88: {  	s2 =	sld [smem:$0x3FD9]  }
0x89: {  	s3 =	sld [smem:$0x3FFE];
	_ =	sdelay $0x1  }
0x8a: {  	s1 =	srdreg.scid  }
0x8b: {  	s0 =	sand.u32 $0x1, s1  }
0x8c: {  	s15 =	sshll.u32 s0, $0xA;
	s2 =	sadd.s32 s3, s2  }
0x8d: {  	s2 =	sadd.s32 s2, s15  }
0x8e: {  	[smem:$0x3FB2] =	sst s2  }
0x8f: {  	_ = 	snop  }
0x90: {  	s2 =	sld [smem:$0x3FD0];
	_ =	sdelay $0x2  }
0x91: {  	s16 =	simm.s32 $0xD;
	s4 =	simm.s32 $0x10  }
0x92: {  	[smem:s4], [sflag:s16] =	dma.local [hbm:s2], $0x1  }
0x93: {  	_ =	swait.eq [sflag:s16], $0x1  }
0x94: {  	[sflag:s16] =	ssyncset.done $0x0  }
0x95: {  	[sflag:s16] =	ssyncadd.s32 $0xFFFFFFFF  }
0x96: {  	s17 =	sld [smem:$0x10];
	(tm) =	ssettm $0x1  }
0x97: {  	s18 =	sld [smem:$0x3FFB];
	_ =	sdelay $0x3  }
0x98: {  	_ =	strace s18  }
0x99: {  	s2 =	sld [smem:$0x3FFC];
	_ =	sdelay $0x3  }
0x9a: {  	_ =	strace s2  }
0x9b: {  	s2 =	sld [smem:$0x3FFD];
	_ =	sdelay $0x3  }
0x9c: {  	_ =	strace s2  }
0x9d: {  	_ =	strace $0x8FFFFFFF  }
0x9e: {  	s19 =	sld [smem:$0x3FDB];
	_ =	sdelay $0x1  }
0x9f: {  	s20 =	simm.s32 $_scs_section_size  }
0xa0: {  	s5 =	simm.s32 $_size__tile_overlayer_lowered;
	s6 =	simm.s32 $_tile_overlayer_lowered  }
0xa1: {  	s7 =	simm.s32 $0x1BFF;
	s21 =	sshll.u32 s6, $0x1;
	s4 =	sadd.s32 s20, s19  }
0xa2: {  	s22 =	simm.s32 $0x0;
	s5 =	sshll.u32 s5, $0x1;
	s6 =	sadd.s32 s21, s4  }
0xa3: {  	[timem:s22], [sflag:s7] =	dma.local [hbm:s6], s5  }
0xa4: {  	_ =	swait.ge [sflag:s7], s5  }
0xa5: {  	s5 =	ssub.s32 $0x0, s5;
	[sflag:s7] =	ssyncset.done $0x0  }
0xa6: {  	[sflag:s7] =	ssyncadd.s32 s5;
	_ =	sdelay $0x1  }
0xa7: {  	s23 =	simm.s32 $0x1B8B  }
0xa8: {  	_ =	swait.ge [sflag:s23], $0x1  }
0xa9: {  	[sflag:s23] =	ssyncset.done $0x0  }
0xaa: {  	[sflag:s23] =	ssyncadd.s32 $0xFFFFFFFF  }
0xab: {  	s5 =	sld [smem:$0x0]  }
0xac: {  	s6 =	sand.u32 $0xFFFFFFFE, s1  }
0xad: {  	p0 =	sne.s32 s1, s6  }
0xae: {  	s6 =	sshll.u32 @p0 s6, $0xE  }
0xaf: {  	s6 =	sadd.s32 @p0 $0x11B8D, s6;
	s7 =	sshll.u32 @p0 s5, $0x11  }
0xb0: {  	s6 =	sor.u32 @p0 s7, s6  }
0xb1: {  	[sflag:s6] =	ssyncadd.remote.s32 @p0 $0x1;
	_ =	sdelay $0x1  }
0xb2: {  	s6 =	simm.s32 @p0 $0x1B8D  }
0xb3: {  	_ =	swait.eq @p0 [sflag:s6], $0x1  }
0xb4: {  	[sflag:s6] =	ssyncadd.s32 @p0 $0xFFFFFFFF  }
0xb5: {  	s7 =	sshll.u32 @!p0 s1, $0xE  }
0xb6: {  	s7 =	sor.u32 @!p0 $0x4000, s7;
	s6 =	simm.s32 @!p0 $0x1B8D  }
0xb7: {  	s5 =	sshll.u32 @!p0 s5, $0x11;
	s7 =	sadd.s32 @!p0 $0x11B8D, s7;
	_ =	swait.eq @!p0 [sflag:s6], $0x1  }
0xb8: {  	s5 =	sor.u32 @!p0 s5, s7;
	[sflag:s6] =	ssyncadd.s32 @!p0 $0xFFFFFFFF  }
0xb9: {  	s25 =	simm.s32 $0x1B8E;
	s24 =	sld [smem:$0x3FFE];
	[sflag:s5] =	ssyncadd.remote.s32 @!p0 $0x1  }
0xba: {  	s26 =	simm.s32 $execute0_lowered;
	[smem:$0x3FD2] =	sst s25  }
0xbb: {  	s6 =	sshll.u32 s26, $0x1;
	_ =	strace $0x80000073;
	[dreg:$0x1] =	wrdreg $0xFFFFFFFF  }
0xbc: {  	s28 =	simm.s32 $_size_execute0_lowered;
	s4 =	sadd.s32 s4, s6;
	[dreg:$0x0] =	wrdreg $0x0  }
0xbd: {  	s6 =	sshll.u32 s28, $0x1;
	[dreg:$0x2] =	wrdreg s4  }
0xbe: {  	[dreg:$0x3] =	wrdreg s6  }
0xbf: {  	[dreg:$0x4] =	wrdreg $0xC0  }
0xc0: {  	_ =	task [dreg:s22], $0x5FFFF  }
0xc1: {  	[dreg:$0x1] =	wrdreg $0xFFFFFFFF  }
0xc2: {  	[dreg:$0x0] =	wrdreg $0x60  }
0xc3: {  	[dreg:$0x2] =	wrdreg s24  }
0xc4: {  	[dreg:$0x3] =	wrdreg s17  }
0xc5: {  	[dreg:$0x4] =	wrdreg $0x9  }
0xc6: {  	_ =	task.clear_ibuf [dreg:s22], $0x5FFFF;
	_ =	strace $0x90000073  }
0xc7: {  	s29 =	simm.s32 $0x9;
	_ =	strace $0x80000075  }
0xc8: {  	_ =	swait.ge [sflag:s29], $0x1  }
0xc9: {  	[sflag:s29] =	ssyncadd.s32 $0xFFFFFFFF  }
0xca: {  	_ =	strace $0x90000075  }
0xcb: {  	_ =	sfence  }
0xcc: {  	s30 =	sld [smem:$0x0];
	_ =	sdelay $0x2  }
0xcd: {  	s31 =	sshll.u32 s1, $0xD;
	s1 =	sshrl.u32 s1, $0x2  }
0xce: {  	s4 =	sand.u32 $0x4000, s31;
	s1 =	sadd.s32 s1, s30  }
0xcf: {  	s0 =	sor.u32 s4, s0;
	s1 =	sshll.u32 s1, $0x11  }
0xd0: {  	s0 =	sor.u32 s1, s0  }
0xd1: {  	s0 =	sadd.s32 $0x8F2B, s0  }
0xd2: {  	[sflag:s0] =	ssyncadd.remote.s32 $0x1  }
0xd3: {  	_ =	sfence.sel $0xFFFF  }
0xd4: {  	[dreg:$0x0] =	wrdreg $0xFFFFFFFF;
	(pc) =	sbr.abs _section_cstart, $3  }
0xd5: {  	[dreg:$0x1] =	wrdreg $0xFFFFFFFF  }
0xd6: {  	_ =	task.clear_ibuf [dreg:s22], $0x2FFFF;
	_ =	strace $0x9FFFFFFF  }
0xd7: {  	(tm) =	ssettm $0x7FFFFFFF  }
tec
execute0_lowered:
.L_overlay_start_1:
0x0: {  	(tag) =	ssettag $0x1  }
0x1: {  	s0 =	srdreg.scid  }
0x2: {  	s1 =	sshll.u32 s0, $0x4  }
0x3: {  	s0 =	stileid.u32;
	s1 =	sand.u32 $0x10, s1  }
0x4: {  	s1 =	sor.u32 s0, s1  }
0x5: {  	s2 =	smul.u32 $0x3, s1  }
0x6: {  	s9 =	rddreg [dreg:$0x0];
	s6 =	simm.s32 $0x1;
	s3 =	smin.u32 s1, $0x2  }
0x7: {  	p0 =	slt.u32 s1, $0x2;
	s1 =	simm.s32 $0x40;
	s2 =	sadd.s32 s3, s2  }
0x8: {  	s7 =	simm.s32 $0x2;
	s1 =	simm.s32 @!p0 $0x30;
	s2 =	sshll.u32 s2, $0x4  }
0x9: {  	s10 =	simm.s32 $0x3;
	s13 =	simm.s32 $0x0;
	s4 =	sadd.s32 s1, s2  }
0xa: {  	s12 =	simm.s32 $0x0;
	s5 =	sadd.s32 $0xA1400, s9;
	s4 =	smin.u32 s4, $0x620  }
.Ltmp0:
0xb: {  	s3 =	rddreg [dreg:$0x1];
	s8 =	ssub.s32 s4, s2;
	(pc) =	sbr.rel .LBB2_1-.Ltmp0, $4  }
0xc: {  	s1 =	rddreg [dreg:$0x2];
	_ =	strace $0x80000074;
	p0 =	sgt.s32 s8, $0x0  }
0xd: {  	s9 =	sadd.s32 $0x2B600, s9;
	[sflag:s6] =	ssyncpa.u1 $0x0;
	s8 =	simm.s32 @!p0 $0x0  }
0xe: {  	s11 =	smov.u32 s2;
	[sflag:s7] =	ssyncpa.u1 $0x0;
	s8 =	sshrl.u32 s8, $0x4  }
0xf: {  	vm0 =	vmmov $0xff;
	vm1 =	vcmask $0x3F20;
	[sflag:s10] =	ssyncpa.u1 $0x0;
	p0 =	por $0x0, $0x0;
	s10 =	sadd.s32 $0x1, s8  }
.LBB2_4:
0x10: {  	_ =	sdelay $0x3  }
0x11: {  	[tilespmem:s18], [sflag:$0x1] =	stream.indirect_vreg.gather [hbm:s5], $0x80, v0, vm1, $0x38;
	[tilespmem:$0x6020] =	vst v63  }
0x12: {  	s16 =	sshrl.u32 s13, $0x3;
	s31 =	sshll.u32 s13, $0x4  }
0x13: {  	_ =	swait.ge [sflag:s6], $0x3000;
	s13 =	sand.u32 $0x70, s31;
	s16 =	smul.u32 $0x300, s16  }
0x14: {  	[sflag:s6] =	ssyncset.done $0x0;
	s13 =	sadd.s32 s3, s13  }
0x15: {  	[sflag:s6] =	ssyncadd.s32 $0xFFFFD000;
	s13 =	sadd.s32 s16, s13  }
0x16: {  	[hbm:s13] =	stream.linear.scatter [tilespmem:s15], [sflag:$0x3], $0x1800, $0x38;
	[tilespmem:$0x6020] =	vst v63  }
0x17: {  	s14 =	sadd.s32 $0x1820, s14;
	s13 =	sadd.s32 $0x300, s13  }
0x18: {  	[hbm:s13] =	stream.linear.scatter [tilespmem:s14], [sflag:$0x3], $0x1800, $0x38;
	[tilespmem:$0x6020] =	vst v63  }
.LBB2_5:
0x19: {  	s13 =	sadd.s32 $0x10, s11  }
0x1a: {  	s15 =	smov.u32 s2;
	p2 =	slt.s32 s13, s4  }
0x1b: {  	s15 =	smov.u32 @p2 s13;
	p2 =	sne.s32 s12, s10  }
.Ltmp1:
0x1c: {  	p1 =	slt.u32 s12, $0x2;
	(pc) =	sbr.rel @!p2 .LBB2_6-.Ltmp1, $4  }
0x1d: {  	s14 =	simm.s32 @!p1 $0x3  }
0x1e: {  	s16 =	sadd.s32 $0x1, s12;
	_ =	swait.ge @!p1 [sflag:s14], $0x3000  }
0x1f: {  	p0 =	por !p0, !p0;
	s13 =	smov.u32 s11;
	[sflag:s14] =	ssyncset.done @!p1 $0x0  }
0x20: {  	s12 =	smov.u32 s16;
	s11 =	smov.u32 s15;
	[sflag:s14] =	ssyncadd.s32 @!p1 $0xFFFFD000  }
.LBB2_1:
0x21: {  	p1 =	sge.u32 s12, s8  }
0x22: {  	s14 =	sxor.u32 @!p1 $0xFFFFFFFF, s12  }
0x23: {  	s31 =	sadd.s32 $0xFFFFFFFF, s12;
	s15 =	sshrl.u32 @!p1 s11, $0x3;
	s14 =	sshll.u32 @!p1 s14, $0x4  }
0x24: {  	s16 =	sand.u32 @!p1 $0x7, s11;
	s15 =	sadd.s32 @!p1 s9, s15;
	s14 =	sand.u32 @!p1 $0x10, s14  }
0x25: {  	[tilespmem:s14], [sflag:$0x2] =	stream.linear.gather @!p1 [hbm4b:s15+s16], $0x10, $0x38;
	[tilespmem:$0x6020] =	vst v63  }
0x26: {  	p1 =	sge.u32 s31, s8  }
.Ltmp2:
0x27: {  	_ = 	snop;
	(pc) =	sbr.rel @p1 .LBB2_5-.Ltmp2, $1  }
0x28: {  	_ =	sdelay $0x3  }
0x29: {  	_ =	swait.ge [sflag:s7], $0x10  }
0x2a: {  	s14 =	sand.u32 $0x1, s12;
	[sflag:s7] =	ssyncset.done $0x0  }
0x2b: {  	s15 =	sshll.u32 s14, $0x4;
	[sflag:s7] =	ssyncadd.s32 $0xFFFFFFF0  }
0x2c: {  	v0 =	vld.msk [tilespmem:s15+$0x0 ss:$0x1], $0xffff;
	_ =	sdelay $0x4  }
0x2d: {  	vm2 =	vgt.s32 v0, $0x0  }
0x2e: {  	v0 =	vnsel vm2, $0x0, v0  }
0x2f: {  	v0 =	vmin.u32 v0, $0x107F  }
0x30: {  	v1 =	vshrl.u32 v0, $0x3  }
0x31: {  	v0 =	vshll.u32 v0, $0x7;
	v1 =	vmul.u32 $0x1800, v1  }
0x32: {  	s15 =	simm.s32 $0x1;
	v0 =	vand.u32 $0x380, v0  }
0x33: {  	s15 =	simm.s32 @!p0 $0x0;
	v0 =	vor.u32 v0, v1  }
0x34: {  	s15 =	smul.u32 $0xC000, s15;
	v0 =	vshrl.u32 v0, $0x3;
	_ =	sdelay $0x1  }
0x35: {  	s14 =	smul.u32 $0xC000, s14;
	s15 =	sshrl.u32 s15, $0x2  }
0x36: {  	s16 =	sor.u32 $0x20, s15  }
0x37: {  	s14 =	sshrl.u32 s14, $0x2;
	s18 =	sadd.s32 $0x0, s16  }
0x38: {  	[tilespmem:s18], [sflag:$0x1] =	stream.indirect_vreg.gather [hbm:s5], $0x80, v0, vm0, $0x38;
	[tilespmem:$0x6020] =	vst v63  }
0x39: {  	s17 =	simm.s32 $0x1000;
	s15 =	sor.u32 $0x20, s14;
	v1 =	vadd.s32 $0x80, v0;
	s18 =	sadd.s32 $0x1800, s18  }
.LBB2_3:
0x3a: {  	[tilespmem:s18], [sflag:$0x1] =	stream.indirect_vreg.gather [hbm:s5], $0x80, v0, vm1, $0x38;
	[tilespmem:$0x6020] =	vst v63  }
0x3b: {  	v0 =	vmov v1;
	s18 =	smov.u32 s17;
	p1 =	sne.s32 s17, $0x5000  }
.Ltmp3:
0x3c: {  	s17 =	sadd.s32 $0x1000, s17;
	(pc) =	sbr.rel @p1 .LBB2_3-.Ltmp3, $4  }
0x3d: {  	s18 =	sshra.s32 s18, $0x2  }
0x3e: {  	s18 =	sadd.s32 s18, s16  }
0x3f: {  	[tilespmem:s18], [sflag:$0x1] =	stream.indirect_vreg.gather [hbm:s5], $0x80, v1, vm0, $0x38;
	[tilespmem:$0x6020] =	vst v63  }
0x40: {  	s18 =	sadd.s32 $0x1800, s18;
	v1 =	vadd.s32 $0x80, v1  }
.Ltmp4:
0x41: {  	_ = 	snop;
	(pc) =	sbr.rel .LBB2_4-.Ltmp4, $1  }
0x42: {  	_ =	sdelay $0x3  }
.LBB2_6:
0x43: {  	_ =	sfence.sel $0x180000  }
0x44: {  	s2 =	simm.s32 $0x2;
	[bflag:$0x0] =	sbarrier.arrive $0xFFFF  }
0x45: {  	s30 =	simm.s32 $0x3;
	[sflag:s2] =	ssyncpa.u1 $0x1  }
0x46: {  	s31 =	simm.s32 $0x1;
	[sflag:s30] =	ssyncpa.u1 $0x1  }
0x47: {  	[sflag:s31] =	ssyncpa.u1 $0x1  }
0x48: {  	p0 =	sne.s32 s0, $0x0;
	_ =	strace $0x90000074  }
0x49: {  	s0 =	sadd.s32 @!p0 $0x100000, s1;
	[bflag:$0x2] =	sbarrier.arrive $0xFFFF  }
0x4a: {  	[sflag:s0] =	ssyncadd.tile.s32 @!p0 $0x1;
	_ =	shalt  }
.Lfunc_end2:
_tile_overlayer_lowered:
.L_overlay_start_2:
0x4b: {  	(tag) =	ssettag $0x2  }
0x4c: {  	s0 =	rddreg [dreg:$0x0];
	s2 =	stileid.u32  }
0x4d: {  	s1 =	rddreg [dreg:$0x1];
	p0 =	sne.s32 s2, $0x0  }
0x4e: {  	s3 =	rddreg [dreg:$0x2];
	[bflag:$0x3] =	sbarrier.arrive $0xFFFF;
	s2 =	simm.s32 @!p0 $0x1C01  }
0x4f: {  	[timem:s3], [sflag:s2] =	dma.local @!p0 [hbm:s0], s1  }
0x50: {  	s0 =	simm.s32 @!p0 $0x1  }
0x51: {  	_ =	swait.ge @!p0 [sflag:s0], s1  }
0x52: {  	s1 =	ssub.s32 @!p0 $0x0, s1;
	[sflag:s0] =	ssyncset.done @!p0 $0x0  }
0x53: {  	[sflag:s0] =	ssyncadd.s32 @!p0 s1  }
0x54: {  	[bflag:$0x3] =	sbarrier.arrive $0xFFFF  }
0x55: {  	_ =	shalt  }

// kernel: gather_offload_async_start.11
scs
__scs_entry_jumppad:
0x0: {  	(pc) =	sbr.rel $0x88, $3  }
0x1: {  	(tag) =	ssettag $0x0;
	lr =	simm.s32 $0x1  }
0x2: {  	[smem:$0x3F8B] =	sst lr;
	_ =	strace $0xD0000000  }
0x3: {  	_ = 	snop  }
0x4: {  	_ = 	snop  }
0x5: {  	_ = 	snop  }
0x6: {  	_ = 	snop  }
0x7: {  	_ = 	snop  }
__scs_overlays_trampoline_lowered:
0x8: {  	[smem:$0x3F9A] =	sst s0  }
0x9: {  	[smem:$0x3F9B] =	sst s1  }
0xa: {  	[smem:$0x3F9C] =	sst s2  }
0xb: {  	[smem:$0x3F9D] =	sst s3  }
0xc: {  	[smem:$0x3F9E] =	sst s4  }
0xd: {  	[smem:$0x3F9F] =	sst s5  }
0xe: {  	[smem:$0x3FA0] =	sst s6  }
0xf: {  	[smem:$0x3FA1] =	sst s7  }
0x10: {  	[smem:$0x3FA2] =	sst s8  }
0x11: {  	[smem:$0x3FA3] =	sst s9;
	s0 =	simm.s32 @!p0 $0x0  }
0x12: {  	s1 =	sld [smem:$0x3F89];
	s0 =	simm.s32 @p0 $0x1  }
0x13: {  	[smem:$0x3FA4] =	sst s0;
	s0 =	simm.s32 @!p1 $0x0  }
0x14: {  	s2 =	sld [smem:$0x3F88];
	s0 =	simm.s32 @p1 $0x1  }
0x15: {  	[smem:$0x3FA5] =	sst s0;
	s0 =	simm.s32 @!p2 $0x0  }
0x16: {  	s3 =	sld [smem:$0x3FDB];
	s0 =	simm.s32 @p2 $0x1  }
0x17: {  	s4 =	simm.s32 $0x1BF5;
	[smem:$0x3FA7] =	sst s0  }
0x18: {  	s0 =	sld [smem:$0x3F8A];
	_ =	swait.ge [sflag:s4], $0x0  }
0x19: {  	s7 =	sld [smem:$0x3F8B]  }
0x1a: {  	s8 =	sadd.s32 $0xFFFFE003, lr  }
0x1b: {  	s9 =	sadd.s32 $0xFFFFFEF7, lr;
	s5 =	simm.s32 $0xFFFFFFFF;
	p2 =	slt.u32 s8, $0xFFFFF086  }
0x1c: {  	p1 =	slt.u32 s9, $0xF7A;
	s5 =	simm.s32 @!p2 $0x0  }
0x1d: {  	s5 =	simm.s32 @p1 $0x1;
	p0 =	seq.s32 s7, s2  }
0x1e: {  	s7 =	smul.u32 @!p0 $0xF7A, s2;
	p2 =	seq.s32 @!p0 s5, $0x0  }
0x1f: {  	s9 =	smul.u32 $0xF7A, s1;
	s8 =	simm.s32 @!p0 $0x1BF5;
	p2 =	por !p2, p0  }
0x20: {  	[sflag:s8] =	ssyncset.s32 @!p0 $0xFFFFF086;
	s6 =	sadd.s32 @!p0 s3, s7;
	s7 =	simm.s32 @!p0 $0x108  }
0x21: {  	s3 =	sadd.s32 s3, s9;
	s6 =	sadd.s32 @!p0 $0x88, s6;
	s7 =	simm.s32 @p2 $0x1082  }
0x22: {  	[simem:s7], [sflag:s8] =	dma.local @!p0 [hbm:s6], $0xF7A  }
0x23: {  	s9 =	sor.u32 $0xD0000000, s2;
	s6 =	simm.s32 $0x108;
	_ =	swait.ge @!p0 [sflag:s8], $0x0  }
0x24: {  	s3 =	sadd.s32 $0x88, s3;
	s6 =	simm.s32 @!p1 $0x1082;
	[sflag:s4] =	ssyncset.s32 $0xFFFFF086  }
0x25: {  	[simem:s6], [sflag:s4] =	dma.local [hbm:s3], $0xF7A  }
0x26: {  	[smem:$0x3F8B] =	sst s1;
	(tag) =	ssettag s2;
	_ =	strace s9  }
0x27: {  	s1 =	sld [smem:$0x3F9B]  }
0x28: {  	s2 =	sld [smem:$0x3F9C]  }
0x29: {  	s4 =	sld [smem:$0x3F9E]  }
0x2a: {  	p0 =	seq.s32 s5, $0x0;
	s5 =	sld [smem:$0x3F9F]  }
0x2b: {  	s6 =	sld [smem:$0x3FA0]  }
0x2c: {  	s7 =	sld [smem:$0x3FA1]  }
0x2d: {  	s3 =	simm.s32 $0x108;
	s8 =	sld [smem:$0x3FA2]  }
0x2e: {  	s3 =	simm.s32 @!p0 $0x1082;
	s9 =	sld [smem:$0x3FA3]  }
0x2f: {  	lr =	sadd.s32 s0, s3;
	s0 =	sld [smem:$0x3F9A]  }
0x30: {  	s3 =	sld [smem:$0x3F9D]  }
0x31: {  	[smem:$0x3FA6] =	sst s10  }
0x32: {  	s10 =	sld [smem:$0x3FA4];
	_ =	sdelay $0x3  }
0x33: {  	p0 =	seq.s32 s10, $0x1;
	s10 =	sld [smem:$0x3FA6];
	_ =	sdelay $0x3  }
0x34: {  	[smem:$0x3FA6] =	sst s10  }
0x35: {  	s10 =	sld [smem:$0x3FA5];
	_ =	sdelay $0x3  }
0x36: {  	p1 =	seq.s32 s10, $0x1;
	s10 =	sld [smem:$0x3FA6];
	_ =	sdelay $0x3  }
0x37: {  	[smem:$0x3FA6] =	sst s10  }
0x38: {  	s10 =	sld [smem:$0x3FA7]  }
0x39: {  	_ = 	snop;
	(pc) =	sbr.ind lr, $3  }
0x3a: {  	_ = 	snop  }
0x3b: {  	_ = 	snop  }
0x3c: {  	p2 =	seq.s32 s10, $0x1;
	s10 =	sld [smem:$0x3FA6]  }
0x3d: {  	_ =	shalt  }
0x3e: {  	_ =	shalt  }
0x3f: {  	_ =	shalt  }
0x40: {  	_ =	shalt  }
0x41: {  	_ =	shalt  }
0x42: {  	_ =	shalt  }
0x43: {  	_ =	shalt  }
0x44: {  	_ =	shalt  }
0x45: {  	_ =	shalt  }
0x46: {  	_ =	shalt  }
0x47: {  	_ =	shalt  }
0x48: {  	_ =	shalt  }
0x49: {  	_ =	shalt  }
0x4a: {  	_ =	shalt  }
0x4b: {  	_ =	shalt  }
0x4c: {  	_ =	shalt  }
0x4d: {  	_ =	shalt  }
0x4e: {  	_ =	shalt  }
0x4f: {  	_ =	shalt  }
0x50: {  	_ =	shalt  }
0x51: {  	_ =	shalt  }
0x52: {  	_ =	shalt  }
0x53: {  	_ =	shalt  }
0x54: {  	_ =	shalt  }
0x55: {  	_ =	shalt  }
0x56: {  	_ =	shalt  }
0x57: {  	_ =	shalt  }
0x58: {  	_ =	shalt  }
0x59: {  	_ =	shalt  }
0x5a: {  	_ =	shalt  }
0x5b: {  	_ =	shalt  }
0x5c: {  	_ =	shalt  }
0x5d: {  	_ =	shalt  }
0x5e: {  	_ =	shalt  }
0x5f: {  	_ =	shalt  }
0x60: {  	_ =	shalt  }
0x61: {  	_ =	shalt  }
0x62: {  	_ =	shalt  }
0x63: {  	_ =	shalt  }
0x64: {  	_ =	shalt  }
0x65: {  	_ =	shalt  }
0x66: {  	_ =	shalt  }
0x67: {  	_ =	shalt  }
0x68: {  	_ =	shalt  }
0x69: {  	_ =	shalt  }
0x6a: {  	_ =	shalt  }
0x6b: {  	_ =	shalt  }
0x6c: {  	_ =	shalt  }
0x6d: {  	_ =	shalt  }
0x6e: {  	_ =	shalt  }
0x6f: {  	_ =	shalt  }
0x70: {  	_ =	shalt  }
0x71: {  	_ =	shalt  }
0x72: {  	_ =	shalt  }
0x73: {  	_ =	shalt  }
0x74: {  	_ =	shalt  }
0x75: {  	_ =	shalt  }
0x76: {  	_ =	shalt  }
0x77: {  	_ =	shalt  }
0x78: {  	_ =	shalt  }
0x79: {  	_ =	shalt  }
0x7a: {  	_ =	shalt  }
0x7b: {  	_ =	shalt  }
0x7c: {  	_ =	shalt  }
0x7d: {  	_ =	shalt  }
0x7e: {  	_ =	shalt  }
0x7f: {  	_ =	shalt  }
0x80: {  	_ =	shalt  }
0x81: {  	_ =	shalt  }
0x82: {  	_ =	shalt  }
0x83: {  	_ =	shalt  }
0x84: {  	_ =	shalt  }
0x85: {  	_ =	shalt  }
0x86: {  	_ =	shalt  }
0x87: {  	_ =	shalt  }
.Lfunc_end0:
.L_simem_size_0:
called_computation.11_lowered:
.L_overlay_start_0:
0x88: {  	s2 =	sld [smem:$0x3FD9]  }
0x89: {  	s3 =	sld [smem:$0x3FFE];
	_ =	sdelay $0x1  }
0x8a: {  	s1 =	srdreg.scid  }
0x8b: {  	s0 =	sand.u32 $0x1, s1  }
0x8c: {  	s17 =	sshll.u32 s0, $0xA;
	s2 =	sadd.s32 s3, s2  }
0x8d: {  	s2 =	sadd.s32 s2, s17  }
0x8e: {  	[smem:$0x3FB2] =	sst s2  }
0x8f: {  	_ = 	snop  }
0x90: {  	(tm) =	ssettm $0x1  }
0x91: {  	s18 =	sld [smem:$0x3FFB];
	_ =	sdelay $0x3  }
0x92: {  	_ =	strace s18  }
0x93: {  	s2 =	sld [smem:$0x3FFC];
	_ =	sdelay $0x3  }
0x94: {  	_ =	strace s2  }
0x95: {  	s2 =	sld [smem:$0x3FFD];
	_ =	sdelay $0x3  }
0x96: {  	_ =	strace s2  }
0x97: {  	_ =	strace $0x8FFFFFFF  }
0x98: {  	s19 =	sld [smem:$0x3FDB];
	_ =	sdelay $0x1  }
0x99: {  	s20 =	simm.s32 $_scs_section_size  }
0x9a: {  	s4 =	simm.s32 $_size__tile_overlayer_lowered;
	s5 =	simm.s32 $_tile_overlayer_lowered  }
0x9b: {  	s6 =	simm.s32 $0x1BFF;
	s21 =	sshll.u32 s5, $0x1;
	s3 =	sadd.s32 s20, s19  }
0x9c: {  	s22 =	simm.s32 $0x0;
	s4 =	sshll.u32 s4, $0x1;
	s5 =	sadd.s32 s21, s3  }
0x9d: {  	[timem:s22], [sflag:s6] =	dma.local [hbm:s5], s4  }
0x9e: {  	_ =	swait.ge [sflag:s6], s4  }
0x9f: {  	s4 =	ssub.s32 $0x0, s4;
	[sflag:s6] =	ssyncset.done $0x0  }
0xa0: {  	[sflag:s6] =	ssyncadd.s32 s4;
	_ =	sdelay $0x1  }
0xa1: {  	s23 =	simm.s32 $0x1B8B  }
0xa2: {  	_ =	swait.ge [sflag:s23], $0x1  }
0xa3: {  	[sflag:s23] =	ssyncset.done $0x0  }
0xa4: {  	[sflag:s23] =	ssyncadd.s32 $0xFFFFFFFF  }
0xa5: {  	s4 =	sld [smem:$0x0]  }
0xa6: {  	s5 =	sand.u32 $0xFFFFFFFE, s1  }
0xa7: {  	p0 =	sne.s32 s1, s5  }
0xa8: {  	s5 =	sshll.u32 @p0 s5, $0xE  }
0xa9: {  	s5 =	sadd.s32 @p0 $0x11B8D, s5;
	s6 =	sshll.u32 @p0 s4, $0x11  }
0xaa: {  	s5 =	sor.u32 @p0 s6, s5  }
0xab: {  	[sflag:s5] =	ssyncadd.remote.s32 @p0 $0x1;
	_ =	sdelay $0x1  }
0xac: {  	s5 =	simm.s32 @p0 $0x1B8D  }
0xad: {  	_ =	swait.eq @p0 [sflag:s5], $0x1  }
0xae: {  	[sflag:s5] =	ssyncadd.s32 @p0 $0xFFFFFFFF  }
0xaf: {  	s6 =	sshll.u32 @!p0 s1, $0xE  }
0xb0: {  	s6 =	sor.u32 @!p0 $0x4000, s6;
	s5 =	simm.s32 @!p0 $0x1B8D  }
0xb1: {  	s4 =	sshll.u32 @!p0 s4, $0x11;
	s6 =	sadd.s32 @!p0 $0x11B8D, s6;
	_ =	swait.eq @!p0 [sflag:s5], $0x1  }
0xb2: {  	s4 =	sor.u32 @!p0 s4, s6;
	[sflag:s5] =	ssyncadd.s32 @!p0 $0xFFFFFFFF  }
0xb3: {  	s25 =	simm.s32 $0x1B8E;
	s24 =	sld [smem:$0x3FFE];
	[sflag:s4] =	ssyncadd.remote.s32 @!p0 $0x1  }
0xb4: {  	s26 =	simm.s32 $execute0_lowered;
	[smem:$0x3FD2] =	sst s25  }
0xb5: {  	s5 =	sshll.u32 s26, $0x1;
	_ =	strace $0x8000006D;
	[dreg:$0x1] =	wrdreg $0xFFFFFFFF  }
0xb6: {  	s28 =	simm.s32 $_size_execute0_lowered;
	s3 =	sadd.s32 s3, s5;
	[dreg:$0x0] =	wrdreg $0x0  }
0xb7: {  	s5 =	sshll.u32 s28, $0x1;
	[dreg:$0x2] =	wrdreg s3  }
0xb8: {  	[dreg:$0x3] =	wrdreg s5  }
0xb9: {  	[dreg:$0x4] =	wrdreg $0xC0  }
0xba: {  	_ =	task [dreg:s22], $0x5FFFF  }
0xbb: {  	[dreg:$0x1] =	wrdreg $0xFFFFFFFF  }
0xbc: {  	[dreg:$0x0] =	wrdreg $0x60  }
0xbd: {  	[dreg:$0x2] =	wrdreg s24  }
0xbe: {  	[dreg:$0x3] =	wrdreg $0xA  }
0xbf: {  	_ =	task.clear_ibuf [dreg:s22], $0x4FFFF;
	_ =	strace $0x9000006D  }
0xc0: {  	s29 =	simm.s32 $0xA;
	_ =	strace $0x8000006F  }
0xc1: {  	_ =	swait.ge [sflag:s29], $0x1  }
0xc2: {  	[sflag:s29] =	ssyncadd.s32 $0xFFFFFFFF  }
0xc3: {  	_ =	strace $0x9000006F  }
0xc4: {  	_ =	sfence  }
0xc5: {  	s30 =	sld [smem:$0x0];
	_ =	sdelay $0x2  }
0xc6: {  	s31 =	sshll.u32 s1, $0xD;
	s1 =	sshrl.u32 s1, $0x2  }
0xc7: {  	s4 =	sand.u32 $0x4000, s31;
	s1 =	sadd.s32 s1, s30  }
0xc8: {  	s0 =	sor.u32 s4, s0;
	s1 =	sshll.u32 s1, $0x11  }
0xc9: {  	s0 =	sor.u32 s1, s0  }
0xca: {  	s0 =	sadd.s32 $0x8F2B, s0  }
0xcb: {  	[sflag:s0] =	ssyncadd.remote.s32 $0x1  }
0xcc: {  	_ =	sfence.sel $0xFFFF  }
0xcd: {  	[dreg:$0x0] =	wrdreg $0xFFFFFFFF;
	(pc) =	sbr.abs _section_cstart, $3  }
0xce: {  	[dreg:$0x1] =	wrdreg $0xFFFFFFFF  }
0xcf: {  	_ =	task.clear_ibuf [dreg:s22], $0x2FFFF;
	_ =	strace $0x9FFFFFFF  }
0xd0: {  	(tm) =	ssettm $0x7FFFFFFF  }
0xd1: {  	_ =	shalt  }
tec
execute0_lowered:
.L_overlay_start_1:
0x0: {  	(tag) =	ssettag $0x1  }
0x1: {  	s1 =	srdreg.scid;
	s0 =	stileid.u32  }
0x2: {  	s6 =	rddreg [dreg:$0x0];
	s7 =	simm.s32 $0x1;
	s1 =	sshll.u32 s1, $0x4  }
0x3: {  	s30 =	simm.s32 $0x2;
	s2 =	sshll.u32 s0, $0x5;
	s3 =	sand.u32 $0x10, s1  }
0x4: {  	s31 =	simm.s32 $0x3;
	s11 =	simm.s32 $0x0;
	s2 =	sor.u32 s2, s3  }
0x5: {  	s9 =	simm.s32 $0x0;
	s4 =	sadd.s32 $0x2B600, s6;
	s5 =	ssub.s32 $0x620, s2  }
0x6: {  	s1 =	rddreg [dreg:$0x1];
	_ =	strace $0x8000006E;
	s8 =	sand.u32 $0x1F0, s5  }
0x7: {  	s3 =	sadd.s32 $0x25400, s6;
	[sflag:s7] =	ssyncpa.u1 $0x0;
	p0 =	sne.s32 s8, $0x0  }
0x8: {  	s6 =	sadd.s32 $0x38A00, s6;
	s5 =	sshrl.u32 s5, $0x9;
	s7 =	simm.s32 @!p0 $0x0  }
0x9: {  	[sflag:s30] =	ssyncpa.u1 $0x0;
	s10 =	smov.u32 s2;
	s5 =	sadd.s32 s7, s5  }
0xa: {  	[sflag:s31] =	ssyncpa.u1 $0x0;
	s8 =	simm.s32 $0x0;
	s7 =	sadd.s32 $0x1, s5  }
.LBB2_1:
0xb: {  	p0 =	sge.u32 s9, s5  }
0xc: {  	s31 =	sadd.s32 $0xFFFFFFFF, s9;
	s12 =	sxor.u32 @!p0 $0xFFFFFFFF, s8;
	s13 =	sshrl.u32 @!p0 s10, $0x3  }
0xd: {  	s14 =	sand.u32 @!p0 $0x7, s10;
	s12 =	sand.u32 @!p0 $0x10, s12;
	s13 =	sadd.s32 @!p0 s4, s13  }
0xe: {  	[tilespmem:s12], [sflag:$0x2] =	stream.linear.gather @!p0 [hbm4b:s13+s14], $0x10, $0x38;
	[tilespmem:$0x40] =	vst v63  }
0xf: {  	p0 =	sge.u32 s31, s5  }
0x10: {  	s12 =	simm.s32 @!p0 $0x2  }
0x11: {  	_ =	swait.ge @!p0 [sflag:s12], $0x10  }
0x12: {  	[sflag:s12] =	ssyncset.done @!p0 $0x0  }
0x13: {  	[sflag:s12] =	ssyncadd.s32 @!p0 $0xFFFFFFF0;
	s12 =	sand.u32 @!p0 $0x10, s8  }
0x14: {  	(ifvalue) =	ssetifvalue @!p0 $0x7FFFFFFF;
	v0 =	vld.msk @!p0 [tilespmem:s12+$0x0 ss:$0x1], $0xffff;
	_ =	sdelay $0x4  }
0x15: {  	vm0 =	vgt.s32 @!p0 v0, $0x0  }
0x16: {  	v0 =	vnsel @!p0 vm0, $0x0, v0  }
0x17: {  	v0 =	vmin.u32 @!p0 v0, $0x107F;
	_ =	sdelay $0x3  }
0x18: {  	s13 =	simm.s32 @!p0 $0x0;
	s12 =	sor.u32 @!p0 $0x20, s12;
	(ifvalue) =	ssetifvalue @!p0 $0x7FFFFFFF;
	vm0 =	vmmov @!p0 $0xffff  }
0x19: {  	[tilespmem:s12], [sflag:$0x1] =	stream.indirect_vreg.gather @!p0 [hbm4b:s3+s13], $0x1, v0, vm0, $0x4038;
	[tilespmem:$0x40] =	vst v63  }
0x1a: {  	s13 =	simm.s32 @!p0 $0x1  }
0x1b: {  	_ =	swait.ge @!p0 [sflag:s13], $0x10  }
0x1c: {  	s14 =	sshrl.u32 @!p0 s11, $0x3;
	[sflag:s13] =	ssyncset.done @!p0 $0x0  }
0x1d: {  	s11 =	sand.u32 @!p0 $0x7, s11;
	[sflag:s13] =	ssyncadd.s32 @!p0 $0xFFFFFFF0;
	s13 =	sadd.s32 @!p0 s6, s14  }
0x1e: {  	[hbm4b:s13+s11] =	stream.linear.scatter @!p0 [tilespmem:s12], [sflag:$0x3], $0x10, $0x38;
	[tilespmem:$0x40] =	vst v63  }
0x1f: {  	s13 =	sadd.s32 $0x200, s10  }
0x20: {  	p1 =	sgt.s32 s13, $0x61F  }
0x21: {  	s13 =	smov.u32 @p1 s2;
	p1 =	sne.s32 s9, s7  }
.Ltmp0:
0x22: {  	p0 =	slt.u32 s9, $0x2;
	(pc) =	sbr.rel @p1 .LBB2_1-.Ltmp0, $4  }
0x23: {  	s12 =	simm.s32 @!p0 $0x3  }
0x24: {  	_ =	swait.ge @!p0 [sflag:s12], $0x10  }
0x25: {  	s8 =	sadd.s32 $0x10, s8;
	s11 =	smov.u32 s10;
	[sflag:s12] =	ssyncset.done @!p0 $0x0  }
0x26: {  	s9 =	sadd.s32 $0x1, s9;
	s10 =	smov.u32 s13;
	[sflag:s12] =	ssyncadd.s32 @!p0 $0xFFFFFFF0  }
0x27: {  	_ =	sfence.sel $0x180000  }
0x28: {  	s2 =	simm.s32 $0x2;
	[bflag:$0x0] =	sbarrier.arrive $0xFFFF  }
0x29: {  	s30 =	simm.s32 $0x3;
	[sflag:s2] =	ssyncpa.u1 $0x1  }
0x2a: {  	s31 =	simm.s32 $0x1;
	[sflag:s30] =	ssyncpa.u1 $0x1  }
0x2b: {  	[sflag:s31] =	ssyncpa.u1 $0x1  }
0x2c: {  	p0 =	sne.s32 s0, $0x0;
	_ =	strace $0x9000006E  }
0x2d: {  	s0 =	sadd.s32 @!p0 $0x100000, s1;
	[bflag:$0x2] =	sbarrier.arrive $0xFFFF  }
0x2e: {  	[sflag:s0] =	ssyncadd.tile.s32 @!p0 $0x1;
	_ =	shalt  }
.Lfunc_end2:
_tile_overlayer_lowered:
.L_overlay_start_2:
0x2f: {  	(tag) =	ssettag $0x2  }
0x30: {  	s0 =	rddreg [dreg:$0x0];
	s2 =	stileid.u32  }
0x31: {  	s1 =	rddreg [dreg:$0x1];
	p0 =	sne.s32 s2, $0x0  }
0x32: {  	s3 =	rddreg [dreg:$0x2];
	[bflag:$0x3] =	sbarrier.arrive $0xFFFF;
	s2 =	simm.s32 @!p0 $0x1C01  }
0x33: {  	[timem:s3], [sflag:s2] =	dma.local @!p0 [hbm:s0], s1  }
0x34: {  	s0 =	simm.s32 @!p0 $0x1  }
0x35: {  	_ =	swait.ge @!p0 [sflag:s0], s1  }
0x36: {  	s1 =	ssub.s32 @!p0 $0x0, s1;
	[sflag:s0] =	ssyncset.done @!p0 $0x0  }
0x37: {  	[sflag:s0] =	ssyncadd.s32 @!p0 s1  }
0x38: {  	[bflag:$0x3] =	sbarrier.arrive $0xFFFF  }
0x39: {  	_ =	shalt  }

// kernel: gather_offload_async_start.12
scs
__scs_entry_jumppad:
0x0: {  	(pc) =	sbr.rel $0x88, $3  }
0x1: {  	(tag) =	ssettag $0x0;
	lr =	simm.s32 $0x1  }
0x2: {  	[smem:$0x3F8B] =	sst lr;
	_ =	strace $0xD0000000  }
0x3: {  	_ = 	snop  }
0x4: {  	_ = 	snop  }
0x5: {  	_ = 	snop  }
0x6: {  	_ = 	snop  }
0x7: {  	_ = 	snop  }
__scs_overlays_trampoline_lowered:
0x8: {  	[smem:$0x3F9A] =	sst s0  }
0x9: {  	[smem:$0x3F9B] =	sst s1  }
0xa: {  	[smem:$0x3F9C] =	sst s2  }
0xb: {  	[smem:$0x3F9D] =	sst s3  }
0xc: {  	[smem:$0x3F9E] =	sst s4  }
0xd: {  	[smem:$0x3F9F] =	sst s5  }
0xe: {  	[smem:$0x3FA0] =	sst s6  }
0xf: {  	[smem:$0x3FA1] =	sst s7  }
0x10: {  	[smem:$0x3FA2] =	sst s8  }
0x11: {  	[smem:$0x3FA3] =	sst s9;
	s0 =	simm.s32 @!p0 $0x0  }
0x12: {  	s1 =	sld [smem:$0x3F89];
	s0 =	simm.s32 @p0 $0x1  }
0x13: {  	[smem:$0x3FA4] =	sst s0;
	s0 =	simm.s32 @!p1 $0x0  }
0x14: {  	s2 =	sld [smem:$0x3F88];
	s0 =	simm.s32 @p1 $0x1  }
0x15: {  	[smem:$0x3FA5] =	sst s0;
	s0 =	simm.s32 @!p2 $0x0  }
0x16: {  	s3 =	sld [smem:$0x3FDB];
	s0 =	simm.s32 @p2 $0x1  }
0x17: {  	s4 =	simm.s32 $0x1BF5;
	[smem:$0x3FA7] =	sst s0  }
0x18: {  	s0 =	sld [smem:$0x3F8A];
	_ =	swait.ge [sflag:s4], $0x0  }
0x19: {  	s7 =	sld [smem:$0x3F8B]  }
0x1a: {  	s8 =	sadd.s32 $0xFFFFE003, lr  }
0x1b: {  	s9 =	sadd.s32 $0xFFFFFEF7, lr;
	s5 =	simm.s32 $0xFFFFFFFF;
	p2 =	slt.u32 s8, $0xFFFFF086  }
0x1c: {  	p1 =	slt.u32 s9, $0xF7A;
	s5 =	simm.s32 @!p2 $0x0  }
0x1d: {  	s5 =	simm.s32 @p1 $0x1;
	p0 =	seq.s32 s7, s2  }
0x1e: {  	s7 =	smul.u32 @!p0 $0xF7A, s2;
	p2 =	seq.s32 @!p0 s5, $0x0  }
0x1f: {  	s9 =	smul.u32 $0xF7A, s1;
	s8 =	simm.s32 @!p0 $0x1BF5;
	p2 =	por !p2, p0  }
0x20: {  	[sflag:s8] =	ssyncset.s32 @!p0 $0xFFFFF086;
	s6 =	sadd.s32 @!p0 s3, s7;
	s7 =	simm.s32 @!p0 $0x108  }
0x21: {  	s3 =	sadd.s32 s3, s9;
	s6 =	sadd.s32 @!p0 $0x88, s6;
	s7 =	simm.s32 @p2 $0x1082  }
0x22: {  	[simem:s7], [sflag:s8] =	dma.local @!p0 [hbm:s6], $0xF7A  }
0x23: {  	s9 =	sor.u32 $0xD0000000, s2;
	s6 =	simm.s32 $0x108;
	_ =	swait.ge @!p0 [sflag:s8], $0x0  }
0x24: {  	s3 =	sadd.s32 $0x88, s3;
	s6 =	simm.s32 @!p1 $0x1082;
	[sflag:s4] =	ssyncset.s32 $0xFFFFF086  }
0x25: {  	[simem:s6], [sflag:s4] =	dma.local [hbm:s3], $0xF7A  }
0x26: {  	[smem:$0x3F8B] =	sst s1;
	(tag) =	ssettag s2;
	_ =	strace s9  }
0x27: {  	s1 =	sld [smem:$0x3F9B]  }
0x28: {  	s2 =	sld [smem:$0x3F9C]  }
0x29: {  	s4 =	sld [smem:$0x3F9E]  }
0x2a: {  	p0 =	seq.s32 s5, $0x0;
	s5 =	sld [smem:$0x3F9F]  }
0x2b: {  	s6 =	sld [smem:$0x3FA0]  }
0x2c: {  	s7 =	sld [smem:$0x3FA1]  }
0x2d: {  	s3 =	simm.s32 $0x108;
	s8 =	sld [smem:$0x3FA2]  }
0x2e: {  	s3 =	simm.s32 @!p0 $0x1082;
	s9 =	sld [smem:$0x3FA3]  }
0x2f: {  	lr =	sadd.s32 s0, s3;
	s0 =	sld [smem:$0x3F9A]  }
0x30: {  	s3 =	sld [smem:$0x3F9D]  }
0x31: {  	[smem:$0x3FA6] =	sst s10  }
0x32: {  	s10 =	sld [smem:$0x3FA4];
	_ =	sdelay $0x3  }
0x33: {  	p0 =	seq.s32 s10, $0x1;
	s10 =	sld [smem:$0x3FA6];
	_ =	sdelay $0x3  }
0x34: {  	[smem:$0x3FA6] =	sst s10  }
0x35: {  	s10 =	sld [smem:$0x3FA5];
	_ =	sdelay $0x3  }
0x36: {  	p1 =	seq.s32 s10, $0x1;
	s10 =	sld [smem:$0x3FA6];
	_ =	sdelay $0x3  }
0x37: {  	[smem:$0x3FA6] =	sst s10  }
0x38: {  	s10 =	sld [smem:$0x3FA7]  }
0x39: {  	_ = 	snop;
	(pc) =	sbr.ind lr, $3  }
0x3a: {  	_ = 	snop  }
0x3b: {  	_ = 	snop  }
0x3c: {  	p2 =	seq.s32 s10, $0x1;
	s10 =	sld [smem:$0x3FA6]  }
0x3d: {  	_ =	shalt  }
0x3e: {  	_ =	shalt  }
0x3f: {  	_ =	shalt  }
0x40: {  	_ =	shalt  }
0x41: {  	_ =	shalt  }
0x42: {  	_ =	shalt  }
0x43: {  	_ =	shalt  }
0x44: {  	_ =	shalt  }
0x45: {  	_ =	shalt  }
0x46: {  	_ =	shalt  }
0x47: {  	_ =	shalt  }
0x48: {  	_ =	shalt  }
0x49: {  	_ =	shalt  }
0x4a: {  	_ =	shalt  }
0x4b: {  	_ =	shalt  }
0x4c: {  	_ =	shalt  }
0x4d: {  	_ =	shalt  }
0x4e: {  	_ =	shalt  }
0x4f: {  	_ =	shalt  }
0x50: {  	_ =	shalt  }
0x51: {  	_ =	shalt  }
0x52: {  	_ =	shalt  }
0x53: {  	_ =	shalt  }
0x54: {  	_ =	shalt  }
0x55: {  	_ =	shalt  }
0x56: {  	_ =	shalt  }
0x57: {  	_ =	shalt  }
0x58: {  	_ =	shalt  }
0x59: {  	_ =	shalt  }
0x5a: {  	_ =	shalt  }
0x5b: {  	_ =	shalt  }
0x5c: {  	_ =	shalt  }
0x5d: {  	_ =	shalt  }
0x5e: {  	_ =	shalt  }
0x5f: {  	_ =	shalt  }
0x60: {  	_ =	shalt  }
0x61: {  	_ =	shalt  }
0x62: {  	_ =	shalt  }
0x63: {  	_ =	shalt  }
0x64: {  	_ =	shalt  }
0x65: {  	_ =	shalt  }
0x66: {  	_ =	shalt  }
0x67: {  	_ =	shalt  }
0x68: {  	_ =	shalt  }
0x69: {  	_ =	shalt  }
0x6a: {  	_ =	shalt  }
0x6b: {  	_ =	shalt  }
0x6c: {  	_ =	shalt  }
0x6d: {  	_ =	shalt  }
0x6e: {  	_ =	shalt  }
0x6f: {  	_ =	shalt  }
0x70: {  	_ =	shalt  }
0x71: {  	_ =	shalt  }
0x72: {  	_ =	shalt  }
0x73: {  	_ =	shalt  }
0x74: {  	_ =	shalt  }
0x75: {  	_ =	shalt  }
0x76: {  	_ =	shalt  }
0x77: {  	_ =	shalt  }
0x78: {  	_ =	shalt  }
0x79: {  	_ =	shalt  }
0x7a: {  	_ =	shalt  }
0x7b: {  	_ =	shalt  }
0x7c: {  	_ =	shalt  }
0x7d: {  	_ =	shalt  }
0x7e: {  	_ =	shalt  }
0x7f: {  	_ =	shalt  }
0x80: {  	_ =	shalt  }
0x81: {  	_ =	shalt  }
0x82: {  	_ =	shalt  }
0x83: {  	_ =	shalt  }
0x84: {  	_ =	shalt  }
0x85: {  	_ =	shalt  }
0x86: {  	_ =	shalt  }
0x87: {  	_ =	shalt  }
.Lfunc_end0:
.L_simem_size_0:
called_computation.12_lowered:
.L_overlay_start_0:
0x88: {  	s2 =	sld [smem:$0x3FD9]  }
0x89: {  	s3 =	sld [smem:$0x3FFE];
	_ =	sdelay $0x1  }
0x8a: {  	s1 =	srdreg.scid  }
0x8b: {  	s0 =	sand.u32 $0x1, s1  }
0x8c: {  	s17 =	sshll.u32 s0, $0xA;
	s2 =	sadd.s32 s3, s2  }
0x8d: {  	s2 =	sadd.s32 s2, s17  }
0x8e: {  	[smem:$0x3FB2] =	sst s2  }
0x8f: {  	_ = 	snop  }
0x90: {  	(tm) =	ssettm $0x1  }
0x91: {  	s18 =	sld [smem:$0x3FFB];
	_ =	sdelay $0x3  }
0x92: {  	_ =	strace s18  }
0x93: {  	s2 =	sld [smem:$0x3FFC];
	_ =	sdelay $0x3  }
0x94: {  	_ =	strace s2  }
0x95: {  	s2 =	sld [smem:$0x3FFD];
	_ =	sdelay $0x3  }
0x96: {  	_ =	strace s2  }
0x97: {  	_ =	strace $0x8FFFFFFF  }
0x98: {  	s19 =	sld [smem:$0x3FDB];
	_ =	sdelay $0x1  }
0x99: {  	s20 =	simm.s32 $_scs_section_size  }
0x9a: {  	s4 =	simm.s32 $_size__tile_overlayer_lowered;
	s5 =	simm.s32 $_tile_overlayer_lowered  }
0x9b: {  	s6 =	simm.s32 $0x1BFF;
	s21 =	sshll.u32 s5, $0x1;
	s3 =	sadd.s32 s20, s19  }
0x9c: {  	s22 =	simm.s32 $0x0;
	s4 =	sshll.u32 s4, $0x1;
	s5 =	sadd.s32 s21, s3  }
0x9d: {  	[timem:s22], [sflag:s6] =	dma.local [hbm:s5], s4  }
0x9e: {  	_ =	swait.ge [sflag:s6], s4  }
0x9f: {  	s4 =	ssub.s32 $0x0, s4;
	[sflag:s6] =	ssyncset.done $0x0  }
0xa0: {  	[sflag:s6] =	ssyncadd.s32 s4;
	_ =	sdelay $0x1  }
0xa1: {  	s23 =	simm.s32 $0x1B8B  }
0xa2: {  	_ =	swait.ge [sflag:s23], $0x1  }
0xa3: {  	[sflag:s23] =	ssyncset.done $0x0  }
0xa4: {  	[sflag:s23] =	ssyncadd.s32 $0xFFFFFFFF  }
0xa5: {  	s4 =	sld [smem:$0x0]  }
0xa6: {  	s5 =	sand.u32 $0xFFFFFFFE, s1  }
0xa7: {  	p0 =	sne.s32 s1, s5  }
0xa8: {  	s5 =	sshll.u32 @p0 s5, $0xE  }
0xa9: {  	s5 =	sadd.s32 @p0 $0x11B8D, s5;
	s6 =	sshll.u32 @p0 s4, $0x11  }
0xaa: {  	s5 =	sor.u32 @p0 s6, s5  }
0xab: {  	[sflag:s5] =	ssyncadd.remote.s32 @p0 $0x1;
	_ =	sdelay $0x1  }
0xac: {  	s5 =	simm.s32 @p0 $0x1B8D  }
0xad: {  	_ =	swait.eq @p0 [sflag:s5], $0x1  }
0xae: {  	[sflag:s5] =	ssyncadd.s32 @p0 $0xFFFFFFFF  }
0xaf: {  	s6 =	sshll.u32 @!p0 s1, $0xE  }
0xb0: {  	s6 =	sor.u32 @!p0 $0x4000, s6;
	s5 =	simm.s32 @!p0 $0x1B8D  }
0xb1: {  	s4 =	sshll.u32 @!p0 s4, $0x11;
	s6 =	sadd.s32 @!p0 $0x11B8D, s6;
	_ =	swait.eq @!p0 [sflag:s5], $0x1  }
0xb2: {  	s4 =	sor.u32 @!p0 s4, s6;
	[sflag:s5] =	ssyncadd.s32 @!p0 $0xFFFFFFFF  }
0xb3: {  	s25 =	simm.s32 $0x1B8E;
	s24 =	sld [smem:$0x3FFE];
	[sflag:s4] =	ssyncadd.remote.s32 @!p0 $0x1  }
0xb4: {  	s26 =	simm.s32 $execute0_lowered;
	[smem:$0x3FD2] =	sst s25  }
0xb5: {  	s5 =	sshll.u32 s26, $0x1;
	_ =	strace $0x80000070;
	[dreg:$0x1] =	wrdreg $0xFFFFFFFF  }
0xb6: {  	s28 =	simm.s32 $_size_execute0_lowered;
	s3 =	sadd.s32 s3, s5;
	[dreg:$0x0] =	wrdreg $0x0  }
0xb7: {  	s5 =	sshll.u32 s28, $0x1;
	[dreg:$0x2] =	wrdreg s3  }
0xb8: {  	[dreg:$0x3] =	wrdreg s5  }
0xb9: {  	[dreg:$0x4] =	wrdreg $0xC0  }
0xba: {  	_ =	task [dreg:s22], $0x5FFFF  }
0xbb: {  	[dreg:$0x1] =	wrdreg $0xFFFFFFFF  }
0xbc: {  	[dreg:$0x0] =	wrdreg $0x60  }
0xbd: {  	[dreg:$0x2] =	wrdreg s24  }
0xbe: {  	[dreg:$0x3] =	wrdreg $0xB  }
0xbf: {  	_ =	task.clear_ibuf [dreg:s22], $0x4FFFF;
	_ =	strace $0x90000070  }
0xc0: {  	s29 =	simm.s32 $0xB;
	_ =	strace $0x80000072  }
0xc1: {  	_ =	swait.ge [sflag:s29], $0x1  }
0xc2: {  	[sflag:s29] =	ssyncadd.s32 $0xFFFFFFFF  }
0xc3: {  	_ =	strace $0x90000072  }
0xc4: {  	_ =	sfence  }
0xc5: {  	s30 =	sld [smem:$0x0];
	_ =	sdelay $0x2  }
0xc6: {  	s31 =	sshll.u32 s1, $0xD;
	s1 =	sshrl.u32 s1, $0x2  }
0xc7: {  	s4 =	sand.u32 $0x4000, s31;
	s1 =	sadd.s32 s1, s30  }
0xc8: {  	s0 =	sor.u32 s4, s0;
	s1 =	sshll.u32 s1, $0x11  }
0xc9: {  	s0 =	sor.u32 s1, s0  }
0xca: {  	s0 =	sadd.s32 $0x8F2B, s0  }
0xcb: {  	[sflag:s0] =	ssyncadd.remote.s32 $0x1  }
0xcc: {  	_ =	sfence.sel $0xFFFF  }
0xcd: {  	[dreg:$0x0] =	wrdreg $0xFFFFFFFF;
	(pc) =	sbr.abs _section_cstart, $3  }
0xce: {  	[dreg:$0x1] =	wrdreg $0xFFFFFFFF  }
0xcf: {  	_ =	task.clear_ibuf [dreg:s22], $0x2FFFF;
	_ =	strace $0x9FFFFFFF  }
0xd0: {  	(tm) =	ssettm $0x7FFFFFFF  }
0xd1: {  	_ =	shalt  }
tec
execute0_lowered:
.L_overlay_start_1:
0x0: {  	(tag) =	ssettag $0x1  }
0x1: {  	s0 =	srdreg.scid  }
0x2: {  	s1 =	sshll.u32 s0, $0x4  }
0x3: {  	s0 =	stileid.u32;
	s1 =	sand.u32 $0x10, s1  }
0x4: {  	s1 =	sor.u32 s0, s1  }
0x5: {  	s2 =	smul.u32 $0x3, s1  }
0x6: {  	s9 =	rddreg [dreg:$0x0];
	s6 =	simm.s32 $0x1;
	s3 =	smin.u32 s1, $0x2  }
0x7: {  	p0 =	slt.u32 s1, $0x2;
	s1 =	simm.s32 $0x40;
	s2 =	sadd.s32 s3, s2  }
0x8: {  	s7 =	simm.s32 $0x2;
	s1 =	simm.s32 @!p0 $0x30;
	s2 =	sshll.u32 s2, $0x4  }
0x9: {  	s10 =	simm.s32 $0x3;
	s13 =	simm.s32 $0x0;
	s31 =	sadd.s32 s1, s2  }
0xa: {  	s12 =	simm.s32 $0x0;
	s4 =	sadd.s32 $0xA1400, s9;
	s3 =	smin.u32 s31, $0x620  }
.Ltmp0:
0xb: {  	s5 =	sadd.s32 $0x2A800, s9;
	s8 =	ssub.s32 s3, s2;
	(pc) =	sbr.rel .LBB2_1-.Ltmp0, $4  }
0xc: {  	s1 =	rddreg [dreg:$0x1];
	_ =	strace $0x80000071;
	p0 =	sgt.s32 s8, $0x0  }
0xd: {  	s9 =	sadd.s32 $0x3A400, s9;
	[sflag:s6] =	ssyncpa.u1 $0x0;
	s8 =	simm.s32 @!p0 $0x0  }
0xe: {  	s11 =	smov.u32 s2;
	[sflag:s7] =	ssyncpa.u1 $0x0;
	s8 =	sshrl.u32 s8, $0x4  }
0xf: {  	vm0 =	vmmov $0xff;
	vm1 =	vcmask $0x3F20;
	[sflag:s10] =	ssyncpa.u1 $0x0;
	p0 =	por $0x0, $0x0;
	s10 =	sadd.s32 $0x1, s8  }
.LBB2_4:
0x10: {  	_ =	sdelay $0x3  }
0x11: {  	[tilespmem:s18], [sflag:$0x1] =	stream.indirect_vreg.gather [hbm:s4], $0x80, v0, vm1, $0x38;
	[tilespmem:$0x6020] =	vst v63  }
0x12: {  	s16 =	sshrl.u32 s13, $0x3;
	s31 =	sshll.u32 s13, $0x4  }
0x13: {  	_ =	swait.ge [sflag:s6], $0x3000;
	s13 =	sand.u32 $0x70, s31;
	s16 =	smul.u32 $0x300, s16  }
0x14: {  	[sflag:s6] =	ssyncset.done $0x0;
	s13 =	sadd.s32 s9, s13  }
0x15: {  	[sflag:s6] =	ssyncadd.s32 $0xFFFFD000;
	s13 =	sadd.s32 s16, s13  }
0x16: {  	[hbm:s13] =	stream.linear.scatter [tilespmem:s15], [sflag:$0x3], $0x1800, $0x38;
	[tilespmem:$0x6020] =	vst v63  }
0x17: {  	s14 =	sadd.s32 $0x1820, s14;
	s13 =	sadd.s32 $0x300, s13  }
0x18: {  	[hbm:s13] =	stream.linear.scatter [tilespmem:s14], [sflag:$0x3], $0x1800, $0x38;
	[tilespmem:$0x6020] =	vst v63  }
.LBB2_5:
0x19: {  	s13 =	sadd.s32 $0x10, s11  }
0x1a: {  	s15 =	smov.u32 s2;
	p2 =	slt.s32 s13, s3  }
0x1b: {  	s15 =	smov.u32 @p2 s13;
	p2 =	sne.s32 s12, s10  }
.Ltmp1:
0x1c: {  	p1 =	slt.u32 s12, $0x2;
	(pc) =	sbr.rel @!p2 .LBB2_6-.Ltmp1, $4  }
0x1d: {  	s14 =	simm.s32 @!p1 $0x3  }
0x1e: {  	s16 =	sadd.s32 $0x1, s12;
	_ =	swait.ge @!p1 [sflag:s14], $0x3000  }
0x1f: {  	p0 =	por !p0, !p0;
	s13 =	smov.u32 s11;
	[sflag:s14] =	ssyncset.done @!p1 $0x0  }
0x20: {  	s12 =	smov.u32 s16;
	s11 =	smov.u32 s15;
	[sflag:s14] =	ssyncadd.s32 @!p1 $0xFFFFD000  }
.LBB2_1:
0x21: {  	p1 =	sge.u32 s12, s8  }
0x22: {  	s14 =	sxor.u32 @!p1 $0xFFFFFFFF, s12  }
0x23: {  	s31 =	sadd.s32 $0xFFFFFFFF, s12;
	s15 =	sshrl.u32 @!p1 s11, $0x3;
	s14 =	sshll.u32 @!p1 s14, $0x4  }
0x24: {  	s16 =	sand.u32 @!p1 $0x7, s11;
	s15 =	sadd.s32 @!p1 s5, s15;
	s14 =	sand.u32 @!p1 $0x10, s14  }
0x25: {  	[tilespmem:s14], [sflag:$0x2] =	stream.linear.gather @!p1 [hbm4b:s15+s16], $0x10, $0x38;
	[tilespmem:$0x6020] =	vst v63  }
0x26: {  	p1 =	sge.u32 s31, s8  }
.Ltmp2:
0x27: {  	_ = 	snop;
	(pc) =	sbr.rel @p1 .LBB2_5-.Ltmp2, $1  }
0x28: {  	_ =	sdelay $0x3  }
0x29: {  	_ =	swait.ge [sflag:s7], $0x10  }
0x2a: {  	s14 =	sand.u32 $0x1, s12;
	[sflag:s7] =	ssyncset.done $0x0  }
0x2b: {  	s15 =	sshll.u32 s14, $0x4;
	[sflag:s7] =	ssyncadd.s32 $0xFFFFFFF0  }
0x2c: {  	v0 =	vld.msk [tilespmem:s15+$0x0 ss:$0x1], $0xffff;
	_ =	sdelay $0x4  }
0x2d: {  	vm2 =	vgt.s32 v0, $0x0  }
0x2e: {  	v0 =	vnsel vm2, $0x0, v0  }
0x2f: {  	v0 =	vmin.u32 v0, $0x107F  }
0x30: {  	v1 =	vshrl.u32 v0, $0x3  }
0x31: {  	v0 =	vshll.u32 v0, $0x7;
	v1 =	vmul.u32 $0x1800, v1  }
0x32: {  	s15 =	simm.s32 $0x1;
	v0 =	vand.u32 $0x380, v0  }
0x33: {  	s15 =	simm.s32 @!p0 $0x0;
	v0 =	vor.u32 v0, v1  }
0x34: {  	s15 =	smul.u32 $0xC000, s15;
	v0 =	vshrl.u32 v0, $0x3;
	_ =	sdelay $0x1  }
0x35: {  	s14 =	smul.u32 $0xC000, s14;
	s15 =	sshrl.u32 s15, $0x2  }
0x36: {  	s16 =	sor.u32 $0x20, s15  }
0x37: {  	s14 =	sshrl.u32 s14, $0x2;
	s18 =	sadd.s32 $0x0, s16  }
0x38: {  	[tilespmem:s18], [sflag:$0x1] =	stream.indirect_vreg.gather [hbm:s4], $0x80, v0, vm0, $0x38;
	[tilespmem:$0x6020] =	vst v63  }
0x39: {  	s17 =	simm.s32 $0x1000;
	s15 =	sor.u32 $0x20, s14;
	v1 =	vadd.s32 $0x80, v0;
	s18 =	sadd.s32 $0x1800, s18  }
.LBB2_3:
0x3a: {  	[tilespmem:s18], [sflag:$0x1] =	stream.indirect_vreg.gather [hbm:s4], $0x80, v0, vm1, $0x38;
	[tilespmem:$0x6020] =	vst v63  }
0x3b: {  	v0 =	vmov v1;
	s18 =	smov.u32 s17;
	p1 =	sne.s32 s17, $0x5000  }
.Ltmp3:
0x3c: {  	s17 =	sadd.s32 $0x1000, s17;
	(pc) =	sbr.rel @p1 .LBB2_3-.Ltmp3, $4  }
0x3d: {  	s18 =	sshra.s32 s18, $0x2  }
0x3e: {  	s18 =	sadd.s32 s18, s16  }
0x3f: {  	[tilespmem:s18], [sflag:$0x1] =	stream.indirect_vreg.gather [hbm:s4], $0x80, v1, vm0, $0x38;
	[tilespmem:$0x6020] =	vst v63  }
0x40: {  	s18 =	sadd.s32 $0x1800, s18;
	v1 =	vadd.s32 $0x80, v1  }
.Ltmp4:
0x41: {  	_ = 	snop;
	(pc) =	sbr.rel .LBB2_4-.Ltmp4, $1  }
0x42: {  	_ =	sdelay $0x3  }
.LBB2_6:
0x43: {  	_ =	sfence.sel $0x180000  }
0x44: {  	s2 =	simm.s32 $0x2;
	[bflag:$0x0] =	sbarrier.arrive $0xFFFF  }
0x45: {  	s30 =	simm.s32 $0x3;
	[sflag:s2] =	ssyncpa.u1 $0x1  }
0x46: {  	s31 =	simm.s32 $0x1;
	[sflag:s30] =	ssyncpa.u1 $0x1  }
0x47: {  	[sflag:s31] =	ssyncpa.u1 $0x1  }
0x48: {  	p0 =	sne.s32 s0, $0x0;
	_ =	strace $0x90000071  }
0x49: {  	s0 =	sadd.s32 @!p0 $0x100000, s1;
	[bflag:$0x2] =	sbarrier.arrive $0xFFFF  }
0x4a: {  	[sflag:s0] =	ssyncadd.tile.s32 @!p0 $0x1;
	_ =	shalt  }
.Lfunc_end2:
_tile_overlayer_lowered:
.L_overlay_start_2:
0x4b: {  	(tag) =	ssettag $0x2  }
0x4c: {  	s0 =	rddreg [dreg:$0x0];
	s2 =	stileid.u32  }
0x4d: {  	s1 =	rddreg [dreg:$0x1];
	p0 =	sne.s32 s2, $0x0  }
0x4e: {  	s3 =	rddreg [dreg:$0x2];
	[bflag:$0x3] =	sbarrier.arrive $0xFFFF;
	s2 =	simm.s32 @!p0 $0x1C01  }
0x4f: {  	[timem:s3], [sflag:s2] =	dma.local @!p0 [hbm:s0], s1  }
0x50: {  	s0 =	simm.s32 @!p0 $0x1  }
0x51: {  	_ =	swait.ge @!p0 [sflag:s0], s1  }
0x52: {  	s1 =	ssub.s32 @!p0 $0x0, s1;
	[sflag:s0] =	ssyncset.done @!p0 $0x0  }
0x53: {  	[sflag:s0] =	ssyncadd.s32 @!p0 s1  }
0x54: {  	[bflag:$0x3] =	sbarrier.arrive $0xFFFF  }
0x55: {  	_ =	shalt  }

// kernel: gather_offload_async_start.13
scs
__scs_entry_jumppad:
0x0: {  	(pc) =	sbr.rel $0x88, $3  }
0x1: {  	(tag) =	ssettag $0x0;
	lr =	simm.s32 $0x1  }
0x2: {  	[smem:$0x3F8B] =	sst lr;
	_ =	strace $0xD0000000  }
0x3: {  	_ = 	snop  }
0x4: {  	_ = 	snop  }
0x5: {  	_ = 	snop  }
0x6: {  	_ = 	snop  }
0x7: {  	_ = 	snop  }
__scs_overlays_trampoline_lowered:
0x8: {  	[smem:$0x3F9A] =	sst s0  }
0x9: {  	[smem:$0x3F9B] =	sst s1  }
0xa: {  	[smem:$0x3F9C] =	sst s2  }
0xb: {  	[smem:$0x3F9D] =	sst s3  }
0xc: {  	[smem:$0x3F9E] =	sst s4  }
0xd: {  	[smem:$0x3F9F] =	sst s5  }
0xe: {  	[smem:$0x3FA0] =	sst s6  }
0xf: {  	[smem:$0x3FA1] =	sst s7  }
0x10: {  	[smem:$0x3FA2] =	sst s8  }
0x11: {  	[smem:$0x3FA3] =	sst s9;
	s0 =	simm.s32 @!p0 $0x0  }
0x12: {  	s1 =	sld [smem:$0x3F89];
	s0 =	simm.s32 @p0 $0x1  }
0x13: {  	[smem:$0x3FA4] =	sst s0;
	s0 =	simm.s32 @!p1 $0x0  }
0x14: {  	s2 =	sld [smem:$0x3F88];
	s0 =	simm.s32 @p1 $0x1  }
0x15: {  	[smem:$0x3FA5] =	sst s0;
	s0 =	simm.s32 @!p2 $0x0  }
0x16: {  	s3 =	sld [smem:$0x3FDB];
	s0 =	simm.s32 @p2 $0x1  }
0x17: {  	s4 =	simm.s32 $0x1BF5;
	[smem:$0x3FA7] =	sst s0  }
0x18: {  	s0 =	sld [smem:$0x3F8A];
	_ =	swait.ge [sflag:s4], $0x0  }
0x19: {  	s7 =	sld [smem:$0x3F8B]  }
0x1a: {  	s8 =	sadd.s32 $0xFFFFE003, lr  }
0x1b: {  	s9 =	sadd.s32 $0xFFFFFEF7, lr;
	s5 =	simm.s32 $0xFFFFFFFF;
	p2 =	slt.u32 s8, $0xFFFFF086  }
0x1c: {  	p1 =	slt.u32 s9, $0xF7A;
	s5 =	simm.s32 @!p2 $0x0  }
0x1d: {  	s5 =	simm.s32 @p1 $0x1;
	p0 =	seq.s32 s7, s2  }
0x1e: {  	s7 =	smul.u32 @!p0 $0xF7A, s2;
	p2 =	seq.s32 @!p0 s5, $0x0  }
0x1f: {  	s9 =	smul.u32 $0xF7A, s1;
	s8 =	simm.s32 @!p0 $0x1BF5;
	p2 =	por !p2, p0  }
0x20: {  	[sflag:s8] =	ssyncset.s32 @!p0 $0xFFFFF086;
	s6 =	sadd.s32 @!p0 s3, s7;
	s7 =	simm.s32 @!p0 $0x108  }
0x21: {  	s3 =	sadd.s32 s3, s9;
	s6 =	sadd.s32 @!p0 $0x88, s6;
	s7 =	simm.s32 @p2 $0x1082  }
0x22: {  	[simem:s7], [sflag:s8] =	dma.local @!p0 [hbm:s6], $0xF7A  }
0x23: {  	s9 =	sor.u32 $0xD0000000, s2;
	s6 =	simm.s32 $0x108;
	_ =	swait.ge @!p0 [sflag:s8], $0x0  }
0x24: {  	s3 =	sadd.s32 $0x88, s3;
	s6 =	simm.s32 @!p1 $0x1082;
	[sflag:s4] =	ssyncset.s32 $0xFFFFF086  }
0x25: {  	[simem:s6], [sflag:s4] =	dma.local [hbm:s3], $0xF7A  }
0x26: {  	[smem:$0x3F8B] =	sst s1;
	(tag) =	ssettag s2;
	_ =	strace s9  }
0x27: {  	s1 =	sld [smem:$0x3F9B]  }
0x28: {  	s2 =	sld [smem:$0x3F9C]  }
0x29: {  	s4 =	sld [smem:$0x3F9E]  }
0x2a: {  	p0 =	seq.s32 s5, $0x0;
	s5 =	sld [smem:$0x3F9F]  }
0x2b: {  	s6 =	sld [smem:$0x3FA0]  }
0x2c: {  	s7 =	sld [smem:$0x3FA1]  }
0x2d: {  	s3 =	simm.s32 $0x108;
	s8 =	sld [smem:$0x3FA2]  }
0x2e: {  	s3 =	simm.s32 @!p0 $0x1082;
	s9 =	sld [smem:$0x3FA3]  }
0x2f: {  	lr =	sadd.s32 s0, s3;
	s0 =	sld [smem:$0x3F9A]  }
0x30: {  	s3 =	sld [smem:$0x3F9D]  }
0x31: {  	[smem:$0x3FA6] =	sst s10  }
0x32: {  	s10 =	sld [smem:$0x3FA4];
	_ =	sdelay $0x3  }
0x33: {  	p0 =	seq.s32 s10, $0x1;
	s10 =	sld [smem:$0x3FA6];
	_ =	sdelay $0x3  }
0x34: {  	[smem:$0x3FA6] =	sst s10  }
0x35: {  	s10 =	sld [smem:$0x3FA5];
	_ =	sdelay $0x3  }
0x36: {  	p1 =	seq.s32 s10, $0x1;
	s10 =	sld [smem:$0x3FA6];
	_ =	sdelay $0x3  }
0x37: {  	[smem:$0x3FA6] =	sst s10  }
0x38: {  	s10 =	sld [smem:$0x3FA7]  }
0x39: {  	_ = 	snop;
	(pc) =	sbr.ind lr, $3  }
0x3a: {  	_ = 	snop  }
0x3b: {  	_ = 	snop  }
0x3c: {  	p2 =	seq.s32 s10, $0x1;
	s10 =	sld [smem:$0x3FA6]  }
0x3d: {  	_ =	shalt  }
0x3e: {  	_ =	shalt  }
0x3f: {  	_ =	shalt  }
0x40: {  	_ =	shalt  }
0x41: {  	_ =	shalt  }
0x42: {  	_ =	shalt  }
0x43: {  	_ =	shalt  }
0x44: {  	_ =	shalt  }
0x45: {  	_ =	shalt  }
0x46: {  	_ =	shalt  }
0x47: {  	_ =	shalt  }
0x48: {  	_ =	shalt  }
0x49: {  	_ =	shalt  }
0x4a: {  	_ =	shalt  }
0x4b: {  	_ =	shalt  }
0x4c: {  	_ =	shalt  }
0x4d: {  	_ =	shalt  }
0x4e: {  	_ =	shalt  }
0x4f: {  	_ =	shalt  }
0x50: {  	_ =	shalt  }
0x51: {  	_ =	shalt  }
0x52: {  	_ =	shalt  }
0x53: {  	_ =	shalt  }
0x54: {  	_ =	shalt  }
0x55: {  	_ =	shalt  }
0x56: {  	_ =	shalt  }
0x57: {  	_ =	shalt  }
0x58: {  	_ =	shalt  }
0x59: {  	_ =	shalt  }
0x5a: {  	_ =	shalt  }
0x5b: {  	_ =	shalt  }
0x5c: {  	_ =	shalt  }
0x5d: {  	_ =	shalt  }
0x5e: {  	_ =	shalt  }
0x5f: {  	_ =	shalt  }
0x60: {  	_ =	shalt  }
0x61: {  	_ =	shalt  }
0x62: {  	_ =	shalt  }
0x63: {  	_ =	shalt  }
0x64: {  	_ =	shalt  }
0x65: {  	_ =	shalt  }
0x66: {  	_ =	shalt  }
0x67: {  	_ =	shalt  }
0x68: {  	_ =	shalt  }
0x69: {  	_ =	shalt  }
0x6a: {  	_ =	shalt  }
0x6b: {  	_ =	shalt  }
0x6c: {  	_ =	shalt  }
0x6d: {  	_ =	shalt  }
0x6e: {  	_ =	shalt  }
0x6f: {  	_ =	shalt  }
0x70: {  	_ =	shalt  }
0x71: {  	_ =	shalt  }
0x72: {  	_ =	shalt  }
0x73: {  	_ =	shalt  }
0x74: {  	_ =	shalt  }
0x75: {  	_ =	shalt  }
0x76: {  	_ =	shalt  }
0x77: {  	_ =	shalt  }
0x78: {  	_ =	shalt  }
0x79: {  	_ =	shalt  }
0x7a: {  	_ =	shalt  }
0x7b: {  	_ =	shalt  }
0x7c: {  	_ =	shalt  }
0x7d: {  	_ =	shalt  }
0x7e: {  	_ =	shalt  }
0x7f: {  	_ =	shalt  }
0x80: {  	_ =	shalt  }
0x81: {  	_ =	shalt  }
0x82: {  	_ =	shalt  }
0x83: {  	_ =	shalt  }
0x84: {  	_ =	shalt  }
0x85: {  	_ =	shalt  }
0x86: {  	_ =	shalt  }
0x87: {  	_ =	shalt  }
.Lfunc_end0:
.L_simem_size_0:
called_computation.13_lowered:
.L_overlay_start_0:
0x88: {  	s2 =	sld [smem:$0x3FD9]  }
0x89: {  	s3 =	sld [smem:$0x3FFE];
	_ =	sdelay $0x1  }
0x8a: {  	s1 =	srdreg.scid  }
0x8b: {  	s0 =	sand.u32 $0x1, s1  }
0x8c: {  	s16 =	sshll.u32 s0, $0xA;
	s2 =	sadd.s32 s3, s2  }
0x8d: {  	s2 =	sadd.s32 s2, s16  }
0x8e: {  	[smem:$0x3FB2] =	sst s2  }
0x8f: {  	_ = 	snop  }
0x90: {  	(tm) =	ssettm $0x1  }
0x91: {  	s17 =	sld [smem:$0x3FFB];
	_ =	sdelay $0x3  }
0x92: {  	_ =	strace s17  }
0x93: {  	s2 =	sld [smem:$0x3FFC];
	_ =	sdelay $0x3  }
0x94: {  	_ =	strace s2  }
0x95: {  	s2 =	sld [smem:$0x3FFD];
	_ =	sdelay $0x3  }
0x96: {  	_ =	strace s2  }
0x97: {  	_ =	strace $0x8FFFFFFF  }
0x98: {  	s18 =	sld [smem:$0x3FDB];
	_ =	sdelay $0x1  }
0x99: {  	s19 =	simm.s32 $_scs_section_size  }
0x9a: {  	s4 =	simm.s32 $_size__tile_overlayer_lowered;
	s5 =	simm.s32 $_tile_overlayer_lowered  }
0x9b: {  	s22 =	simm.s32 $0x1BFF;
	s21 =	sshll.u32 s5, $0x1;
	s2 =	sadd.s32 s19, s18  }
0x9c: {  	s6 =	simm.s32 $0x0;
	s20 =	sshll.u32 s4, $0x1;
	s4 =	sadd.s32 s21, s2  }
0x9d: {  	[timem:s6], [sflag:s22] =	dma.local [hbm:s4], s20  }
0x9e: {  	_ =	swait.ge [sflag:s22], s20  }
0x9f: {  	s3 =	ssub.s32 $0x0, s20;
	[sflag:s22] =	ssyncset.done $0x0  }
0xa0: {  	[sflag:s22] =	ssyncadd.s32 s3;
	_ =	sdelay $0x1  }
0xa1: {  	s23 =	simm.s32 $0x1B8B  }
0xa2: {  	_ =	swait.ge [sflag:s23], $0x1  }
0xa3: {  	[sflag:s23] =	ssyncset.done $0x0  }
0xa4: {  	s25 =	simm.s32 $0x1B8E;
	s24 =	sld [smem:$0x3FFE];
	[sflag:s23] =	ssyncadd.s32 $0xFFFFFFFF  }
0xa5: {  	s26 =	simm.s32 $execute0_lowered;
	[smem:$0x3FD2] =	sst s25  }
0xa6: {  	s4 =	sshll.u32 s26, $0x1;
	_ =	strace $0x8000006A;
	[dreg:$0x1] =	wrdreg $0xFFFFFFFF  }
0xa7: {  	s28 =	simm.s32 $_size_execute0_lowered;
	s2 =	sadd.s32 s2, s4;
	[dreg:$0x0] =	wrdreg $0x0  }
0xa8: {  	s4 =	sshll.u32 s28, $0x1;
	[dreg:$0x2] =	wrdreg s2  }
0xa9: {  	[dreg:$0x3] =	wrdreg s4  }
0xaa: {  	[dreg:$0x4] =	wrdreg $0xC0  }
0xab: {  	_ =	task [dreg:s6], $0x5FFFF  }
0xac: {  	[dreg:$0x1] =	wrdreg $0xFFFFFFFF  }
0xad: {  	[dreg:$0x0] =	wrdreg $0x60  }
0xae: {  	[dreg:$0x2] =	wrdreg s24  }
0xaf: {  	[dreg:$0x3] =	wrdreg $0xC  }
0xb0: {  	_ =	task.clear_ibuf [dreg:s6], $0x4FFFF;
	_ =	strace $0x9000006A  }
0xb1: {  	s29 =	simm.s32 $0xC;
	_ =	strace $0x8000006C  }
0xb2: {  	_ =	swait.ge [sflag:s29], $0x1  }
0xb3: {  	[sflag:s29] =	ssyncadd.s32 $0xFFFFFFFF  }
0xb4: {  	_ =	strace $0x9000006C  }
0xb5: {  	_ =	sfence  }
0xb6: {  	s30 =	sld [smem:$0x0];
	_ =	sdelay $0x2  }
0xb7: {  	s31 =	sshll.u32 s1, $0xD;
	s1 =	sshrl.u32 s1, $0x2  }
0xb8: {  	s3 =	sand.u32 $0x4000, s31;
	s1 =	sadd.s32 s1, s30  }
0xb9: {  	s0 =	sor.u32 s3, s0;
	s1 =	sshll.u32 s1, $0x11  }
0xba: {  	s0 =	sor.u32 s1, s0  }
0xbb: {  	s0 =	sadd.s32 $0x8F2B, s0  }
0xbc: {  	[sflag:s0] =	ssyncadd.remote.s32 $0x1  }
0xbd: {  	_ =	sfence.sel $0xFFFF  }
0xbe: {  	[dreg:$0x0] =	wrdreg $0xFFFFFFFF;
	(pc) =	sbr.abs _section_cstart, $3  }
0xbf: {  	[dreg:$0x1] =	wrdreg $0xFFFFFFFF  }
0xc0: {  	_ =	task.clear_ibuf [dreg:s6], $0x2FFFF;
	_ =	strace $0x9FFFFFFF  }
0xc1: {  	(tm) =	ssettm $0x7FFFFFFF  }
tec
execute0_lowered:
.L_overlay_start_1:
0x0: {  	(tag) =	ssettag $0x1  }
0x1: {  	s1 =	srdreg.scid;
	s0 =	stileid.u32  }
0x2: {  	s6 =	rddreg [dreg:$0x0];
	s7 =	simm.s32 $0x1;
	s1 =	sshll.u32 s1, $0x4  }
0x3: {  	s30 =	simm.s32 $0x2;
	s2 =	sshll.u32 s0, $0x5;
	s3 =	sand.u32 $0x10, s1  }
0x4: {  	s31 =	simm.s32 $0x3;
	s11 =	simm.s32 $0x0;
	s2 =	sor.u32 s2, s3  }
0x5: {  	s9 =	simm.s32 $0x0;
	s4 =	sadd.s32 $0x2A800, s6;
	s5 =	ssub.s32 $0x620, s2  }
0x6: {  	s1 =	rddreg [dreg:$0x1];
	_ =	strace $0x8000006B;
	s8 =	sand.u32 $0x1F0, s5  }
0x7: {  	s3 =	sadd.s32 $0x25400, s6;
	[sflag:s7] =	ssyncpa.u1 $0x0;
	p0 =	sne.s32 s8, $0x0  }
0x8: {  	s6 =	sadd.s32 $0x2B400, s6;
	s5 =	sshrl.u32 s5, $0x9;
	s7 =	simm.s32 @!p0 $0x0  }
0x9: {  	[sflag:s30] =	ssyncpa.u1 $0x0;
	s10 =	smov.u32 s2;
	s5 =	sadd.s32 s7, s5  }
0xa: {  	[sflag:s31] =	ssyncpa.u1 $0x0;
	s8 =	simm.s32 $0x0;
	s7 =	sadd.s32 $0x1, s5  }
.LBB2_1:
0xb: {  	p0 =	sge.u32 s9, s5  }
0xc: {  	s31 =	sadd.s32 $0xFFFFFFFF, s9;
	s12 =	sxor.u32 @!p0 $0xFFFFFFFF, s8;
	s13 =	sshrl.u32 @!p0 s10, $0x3  }
0xd: {  	s14 =	sand.u32 @!p0 $0x7, s10;
	s12 =	sand.u32 @!p0 $0x10, s12;
	s13 =	sadd.s32 @!p0 s4, s13  }
0xe: {  	[tilespmem:s12], [sflag:$0x2] =	stream.linear.gather @!p0 [hbm4b:s13+s14], $0x10, $0x38;
	[tilespmem:$0x40] =	vst v63  }
0xf: {  	p0 =	sge.u32 s31, s5  }
0x10: {  	s12 =	simm.s32 @!p0 $0x2  }
0x11: {  	_ =	swait.ge @!p0 [sflag:s12], $0x10  }
0x12: {  	[sflag:s12] =	ssyncset.done @!p0 $0x0  }
0x13: {  	[sflag:s12] =	ssyncadd.s32 @!p0 $0xFFFFFFF0;
	s12 =	sand.u32 @!p0 $0x10, s8  }
0x14: {  	(ifvalue) =	ssetifvalue @!p0 $0x7FFFFFFF;
	v0 =	vld.msk @!p0 [tilespmem:s12+$0x0 ss:$0x1], $0xffff;
	_ =	sdelay $0x4  }
0x15: {  	vm0 =	vgt.s32 @!p0 v0, $0x0  }
0x16: {  	v0 =	vnsel @!p0 vm0, $0x0, v0  }
0x17: {  	v0 =	vmin.u32 @!p0 v0, $0x107F;
	_ =	sdelay $0x3  }
0x18: {  	s13 =	simm.s32 @!p0 $0x0;
	s12 =	sor.u32 @!p0 $0x20, s12;
	(ifvalue) =	ssetifvalue @!p0 $0x7FFFFFFF;
	vm0 =	vmmov @!p0 $0xffff  }
0x19: {  	[tilespmem:s12], [sflag:$0x1] =	stream.indirect_vreg.gather @!p0 [hbm4b:s3+s13], $0x1, v0, vm0, $0x4038;
	[tilespmem:$0x40] =	vst v63  }
0x1a: {  	s13 =	simm.s32 @!p0 $0x1  }
0x1b: {  	_ =	swait.ge @!p0 [sflag:s13], $0x10  }
0x1c: {  	s14 =	sshrl.u32 @!p0 s11, $0x3;
	[sflag:s13] =	ssyncset.done @!p0 $0x0  }
0x1d: {  	s11 =	sand.u32 @!p0 $0x7, s11;
	[sflag:s13] =	ssyncadd.s32 @!p0 $0xFFFFFFF0;
	s13 =	sadd.s32 @!p0 s6, s14  }
0x1e: {  	[hbm4b:s13+s11] =	stream.linear.scatter @!p0 [tilespmem:s12], [sflag:$0x3], $0x10, $0x38;
	[tilespmem:$0x40] =	vst v63  }
0x1f: {  	s13 =	sadd.s32 $0x200, s10  }
0x20: {  	p1 =	sgt.s32 s13, $0x61F  }
0x21: {  	s13 =	smov.u32 @p1 s2;
	p1 =	sne.s32 s9, s7  }
.Ltmp0:
0x22: {  	p0 =	slt.u32 s9, $0x2;
	(pc) =	sbr.rel @p1 .LBB2_1-.Ltmp0, $4  }
0x23: {  	s12 =	simm.s32 @!p0 $0x3  }
0x24: {  	_ =	swait.ge @!p0 [sflag:s12], $0x10  }
0x25: {  	s8 =	sadd.s32 $0x10, s8;
	s11 =	smov.u32 s10;
	[sflag:s12] =	ssyncset.done @!p0 $0x0  }
0x26: {  	s9 =	sadd.s32 $0x1, s9;
	s10 =	smov.u32 s13;
	[sflag:s12] =	ssyncadd.s32 @!p0 $0xFFFFFFF0  }
0x27: {  	_ =	sfence.sel $0x180000  }
0x28: {  	s2 =	simm.s32 $0x2;
	[bflag:$0x0] =	sbarrier.arrive $0xFFFF  }
0x29: {  	s30 =	simm.s32 $0x3;
	[sflag:s2] =	ssyncpa.u1 $0x1  }
0x2a: {  	s31 =	simm.s32 $0x1;
	[sflag:s30] =	ssyncpa.u1 $0x1  }
0x2b: {  	[sflag:s31] =	ssyncpa.u1 $0x1  }
0x2c: {  	p0 =	sne.s32 s0, $0x0;
	_ =	strace $0x9000006B  }
0x2d: {  	s0 =	sadd.s32 @!p0 $0x100000, s1;
	[bflag:$0x2] =	sbarrier.arrive $0xFFFF  }
0x2e: {  	[sflag:s0] =	ssyncadd.tile.s32 @!p0 $0x1;
	_ =	shalt  }
.Lfunc_end2:
_tile_overlayer_lowered:
.L_overlay_start_2:
0x2f: {  	(tag) =	ssettag $0x2  }
0x30: {  	s0 =	rddreg [dreg:$0x0];
	s2 =	stileid.u32  }
0x31: {  	s1 =	rddreg [dreg:$0x1];
	p0 =	sne.s32 s2, $0x0  }
0x32: {  	s3 =	rddreg [dreg:$0x2];
	[bflag:$0x3] =	sbarrier.arrive $0xFFFF;
	s2 =	simm.s32 @!p0 $0x1C01  }
0x33: {  	[timem:s3], [sflag:s2] =	dma.local @!p0 [hbm:s0], s1  }
0x34: {  	s0 =	simm.s32 @!p0 $0x1  }
0x35: {  	_ =	swait.ge @!p0 [sflag:s0], s1  }
0x36: {  	s1 =	ssub.s32 @!p0 $0x0, s1;
	[sflag:s0] =	ssyncset.done @!p0 $0x0  }
0x37: {  	[sflag:s0] =	ssyncadd.s32 @!p0 s1  }
0x38: {  	[bflag:$0x3] =	sbarrier.arrive $0xFFFF  }
0x39: {  	_ =	shalt  }

// kernel: gather_offload_async_start.14
scs
__scs_entry_jumppad:
0x0: {  	(pc) =	sbr.rel $0x88, $3  }
0x1: {  	(tag) =	ssettag $0x0;
	lr =	simm.s32 $0x1  }
0x2: {  	[smem:$0x3F8B] =	sst lr;
	_ =	strace $0xD0000000  }
0x3: {  	_ = 	snop  }
0x4: {  	_ = 	snop  }
0x5: {  	_ = 	snop  }
0x6: {  	_ = 	snop  }
0x7: {  	_ = 	snop  }
__scs_overlays_trampoline_lowered:
0x8: {  	[smem:$0x3F9A] =	sst s0  }
0x9: {  	[smem:$0x3F9B] =	sst s1  }
0xa: {  	[smem:$0x3F9C] =	sst s2  }
0xb: {  	[smem:$0x3F9D] =	sst s3  }
0xc: {  	[smem:$0x3F9E] =	sst s4  }
0xd: {  	[smem:$0x3F9F] =	sst s5  }
0xe: {  	[smem:$0x3FA0] =	sst s6  }
0xf: {  	[smem:$0x3FA1] =	sst s7  }
0x10: {  	[smem:$0x3FA2] =	sst s8  }
0x11: {  	[smem:$0x3FA3] =	sst s9;
	s0 =	simm.s32 @!p0 $0x0  }
0x12: {  	s1 =	sld [smem:$0x3F89];
	s0 =	simm.s32 @p0 $0x1  }
0x13: {  	[smem:$0x3FA4] =	sst s0;
	s0 =	simm.s32 @!p1 $0x0  }
0x14: {  	s2 =	sld [smem:$0x3F88];
	s0 =	simm.s32 @p1 $0x1  }
0x15: {  	[smem:$0x3FA5] =	sst s0;
	s0 =	simm.s32 @!p2 $0x0  }
0x16: {  	s3 =	sld [smem:$0x3FDB];
	s0 =	simm.s32 @p2 $0x1  }
0x17: {  	s4 =	simm.s32 $0x1BF5;
	[smem:$0x3FA7] =	sst s0  }
0x18: {  	s0 =	sld [smem:$0x3F8A];
	_ =	swait.ge [sflag:s4], $0x0  }
0x19: {  	s7 =	sld [smem:$0x3F8B]  }
0x1a: {  	s8 =	sadd.s32 $0xFFFFE003, lr  }
0x1b: {  	s9 =	sadd.s32 $0xFFFFFEF7, lr;
	s5 =	simm.s32 $0xFFFFFFFF;
	p2 =	slt.u32 s8, $0xFFFFF086  }
0x1c: {  	p1 =	slt.u32 s9, $0xF7A;
	s5 =	simm.s32 @!p2 $0x0  }
0x1d: {  	s5 =	simm.s32 @p1 $0x1;
	p0 =	seq.s32 s7, s2  }
0x1e: {  	s7 =	smul.u32 @!p0 $0xF7A, s2;
	p2 =	seq.s32 @!p0 s5, $0x0  }
0x1f: {  	s9 =	smul.u32 $0xF7A, s1;
	s8 =	simm.s32 @!p0 $0x1BF5;
	p2 =	por !p2, p0  }
0x20: {  	[sflag:s8] =	ssyncset.s32 @!p0 $0xFFFFF086;
	s6 =	sadd.s32 @!p0 s3, s7;
	s7 =	simm.s32 @!p0 $0x108  }
0x21: {  	s3 =	sadd.s32 s3, s9;
	s6 =	sadd.s32 @!p0 $0x88, s6;
	s7 =	simm.s32 @p2 $0x1082  }
0x22: {  	[simem:s7], [sflag:s8] =	dma.local @!p0 [hbm:s6], $0xF7A  }
0x23: {  	s9 =	sor.u32 $0xD0000000, s2;
	s6 =	simm.s32 $0x108;
	_ =	swait.ge @!p0 [sflag:s8], $0x0  }
0x24: {  	s3 =	sadd.s32 $0x88, s3;
	s6 =	simm.s32 @!p1 $0x1082;
	[sflag:s4] =	ssyncset.s32 $0xFFFFF086  }
0x25: {  	[simem:s6], [sflag:s4] =	dma.local [hbm:s3], $0xF7A  }
0x26: {  	[smem:$0x3F8B] =	sst s1;
	(tag) =	ssettag s2;
	_ =	strace s9  }
0x27: {  	s1 =	sld [smem:$0x3F9B]  }
0x28: {  	s2 =	sld [smem:$0x3F9C]  }
0x29: {  	s4 =	sld [smem:$0x3F9E]  }
0x2a: {  	p0 =	seq.s32 s5, $0x0;
	s5 =	sld [smem:$0x3F9F]  }
0x2b: {  	s6 =	sld [smem:$0x3FA0]  }
0x2c: {  	s7 =	sld [smem:$0x3FA1]  }
0x2d: {  	s3 =	simm.s32 $0x108;
	s8 =	sld [smem:$0x3FA2]  }
0x2e: {  	s3 =	simm.s32 @!p0 $0x1082;
	s9 =	sld [smem:$0x3FA3]  }
0x2f: {  	lr =	sadd.s32 s0, s3;
	s0 =	sld [smem:$0x3F9A]  }
0x30: {  	s3 =	sld [smem:$0x3F9D]  }
0x31: {  	[smem:$0x3FA6] =	sst s10  }
0x32: {  	s10 =	sld [smem:$0x3FA4];
	_ =	sdelay $0x3  }
0x33: {  	p0 =	seq.s32 s10, $0x1;
	s10 =	sld [smem:$0x3FA6];
	_ =	sdelay $0x3  }
0x34: {  	[smem:$0x3FA6] =	sst s10  }
0x35: {  	s10 =	sld [smem:$0x3FA5];
	_ =	sdelay $0x3  }
0x36: {  	p1 =	seq.s32 s10, $0x1;
	s10 =	sld [smem:$0x3FA6];
	_ =	sdelay $0x3  }
0x37: {  	[smem:$0x3FA6] =	sst s10  }
0x38: {  	s10 =	sld [smem:$0x3FA7]  }
0x39: {  	_ = 	snop;
	(pc) =	sbr.ind lr, $3  }
0x3a: {  	_ = 	snop  }
0x3b: {  	_ = 	snop  }
0x3c: {  	p2 =	seq.s32 s10, $0x1;
	s10 =	sld [smem:$0x3FA6]  }
0x3d: {  	_ =	shalt  }
0x3e: {  	_ =	shalt  }
0x3f: {  	_ =	shalt  }
0x40: {  	_ =	shalt  }
0x41: {  	_ =	shalt  }
0x42: {  	_ =	shalt  }
0x43: {  	_ =	shalt  }
0x44: {  	_ =	shalt  }
0x45: {  	_ =	shalt  }
0x46: {  	_ =	shalt  }
0x47: {  	_ =	shalt  }
0x48: {  	_ =	shalt  }
0x49: {  	_ =	shalt  }
0x4a: {  	_ =	shalt  }
0x4b: {  	_ =	shalt  }
0x4c: {  	_ =	shalt  }
0x4d: {  	_ =	shalt  }
0x4e: {  	_ =	shalt  }
0x4f: {  	_ =	shalt  }
0x50: {  	_ =	shalt  }
0x51: {  	_ =	shalt  }
0x52: {  	_ =	shalt  }
0x53: {  	_ =	shalt  }
0x54: {  	_ =	shalt  }
0x55: {  	_ =	shalt  }
0x56: {  	_ =	shalt  }
0x57: {  	_ =	shalt  }
0x58: {  	_ =	shalt  }
0x59: {  	_ =	shalt  }
0x5a: {  	_ =	shalt  }
0x5b: {  	_ =	shalt  }
0x5c: {  	_ =	shalt  }
0x5d: {  	_ =	shalt  }
0x5e: {  	_ =	shalt  }
0x5f: {  	_ =	shalt  }
0x60: {  	_ =	shalt  }
0x61: {  	_ =	shalt  }
0x62: {  	_ =	shalt  }
0x63: {  	_ =	shalt  }
0x64: {  	_ =	shalt  }
0x65: {  	_ =	shalt  }
0x66: {  	_ =	shalt  }
0x67: {  	_ =	shalt  }
0x68: {  	_ =	shalt  }
0x69: {  	_ =	shalt  }
0x6a: {  	_ =	shalt  }
0x6b: {  	_ =	shalt  }
0x6c: {  	_ =	shalt  }
0x6d: {  	_ =	shalt  }
0x6e: {  	_ =	shalt  }
0x6f: {  	_ =	shalt  }
0x70: {  	_ =	shalt  }
0x71: {  	_ =	shalt  }
0x72: {  	_ =	shalt  }
0x73: {  	_ =	shalt  }
0x74: {  	_ =	shalt  }
0x75: {  	_ =	shalt  }
0x76: {  	_ =	shalt  }
0x77: {  	_ =	shalt  }
0x78: {  	_ =	shalt  }
0x79: {  	_ =	shalt  }
0x7a: {  	_ =	shalt  }
0x7b: {  	_ =	shalt  }
0x7c: {  	_ =	shalt  }
0x7d: {  	_ =	shalt  }
0x7e: {  	_ =	shalt  }
0x7f: {  	_ =	shalt  }
0x80: {  	_ =	shalt  }
0x81: {  	_ =	shalt  }
0x82: {  	_ =	shalt  }
0x83: {  	_ =	shalt  }
0x84: {  	_ =	shalt  }
0x85: {  	_ =	shalt  }
0x86: {  	_ =	shalt  }
0x87: {  	_ =	shalt  }
.Lfunc_end0:
.L_simem_size_0:
called_computation.14_lowered:
.L_overlay_start_0:
0x88: {  	s2 =	sld [smem:$0x3FD9]  }
0x89: {  	s3 =	sld [smem:$0x3FFE];
	_ =	sdelay $0x1  }
0x8a: {  	s1 =	srdreg.scid  }
0x8b: {  	s0 =	sand.u32 $0x1, s1  }
0x8c: {  	s16 =	sshll.u32 s0, $0xA;
	s2 =	sadd.s32 s3, s2  }
0x8d: {  	s2 =	sadd.s32 s2, s16  }
0x8e: {  	[smem:$0x3FB2] =	sst s2  }
0x8f: {  	_ = 	snop  }
0x90: {  	(tm) =	ssettm $0x1  }
0x91: {  	s17 =	sld [smem:$0x3FFB];
	_ =	sdelay $0x3  }
0x92: {  	_ =	strace s17  }
0x93: {  	s2 =	sld [smem:$0x3FFC];
	_ =	sdelay $0x3  }
0x94: {  	_ =	strace s2  }
0x95: {  	s2 =	sld [smem:$0x3FFD];
	_ =	sdelay $0x3  }
0x96: {  	_ =	strace s2  }
0x97: {  	_ =	strace $0x8FFFFFFF  }
0x98: {  	s18 =	sld [smem:$0x3FDB];
	_ =	sdelay $0x1  }
0x99: {  	s19 =	simm.s32 $_scs_section_size  }
0x9a: {  	s4 =	simm.s32 $_size__tile_overlayer_lowered;
	s5 =	simm.s32 $_tile_overlayer_lowered  }
0x9b: {  	s22 =	simm.s32 $0x1BFF;
	s21 =	sshll.u32 s5, $0x1;
	s2 =	sadd.s32 s19, s18  }
0x9c: {  	s6 =	simm.s32 $0x0;
	s20 =	sshll.u32 s4, $0x1;
	s4 =	sadd.s32 s21, s2  }
0x9d: {  	[timem:s6], [sflag:s22] =	dma.local [hbm:s4], s20  }
0x9e: {  	_ =	swait.ge [sflag:s22], s20  }
0x9f: {  	s3 =	ssub.s32 $0x0, s20;
	[sflag:s22] =	ssyncset.done $0x0  }
0xa0: {  	[sflag:s22] =	ssyncadd.s32 s3;
	_ =	sdelay $0x1  }
0xa1: {  	s23 =	simm.s32 $0x1B8B  }
0xa2: {  	_ =	swait.ge [sflag:s23], $0x1  }
0xa3: {  	[sflag:s23] =	ssyncset.done $0x0  }
0xa4: {  	s25 =	simm.s32 $0x1B8E;
	s24 =	sld [smem:$0x3FFE];
	[sflag:s23] =	ssyncadd.s32 $0xFFFFFFFF  }
0xa5: {  	s26 =	simm.s32 $execute0_lowered;
	[smem:$0x3FD2] =	sst s25  }
0xa6: {  	s4 =	sshll.u32 s26, $0x1;
	_ =	strace $0x80000049;
	[dreg:$0x1] =	wrdreg $0xFFFFFFFF  }
0xa7: {  	s28 =	simm.s32 $_size_execute0_lowered;
	s2 =	sadd.s32 s2, s4;
	[dreg:$0x0] =	wrdreg $0x0  }
0xa8: {  	s4 =	sshll.u32 s28, $0x1;
	[dreg:$0x2] =	wrdreg s2  }
0xa9: {  	[dreg:$0x3] =	wrdreg s4  }
0xaa: {  	[dreg:$0x4] =	wrdreg $0xC0  }
0xab: {  	_ =	task [dreg:s6], $0x5FFFF  }
0xac: {  	[dreg:$0x1] =	wrdreg $0xFFFFFFFF  }
0xad: {  	[dreg:$0x0] =	wrdreg $0x60  }
0xae: {  	[dreg:$0x2] =	wrdreg s24  }
0xaf: {  	[dreg:$0x3] =	wrdreg $0x9  }
0xb0: {  	_ =	task.clear_ibuf [dreg:s6], $0x4FFFF;
	_ =	strace $0x90000049  }
0xb1: {  	s29 =	simm.s32 $0x9;
	_ =	strace $0x8000004B  }
0xb2: {  	_ =	swait.ge [sflag:s29], $0x1  }
0xb3: {  	[sflag:s29] =	ssyncadd.s32 $0xFFFFFFFF  }
0xb4: {  	_ =	strace $0x9000004B  }
0xb5: {  	_ =	sfence  }
0xb6: {  	s30 =	sld [smem:$0x0];
	_ =	sdelay $0x2  }
0xb7: {  	s31 =	sshll.u32 s1, $0xD;
	s1 =	sshrl.u32 s1, $0x2  }
0xb8: {  	s3 =	sand.u32 $0x4000, s31;
	s1 =	sadd.s32 s1, s30  }
0xb9: {  	s0 =	sor.u32 s3, s0;
	s1 =	sshll.u32 s1, $0x11  }
0xba: {  	s0 =	sor.u32 s1, s0  }
0xbb: {  	s0 =	sadd.s32 $0x8F2B, s0  }
0xbc: {  	[sflag:s0] =	ssyncadd.remote.s32 $0x1  }
0xbd: {  	_ =	sfence.sel $0xFFFF  }
0xbe: {  	[dreg:$0x0] =	wrdreg $0xFFFFFFFF;
	(pc) =	sbr.abs _section_cstart, $3  }
0xbf: {  	[dreg:$0x1] =	wrdreg $0xFFFFFFFF  }
0xc0: {  	_ =	task.clear_ibuf [dreg:s6], $0x2FFFF;
	_ =	strace $0x9FFFFFFF  }
0xc1: {  	(tm) =	ssettm $0x7FFFFFFF  }
tec
execute0_lowered:
.L_overlay_start_1:
0x0: {  	(tag) =	ssettag $0x1  }
0x1: {  	s1 =	srdreg.scid  }
0x2: {  	s0 =	stileid.u32;
	s8 =	rddreg [dreg:$0x0];
	s5 =	simm.s32 $0x1  }
0x3: {  	s9 =	simm.s32 $0x1;
	s10 =	simm.s32 $0x3;
	s1 =	sshll.u32 s1, $0x5  }
0x4: {  	s13 =	simm.s32 $0x0;
	s2 =	sshll.u32 s0, $0x6;
	s3 =	sand.u32 $0x20, s1  }
0x5: {  	s12 =	simm.s32 $0x0;
	s4 =	sadd.s32 $0x2B400, s8;
	s2 =	sor.u32 s2, s3  }
0x6: {  	s1 =	rddreg [dreg:$0x1];
	_ =	strace $0x8000004A;
	s7 =	ssub.s32 $0xC40, s2  }
.Ltmp0:
0x7: {  	s3 =	sadd.s32 $0x5F000, s8;
	s6 =	sand.u32 $0x3E0, s7;
	(pc) =	sbr.rel .LBB2_1-.Ltmp0, $4  }
0x8: {  	[sflag:s5] =	ssyncpa.u1 $0x0;
	s8 =	sadd.s32 $0x3A000, s8;
	p0 =	sne.s32 s6, $0x0  }
0x9: {  	s7 =	sshrl.u32 s7, $0xA;
	s6 =	simm.s32 $0x2;
	s9 =	simm.s32 @!p0 $0x0  }
0xa: {  	s11 =	smov.u32 s2;
	[sflag:s6] =	ssyncpa.u1 $0x0;
	s7 =	sadd.s32 s9, s7  }
0xb: {  	vm0 =	vmmov $0xffff;
	[sflag:s10] =	ssyncpa.u1 $0x0;
	s10 =	simm.s32 $0x0;
	s9 =	sadd.s32 $0x1, s7  }
.LBB2_5:
0xc: {  	s15 =	sadd.s32 $0x400, s11  }
0xd: {  	p1 =	sgt.s32 s15, $0xC3F  }
0xe: {  	s15 =	smov.u32 @p1 s2;
	p1 =	sne.s32 s12, s9  }
.Ltmp1:
0xf: {  	p0 =	slt.u32 s12, $0x2;
	(pc) =	sbr.rel @!p1 .LBB2_6-.Ltmp1, $4  }
0x10: {  	s14 =	simm.s32 @!p0 $0x3  }
0x11: {  	_ =	swait.ge @!p0 [sflag:s14], $0x20  }
0x12: {  	s16 =	sadd.s32 $0x1, s12;
	s13 =	smov.u32 s11;
	[sflag:s14] =	ssyncset.done @!p0 $0x0  }
0x13: {  	s12 =	smov.u32 s16;
	s11 =	smov.u32 s15;
	[sflag:s14] =	ssyncadd.s32 @!p0 $0xFFFFFFE0  }
.LBB2_1:
0x14: {  	p0 =	sge.u32 s12, s7  }
0x15: {  	s14 =	sxor.u32 @!p0 $0xFFFFFFFF, s12  }
0x16: {  	s31 =	sadd.s32 $0xFFFFFFFF, s12;
	s15 =	sshrl.u32 @!p0 s11, $0x3;
	s14 =	sshll.u32 @!p0 s14, $0x5  }
0x17: {  	s16 =	sand.u32 @!p0 $0x7, s11;
	s15 =	sadd.s32 @!p0 s4, s15;
	s14 =	sand.u32 @!p0 $0x20, s14  }
0x18: {  	[tilespmem:s14], [sflag:$0x2] =	stream.linear.gather @!p0 [hbm4b:s15+s16], $0x20, $0x38;
	[tilespmem:$0x80] =	vst v63  }
0x19: {  	p0 =	sge.u32 s31, s7  }
.Ltmp2:
0x1a: {  	_ = 	snop;
	(pc) =	sbr.rel @p0 .LBB2_5-.Ltmp2, $1  }
0x1b: {  	_ =	sdelay $0x3  }
0x1c: {  	_ =	swait.ge [sflag:s6], $0x20;
	s14 =	sshll.u32 s12, $0x5;
	s16 =	simm.s32 $0x0  }
0x1d: {  	p0 =	por $0x1, $0x1;
	[sflag:s6] =	ssyncset.done $0x0;
	s15 =	sand.u32 $0x20, s14  }
0x1e: {  	[sflag:s6] =	ssyncadd.s32 $0xFFFFFFE0;
	(ifvalue) =	ssetifvalue $0x7FFFFFFF;
	s14 =	sor.u32 $0x40, s15  }
.LBB2_3:
0x1f: {  	s17 =	sadd.s32 s16, s15  }
0x20: {  	v0 =	vld.msk [tilespmem:s17+$0x0 ss:$0x1], $0xffff;
	_ =	sdelay $0x4  }
0x21: {  	v1 =	vshrl.u32 v0, $0xC;
	v2 =	vshll.u32 v0, $0x7  }
0x22: {  	vm1 =	veq.s32 v0, $0x80000000;
	v61 =	vand.u32 $0x7, v1;
	v62 =	vand.u32 $0x7FF80, v2  }
0x23: {  	v0 =	vsel vm1, $0xFFFFFFFF, v61;
	v1 =	vsel vm1, $0xFFFFFF80, v62  }
0x24: {  	v63 =	vand.u32 $0xFFFFFC00, v1;
	v3 =	vand.u32 $0xFFFFFC00, v0  }
0x25: {  	v1 =	vand.u32 $0x380, v1;
	v2 =	vadd.s32 v3, v63  }
0x26: {  	v0 =	vand.u32 $0x7F, v0;
	v1 =	vor.u32 v1, v2  }
0x27: {  	p1 =	por p0, p0;
	v0 =	vor.u32 v0, v1  }
.Ltmp3:
0x28: {  	_ = 	snop;
	(pc) =	sbr.rel @p1 .LBB2_3-.Ltmp3, $4  }
0x29: {  	_ = 	snop  }
0x2a: {  	s31 =	sadd.s32 s16, s14  }
0x2b: {  	s16 =	simm.s32 $0x10;
	p0 =	por $0x0, $0x0;
	(ifvalue) =	ssetifvalue $0x7FFFFFFF  }
0x2c: {  	[tilespmem:s31], [sflag:$0x1] =	stream.indirect_vreg.gather [hbm4b:s3+s10], $0x1, v0, vm0, $0x4038;
	[tilespmem:$0x80] =	vst v63  }
.Ltmp4:
0x2d: {  	(pc) =	sbr.rel .LBB2_5-.Ltmp4, $4  }
0x2e: {  	_ =	swait.ge [sflag:s5], $0x20  }
0x2f: {  	s15 =	sshrl.u32 s13, $0x3;
	[sflag:s5] =	ssyncset.done $0x0  }
0x30: {  	s31 =	sand.u32 $0x7, s13;
	s15 =	sadd.s32 s8, s15;
	[sflag:s5] =	ssyncadd.s32 $0xFFFFFFE0  }
0x31: {  	[hbm4b:s15+s31] =	stream.linear.scatter [tilespmem:s14], [sflag:$0x3], $0x20, $0x38;
	[tilespmem:$0x80] =	vst v63  }
.LBB2_6:
0x32: {  	_ =	sfence.sel $0x180000  }
0x33: {  	s2 =	simm.s32 $0x2;
	[bflag:$0x0] =	sbarrier.arrive $0xFFFF  }
0x34: {  	s30 =	simm.s32 $0x3;
	[sflag:s2] =	ssyncpa.u1 $0x1  }
0x35: {  	s31 =	simm.s32 $0x1;
	[sflag:s30] =	ssyncpa.u1 $0x1  }
0x36: {  	[sflag:s31] =	ssyncpa.u1 $0x1  }
0x37: {  	p0 =	sne.s32 s0, $0x0;
	_ =	strace $0x9000004A  }
0x38: {  	s0 =	sadd.s32 @!p0 $0x100000, s1;
	[bflag:$0x2] =	sbarrier.arrive $0xFFFF  }
0x39: {  	[sflag:s0] =	ssyncadd.tile.s32 @!p0 $0x1;
	_ =	shalt  }
.Lfunc_end2:
_tile_overlayer_lowered:
.L_overlay_start_2:
0x3a: {  	(tag) =	ssettag $0x2  }
0x3b: {  	s0 =	rddreg [dreg:$0x0];
	s2 =	stileid.u32  }
0x3c: {  	s1 =	rddreg [dreg:$0x1];
	p0 =	sne.s32 s2, $0x0  }
0x3d: {  	s3 =	rddreg [dreg:$0x2];
	[bflag:$0x3] =	sbarrier.arrive $0xFFFF;
	s2 =	simm.s32 @!p0 $0x1C01  }
0x3e: {  	[timem:s3], [sflag:s2] =	dma.local @!p0 [hbm:s0], s1  }
0x3f: {  	s0 =	simm.s32 @!p0 $0x1  }
0x40: {  	_ =	swait.ge @!p0 [sflag:s0], s1  }
0x41: {  	s1 =	ssub.s32 @!p0 $0x0, s1;
	[sflag:s0] =	ssyncset.done @!p0 $0x0  }
0x42: {  	[sflag:s0] =	ssyncadd.s32 @!p0 s1  }
0x43: {  	[bflag:$0x3] =	sbarrier.arrive $0xFFFF  }
0x44: {  	_ =	shalt  }

// kernel: gather_offload_async_start.15
scs
__scs_entry_jumppad:
0x0: {  	(pc) =	sbr.rel $0x88, $3  }
0x1: {  	(tag) =	ssettag $0x0;
	lr =	simm.s32 $0x1  }
0x2: {  	[smem:$0x3F8B] =	sst lr;
	_ =	strace $0xD0000000  }
0x3: {  	_ = 	snop  }
0x4: {  	_ = 	snop  }
0x5: {  	_ = 	snop  }
0x6: {  	_ = 	snop  }
0x7: {  	_ = 	snop  }
__scs_overlays_trampoline_lowered:
0x8: {  	[smem:$0x3F9A] =	sst s0  }
0x9: {  	[smem:$0x3F9B] =	sst s1  }
0xa: {  	[smem:$0x3F9C] =	sst s2  }
0xb: {  	[smem:$0x3F9D] =	sst s3  }
0xc: {  	[smem:$0x3F9E] =	sst s4  }
0xd: {  	[smem:$0x3F9F] =	sst s5  }
0xe: {  	[smem:$0x3FA0] =	sst s6  }
0xf: {  	[smem:$0x3FA1] =	sst s7  }
0x10: {  	[smem:$0x3FA2] =	sst s8  }
0x11: {  	[smem:$0x3FA3] =	sst s9;
	s0 =	simm.s32 @!p0 $0x0  }
0x12: {  	s1 =	sld [smem:$0x3F89];
	s0 =	simm.s32 @p0 $0x1  }
0x13: {  	[smem:$0x3FA4] =	sst s0;
	s0 =	simm.s32 @!p1 $0x0  }
0x14: {  	s2 =	sld [smem:$0x3F88];
	s0 =	simm.s32 @p1 $0x1  }
0x15: {  	[smem:$0x3FA5] =	sst s0;
	s0 =	simm.s32 @!p2 $0x0  }
0x16: {  	s3 =	sld [smem:$0x3FDB];
	s0 =	simm.s32 @p2 $0x1  }
0x17: {  	s4 =	simm.s32 $0x1BF5;
	[smem:$0x3FA7] =	sst s0  }
0x18: {  	s0 =	sld [smem:$0x3F8A];
	_ =	swait.ge [sflag:s4], $0x0  }
0x19: {  	s7 =	sld [smem:$0x3F8B]  }
0x1a: {  	s8 =	sadd.s32 $0xFFFFE003, lr  }
0x1b: {  	s9 =	sadd.s32 $0xFFFFFEF7, lr;
	s5 =	simm.s32 $0xFFFFFFFF;
	p2 =	slt.u32 s8, $0xFFFFF086  }
0x1c: {  	p1 =	slt.u32 s9, $0xF7A;
	s5 =	simm.s32 @!p2 $0x0  }
0x1d: {  	s5 =	simm.s32 @p1 $0x1;
	p0 =	seq.s32 s7, s2  }
0x1e: {  	s7 =	smul.u32 @!p0 $0xF7A, s2;
	p2 =	seq.s32 @!p0 s5, $0x0  }
0x1f: {  	s9 =	smul.u32 $0xF7A, s1;
	s8 =	simm.s32 @!p0 $0x1BF5;
	p2 =	por !p2, p0  }
0x20: {  	[sflag:s8] =	ssyncset.s32 @!p0 $0xFFFFF086;
	s6 =	sadd.s32 @!p0 s3, s7;
	s7 =	simm.s32 @!p0 $0x108  }
0x21: {  	s3 =	sadd.s32 s3, s9;
	s6 =	sadd.s32 @!p0 $0x88, s6;
	s7 =	simm.s32 @p2 $0x1082  }
0x22: {  	[simem:s7], [sflag:s8] =	dma.local @!p0 [hbm:s6], $0xF7A  }
0x23: {  	s9 =	sor.u32 $0xD0000000, s2;
	s6 =	simm.s32 $0x108;
	_ =	swait.ge @!p0 [sflag:s8], $0x0  }
0x24: {  	s3 =	sadd.s32 $0x88, s3;
	s6 =	simm.s32 @!p1 $0x1082;
	[sflag:s4] =	ssyncset.s32 $0xFFFFF086  }
0x25: {  	[simem:s6], [sflag:s4] =	dma.local [hbm:s3], $0xF7A  }
0x26: {  	[smem:$0x3F8B] =	sst s1;
	(tag) =	ssettag s2;
	_ =	strace s9  }
0x27: {  	s1 =	sld [smem:$0x3F9B]  }
0x28: {  	s2 =	sld [smem:$0x3F9C]  }
0x29: {  	s4 =	sld [smem:$0x3F9E]  }
0x2a: {  	p0 =	seq.s32 s5, $0x0;
	s5 =	sld [smem:$0x3F9F]  }
0x2b: {  	s6 =	sld [smem:$0x3FA0]  }
0x2c: {  	s7 =	sld [smem:$0x3FA1]  }
0x2d: {  	s3 =	simm.s32 $0x108;
	s8 =	sld [smem:$0x3FA2]  }
0x2e: {  	s3 =	simm.s32 @!p0 $0x1082;
	s9 =	sld [smem:$0x3FA3]  }
0x2f: {  	lr =	sadd.s32 s0, s3;
	s0 =	sld [smem:$0x3F9A]  }
0x30: {  	s3 =	sld [smem:$0x3F9D]  }
0x31: {  	[smem:$0x3FA6] =	sst s10  }
0x32: {  	s10 =	sld [smem:$0x3FA4];
	_ =	sdelay $0x3  }
0x33: {  	p0 =	seq.s32 s10, $0x1;
	s10 =	sld [smem:$0x3FA6];
	_ =	sdelay $0x3  }
0x34: {  	[smem:$0x3FA6] =	sst s10  }
0x35: {  	s10 =	sld [smem:$0x3FA5];
	_ =	sdelay $0x3  }
0x36: {  	p1 =	seq.s32 s10, $0x1;
	s10 =	sld [smem:$0x3FA6];
	_ =	sdelay $0x3  }
0x37: {  	[smem:$0x3FA6] =	sst s10  }
0x38: {  	s10 =	sld [smem:$0x3FA7]  }
0x39: {  	_ = 	snop;
	(pc) =	sbr.ind lr, $3  }
0x3a: {  	_ = 	snop  }
0x3b: {  	_ = 	snop  }
0x3c: {  	p2 =	seq.s32 s10, $0x1;
	s10 =	sld [smem:$0x3FA6]  }
0x3d: {  	_ =	shalt  }
0x3e: {  	_ =	shalt  }
0x3f: {  	_ =	shalt  }
0x40: {  	_ =	shalt  }
0x41: {  	_ =	shalt  }
0x42: {  	_ =	shalt  }
0x43: {  	_ =	shalt  }
0x44: {  	_ =	shalt  }
0x45: {  	_ =	shalt  }
0x46: {  	_ =	shalt  }
0x47: {  	_ =	shalt  }
0x48: {  	_ =	shalt  }
0x49: {  	_ =	shalt  }
0x4a: {  	_ =	shalt  }
0x4b: {  	_ =	shalt  }
0x4c: {  	_ =	shalt  }
0x4d: {  	_ =	shalt  }
0x4e: {  	_ =	shalt  }
0x4f: {  	_ =	shalt  }
0x50: {  	_ =	shalt  }
0x51: {  	_ =	shalt  }
0x52: {  	_ =	shalt  }
0x53: {  	_ =	shalt  }
0x54: {  	_ =	shalt  }
0x55: {  	_ =	shalt  }
0x56: {  	_ =	shalt  }
0x57: {  	_ =	shalt  }
0x58: {  	_ =	shalt  }
0x59: {  	_ =	shalt  }
0x5a: {  	_ =	shalt  }
0x5b: {  	_ =	shalt  }
0x5c: {  	_ =	shalt  }
0x5d: {  	_ =	shalt  }
0x5e: {  	_ =	shalt  }
0x5f: {  	_ =	shalt  }
0x60: {  	_ =	shalt  }
0x61: {  	_ =	shalt  }
0x62: {  	_ =	shalt  }
0x63: {  	_ =	shalt  }
0x64: {  	_ =	shalt  }
0x65: {  	_ =	shalt  }
0x66: {  	_ =	shalt  }
0x67: {  	_ =	shalt  }
0x68: {  	_ =	shalt  }
0x69: {  	_ =	shalt  }
0x6a: {  	_ =	shalt  }
0x6b: {  	_ =	shalt  }
0x6c: {  	_ =	shalt  }
0x6d: {  	_ =	shalt  }
0x6e: {  	_ =	shalt  }
0x6f: {  	_ =	shalt  }
0x70: {  	_ =	shalt  }
0x71: {  	_ =	shalt  }
0x72: {  	_ =	shalt  }
0x73: {  	_ =	shalt  }
0x74: {  	_ =	shalt  }
0x75: {  	_ =	shalt  }
0x76: {  	_ =	shalt  }
0x77: {  	_ =	shalt  }
0x78: {  	_ =	shalt  }
0x79: {  	_ =	shalt  }
0x7a: {  	_ =	shalt  }
0x7b: {  	_ =	shalt  }
0x7c: {  	_ =	shalt  }
0x7d: {  	_ =	shalt  }
0x7e: {  	_ =	shalt  }
0x7f: {  	_ =	shalt  }
0x80: {  	_ =	shalt  }
0x81: {  	_ =	shalt  }
0x82: {  	_ =	shalt  }
0x83: {  	_ =	shalt  }
0x84: {  	_ =	shalt  }
0x85: {  	_ =	shalt  }
0x86: {  	_ =	shalt  }
0x87: {  	_ =	shalt  }
.Lfunc_end0:
.L_simem_size_0:
called_computation.15_lowered:
.L_overlay_start_0:
0x88: {  	s2 =	sld [smem:$0x3FD9]  }
0x89: {  	s3 =	sld [smem:$0x3FFE];
	_ =	sdelay $0x1  }
0x8a: {  	s1 =	srdreg.scid  }
0x8b: {  	s0 =	sand.u32 $0x1, s1  }
0x8c: {  	s16 =	sshll.u32 s0, $0xA;
	s2 =	sadd.s32 s3, s2  }
0x8d: {  	s2 =	sadd.s32 s2, s16  }
0x8e: {  	[smem:$0x3FB2] =	sst s2  }
0x8f: {  	_ = 	snop  }
0x90: {  	(tm) =	ssettm $0x1  }
0x91: {  	s17 =	sld [smem:$0x3FFB];
	_ =	sdelay $0x3  }
0x92: {  	_ =	strace s17  }
0x93: {  	s2 =	sld [smem:$0x3FFC];
	_ =	sdelay $0x3  }
0x94: {  	_ =	strace s2  }
0x95: {  	s2 =	sld [smem:$0x3FFD];
	_ =	sdelay $0x3  }
0x96: {  	_ =	strace s2  }
0x97: {  	_ =	strace $0x8FFFFFFF  }
0x98: {  	s18 =	sld [smem:$0x3FDB];
	_ =	sdelay $0x1  }
0x99: {  	s19 =	simm.s32 $_scs_section_size  }
0x9a: {  	s4 =	simm.s32 $_size__tile_overlayer_lowered;
	s5 =	simm.s32 $_tile_overlayer_lowered  }
0x9b: {  	s22 =	simm.s32 $0x1BFF;
	s21 =	sshll.u32 s5, $0x1;
	s2 =	sadd.s32 s19, s18  }
0x9c: {  	s6 =	simm.s32 $0x0;
	s20 =	sshll.u32 s4, $0x1;
	s4 =	sadd.s32 s21, s2  }
0x9d: {  	[timem:s6], [sflag:s22] =	dma.local [hbm:s4], s20  }
0x9e: {  	_ =	swait.ge [sflag:s22], s20  }
0x9f: {  	s3 =	ssub.s32 $0x0, s20;
	[sflag:s22] =	ssyncset.done $0x0  }
0xa0: {  	[sflag:s22] =	ssyncadd.s32 s3;
	_ =	sdelay $0x1  }
0xa1: {  	s23 =	simm.s32 $0x1B8B  }
0xa2: {  	_ =	swait.ge [sflag:s23], $0x1  }
0xa3: {  	[sflag:s23] =	ssyncset.done $0x0  }
0xa4: {  	s25 =	simm.s32 $0x1B8E;
	s24 =	sld [smem:$0x3FFE];
	[sflag:s23] =	ssyncadd.s32 $0xFFFFFFFF  }
0xa5: {  	s26 =	simm.s32 $execute0_lowered;
	[smem:$0x3FD2] =	sst s25  }
0xa6: {  	s4 =	sshll.u32 s26, $0x1;
	_ =	strace $0x80000061;
	[dreg:$0x1] =	wrdreg $0xFFFFFFFF  }
0xa7: {  	s28 =	simm.s32 $_size_execute0_lowered;
	s2 =	sadd.s32 s2, s4;
	[dreg:$0x0] =	wrdreg $0x0  }
0xa8: {  	s4 =	sshll.u32 s28, $0x1;
	[dreg:$0x2] =	wrdreg s2  }
0xa9: {  	[dreg:$0x3] =	wrdreg s4  }
0xaa: {  	[dreg:$0x4] =	wrdreg $0xC0  }
0xab: {  	_ =	task [dreg:s6], $0x5FFFF  }
0xac: {  	[dreg:$0x1] =	wrdreg $0xFFFFFFFF  }
0xad: {  	[dreg:$0x0] =	wrdreg $0x60  }
0xae: {  	[dreg:$0x2] =	wrdreg s24  }
0xaf: {  	[dreg:$0x3] =	wrdreg $0x9  }
0xb0: {  	_ =	task.clear_ibuf [dreg:s6], $0x4FFFF;
	_ =	strace $0x90000061  }
0xb1: {  	s29 =	simm.s32 $0x9;
	_ =	strace $0x80000063  }
0xb2: {  	_ =	swait.ge [sflag:s29], $0x1  }
0xb3: {  	[sflag:s29] =	ssyncadd.s32 $0xFFFFFFFF  }
0xb4: {  	_ =	strace $0x90000063  }
0xb5: {  	_ =	sfence  }
0xb6: {  	s30 =	sld [smem:$0x0];
	_ =	sdelay $0x2  }
0xb7: {  	s31 =	sshll.u32 s1, $0xD;
	s1 =	sshrl.u32 s1, $0x2  }
0xb8: {  	s3 =	sand.u32 $0x4000, s31;
	s1 =	sadd.s32 s1, s30  }
0xb9: {  	s0 =	sor.u32 s3, s0;
	s1 =	sshll.u32 s1, $0x11  }
0xba: {  	s0 =	sor.u32 s1, s0  }
0xbb: {  	s0 =	sadd.s32 $0x8F2B, s0  }
0xbc: {  	[sflag:s0] =	ssyncadd.remote.s32 $0x1  }
0xbd: {  	_ =	sfence.sel $0xFFFF  }
0xbe: {  	[dreg:$0x0] =	wrdreg $0xFFFFFFFF;
	(pc) =	sbr.abs _section_cstart, $3  }
0xbf: {  	[dreg:$0x1] =	wrdreg $0xFFFFFFFF  }
0xc0: {  	_ =	task.clear_ibuf [dreg:s6], $0x2FFFF;
	_ =	strace $0x9FFFFFFF  }
0xc1: {  	(tm) =	ssettm $0x7FFFFFFF  }
tec
execute0_lowered:
.L_overlay_start_1:
0x0: {  	(tag) =	ssettag $0x1  }
0x1: {  	s1 =	srdreg.scid  }
0x2: {  	s0 =	stileid.u32;
	s8 =	rddreg [dreg:$0x0];
	s5 =	simm.s32 $0x1  }
0x3: {  	s9 =	simm.s32 $0x1;
	s10 =	simm.s32 $0x3;
	s1 =	sshll.u32 s1, $0x5  }
0x4: {  	s13 =	simm.s32 $0x0;
	s2 =	sshll.u32 s0, $0x6;
	s3 =	sand.u32 $0x20, s1  }
0x5: {  	s12 =	simm.s32 $0x0;
	s4 =	sadd.s32 $0x38A00, s8;
	s2 =	sor.u32 s2, s3  }
0x6: {  	s1 =	rddreg [dreg:$0x1];
	_ =	strace $0x80000062;
	s7 =	ssub.s32 $0xC40, s2  }
.Ltmp0:
0x7: {  	s3 =	sadd.s32 $0x2C400, s8;
	s6 =	sand.u32 $0x3E0, s7;
	(pc) =	sbr.rel .LBB2_1-.Ltmp0, $4  }
0x8: {  	[sflag:s5] =	ssyncpa.u1 $0x0;
	s8 =	sadd.s32 $0x2B600, s8;
	p0 =	sne.s32 s6, $0x0  }
0x9: {  	s7 =	sshrl.u32 s7, $0xA;
	s6 =	simm.s32 $0x2;
	s9 =	simm.s32 @!p0 $0x0  }
0xa: {  	s11 =	smov.u32 s2;
	[sflag:s6] =	ssyncpa.u1 $0x0;
	s7 =	sadd.s32 s9, s7  }
0xb: {  	vm0 =	vmmov $0xffff;
	[sflag:s10] =	ssyncpa.u1 $0x0;
	s10 =	simm.s32 $0x0;
	s9 =	sadd.s32 $0x1, s7  }
.LBB2_5:
0xc: {  	s15 =	sadd.s32 $0x400, s11  }
0xd: {  	p1 =	sgt.s32 s15, $0xC3F  }
0xe: {  	s15 =	smov.u32 @p1 s2;
	p1 =	sne.s32 s12, s9  }
.Ltmp1:
0xf: {  	p0 =	slt.u32 s12, $0x2;
	(pc) =	sbr.rel @!p1 .LBB2_6-.Ltmp1, $4  }
0x10: {  	s14 =	simm.s32 @!p0 $0x3  }
0x11: {  	_ =	swait.ge @!p0 [sflag:s14], $0x20  }
0x12: {  	s16 =	sadd.s32 $0x1, s12;
	s13 =	smov.u32 s11;
	[sflag:s14] =	ssyncset.done @!p0 $0x0  }
0x13: {  	s12 =	smov.u32 s16;
	s11 =	smov.u32 s15;
	[sflag:s14] =	ssyncadd.s32 @!p0 $0xFFFFFFE0  }
.LBB2_1:
0x14: {  	p0 =	sge.u32 s12, s7  }
0x15: {  	s14 =	sxor.u32 @!p0 $0xFFFFFFFF, s12  }
0x16: {  	s31 =	sadd.s32 $0xFFFFFFFF, s12;
	s15 =	sshrl.u32 @!p0 s11, $0x3;
	s14 =	sshll.u32 @!p0 s14, $0x5  }
0x17: {  	s16 =	sand.u32 @!p0 $0x7, s11;
	s15 =	sadd.s32 @!p0 s4, s15;
	s14 =	sand.u32 @!p0 $0x20, s14  }
0x18: {  	[tilespmem:s14], [sflag:$0x2] =	stream.linear.gather @!p0 [hbm4b:s15+s16], $0x20, $0x38;
	[tilespmem:$0x80] =	vst v63  }
0x19: {  	p0 =	sge.u32 s31, s7  }
.Ltmp2:
0x1a: {  	_ = 	snop;
	(pc) =	sbr.rel @p0 .LBB2_5-.Ltmp2, $1  }
0x1b: {  	_ =	sdelay $0x3  }
0x1c: {  	_ =	swait.ge [sflag:s6], $0x20;
	s14 =	sshll.u32 s12, $0x5;
	s16 =	simm.s32 $0x0  }
0x1d: {  	p0 =	por $0x1, $0x1;
	[sflag:s6] =	ssyncset.done $0x0;
	s15 =	sand.u32 $0x20, s14  }
0x1e: {  	[sflag:s6] =	ssyncadd.s32 $0xFFFFFFE0;
	(ifvalue) =	ssetifvalue $0x7FFFFFFF;
	s14 =	sor.u32 $0x40, s15  }
.LBB2_3:
0x1f: {  	s17 =	sadd.s32 s16, s15  }
0x20: {  	v0 =	vld.msk [tilespmem:s17+$0x0 ss:$0x1], $0xffff;
	_ =	sdelay $0x4  }
0x21: {  	v1 =	vshrl.u32 v0, $0xC;
	v2 =	vshll.u32 v0, $0x7  }
0x22: {  	vm1 =	veq.s32 v0, $0x80000000;
	v61 =	vand.u32 $0x7, v1;
	v62 =	vand.u32 $0x7FF80, v2  }
0x23: {  	v0 =	vsel vm1, $0xFFFFFFFF, v61;
	v1 =	vsel vm1, $0xFFFFFF80, v62  }
0x24: {  	v63 =	vand.u32 $0xFFFFFC00, v1;
	v3 =	vand.u32 $0xFFFFFC00, v0  }
0x25: {  	v1 =	vand.u32 $0x380, v1;
	v2 =	vadd.s32 v3, v63  }
0x26: {  	v0 =	vand.u32 $0x7F, v0;
	v1 =	vor.u32 v1, v2  }
0x27: {  	p1 =	por p0, p0;
	v0 =	vor.u32 v0, v1  }
.Ltmp3:
0x28: {  	_ = 	snop;
	(pc) =	sbr.rel @p1 .LBB2_3-.Ltmp3, $4  }
0x29: {  	_ = 	snop  }
0x2a: {  	s31 =	sadd.s32 s16, s14  }
0x2b: {  	s16 =	simm.s32 $0x10;
	p0 =	por $0x0, $0x0;
	(ifvalue) =	ssetifvalue $0x7FFFFFFF  }
0x2c: {  	[tilespmem:s31], [sflag:$0x1] =	stream.indirect_vreg.gather [hbm4b:s3+s10], $0x1, v0, vm0, $0x4038;
	[tilespmem:$0x80] =	vst v63  }
.Ltmp4:
0x2d: {  	(pc) =	sbr.rel .LBB2_5-.Ltmp4, $4  }
0x2e: {  	_ =	swait.ge [sflag:s5], $0x20  }
0x2f: {  	s15 =	sshrl.u32 s13, $0x3;
	[sflag:s5] =	ssyncset.done $0x0  }
0x30: {  	s31 =	sand.u32 $0x7, s13;
	s15 =	sadd.s32 s8, s15;
	[sflag:s5] =	ssyncadd.s32 $0xFFFFFFE0  }
0x31: {  	[hbm4b:s15+s31] =	stream.linear.scatter [tilespmem:s14], [sflag:$0x3], $0x20, $0x38;
	[tilespmem:$0x80] =	vst v63  }
.LBB2_6:
0x32: {  	_ =	sfence.sel $0x180000  }
0x33: {  	s2 =	simm.s32 $0x2;
	[bflag:$0x0] =	sbarrier.arrive $0xFFFF  }
0x34: {  	s30 =	simm.s32 $0x3;
	[sflag:s2] =	ssyncpa.u1 $0x1  }
0x35: {  	s31 =	simm.s32 $0x1;
	[sflag:s30] =	ssyncpa.u1 $0x1  }
0x36: {  	[sflag:s31] =	ssyncpa.u1 $0x1  }
0x37: {  	p0 =	sne.s32 s0, $0x0;
	_ =	strace $0x90000062  }
0x38: {  	s0 =	sadd.s32 @!p0 $0x100000, s1;
	[bflag:$0x2] =	sbarrier.arrive $0xFFFF  }
0x39: {  	[sflag:s0] =	ssyncadd.tile.s32 @!p0 $0x1;
	_ =	shalt  }
.Lfunc_end2:
_tile_overlayer_lowered:
.L_overlay_start_2:
0x3a: {  	(tag) =	ssettag $0x2  }
0x3b: {  	s0 =	rddreg [dreg:$0x0];
	s2 =	stileid.u32  }
0x3c: {  	s1 =	rddreg [dreg:$0x1];
	p0 =	sne.s32 s2, $0x0  }
0x3d: {  	s3 =	rddreg [dreg:$0x2];
	[bflag:$0x3] =	sbarrier.arrive $0xFFFF;
	s2 =	simm.s32 @!p0 $0x1C01  }
0x3e: {  	[timem:s3], [sflag:s2] =	dma.local @!p0 [hbm:s0], s1  }
0x3f: {  	s0 =	simm.s32 @!p0 $0x1  }
0x40: {  	_ =	swait.ge @!p0 [sflag:s0], s1  }
0x41: {  	s1 =	ssub.s32 @!p0 $0x0, s1;
	[sflag:s0] =	ssyncset.done @!p0 $0x0  }
0x42: {  	[sflag:s0] =	ssyncadd.s32 @!p0 s1  }
0x43: {  	[bflag:$0x3] =	sbarrier.arrive $0xFFFF  }
0x44: {  	_ =	shalt  }

// kernel: gather_offload_async_start.1
scs
__scs_entry_jumppad:
0x0: {  	(pc) =	sbr.rel $0x88, $3  }
0x1: {  	(tag) =	ssettag $0x0;
	lr =	simm.s32 $0x1  }
0x2: {  	[smem:$0x3F8B] =	sst lr;
	_ =	strace $0xD0000000  }
0x3: {  	_ = 	snop  }
0x4: {  	_ = 	snop  }
0x5: {  	_ = 	snop  }
0x6: {  	_ = 	snop  }
0x7: {  	_ = 	snop  }
__scs_overlays_trampoline_lowered:
0x8: {  	[smem:$0x3F9A] =	sst s0  }
0x9: {  	[smem:$0x3F9B] =	sst s1  }
0xa: {  	[smem:$0x3F9C] =	sst s2  }
0xb: {  	[smem:$0x3F9D] =	sst s3  }
0xc: {  	[smem:$0x3F9E] =	sst s4  }
0xd: {  	[smem:$0x3F9F] =	sst s5  }
0xe: {  	[smem:$0x3FA0] =	sst s6  }
0xf: {  	[smem:$0x3FA1] =	sst s7  }
0x10: {  	[smem:$0x3FA2] =	sst s8  }
0x11: {  	[smem:$0x3FA3] =	sst s9;
	s0 =	simm.s32 @!p0 $0x0  }
0x12: {  	s1 =	sld [smem:$0x3F89];
	s0 =	simm.s32 @p0 $0x1  }
0x13: {  	[smem:$0x3FA4] =	sst s0;
	s0 =	simm.s32 @!p1 $0x0  }
0x14: {  	s2 =	sld [smem:$0x3F88];
	s0 =	simm.s32 @p1 $0x1  }
0x15: {  	[smem:$0x3FA5] =	sst s0;
	s0 =	simm.s32 @!p2 $0x0  }
0x16: {  	s3 =	sld [smem:$0x3FDB];
	s0 =	simm.s32 @p2 $0x1  }
0x17: {  	s4 =	simm.s32 $0x1BF5;
	[smem:$0x3FA7] =	sst s0  }
0x18: {  	s0 =	sld [smem:$0x3F8A];
	_ =	swait.ge [sflag:s4], $0x0  }
0x19: {  	s7 =	sld [smem:$0x3F8B]  }
0x1a: {  	s8 =	sadd.s32 $0xFFFFE003, lr  }
0x1b: {  	s9 =	sadd.s32 $0xFFFFFEF7, lr;
	s5 =	simm.s32 $0xFFFFFFFF;
	p2 =	slt.u32 s8, $0xFFFFF086  }
0x1c: {  	p1 =	slt.u32 s9, $0xF7A;
	s5 =	simm.s32 @!p2 $0x0  }
0x1d: {  	s5 =	simm.s32 @p1 $0x1;
	p0 =	seq.s32 s7, s2  }
0x1e: {  	s7 =	smul.u32 @!p0 $0xF7A, s2;
	p2 =	seq.s32 @!p0 s5, $0x0  }
0x1f: {  	s9 =	smul.u32 $0xF7A, s1;
	s8 =	simm.s32 @!p0 $0x1BF5;
	p2 =	por !p2, p0  }
0x20: {  	[sflag:s8] =	ssyncset.s32 @!p0 $0xFFFFF086;
	s6 =	sadd.s32 @!p0 s3, s7;
	s7 =	simm.s32 @!p0 $0x108  }
0x21: {  	s3 =	sadd.s32 s3, s9;
	s6 =	sadd.s32 @!p0 $0x88, s6;
	s7 =	simm.s32 @p2 $0x1082  }
0x22: {  	[simem:s7], [sflag:s8] =	dma.local @!p0 [hbm:s6], $0xF7A  }
0x23: {  	s9 =	sor.u32 $0xD0000000, s2;
	s6 =	simm.s32 $0x108;
	_ =	swait.ge @!p0 [sflag:s8], $0x0  }
0x24: {  	s3 =	sadd.s32 $0x88, s3;
	s6 =	simm.s32 @!p1 $0x1082;
	[sflag:s4] =	ssyncset.s32 $0xFFFFF086  }
0x25: {  	[simem:s6], [sflag:s4] =	dma.local [hbm:s3], $0xF7A  }
0x26: {  	[smem:$0x3F8B] =	sst s1;
	(tag) =	ssettag s2;
	_ =	strace s9  }
0x27: {  	s1 =	sld [smem:$0x3F9B]  }
0x28: {  	s2 =	sld [smem:$0x3F9C]  }
0x29: {  	s4 =	sld [smem:$0x3F9E]  }
0x2a: {  	p0 =	seq.s32 s5, $0x0;
	s5 =	sld [smem:$0x3F9F]  }
0x2b: {  	s6 =	sld [smem:$0x3FA0]  }
0x2c: {  	s7 =	sld [smem:$0x3FA1]  }
0x2d: {  	s3 =	simm.s32 $0x108;
	s8 =	sld [smem:$0x3FA2]  }
0x2e: {  	s3 =	simm.s32 @!p0 $0x1082;
	s9 =	sld [smem:$0x3FA3]  }
0x2f: {  	lr =	sadd.s32 s0, s3;
	s0 =	sld [smem:$0x3F9A]  }
0x30: {  	s3 =	sld [smem:$0x3F9D]  }
0x31: {  	[smem:$0x3FA6] =	sst s10  }
0x32: {  	s10 =	sld [smem:$0x3FA4];
	_ =	sdelay $0x3  }
0x33: {  	p0 =	seq.s32 s10, $0x1;
	s10 =	sld [smem:$0x3FA6];
	_ =	sdelay $0x3  }
0x34: {  	[smem:$0x3FA6] =	sst s10  }
0x35: {  	s10 =	sld [smem:$0x3FA5];
	_ =	sdelay $0x3  }
0x36: {  	p1 =	seq.s32 s10, $0x1;
	s10 =	sld [smem:$0x3FA6];
	_ =	sdelay $0x3  }
0x37: {  	[smem:$0x3FA6] =	sst s10  }
0x38: {  	s10 =	sld [smem:$0x3FA7]  }
0x39: {  	_ = 	snop;
	(pc) =	sbr.ind lr, $3  }
0x3a: {  	_ = 	snop  }
0x3b: {  	_ = 	snop  }
0x3c: {  	p2 =	seq.s32 s10, $0x1;
	s10 =	sld [smem:$0x3FA6]  }
0x3d: {  	_ =	shalt  }
0x3e: {  	_ =	shalt  }
0x3f: {  	_ =	shalt  }
0x40: {  	_ =	shalt  }
0x41: {  	_ =	shalt  }
0x42: {  	_ =	shalt  }
0x43: {  	_ =	shalt  }
0x44: {  	_ =	shalt  }
0x45: {  	_ =	shalt  }
0x46: {  	_ =	shalt  }
0x47: {  	_ =	shalt  }
0x48: {  	_ =	shalt  }
0x49: {  	_ =	shalt  }
0x4a: {  	_ =	shalt  }
0x4b: {  	_ =	shalt  }
0x4c: {  	_ =	shalt  }
0x4d: {  	_ =	shalt  }
0x4e: {  	_ =	shalt  }
0x4f: {  	_ =	shalt  }
0x50: {  	_ =	shalt  }
0x51: {  	_ =	shalt  }
0x52: {  	_ =	shalt  }
0x53: {  	_ =	shalt  }
0x54: {  	_ =	shalt  }
0x55: {  	_ =	shalt  }
0x56: {  	_ =	shalt  }
0x57: {  	_ =	shalt  }
0x58: {  	_ =	shalt  }
0x59: {  	_ =	shalt  }
0x5a: {  	_ =	shalt  }
0x5b: {  	_ =	shalt  }
0x5c: {  	_ =	shalt  }
0x5d: {  	_ =	shalt  }
0x5e: {  	_ =	shalt  }
0x5f: {  	_ =	shalt  }
0x60: {  	_ =	shalt  }
0x61: {  	_ =	shalt  }
0x62: {  	_ =	shalt  }
0x63: {  	_ =	shalt  }
0x64: {  	_ =	shalt  }
0x65: {  	_ =	shalt  }
0x66: {  	_ =	shalt  }
0x67: {  	_ =	shalt  }
0x68: {  	_ =	shalt  }
0x69: {  	_ =	shalt  }
0x6a: {  	_ =	shalt  }
0x6b: {  	_ =	shalt  }
0x6c: {  	_ =	shalt  }
0x6d: {  	_ =	shalt  }
0x6e: {  	_ =	shalt  }
0x6f: {  	_ =	shalt  }
0x70: {  	_ =	shalt  }
0x71: {  	_ =	shalt  }
0x72: {  	_ =	shalt  }
0x73: {  	_ =	shalt  }
0x74: {  	_ =	shalt  }
0x75: {  	_ =	shalt  }
0x76: {  	_ =	shalt  }
0x77: {  	_ =	shalt  }
0x78: {  	_ =	shalt  }
0x79: {  	_ =	shalt  }
0x7a: {  	_ =	shalt  }
0x7b: {  	_ =	shalt  }
0x7c: {  	_ =	shalt  }
0x7d: {  	_ =	shalt  }
0x7e: {  	_ =	shalt  }
0x7f: {  	_ =	shalt  }
0x80: {  	_ =	shalt  }
0x81: {  	_ =	shalt  }
0x82: {  	_ =	shalt  }
0x83: {  	_ =	shalt  }
0x84: {  	_ =	shalt  }
0x85: {  	_ =	shalt  }
0x86: {  	_ =	shalt  }
0x87: {  	_ =	shalt  }
.Lfunc_end0:
.L_simem_size_0:
called_computation.1_lowered:
.L_overlay_start_0:
0x88: {  	s2 =	sld [smem:$0x3FD9]  }
0x89: {  	s3 =	sld [smem:$0x3FFE];
	_ =	sdelay $0x1  }
0x8a: {  	s1 =	srdreg.scid  }
0x8b: {  	s0 =	sand.u32 $0x1, s1  }
0x8c: {  	s16 =	sshll.u32 s0, $0xA;
	s2 =	sadd.s32 s3, s2  }
0x8d: {  	s2 =	sadd.s32 s2, s16  }
0x8e: {  	[smem:$0x3FB2] =	sst s2  }
0x8f: {  	_ = 	snop  }
0x90: {  	(tm) =	ssettm $0x1  }
0x91: {  	s17 =	sld [smem:$0x3FFB];
	_ =	sdelay $0x3  }
0x92: {  	_ =	strace s17  }
0x93: {  	s2 =	sld [smem:$0x3FFC];
	_ =	sdelay $0x3  }
0x94: {  	_ =	strace s2  }
0x95: {  	s2 =	sld [smem:$0x3FFD];
	_ =	sdelay $0x3  }
0x96: {  	_ =	strace s2  }
0x97: {  	_ =	strace $0x8FFFFFFF  }
0x98: {  	s18 =	sld [smem:$0x3FDB];
	_ =	sdelay $0x1  }
0x99: {  	s19 =	simm.s32 $_scs_section_size  }
0x9a: {  	s4 =	simm.s32 $_size__tile_overlayer_lowered;
	s5 =	simm.s32 $_tile_overlayer_lowered  }
0x9b: {  	s22 =	simm.s32 $0x1BFF;
	s21 =	sshll.u32 s5, $0x1;
	s2 =	sadd.s32 s19, s18  }
0x9c: {  	s6 =	simm.s32 $0x0;
	s20 =	sshll.u32 s4, $0x1;
	s4 =	sadd.s32 s21, s2  }
0x9d: {  	[timem:s6], [sflag:s22] =	dma.local [hbm:s4], s20  }
0x9e: {  	_ =	swait.ge [sflag:s22], s20  }
0x9f: {  	s3 =	ssub.s32 $0x0, s20;
	[sflag:s22] =	ssyncset.done $0x0  }
0xa0: {  	[sflag:s22] =	ssyncadd.s32 s3;
	_ =	sdelay $0x1  }
0xa1: {  	s23 =	simm.s32 $0x1B8B  }
0xa2: {  	_ =	swait.ge [sflag:s23], $0x1  }
0xa3: {  	[sflag:s23] =	ssyncset.done $0x0  }
0xa4: {  	s25 =	simm.s32 $0x1B8E;
	s24 =	sld [smem:$0x3FFE];
	[sflag:s23] =	ssyncadd.s32 $0xFFFFFFFF  }
0xa5: {  	s26 =	simm.s32 $execute0_lowered;
	[smem:$0x3FD2] =	sst s25  }
0xa6: {  	s4 =	sshll.u32 s26, $0x1;
	_ =	strace $0x8000004C;
	[dreg:$0x1] =	wrdreg $0xFFFFFFFF  }
0xa7: {  	s28 =	simm.s32 $_size_execute0_lowered;
	s2 =	sadd.s32 s2, s4;
	[dreg:$0x0] =	wrdreg $0x0  }
0xa8: {  	s4 =	sshll.u32 s28, $0x1;
	[dreg:$0x2] =	wrdreg s2  }
0xa9: {  	[dreg:$0x3] =	wrdreg s4  }
0xaa: {  	[dreg:$0x4] =	wrdreg $0xC0  }
0xab: {  	_ =	task [dreg:s6], $0x5FFFF  }
0xac: {  	[dreg:$0x1] =	wrdreg $0xFFFFFFFF  }
0xad: {  	[dreg:$0x0] =	wrdreg $0x60  }
0xae: {  	[dreg:$0x2] =	wrdreg s24  }
0xaf: {  	[dreg:$0x3] =	wrdreg $0x9  }
0xb0: {  	_ =	task.clear_ibuf [dreg:s6], $0x4FFFF;
	_ =	strace $0x9000004C  }
0xb1: {  	s29 =	simm.s32 $0x9;
	_ =	strace $0x8000004E  }
0xb2: {  	_ =	swait.ge [sflag:s29], $0x1  }
0xb3: {  	[sflag:s29] =	ssyncadd.s32 $0xFFFFFFFF  }
0xb4: {  	_ =	strace $0x9000004E  }
0xb5: {  	_ =	sfence  }
0xb6: {  	s30 =	sld [smem:$0x0];
	_ =	sdelay $0x2  }
0xb7: {  	s31 =	sshll.u32 s1, $0xD;
	s1 =	sshrl.u32 s1, $0x2  }
0xb8: {  	s3 =	sand.u32 $0x4000, s31;
	s1 =	sadd.s32 s1, s30  }
0xb9: {  	s0 =	sor.u32 s3, s0;
	s1 =	sshll.u32 s1, $0x11  }
0xba: {  	s0 =	sor.u32 s1, s0  }
0xbb: {  	s0 =	sadd.s32 $0x8F2B, s0  }
0xbc: {  	[sflag:s0] =	ssyncadd.remote.s32 $0x1  }
0xbd: {  	_ =	sfence.sel $0xFFFF  }
0xbe: {  	[dreg:$0x0] =	wrdreg $0xFFFFFFFF;
	(pc) =	sbr.abs _section_cstart, $3  }
0xbf: {  	[dreg:$0x1] =	wrdreg $0xFFFFFFFF  }
0xc0: {  	_ =	task.clear_ibuf [dreg:s6], $0x2FFFF;
	_ =	strace $0x9FFFFFFF  }
0xc1: {  	(tm) =	ssettm $0x7FFFFFFF  }
tec
execute0_lowered:
.L_overlay_start_1:
0x0: {  	(tag) =	ssettag $0x1  }
0x1: {  	s8 =	rddreg [dreg:$0x0]  }
0x2: {  	s0 =	rddreg [dreg:$0x1];
	_ =	strace $0x8000004D;
	s1 =	stileid.u32  }
0x3: {  	s3 =	srdreg.scid;
	s4 =	simm.s32 $0x1;
	s7 =	simm.s32 $0x1  }
0x4: {  	s9 =	simm.s32 $0x1;
	s10 =	simm.s32 $0x3;
	s13 =	simm.s32 $0x0  }
0x5: {  	s12 =	simm.s32 $0x0;
	s5 =	sand.u32 $0x1, s3;
	s6 =	sshll.u32 s1, $0x1  }
0x6: {  	s2 =	sadd.s32 $0x27000, s8;
	s3 =	sadd.s32 $0x25E00, s8;
	s5 =	sor.u32 s6, s5  }
.Ltmp0:
0x7: {  	[sflag:s4] =	ssyncpa.u1 $0x0;
	p0 =	slt.u32 s5, $0xD;
	(pc) =	sbr.rel .LBB2_1-.Ltmp0, $4  }
0x8: {  	s6 =	simm.s32 $0x2;
	s7 =	simm.s32 @!p0 $0x0;
	p0 =	sne.s32 s5, $0xC  }
0x9: {  	[sflag:s6] =	ssyncpa.u1 $0x0;
	s5 =	smul.u32 $0x60, s5;
	s9 =	simm.s32 @!p0 $0x0  }
0xa: {  	s8 =	sadd.s32 $0x2B000, s8;
	[sflag:s10] =	ssyncpa.u1 $0x0;
	s7 =	sadd.s32 s9, s7  }
0xb: {  	vm0 =	vmmov $0xffff;
	s10 =	simm.s32 $0x0;
	s11 =	smov.u32 s5;
	s9 =	sadd.s32 $0x1, s7  }
.LBB2_4:
0xc: {  	v2 =	vnsel vm1, $0x0, v2  }
0xd: {  	vm1 =	vgt.s32 v0, $0x0;
	v2 =	vmin.u32 v2, $0xC3F  }
0xe: {  	v0 =	vnsel vm1, $0x0, v0  }
0xf: {  	v0 =	vmin.u32 v0, $0xC3F  }
0x10: {  	[tilespmem:s18], [sflag:$0x1] =	stream.indirect_vreg.gather [hbm4b:s2+s10], $0x1, v1, vm0, $0x4038;
	[tilespmem:$0x180] =	vst v63  }
0x11: {  	(ifvalue) =	ssetifvalue $0x7FFFFFFF  }
0x12: {  	[tilespmem:s15], [sflag:$0x1] =	stream.indirect_vreg.gather [hbm4b:s2+s10], $0x1, v2, vm0, $0x4038;
	[tilespmem:$0x180] =	vst v63  }
0x13: {  	s29 =	sadd.s32 $0x10, s15;
	(ifvalue) =	ssetifvalue $0x7FFFFFFF  }
0x14: {  	[tilespmem:s29], [sflag:$0x1] =	stream.indirect_vreg.gather [hbm4b:s2+s10], $0x1, v0, vm0, $0x4038;
	[tilespmem:$0x180] =	vst v63  }
0x15: {  	_ =	swait.ge [sflag:s4], $0x60  }
0x16: {  	s30 =	sshrl.u32 s13, $0x3;
	[sflag:s4] =	ssyncset.done $0x0  }
0x17: {  	s31 =	sand.u32 $0x7, s13;
	s15 =	sadd.s32 s8, s30;
	[sflag:s4] =	ssyncadd.s32 $0xFFFFFFA0  }
0x18: {  	[hbm4b:s15+s31] =	stream.linear.scatter [tilespmem:s14], [sflag:$0x3], $0x60, $0x38;
	[tilespmem:$0x180] =	vst v63  }
.LBB2_5:
0x19: {  	s15 =	sadd.s32 $0xC00, s11  }
0x1a: {  	p1 =	sgt.s32 s15, $0x107F  }
0x1b: {  	s15 =	smov.u32 @p1 s5;
	p1 =	sne.s32 s12, s9  }
.Ltmp1:
0x1c: {  	p0 =	slt.u32 s12, $0x2;
	(pc) =	sbr.rel @!p1 .LBB2_6-.Ltmp1, $4  }
0x1d: {  	s14 =	simm.s32 @!p0 $0x3  }
0x1e: {  	_ =	swait.ge @!p0 [sflag:s14], $0x60  }
0x1f: {  	s16 =	sadd.s32 $0x1, s12;
	s13 =	smov.u32 s11;
	[sflag:s14] =	ssyncset.done @!p0 $0x0  }
0x20: {  	s12 =	smov.u32 s16;
	s11 =	smov.u32 s15;
	[sflag:s14] =	ssyncadd.s32 @!p0 $0xFFFFFFA0  }
.LBB2_1:
0x21: {  	p0 =	sge.u32 s12, s7  }
0x22: {  	s14 =	sxor.u32 @!p0 $0x1, s12  }
0x23: {  	s14 =	smul.u32 @!p0 $0x180, s14  }
0x24: {  	s31 =	sadd.s32 $0xFFFFFFFF, s12;
	s15 =	sshrl.u32 @!p0 s11, $0x3  }
0x25: {  	s16 =	sand.u32 @!p0 $0x7, s11;
	s15 =	sadd.s32 @!p0 s3, s15;
	s14 =	sshra.s32 @!p0 s14, $0x2  }
0x26: {  	[tilespmem:s14], [sflag:$0x2] =	stream.linear.gather @!p0 [hbm4b:s15+s16], $0x60, $0x38;
	[tilespmem:$0x180] =	vst v63  }
0x27: {  	p0 =	sge.u32 s31, s7  }
.Ltmp2:
0x28: {  	_ = 	snop;
	(pc) =	sbr.rel @p0 .LBB2_5-.Ltmp2, $1  }
0x29: {  	_ =	sdelay $0x3  }
0x2a: {  	s14 =	sand.u32 $0x1, s12  }
0x2b: {  	_ =	swait.ge [sflag:s6], $0x60;
	p0 =	seq.s32 s14, $0x1;
	s14 =	simm.s32 $0x60  }
0x2c: {  	[sflag:s6] =	ssyncset.done $0x0;
	s14 =	simm.s32 @!p0 $0x0  }
0x2d: {  	[sflag:s6] =	ssyncadd.s32 $0xFFFFFFA0;
	(ifvalue) =	ssetifvalue $0x7FFFFFFF;
	v0 =	vld.msk [tilespmem:s14+$0x0 ss:$0x1], $0xffff;
	_ =	sdelay $0x4  }
0x2e: {  	s15 =	sadd.s32 $0x10, s14;
	vm1 =	vgt.s32 v0, $0x0  }
0x2f: {  	v2 =	vld.msk [tilespmem:s15+$0x0 ss:$0x1], $0xffff;
	v1 =	vnsel vm1, $0x0, v0  }
0x30: {  	v1 =	vmin.u32 v1, $0xC3F;
	_ =	sdelay $0x2  }
0x31: {  	s17 =	simm.s32 $0x20;
	s14 =	sadd.s32 $0xC0, s14;
	s16 =	sadd.s32 $0x10, s15  }
0x32: {  	s15 =	sadd.s32 $0x10, s14;
	s18 =	smov.u32 s14;
	v0 =	vld.msk [tilespmem:s16+$0x0 ss:$0x1], $0xffff;
	vm1 =	vgt.s32 v2, $0x0;
	(ifvalue) =	ssetifvalue $0x7FFFFFFF  }
.LBB2_3:
0x33: {  	[tilespmem:s18], [sflag:$0x1] =	stream.indirect_vreg.gather [hbm4b:s2+s10], $0x1, v1, vm0, $0x4038;
	[tilespmem:$0x180] =	vst v63  }
0x34: {  	s17 =	sadd.s32 $0x10, s17  }
0x35: {  	v2 =	vnsel vm1, $0x0, v2;
	p0 =	slt.u32 s17, $0x50  }
.Ltmp3:
0x36: {  	s18 =	smov.u32 s15;
	v1 =	vmin.u32 v2, $0xC3F;
	(pc) =	sbr.rel @p0 .LBB2_3-.Ltmp3, $3  }
0x37: {  	_ =	sdelay $0x1  }
0x38: {  	s16 =	sadd.s32 $0x10, s16  }
0x39: {  	vm1 =	vgt.s32 v0, $0x0;
	s15 =	sadd.s32 $0x10, s15;
	v2 =	vmov v0;
	(ifvalue) =	ssetifvalue $0x7FFFFFFF;
	v0 =	vld.msk [tilespmem:s16+$0x0 ss:$0x1], $0xffff  }
.Ltmp4:
0x3a: {  	_ = 	snop;
	(pc) =	sbr.rel .LBB2_4-.Ltmp4, $1  }
0x3b: {  	_ =	sdelay $0x3  }
.LBB2_6:
0x3c: {  	_ =	sfence.sel $0x180000  }
0x3d: {  	s2 =	simm.s32 $0x2;
	[bflag:$0x0] =	sbarrier.arrive $0xFFFF  }
0x3e: {  	s30 =	simm.s32 $0x3;
	[sflag:s2] =	ssyncpa.u1 $0x1  }
0x3f: {  	s31 =	simm.s32 $0x1;
	[sflag:s30] =	ssyncpa.u1 $0x1  }
0x40: {  	[sflag:s31] =	ssyncpa.u1 $0x1  }
0x41: {  	p0 =	sne.s32 s1, $0x0;
	_ =	strace $0x9000004D  }
0x42: {  	s0 =	sadd.s32 @!p0 $0x100000, s0;
	[bflag:$0x2] =	sbarrier.arrive $0xFFFF  }
0x43: {  	[sflag:s0] =	ssyncadd.tile.s32 @!p0 $0x1;
	_ =	shalt  }
.Lfunc_end2:
_tile_overlayer_lowered:
.L_overlay_start_2:
0x44: {  	(tag) =	ssettag $0x2  }
0x45: {  	s0 =	rddreg [dreg:$0x0];
	s2 =	stileid.u32  }
0x46: {  	s1 =	rddreg [dreg:$0x1];
	p0 =	sne.s32 s2, $0x0  }
0x47: {  	s3 =	rddreg [dreg:$0x2];
	[bflag:$0x3] =	sbarrier.arrive $0xFFFF;
	s2 =	simm.s32 @!p0 $0x1C01  }
0x48: {  	[timem:s3], [sflag:s2] =	dma.local @!p0 [hbm:s0], s1  }
0x49: {  	s0 =	simm.s32 @!p0 $0x1  }
0x4a: {  	_ =	swait.ge @!p0 [sflag:s0], s1  }
0x4b: {  	s1 =	ssub.s32 @!p0 $0x0, s1;
	[sflag:s0] =	ssyncset.done @!p0 $0x0  }
0x4c: {  	[sflag:s0] =	ssyncadd.s32 @!p0 s1  }
0x4d: {  	[bflag:$0x3] =	sbarrier.arrive $0xFFFF  }
0x4e: {  	_ =	shalt  }

// kernel: gather_offload_async_start.2
scs
__scs_entry_jumppad:
0x0: {  	(pc) =	sbr.rel $0x88, $3  }
0x1: {  	(tag) =	ssettag $0x0;
	lr =	simm.s32 $0x1  }
0x2: {  	[smem:$0x3F8B] =	sst lr;
	_ =	strace $0xD0000000  }
0x3: {  	_ = 	snop  }
0x4: {  	_ = 	snop  }
0x5: {  	_ = 	snop  }
0x6: {  	_ = 	snop  }
0x7: {  	_ = 	snop  }
__scs_overlays_trampoline_lowered:
0x8: {  	[smem:$0x3F9A] =	sst s0  }
0x9: {  	[smem:$0x3F9B] =	sst s1  }
0xa: {  	[smem:$0x3F9C] =	sst s2  }
0xb: {  	[smem:$0x3F9D] =	sst s3  }
0xc: {  	[smem:$0x3F9E] =	sst s4  }
0xd: {  	[smem:$0x3F9F] =	sst s5  }
0xe: {  	[smem:$0x3FA0] =	sst s6  }
0xf: {  	[smem:$0x3FA1] =	sst s7  }
0x10: {  	[smem:$0x3FA2] =	sst s8  }
0x11: {  	[smem:$0x3FA3] =	sst s9;
	s0 =	simm.s32 @!p0 $0x0  }
0x12: {  	s1 =	sld [smem:$0x3F89];
	s0 =	simm.s32 @p0 $0x1  }
0x13: {  	[smem:$0x3FA4] =	sst s0;
	s0 =	simm.s32 @!p1 $0x0  }
0x14: {  	s2 =	sld [smem:$0x3F88];
	s0 =	simm.s32 @p1 $0x1  }
0x15: {  	[smem:$0x3FA5] =	sst s0;
	s0 =	simm.s32 @!p2 $0x0  }
0x16: {  	s3 =	sld [smem:$0x3FDB];
	s0 =	simm.s32 @p2 $0x1  }
0x17: {  	s4 =	simm.s32 $0x1BF5;
	[smem:$0x3FA7] =	sst s0  }
0x18: {  	s0 =	sld [smem:$0x3F8A];
	_ =	swait.ge [sflag:s4], $0x0  }
0x19: {  	s7 =	sld [smem:$0x3F8B]  }
0x1a: {  	s8 =	sadd.s32 $0xFFFFE003, lr  }
0x1b: {  	s9 =	sadd.s32 $0xFFFFFEF7, lr;
	s5 =	simm.s32 $0xFFFFFFFF;
	p2 =	slt.u32 s8, $0xFFFFF086  }
0x1c: {  	p1 =	slt.u32 s9, $0xF7A;
	s5 =	simm.s32 @!p2 $0x0  }
0x1d: {  	s5 =	simm.s32 @p1 $0x1;
	p0 =	seq.s32 s7, s2  }
0x1e: {  	s7 =	smul.u32 @!p0 $0xF7A, s2;
	p2 =	seq.s32 @!p0 s5, $0x0  }
0x1f: {  	s9 =	smul.u32 $0xF7A, s1;
	s8 =	simm.s32 @!p0 $0x1BF5;
	p2 =	por !p2, p0  }
0x20: {  	[sflag:s8] =	ssyncset.s32 @!p0 $0xFFFFF086;
	s6 =	sadd.s32 @!p0 s3, s7;
	s7 =	simm.s32 @!p0 $0x108  }
0x21: {  	s3 =	sadd.s32 s3, s9;
	s6 =	sadd.s32 @!p0 $0x88, s6;
	s7 =	simm.s32 @p2 $0x1082  }
0x22: {  	[simem:s7], [sflag:s8] =	dma.local @!p0 [hbm:s6], $0xF7A  }
0x23: {  	s9 =	sor.u32 $0xD0000000, s2;
	s6 =	simm.s32 $0x108;
	_ =	swait.ge @!p0 [sflag:s8], $0x0  }
0x24: {  	s3 =	sadd.s32 $0x88, s3;
	s6 =	simm.s32 @!p1 $0x1082;
	[sflag:s4] =	ssyncset.s32 $0xFFFFF086  }
0x25: {  	[simem:s6], [sflag:s4] =	dma.local [hbm:s3], $0xF7A  }
0x26: {  	[smem:$0x3F8B] =	sst s1;
	(tag) =	ssettag s2;
	_ =	strace s9  }
0x27: {  	s1 =	sld [smem:$0x3F9B]  }
0x28: {  	s2 =	sld [smem:$0x3F9C]  }
0x29: {  	s4 =	sld [smem:$0x3F9E]  }
0x2a: {  	p0 =	seq.s32 s5, $0x0;
	s5 =	sld [smem:$0x3F9F]  }
0x2b: {  	s6 =	sld [smem:$0x3FA0]  }
0x2c: {  	s7 =	sld [smem:$0x3FA1]  }
0x2d: {  	s3 =	simm.s32 $0x108;
	s8 =	sld [smem:$0x3FA2]  }
0x2e: {  	s3 =	simm.s32 @!p0 $0x1082;
	s9 =	sld [smem:$0x3FA3]  }
0x2f: {  	lr =	sadd.s32 s0, s3;
	s0 =	sld [smem:$0x3F9A]  }
0x30: {  	s3 =	sld [smem:$0x3F9D]  }
0x31: {  	[smem:$0x3FA6] =	sst s10  }
0x32: {  	s10 =	sld [smem:$0x3FA4];
	_ =	sdelay $0x3  }
0x33: {  	p0 =	seq.s32 s10, $0x1;
	s10 =	sld [smem:$0x3FA6];
	_ =	sdelay $0x3  }
0x34: {  	[smem:$0x3FA6] =	sst s10  }
0x35: {  	s10 =	sld [smem:$0x3FA5];
	_ =	sdelay $0x3  }
0x36: {  	p1 =	seq.s32 s10, $0x1;
	s10 =	sld [smem:$0x3FA6];
	_ =	sdelay $0x3  }
0x37: {  	[smem:$0x3FA6] =	sst s10  }
0x38: {  	s10 =	sld [smem:$0x3FA7]  }
0x39: {  	_ = 	snop;
	(pc) =	sbr.ind lr, $3  }
0x3a: {  	_ = 	snop  }
0x3b: {  	_ = 	snop  }
0x3c: {  	p2 =	seq.s32 s10, $0x1;
	s10 =	sld [smem:$0x3FA6]  }
0x3d: {  	_ =	shalt  }
0x3e: {  	_ =	shalt  }
0x3f: {  	_ =	shalt  }
0x40: {  	_ =	shalt  }
0x41: {  	_ =	shalt  }
0x42: {  	_ =	shalt  }
0x43: {  	_ =	shalt  }
0x44: {  	_ =	shalt  }
0x45: {  	_ =	shalt  }
0x46: {  	_ =	shalt  }
0x47: {  	_ =	shalt  }
0x48: {  	_ =	shalt  }
0x49: {  	_ =	shalt  }
0x4a: {  	_ =	shalt  }
0x4b: {  	_ =	shalt  }
0x4c: {  	_ =	shalt  }
0x4d: {  	_ =	shalt  }
0x4e: {  	_ =	shalt  }
0x4f: {  	_ =	shalt  }
0x50: {  	_ =	shalt  }
0x51: {  	_ =	shalt  }
0x52: {  	_ =	shalt  }
0x53: {  	_ =	shalt  }
0x54: {  	_ =	shalt  }
0x55: {  	_ =	shalt  }
0x56: {  	_ =	shalt  }
0x57: {  	_ =	shalt  }
0x58: {  	_ =	shalt  }
0x59: {  	_ =	shalt  }
0x5a: {  	_ =	shalt  }
0x5b: {  	_ =	shalt  }
0x5c: {  	_ =	shalt  }
0x5d: {  	_ =	shalt  }
0x5e: {  	_ =	shalt  }
0x5f: {  	_ =	shalt  }
0x60: {  	_ =	shalt  }
0x61: {  	_ =	shalt  }
0x62: {  	_ =	shalt  }
0x63: {  	_ =	shalt  }
0x64: {  	_ =	shalt  }
0x65: {  	_ =	shalt  }
0x66: {  	_ =	shalt  }
0x67: {  	_ =	shalt  }
0x68: {  	_ =	shalt  }
0x69: {  	_ =	shalt  }
0x6a: {  	_ =	shalt  }
0x6b: {  	_ =	shalt  }
0x6c: {  	_ =	shalt  }
0x6d: {  	_ =	shalt  }
0x6e: {  	_ =	shalt  }
0x6f: {  	_ =	shalt  }
0x70: {  	_ =	shalt  }
0x71: {  	_ =	shalt  }
0x72: {  	_ =	shalt  }
0x73: {  	_ =	shalt  }
0x74: {  	_ =	shalt  }
0x75: {  	_ =	shalt  }
0x76: {  	_ =	shalt  }
0x77: {  	_ =	shalt  }
0x78: {  	_ =	shalt  }
0x79: {  	_ =	shalt  }
0x7a: {  	_ =	shalt  }
0x7b: {  	_ =	shalt  }
0x7c: {  	_ =	shalt  }
0x7d: {  	_ =	shalt  }
0x7e: {  	_ =	shalt  }
0x7f: {  	_ =	shalt  }
0x80: {  	_ =	shalt  }
0x81: {  	_ =	shalt  }
0x82: {  	_ =	shalt  }
0x83: {  	_ =	shalt  }
0x84: {  	_ =	shalt  }
0x85: {  	_ =	shalt  }
0x86: {  	_ =	shalt  }
0x87: {  	_ =	shalt  }
.Lfunc_end0:
.L_simem_size_0:
called_computation.2_lowered:
.L_overlay_start_0:
0x88: {  	s2 =	sld [smem:$0x3FD9]  }
0x89: {  	s3 =	sld [smem:$0x3FFE];
	_ =	sdelay $0x1  }
0x8a: {  	s1 =	srdreg.scid  }
0x8b: {  	s0 =	sand.u32 $0x1, s1  }
0x8c: {  	s16 =	sshll.u32 s0, $0xA;
	s2 =	sadd.s32 s3, s2  }
0x8d: {  	s2 =	sadd.s32 s2, s16  }
0x8e: {  	[smem:$0x3FB2] =	sst s2  }
0x8f: {  	_ = 	snop  }
0x90: {  	(tm) =	ssettm $0x1  }
0x91: {  	s17 =	sld [smem:$0x3FFB];
	_ =	sdelay $0x3  }
0x92: {  	_ =	strace s17  }
0x93: {  	s2 =	sld [smem:$0x3FFC];
	_ =	sdelay $0x3  }
0x94: {  	_ =	strace s2  }
0x95: {  	s2 =	sld [smem:$0x3FFD];
	_ =	sdelay $0x3  }
0x96: {  	_ =	strace s2  }
0x97: {  	_ =	strace $0x8FFFFFFF  }
0x98: {  	s18 =	sld [smem:$0x3FDB];
	_ =	sdelay $0x1  }
0x99: {  	s19 =	simm.s32 $_scs_section_size  }
0x9a: {  	s4 =	simm.s32 $_size__tile_overlayer_lowered;
	s5 =	simm.s32 $_tile_overlayer_lowered  }
0x9b: {  	s22 =	simm.s32 $0x1BFF;
	s21 =	sshll.u32 s5, $0x1;
	s2 =	sadd.s32 s19, s18  }
0x9c: {  	s6 =	simm.s32 $0x0;
	s20 =	sshll.u32 s4, $0x1;
	s4 =	sadd.s32 s21, s2  }
0x9d: {  	[timem:s6], [sflag:s22] =	dma.local [hbm:s4], s20  }
0x9e: {  	_ =	swait.ge [sflag:s22], s20  }
0x9f: {  	s3 =	ssub.s32 $0x0, s20;
	[sflag:s22] =	ssyncset.done $0x0  }
0xa0: {  	[sflag:s22] =	ssyncadd.s32 s3;
	_ =	sdelay $0x1  }
0xa1: {  	s23 =	simm.s32 $0x1B8B  }
0xa2: {  	_ =	swait.ge [sflag:s23], $0x1  }
0xa3: {  	[sflag:s23] =	ssyncset.done $0x0  }
0xa4: {  	s25 =	simm.s32 $0x1B8E;
	s24 =	sld [smem:$0x3FFE];
	[sflag:s23] =	ssyncadd.s32 $0xFFFFFFFF  }
0xa5: {  	s26 =	simm.s32 $execute0_lowered;
	[smem:$0x3FD2] =	sst s25  }
0xa6: {  	s4 =	sshll.u32 s26, $0x1;
	_ =	strace $0x8000004F;
	[dreg:$0x1] =	wrdreg $0xFFFFFFFF  }
0xa7: {  	s28 =	simm.s32 $_size_execute0_lowered;
	s2 =	sadd.s32 s2, s4;
	[dreg:$0x0] =	wrdreg $0x0  }
0xa8: {  	s4 =	sshll.u32 s28, $0x1;
	[dreg:$0x2] =	wrdreg s2  }
0xa9: {  	[dreg:$0x3] =	wrdreg s4  }
0xaa: {  	[dreg:$0x4] =	wrdreg $0xC0  }
0xab: {  	_ =	task [dreg:s6], $0x5FFFF  }
0xac: {  	[dreg:$0x1] =	wrdreg $0xFFFFFFFF  }
0xad: {  	[dreg:$0x0] =	wrdreg $0x60  }
0xae: {  	[dreg:$0x2] =	wrdreg s24  }
0xaf: {  	[dreg:$0x3] =	wrdreg $0x9  }
0xb0: {  	_ =	task.clear_ibuf [dreg:s6], $0x4FFFF;
	_ =	strace $0x9000004F  }
0xb1: {  	s29 =	simm.s32 $0x9;
	_ =	strace $0x80000051  }
0xb2: {  	_ =	swait.ge [sflag:s29], $0x1  }
0xb3: {  	[sflag:s29] =	ssyncadd.s32 $0xFFFFFFFF  }
0xb4: {  	_ =	strace $0x90000051  }
0xb5: {  	_ =	sfence  }
0xb6: {  	s30 =	sld [smem:$0x0];
	_ =	sdelay $0x2  }
0xb7: {  	s31 =	sshll.u32 s1, $0xD;
	s1 =	sshrl.u32 s1, $0x2  }
0xb8: {  	s3 =	sand.u32 $0x4000, s31;
	s1 =	sadd.s32 s1, s30  }
0xb9: {  	s0 =	sor.u32 s3, s0;
	s1 =	sshll.u32 s1, $0x11  }
0xba: {  	s0 =	sor.u32 s1, s0  }
0xbb: {  	s0 =	sadd.s32 $0x8F2B, s0  }
0xbc: {  	[sflag:s0] =	ssyncadd.remote.s32 $0x1  }
0xbd: {  	_ =	sfence.sel $0xFFFF  }
0xbe: {  	[dreg:$0x0] =	wrdreg $0xFFFFFFFF;
	(pc) =	sbr.abs _section_cstart, $3  }
0xbf: {  	[dreg:$0x1] =	wrdreg $0xFFFFFFFF  }
0xc0: {  	_ =	task.clear_ibuf [dreg:s6], $0x2FFFF;
	_ =	strace $0x9FFFFFFF  }
0xc1: {  	(tm) =	ssettm $0x7FFFFFFF  }
tec
execute0_lowered:
.L_overlay_start_1:
0x0: {  	(tag) =	ssettag $0x1  }
0x1: {  	s8 =	rddreg [dreg:$0x0]  }
0x2: {  	s0 =	rddreg [dreg:$0x1];
	_ =	strace $0x80000050;
	s1 =	stileid.u32  }
0x3: {  	s3 =	srdreg.scid;
	s4 =	simm.s32 $0x1;
	s7 =	simm.s32 $0x1  }
0x4: {  	s9 =	simm.s32 $0x1;
	s10 =	simm.s32 $0x3;
	s13 =	simm.s32 $0x0  }
0x5: {  	s12 =	simm.s32 $0x0;
	s5 =	sand.u32 $0x1, s3;
	s6 =	sshll.u32 s1, $0x1  }
0x6: {  	s2 =	sadd.s32 $0x2B600, s8;
	s3 =	sadd.s32 $0x25E00, s8;
	s5 =	sor.u32 s6, s5  }
.Ltmp0:
0x7: {  	[sflag:s4] =	ssyncpa.u1 $0x0;
	p0 =	slt.u32 s5, $0xD;
	(pc) =	sbr.rel .LBB2_1-.Ltmp0, $4  }
0x8: {  	s6 =	simm.s32 $0x2;
	s7 =	simm.s32 @!p0 $0x0;
	p0 =	sne.s32 s5, $0xC  }
0x9: {  	[sflag:s6] =	ssyncpa.u1 $0x0;
	s5 =	smul.u32 $0x60, s5;
	s9 =	simm.s32 @!p0 $0x0  }
0xa: {  	s8 =	sadd.s32 $0x2A600, s8;
	[sflag:s10] =	ssyncpa.u1 $0x0;
	s7 =	sadd.s32 s9, s7  }
0xb: {  	vm0 =	vmmov $0xffff;
	s10 =	simm.s32 $0x0;
	s11 =	smov.u32 s5;
	s9 =	sadd.s32 $0x1, s7  }
.LBB2_4:
0xc: {  	v2 =	vnsel vm1, $0x0, v2  }
0xd: {  	vm1 =	vgt.s32 v0, $0x0;
	v2 =	vmin.u32 v2, $0xC3F  }
0xe: {  	v0 =	vnsel vm1, $0x0, v0  }
0xf: {  	v0 =	vmin.u32 v0, $0xC3F  }
0x10: {  	[tilespmem:s18], [sflag:$0x1] =	stream.indirect_vreg.gather [hbm4b:s2+s10], $0x1, v1, vm0, $0x4038;
	[tilespmem:$0x180] =	vst v63  }
0x11: {  	(ifvalue) =	ssetifvalue $0x7FFFFFFF  }
0x12: {  	[tilespmem:s15], [sflag:$0x1] =	stream.indirect_vreg.gather [hbm4b:s2+s10], $0x1, v2, vm0, $0x4038;
	[tilespmem:$0x180] =	vst v63  }
0x13: {  	s29 =	sadd.s32 $0x10, s15;
	(ifvalue) =	ssetifvalue $0x7FFFFFFF  }
0x14: {  	[tilespmem:s29], [sflag:$0x1] =	stream.indirect_vreg.gather [hbm4b:s2+s10], $0x1, v0, vm0, $0x4038;
	[tilespmem:$0x180] =	vst v63  }
0x15: {  	_ =	swait.ge [sflag:s4], $0x60  }
0x16: {  	s30 =	sshrl.u32 s13, $0x3;
	[sflag:s4] =	ssyncset.done $0x0  }
0x17: {  	s31 =	sand.u32 $0x7, s13;
	s15 =	sadd.s32 s8, s30;
	[sflag:s4] =	ssyncadd.s32 $0xFFFFFFA0  }
0x18: {  	[hbm4b:s15+s31] =	stream.linear.scatter [tilespmem:s14], [sflag:$0x3], $0x60, $0x38;
	[tilespmem:$0x180] =	vst v63  }
.LBB2_5:
0x19: {  	s15 =	sadd.s32 $0xC00, s11  }
0x1a: {  	p1 =	sgt.s32 s15, $0x107F  }
0x1b: {  	s15 =	smov.u32 @p1 s5;
	p1 =	sne.s32 s12, s9  }
.Ltmp1:
0x1c: {  	p0 =	slt.u32 s12, $0x2;
	(pc) =	sbr.rel @!p1 .LBB2_6-.Ltmp1, $4  }
0x1d: {  	s14 =	simm.s32 @!p0 $0x3  }
0x1e: {  	_ =	swait.ge @!p0 [sflag:s14], $0x60  }
0x1f: {  	s16 =	sadd.s32 $0x1, s12;
	s13 =	smov.u32 s11;
	[sflag:s14] =	ssyncset.done @!p0 $0x0  }
0x20: {  	s12 =	smov.u32 s16;
	s11 =	smov.u32 s15;
	[sflag:s14] =	ssyncadd.s32 @!p0 $0xFFFFFFA0  }
.LBB2_1:
0x21: {  	p0 =	sge.u32 s12, s7  }
0x22: {  	s14 =	sxor.u32 @!p0 $0x1, s12  }
0x23: {  	s14 =	smul.u32 @!p0 $0x180, s14  }
0x24: {  	s31 =	sadd.s32 $0xFFFFFFFF, s12;
	s15 =	sshrl.u32 @!p0 s11, $0x3  }
0x25: {  	s16 =	sand.u32 @!p0 $0x7, s11;
	s15 =	sadd.s32 @!p0 s3, s15;
	s14 =	sshra.s32 @!p0 s14, $0x2  }
0x26: {  	[tilespmem:s14], [sflag:$0x2] =	stream.linear.gather @!p0 [hbm4b:s15+s16], $0x60, $0x38;
	[tilespmem:$0x180] =	vst v63  }
0x27: {  	p0 =	sge.u32 s31, s7  }
.Ltmp2:
0x28: {  	_ = 	snop;
	(pc) =	sbr.rel @p0 .LBB2_5-.Ltmp2, $1  }
0x29: {  	_ =	sdelay $0x3  }
0x2a: {  	s14 =	sand.u32 $0x1, s12  }
0x2b: {  	_ =	swait.ge [sflag:s6], $0x60;
	p0 =	seq.s32 s14, $0x1;
	s14 =	simm.s32 $0x60  }
0x2c: {  	[sflag:s6] =	ssyncset.done $0x0;
	s14 =	simm.s32 @!p0 $0x0  }
0x2d: {  	[sflag:s6] =	ssyncadd.s32 $0xFFFFFFA0;
	(ifvalue) =	ssetifvalue $0x7FFFFFFF;
	v0 =	vld.msk [tilespmem:s14+$0x0 ss:$0x1], $0xffff;
	_ =	sdelay $0x4  }
0x2e: {  	s15 =	sadd.s32 $0x10, s14;
	vm1 =	vgt.s32 v0, $0x0  }
0x2f: {  	v2 =	vld.msk [tilespmem:s15+$0x0 ss:$0x1], $0xffff;
	v1 =	vnsel vm1, $0x0, v0  }
0x30: {  	v1 =	vmin.u32 v1, $0xC3F;
	_ =	sdelay $0x2  }
0x31: {  	s17 =	simm.s32 $0x20;
	s14 =	sadd.s32 $0xC0, s14;
	s16 =	sadd.s32 $0x10, s15  }
0x32: {  	s15 =	sadd.s32 $0x10, s14;
	s18 =	smov.u32 s14;
	v0 =	vld.msk [tilespmem:s16+$0x0 ss:$0x1], $0xffff;
	vm1 =	vgt.s32 v2, $0x0;
	(ifvalue) =	ssetifvalue $0x7FFFFFFF  }
.LBB2_3:
0x33: {  	[tilespmem:s18], [sflag:$0x1] =	stream.indirect_vreg.gather [hbm4b:s2+s10], $0x1, v1, vm0, $0x4038;
	[tilespmem:$0x180] =	vst v63  }
0x34: {  	s17 =	sadd.s32 $0x10, s17  }
0x35: {  	v2 =	vnsel vm1, $0x0, v2;
	p0 =	slt.u32 s17, $0x50  }
.Ltmp3:
0x36: {  	s18 =	smov.u32 s15;
	v1 =	vmin.u32 v2, $0xC3F;
	(pc) =	sbr.rel @p0 .LBB2_3-.Ltmp3, $3  }
0x37: {  	_ =	sdelay $0x1  }
0x38: {  	s16 =	sadd.s32 $0x10, s16  }
0x39: {  	vm1 =	vgt.s32 v0, $0x0;
	s15 =	sadd.s32 $0x10, s15;
	v2 =	vmov v0;
	(ifvalue) =	ssetifvalue $0x7FFFFFFF;
	v0 =	vld.msk [tilespmem:s16+$0x0 ss:$0x1], $0xffff  }
.Ltmp4:
0x3a: {  	_ = 	snop;
	(pc) =	sbr.rel .LBB2_4-.Ltmp4, $1  }
0x3b: {  	_ =	sdelay $0x3  }
.LBB2_6:
0x3c: {  	_ =	sfence.sel $0x180000  }
0x3d: {  	s2 =	simm.s32 $0x2;
	[bflag:$0x0] =	sbarrier.arrive $0xFFFF  }
0x3e: {  	s30 =	simm.s32 $0x3;
	[sflag:s2] =	ssyncpa.u1 $0x1  }
0x3f: {  	s31 =	simm.s32 $0x1;
	[sflag:s30] =	ssyncpa.u1 $0x1  }
0x40: {  	[sflag:s31] =	ssyncpa.u1 $0x1  }
0x41: {  	p0 =	sne.s32 s1, $0x0;
	_ =	strace $0x90000050  }
0x42: {  	s0 =	sadd.s32 @!p0 $0x100000, s0;
	[bflag:$0x2] =	sbarrier.arrive $0xFFFF  }
0x43: {  	[sflag:s0] =	ssyncadd.tile.s32 @!p0 $0x1;
	_ =	shalt  }
.Lfunc_end2:
_tile_overlayer_lowered:
.L_overlay_start_2:
0x44: {  	(tag) =	ssettag $0x2  }
0x45: {  	s0 =	rddreg [dreg:$0x0];
	s2 =	stileid.u32  }
0x46: {  	s1 =	rddreg [dreg:$0x1];
	p0 =	sne.s32 s2, $0x0  }
0x47: {  	s3 =	rddreg [dreg:$0x2];
	[bflag:$0x3] =	sbarrier.arrive $0xFFFF;
	s2 =	simm.s32 @!p0 $0x1C01  }
0x48: {  	[timem:s3], [sflag:s2] =	dma.local @!p0 [hbm:s0], s1  }
0x49: {  	s0 =	simm.s32 @!p0 $0x1  }
0x4a: {  	_ =	swait.ge @!p0 [sflag:s0], s1  }
0x4b: {  	s1 =	ssub.s32 @!p0 $0x0, s1;
	[sflag:s0] =	ssyncset.done @!p0 $0x0  }
0x4c: {  	[sflag:s0] =	ssyncadd.s32 @!p0 s1  }
0x4d: {  	[bflag:$0x3] =	sbarrier.arrive $0xFFFF  }
0x4e: {  	_ =	shalt  }

// kernel: gather_offload_async_start.3
scs
__scs_entry_jumppad:
0x0: {  	(pc) =	sbr.rel $0x88, $3  }
0x1: {  	(tag) =	ssettag $0x0;
	lr =	simm.s32 $0x1  }
0x2: {  	[smem:$0x3F8B] =	sst lr;
	_ =	strace $0xD0000000  }
0x3: {  	_ = 	snop  }
0x4: {  	_ = 	snop  }
0x5: {  	_ = 	snop  }
0x6: {  	_ = 	snop  }
0x7: {  	_ = 	snop  }
__scs_overlays_trampoline_lowered:
0x8: {  	[smem:$0x3F9A] =	sst s0  }
0x9: {  	[smem:$0x3F9B] =	sst s1  }
0xa: {  	[smem:$0x3F9C] =	sst s2  }
0xb: {  	[smem:$0x3F9D] =	sst s3  }
0xc: {  	[smem:$0x3F9E] =	sst s4  }
0xd: {  	[smem:$0x3F9F] =	sst s5  }
0xe: {  	[smem:$0x3FA0] =	sst s6  }
0xf: {  	[smem:$0x3FA1] =	sst s7  }
0x10: {  	[smem:$0x3FA2] =	sst s8  }
0x11: {  	[smem:$0x3FA3] =	sst s9;
	s0 =	simm.s32 @!p0 $0x0  }
0x12: {  	s1 =	sld [smem:$0x3F89];
	s0 =	simm.s32 @p0 $0x1  }
0x13: {  	[smem:$0x3FA4] =	sst s0;
	s0 =	simm.s32 @!p1 $0x0  }
0x14: {  	s2 =	sld [smem:$0x3F88];
	s0 =	simm.s32 @p1 $0x1  }
0x15: {  	[smem:$0x3FA5] =	sst s0;
	s0 =	simm.s32 @!p2 $0x0  }
0x16: {  	s3 =	sld [smem:$0x3FDB];
	s0 =	simm.s32 @p2 $0x1  }
0x17: {  	s4 =	simm.s32 $0x1BF5;
	[smem:$0x3FA7] =	sst s0  }
0x18: {  	s0 =	sld [smem:$0x3F8A];
	_ =	swait.ge [sflag:s4], $0x0  }
0x19: {  	s7 =	sld [smem:$0x3F8B]  }
0x1a: {  	s8 =	sadd.s32 $0xFFFFE003, lr  }
0x1b: {  	s9 =	sadd.s32 $0xFFFFFEF7, lr;
	s5 =	simm.s32 $0xFFFFFFFF;
	p2 =	slt.u32 s8, $0xFFFFF086  }
0x1c: {  	p1 =	slt.u32 s9, $0xF7A;
	s5 =	simm.s32 @!p2 $0x0  }
0x1d: {  	s5 =	simm.s32 @p1 $0x1;
	p0 =	seq.s32 s7, s2  }
0x1e: {  	s7 =	smul.u32 @!p0 $0xF7A, s2;
	p2 =	seq.s32 @!p0 s5, $0x0  }
0x1f: {  	s9 =	smul.u32 $0xF7A, s1;
	s8 =	simm.s32 @!p0 $0x1BF5;
	p2 =	por !p2, p0  }
0x20: {  	[sflag:s8] =	ssyncset.s32 @!p0 $0xFFFFF086;
	s6 =	sadd.s32 @!p0 s3, s7;
	s7 =	simm.s32 @!p0 $0x108  }
0x21: {  	s3 =	sadd.s32 s3, s9;
	s6 =	sadd.s32 @!p0 $0x88, s6;
	s7 =	simm.s32 @p2 $0x1082  }
0x22: {  	[simem:s7], [sflag:s8] =	dma.local @!p0 [hbm:s6], $0xF7A  }
0x23: {  	s9 =	sor.u32 $0xD0000000, s2;
	s6 =	simm.s32 $0x108;
	_ =	swait.ge @!p0 [sflag:s8], $0x0  }
0x24: {  	s3 =	sadd.s32 $0x88, s3;
	s6 =	simm.s32 @!p1 $0x1082;
	[sflag:s4] =	ssyncset.s32 $0xFFFFF086  }
0x25: {  	[simem:s6], [sflag:s4] =	dma.local [hbm:s3], $0xF7A  }
0x26: {  	[smem:$0x3F8B] =	sst s1;
	(tag) =	ssettag s2;
	_ =	strace s9  }
0x27: {  	s1 =	sld [smem:$0x3F9B]  }
0x28: {  	s2 =	sld [smem:$0x3F9C]  }
0x29: {  	s4 =	sld [smem:$0x3F9E]  }
0x2a: {  	p0 =	seq.s32 s5, $0x0;
	s5 =	sld [smem:$0x3F9F]  }
0x2b: {  	s6 =	sld [smem:$0x3FA0]  }
0x2c: {  	s7 =	sld [smem:$0x3FA1]  }
0x2d: {  	s3 =	simm.s32 $0x108;
	s8 =	sld [smem:$0x3FA2]  }
0x2e: {  	s3 =	simm.s32 @!p0 $0x1082;
	s9 =	sld [smem:$0x3FA3]  }
0x2f: {  	lr =	sadd.s32 s0, s3;
	s0 =	sld [smem:$0x3F9A]  }
0x30: {  	s3 =	sld [smem:$0x3F9D]  }
0x31: {  	[smem:$0x3FA6] =	sst s10  }
0x32: {  	s10 =	sld [smem:$0x3FA4];
	_ =	sdelay $0x3  }
0x33: {  	p0 =	seq.s32 s10, $0x1;
	s10 =	sld [smem:$0x3FA6];
	_ =	sdelay $0x3  }
0x34: {  	[smem:$0x3FA6] =	sst s10  }
0x35: {  	s10 =	sld [smem:$0x3FA5];
	_ =	sdelay $0x3  }
0x36: {  	p1 =	seq.s32 s10, $0x1;
	s10 =	sld [smem:$0x3FA6];
	_ =	sdelay $0x3  }
0x37: {  	[smem:$0x3FA6] =	sst s10  }
0x38: {  	s10 =	sld [smem:$0x3FA7]  }
0x39: {  	_ = 	snop;
	(pc) =	sbr.ind lr, $3  }
0x3a: {  	_ = 	snop  }
0x3b: {  	_ = 	snop  }
0x3c: {  	p2 =	seq.s32 s10, $0x1;
	s10 =	sld [smem:$0x3FA6]  }
0x3d: {  	_ =	shalt  }
0x3e: {  	_ =	shalt  }
0x3f: {  	_ =	shalt  }
0x40: {  	_ =	shalt  }
0x41: {  	_ =	shalt  }
0x42: {  	_ =	shalt  }
0x43: {  	_ =	shalt  }
0x44: {  	_ =	shalt  }
0x45: {  	_ =	shalt  }
0x46: {  	_ =	shalt  }
0x47: {  	_ =	shalt  }
0x48: {  	_ =	shalt  }
0x49: {  	_ =	shalt  }
0x4a: {  	_ =	shalt  }
0x4b: {  	_ =	shalt  }
0x4c: {  	_ =	shalt  }
0x4d: {  	_ =	shalt  }
0x4e: {  	_ =	shalt  }
0x4f: {  	_ =	shalt  }
0x50: {  	_ =	shalt  }
0x51: {  	_ =	shalt  }
0x52: {  	_ =	shalt  }
0x53: {  	_ =	shalt  }
0x54: {  	_ =	shalt  }
0x55: {  	_ =	shalt  }
0x56: {  	_ =	shalt  }
0x57: {  	_ =	shalt  }
0x58: {  	_ =	shalt  }
0x59: {  	_ =	shalt  }
0x5a: {  	_ =	shalt  }
0x5b: {  	_ =	shalt  }
0x5c: {  	_ =	shalt  }
0x5d: {  	_ =	shalt  }
0x5e: {  	_ =	shalt  }
0x5f: {  	_ =	shalt  }
0x60: {  	_ =	shalt  }
0x61: {  	_ =	shalt  }
0x62: {  	_ =	shalt  }
0x63: {  	_ =	shalt  }
0x64: {  	_ =	shalt  }
0x65: {  	_ =	shalt  }
0x66: {  	_ =	shalt  }
0x67: {  	_ =	shalt  }
0x68: {  	_ =	shalt  }
0x69: {  	_ =	shalt  }
0x6a: {  	_ =	shalt  }
0x6b: {  	_ =	shalt  }
0x6c: {  	_ =	shalt  }
0x6d: {  	_ =	shalt  }
0x6e: {  	_ =	shalt  }
0x6f: {  	_ =	shalt  }
0x70: {  	_ =	shalt  }
0x71: {  	_ =	shalt  }
0x72: {  	_ =	shalt  }
0x73: {  	_ =	shalt  }
0x74: {  	_ =	shalt  }
0x75: {  	_ =	shalt  }
0x76: {  	_ =	shalt  }
0x77: {  	_ =	shalt  }
0x78: {  	_ =	shalt  }
0x79: {  	_ =	shalt  }
0x7a: {  	_ =	shalt  }
0x7b: {  	_ =	shalt  }
0x7c: {  	_ =	shalt  }
0x7d: {  	_ =	shalt  }
0x7e: {  	_ =	shalt  }
0x7f: {  	_ =	shalt  }
0x80: {  	_ =	shalt  }
0x81: {  	_ =	shalt  }
0x82: {  	_ =	shalt  }
0x83: {  	_ =	shalt  }
0x84: {  	_ =	shalt  }
0x85: {  	_ =	shalt  }
0x86: {  	_ =	shalt  }
0x87: {  	_ =	shalt  }
.Lfunc_end0:
.L_simem_size_0:
called_computation.3_lowered:
.L_overlay_start_0:
0x88: {  	s2 =	sld [smem:$0x3FD9]  }
0x89: {  	s3 =	sld [smem:$0x3FFE];
	_ =	sdelay $0x1  }
0x8a: {  	s1 =	srdreg.scid  }
0x8b: {  	s0 =	sand.u32 $0x1, s1  }
0x8c: {  	s17 =	sshll.u32 s0, $0xA;
	s2 =	sadd.s32 s3, s2  }
0x8d: {  	s2 =	sadd.s32 s2, s17  }
0x8e: {  	[smem:$0x3FB2] =	sst s2  }
0x8f: {  	_ = 	snop  }
0x90: {  	(tm) =	ssettm $0x1  }
0x91: {  	s18 =	sld [smem:$0x3FFB];
	_ =	sdelay $0x3  }
0x92: {  	_ =	strace s18  }
0x93: {  	s2 =	sld [smem:$0x3FFC];
	_ =	sdelay $0x3  }
0x94: {  	_ =	strace s2  }
0x95: {  	s2 =	sld [smem:$0x3FFD];
	_ =	sdelay $0x3  }
0x96: {  	_ =	strace s2  }
0x97: {  	_ =	strace $0x8FFFFFFF  }
0x98: {  	s19 =	sld [smem:$0x3FDB];
	_ =	sdelay $0x1  }
0x99: {  	s20 =	simm.s32 $_scs_section_size  }
0x9a: {  	s4 =	simm.s32 $_size__tile_overlayer_lowered;
	s5 =	simm.s32 $_tile_overlayer_lowered  }
0x9b: {  	s6 =	simm.s32 $0x1BFF;
	s21 =	sshll.u32 s5, $0x1;
	s3 =	sadd.s32 s20, s19  }
0x9c: {  	s22 =	simm.s32 $0x0;
	s4 =	sshll.u32 s4, $0x1;
	s5 =	sadd.s32 s21, s3  }
0x9d: {  	[timem:s22], [sflag:s6] =	dma.local [hbm:s5], s4  }
0x9e: {  	_ =	swait.ge [sflag:s6], s4  }
0x9f: {  	s4 =	ssub.s32 $0x0, s4;
	[sflag:s6] =	ssyncset.done $0x0  }
0xa0: {  	[sflag:s6] =	ssyncadd.s32 s4;
	_ =	sdelay $0x1  }
0xa1: {  	s23 =	simm.s32 $0x1B8B  }
0xa2: {  	_ =	swait.ge [sflag:s23], $0x1  }
0xa3: {  	[sflag:s23] =	ssyncset.done $0x0  }
0xa4: {  	[sflag:s23] =	ssyncadd.s32 $0xFFFFFFFF  }
0xa5: {  	s4 =	sld [smem:$0x0]  }
0xa6: {  	s5 =	sand.u32 $0xFFFFFFFE, s1  }
0xa7: {  	p0 =	sne.s32 s1, s5  }
0xa8: {  	s5 =	sshll.u32 @p0 s5, $0xE  }
0xa9: {  	s5 =	sadd.s32 @p0 $0x11B8D, s5;
	s6 =	sshll.u32 @p0 s4, $0x11  }
0xaa: {  	s5 =	sor.u32 @p0 s6, s5  }
0xab: {  	[sflag:s5] =	ssyncadd.remote.s32 @p0 $0x1;
	_ =	sdelay $0x1  }
0xac: {  	s5 =	simm.s32 @p0 $0x1B8D  }
0xad: {  	_ =	swait.eq @p0 [sflag:s5], $0x1  }
0xae: {  	[sflag:s5] =	ssyncadd.s32 @p0 $0xFFFFFFFF  }
0xaf: {  	s6 =	sshll.u32 @!p0 s1, $0xE  }
0xb0: {  	s6 =	sor.u32 @!p0 $0x4000, s6;
	s5 =	simm.s32 @!p0 $0x1B8D  }
0xb1: {  	s4 =	sshll.u32 @!p0 s4, $0x11;
	s6 =	sadd.s32 @!p0 $0x11B8D, s6;
	_ =	swait.eq @!p0 [sflag:s5], $0x1  }
0xb2: {  	s4 =	sor.u32 @!p0 s4, s6;
	[sflag:s5] =	ssyncadd.s32 @!p0 $0xFFFFFFFF  }
0xb3: {  	s25 =	simm.s32 $0x1B8E;
	s24 =	sld [smem:$0x3FFE];
	[sflag:s4] =	ssyncadd.remote.s32 @!p0 $0x1  }
0xb4: {  	s26 =	simm.s32 $execute0_lowered;
	[smem:$0x3FD2] =	sst s25  }
0xb5: {  	s5 =	sshll.u32 s26, $0x1;
	_ =	strace $0x8000005B;
	[dreg:$0x1] =	wrdreg $0xFFFFFFFF  }
0xb6: {  	s28 =	simm.s32 $_size_execute0_lowered;
	s3 =	sadd.s32 s3, s5;
	[dreg:$0x0] =	wrdreg $0x0  }
0xb7: {  	s5 =	sshll.u32 s28, $0x1;
	[dreg:$0x2] =	wrdreg s3  }
0xb8: {  	[dreg:$0x3] =	wrdreg s5  }
0xb9: {  	[dreg:$0x4] =	wrdreg $0xC0  }
0xba: {  	_ =	task [dreg:s22], $0x5FFFF  }
0xbb: {  	[dreg:$0x1] =	wrdreg $0xFFFFFFFF  }
0xbc: {  	[dreg:$0x0] =	wrdreg $0x60  }
0xbd: {  	[dreg:$0x2] =	wrdreg s24  }
0xbe: {  	[dreg:$0x3] =	wrdreg $0x9  }
0xbf: {  	_ =	task.clear_ibuf [dreg:s22], $0x4FFFF;
	_ =	strace $0x9000005B  }
0xc0: {  	s29 =	simm.s32 $0x9;
	_ =	strace $0x8000005D  }
0xc1: {  	_ =	swait.ge [sflag:s29], $0x1  }
0xc2: {  	[sflag:s29] =	ssyncadd.s32 $0xFFFFFFFF  }
0xc3: {  	_ =	strace $0x9000005D  }
0xc4: {  	_ =	sfence  }
0xc5: {  	s30 =	sld [smem:$0x0];
	_ =	sdelay $0x2  }
0xc6: {  	s31 =	sshll.u32 s1, $0xD;
	s1 =	sshrl.u32 s1, $0x2  }
0xc7: {  	s4 =	sand.u32 $0x4000, s31;
	s1 =	sadd.s32 s1, s30  }
0xc8: {  	s0 =	sor.u32 s4, s0;
	s1 =	sshll.u32 s1, $0x11  }
0xc9: {  	s0 =	sor.u32 s1, s0  }
0xca: {  	s0 =	sadd.s32 $0x8F2B, s0  }
0xcb: {  	[sflag:s0] =	ssyncadd.remote.s32 $0x1  }
0xcc: {  	_ =	sfence.sel $0xFFFF  }
0xcd: {  	[dreg:$0x0] =	wrdreg $0xFFFFFFFF;
	(pc) =	sbr.abs _section_cstart, $3  }
0xce: {  	[dreg:$0x1] =	wrdreg $0xFFFFFFFF  }
0xcf: {  	_ =	task.clear_ibuf [dreg:s22], $0x2FFFF;
	_ =	strace $0x9FFFFFFF  }
0xd0: {  	(tm) =	ssettm $0x7FFFFFFF  }
0xd1: {  	_ =	shalt  }
tec
execute0_lowered:
.L_overlay_start_1:
0x0: {  	(tag) =	ssettag $0x1  }
0x1: {  	s0 =	srdreg.scid  }
0x2: {  	s1 =	sshll.u32 s0, $0x4  }
0x3: {  	s0 =	stileid.u32;
	s1 =	sand.u32 $0x10, s1  }
0x4: {  	s1 =	sor.u32 s0, s1  }
0x5: {  	s2 =	smul.u32 $0x3, s1  }
0x6: {  	s9 =	rddreg [dreg:$0x0];
	s6 =	simm.s32 $0x1;
	s3 =	smin.u32 s1, $0x2  }
0x7: {  	p0 =	slt.u32 s1, $0x2;
	s1 =	simm.s32 $0x40;
	s2 =	sadd.s32 s3, s2  }
0x8: {  	s7 =	simm.s32 $0x2;
	s1 =	simm.s32 @!p0 $0x30;
	s2 =	sshll.u32 s2, $0x4  }
0x9: {  	s10 =	simm.s32 $0x3;
	s13 =	simm.s32 $0x0;
	s31 =	sadd.s32 s1, s2  }
0xa: {  	s12 =	simm.s32 $0x0;
	s4 =	sadd.s32 $0xA1400, s9;
	s3 =	smin.u32 s31, $0x620  }
.Ltmp0:
0xb: {  	s5 =	sadd.s32 $0x3A000, s9;
	s8 =	ssub.s32 s3, s2;
	(pc) =	sbr.rel .LBB2_1-.Ltmp0, $4  }
0xc: {  	s1 =	rddreg [dreg:$0x1];
	_ =	strace $0x8000005C;
	p0 =	sgt.s32 s8, $0x0  }
0xd: {  	s9 =	sadd.s32 $0x104400, s9;
	[sflag:s6] =	ssyncpa.u1 $0x0;
	s8 =	simm.s32 @!p0 $0x0  }
0xe: {  	s11 =	smov.u32 s2;
	[sflag:s7] =	ssyncpa.u1 $0x0;
	s8 =	sshrl.u32 s8, $0x4  }
0xf: {  	vm0 =	vmmov $0xff;
	vm1 =	vcmask $0x3F20;
	[sflag:s10] =	ssyncpa.u1 $0x0;
	p0 =	por $0x0, $0x0;
	s10 =	sadd.s32 $0x1, s8  }
.LBB2_4:
0x10: {  	_ =	sdelay $0x3  }
0x11: {  	[tilespmem:s18], [sflag:$0x1] =	stream.indirect_vreg.gather [hbm:s4], $0x80, v0, vm1, $0x38;
	[tilespmem:$0x6020] =	vst v63  }
0x12: {  	s16 =	sshrl.u32 s13, $0x3;
	s31 =	sshll.u32 s13, $0x4  }
0x13: {  	_ =	swait.ge [sflag:s6], $0x3000;
	s13 =	sand.u32 $0x70, s31;
	s16 =	smul.u32 $0x300, s16  }
0x14: {  	[sflag:s6] =	ssyncset.done $0x0;
	s13 =	sadd.s32 s9, s13  }
0x15: {  	[sflag:s6] =	ssyncadd.s32 $0xFFFFD000;
	s13 =	sadd.s32 s16, s13  }
0x16: {  	[hbm:s13] =	stream.linear.scatter [tilespmem:s15], [sflag:$0x3], $0x1800, $0x38;
	[tilespmem:$0x6020] =	vst v63  }
0x17: {  	s14 =	sadd.s32 $0x1820, s14;
	s13 =	sadd.s32 $0x300, s13  }
0x18: {  	[hbm:s13] =	stream.linear.scatter [tilespmem:s14], [sflag:$0x3], $0x1800, $0x38;
	[tilespmem:$0x6020] =	vst v63  }
.LBB2_5:
0x19: {  	s13 =	sadd.s32 $0x10, s11  }
0x1a: {  	s15 =	smov.u32 s2;
	p2 =	slt.s32 s13, s3  }
0x1b: {  	s15 =	smov.u32 @p2 s13;
	p2 =	sne.s32 s12, s10  }
.Ltmp1:
0x1c: {  	p1 =	slt.u32 s12, $0x2;
	(pc) =	sbr.rel @!p2 .LBB2_6-.Ltmp1, $4  }
0x1d: {  	s14 =	simm.s32 @!p1 $0x3  }
0x1e: {  	s16 =	sadd.s32 $0x1, s12;
	_ =	swait.ge @!p1 [sflag:s14], $0x3000  }
0x1f: {  	p0 =	por !p0, !p0;
	s13 =	smov.u32 s11;
	[sflag:s14] =	ssyncset.done @!p1 $0x0  }
0x20: {  	s12 =	smov.u32 s16;
	s11 =	smov.u32 s15;
	[sflag:s14] =	ssyncadd.s32 @!p1 $0xFFFFD000  }
.LBB2_1:
0x21: {  	p1 =	sge.u32 s12, s8  }
0x22: {  	s14 =	sxor.u32 @!p1 $0xFFFFFFFF, s12  }
0x23: {  	s31 =	sadd.s32 $0xFFFFFFFF, s12;
	s15 =	sshrl.u32 @!p1 s11, $0x3;
	s14 =	sshll.u32 @!p1 s14, $0x4  }
0x24: {  	s16 =	sand.u32 @!p1 $0x7, s11;
	s15 =	sadd.s32 @!p1 s5, s15;
	s14 =	sand.u32 @!p1 $0x10, s14  }
0x25: {  	[tilespmem:s14], [sflag:$0x2] =	stream.linear.gather @!p1 [hbm4b:s15+s16], $0x10, $0x38;
	[tilespmem:$0x6020] =	vst v63  }
0x26: {  	p1 =	sge.u32 s31, s8  }
.Ltmp2:
0x27: {  	_ = 	snop;
	(pc) =	sbr.rel @p1 .LBB2_5-.Ltmp2, $1  }
0x28: {  	_ =	sdelay $0x3  }
0x29: {  	_ =	swait.ge [sflag:s7], $0x10  }
0x2a: {  	s14 =	sand.u32 $0x1, s12;
	[sflag:s7] =	ssyncset.done $0x0  }
0x2b: {  	s15 =	sshll.u32 s14, $0x4;
	[sflag:s7] =	ssyncadd.s32 $0xFFFFFFF0  }
0x2c: {  	v0 =	vld.msk [tilespmem:s15+$0x0 ss:$0x1], $0xffff;
	_ =	sdelay $0x4  }
0x2d: {  	vm2 =	vgt.s32 v0, $0x0  }
0x2e: {  	v0 =	vnsel vm2, $0x0, v0  }
0x2f: {  	v0 =	vmin.u32 v0, $0x107F  }
0x30: {  	v1 =	vshrl.u32 v0, $0x3  }
0x31: {  	v0 =	vshll.u32 v0, $0x7;
	v1 =	vmul.u32 $0x1800, v1  }
0x32: {  	s15 =	simm.s32 $0x1;
	v0 =	vand.u32 $0x380, v0  }
0x33: {  	s15 =	simm.s32 @!p0 $0x0;
	v0 =	vor.u32 v0, v1  }
0x34: {  	s15 =	smul.u32 $0xC000, s15;
	v0 =	vshrl.u32 v0, $0x3;
	_ =	sdelay $0x1  }
0x35: {  	s14 =	smul.u32 $0xC000, s14;
	s15 =	sshrl.u32 s15, $0x2  }
0x36: {  	s16 =	sor.u32 $0x20, s15  }
0x37: {  	s14 =	sshrl.u32 s14, $0x2;
	s18 =	sadd.s32 $0x0, s16  }
0x38: {  	[tilespmem:s18], [sflag:$0x1] =	stream.indirect_vreg.gather [hbm:s4], $0x80, v0, vm0, $0x38;
	[tilespmem:$0x6020] =	vst v63  }
0x39: {  	s17 =	simm.s32 $0x1000;
	s15 =	sor.u32 $0x20, s14;
	v1 =	vadd.s32 $0x80, v0;
	s18 =	sadd.s32 $0x1800, s18  }
.LBB2_3:
0x3a: {  	[tilespmem:s18], [sflag:$0x1] =	stream.indirect_vreg.gather [hbm:s4], $0x80, v0, vm1, $0x38;
	[tilespmem:$0x6020] =	vst v63  }
0x3b: {  	v0 =	vmov v1;
	s18 =	smov.u32 s17;
	p1 =	sne.s32 s17, $0x5000  }
.Ltmp3:
0x3c: {  	s17 =	sadd.s32 $0x1000, s17;
	(pc) =	sbr.rel @p1 .LBB2_3-.Ltmp3, $4  }
0x3d: {  	s18 =	sshra.s32 s18, $0x2  }
0x3e: {  	s18 =	sadd.s32 s18, s16  }
0x3f: {  	[tilespmem:s18], [sflag:$0x1] =	stream.indirect_vreg.gather [hbm:s4], $0x80, v1, vm0, $0x38;
	[tilespmem:$0x6020] =	vst v63  }
0x40: {  	s18 =	sadd.s32 $0x1800, s18;
	v1 =	vadd.s32 $0x80, v1  }
.Ltmp4:
0x41: {  	_ = 	snop;
	(pc) =	sbr.rel .LBB2_4-.Ltmp4, $1  }
0x42: {  	_ =	sdelay $0x3  }
.LBB2_6:
0x43: {  	_ =	sfence.sel $0x180000  }
0x44: {  	s2 =	simm.s32 $0x2;
	[bflag:$0x0] =	sbarrier.arrive $0xFFFF  }
0x45: {  	s30 =	simm.s32 $0x3;
	[sflag:s2] =	ssyncpa.u1 $0x1  }
0x46: {  	s31 =	simm.s32 $0x1;
	[sflag:s30] =	ssyncpa.u1 $0x1  }
0x47: {  	[sflag:s31] =	ssyncpa.u1 $0x1  }
0x48: {  	p0 =	sne.s32 s0, $0x0;
	_ =	strace $0x9000005C  }
0x49: {  	s0 =	sadd.s32 @!p0 $0x100000, s1;
	[bflag:$0x2] =	sbarrier.arrive $0xFFFF  }
0x4a: {  	[sflag:s0] =	ssyncadd.tile.s32 @!p0 $0x1;
	_ =	shalt  }
.Lfunc_end2:
_tile_overlayer_lowered:
.L_overlay_start_2:
0x4b: {  	(tag) =	ssettag $0x2  }
0x4c: {  	s0 =	rddreg [dreg:$0x0];
	s2 =	stileid.u32  }
0x4d: {  	s1 =	rddreg [dreg:$0x1];
	p0 =	sne.s32 s2, $0x0  }
0x4e: {  	s3 =	rddreg [dreg:$0x2];
	[bflag:$0x3] =	sbarrier.arrive $0xFFFF;
	s2 =	simm.s32 @!p0 $0x1C01  }
0x4f: {  	[timem:s3], [sflag:s2] =	dma.local @!p0 [hbm:s0], s1  }
0x50: {  	s0 =	simm.s32 @!p0 $0x1  }
0x51: {  	_ =	swait.ge @!p0 [sflag:s0], s1  }
0x52: {  	s1 =	ssub.s32 @!p0 $0x0, s1;
	[sflag:s0] =	ssyncset.done @!p0 $0x0  }
0x53: {  	[sflag:s0] =	ssyncadd.s32 @!p0 s1  }
0x54: {  	[bflag:$0x3] =	sbarrier.arrive $0xFFFF  }
0x55: {  	_ =	shalt  }

// kernel: gather_offload_async_start.4
scs
__scs_entry_jumppad:
0x0: {  	(pc) =	sbr.rel $0x88, $3  }
0x1: {  	(tag) =	ssettag $0x0;
	lr =	simm.s32 $0x1  }
0x2: {  	[smem:$0x3F8B] =	sst lr;
	_ =	strace $0xD0000000  }
0x3: {  	_ = 	snop  }
0x4: {  	_ = 	snop  }
0x5: {  	_ = 	snop  }
0x6: {  	_ = 	snop  }
0x7: {  	_ = 	snop  }
__scs_overlays_trampoline_lowered:
0x8: {  	[smem:$0x3F9A] =	sst s0  }
0x9: {  	[smem:$0x3F9B] =	sst s1  }
0xa: {  	[smem:$0x3F9C] =	sst s2  }
0xb: {  	[smem:$0x3F9D] =	sst s3  }
0xc: {  	[smem:$0x3F9E] =	sst s4  }
0xd: {  	[smem:$0x3F9F] =	sst s5  }
0xe: {  	[smem:$0x3FA0] =	sst s6  }
0xf: {  	[smem:$0x3FA1] =	sst s7  }
0x10: {  	[smem:$0x3FA2] =	sst s8  }
0x11: {  	[smem:$0x3FA3] =	sst s9;
	s0 =	simm.s32 @!p0 $0x0  }
0x12: {  	s1 =	sld [smem:$0x3F89];
	s0 =	simm.s32 @p0 $0x1  }
0x13: {  	[smem:$0x3FA4] =	sst s0;
	s0 =	simm.s32 @!p1 $0x0  }
0x14: {  	s2 =	sld [smem:$0x3F88];
	s0 =	simm.s32 @p1 $0x1  }
0x15: {  	[smem:$0x3FA5] =	sst s0;
	s0 =	simm.s32 @!p2 $0x0  }
0x16: {  	s3 =	sld [smem:$0x3FDB];
	s0 =	simm.s32 @p2 $0x1  }
0x17: {  	s4 =	simm.s32 $0x1BF5;
	[smem:$0x3FA7] =	sst s0  }
0x18: {  	s0 =	sld [smem:$0x3F8A];
	_ =	swait.ge [sflag:s4], $0x0  }
0x19: {  	s7 =	sld [smem:$0x3F8B]  }
0x1a: {  	s8 =	sadd.s32 $0xFFFFE003, lr  }
0x1b: {  	s9 =	sadd.s32 $0xFFFFFEF7, lr;
	s5 =	simm.s32 $0xFFFFFFFF;
	p2 =	slt.u32 s8, $0xFFFFF086  }
0x1c: {  	p1 =	slt.u32 s9, $0xF7A;
	s5 =	simm.s32 @!p2 $0x0  }
0x1d: {  	s5 =	simm.s32 @p1 $0x1;
	p0 =	seq.s32 s7, s2  }
0x1e: {  	s7 =	smul.u32 @!p0 $0xF7A, s2;
	p2 =	seq.s32 @!p0 s5, $0x0  }
0x1f: {  	s9 =	smul.u32 $0xF7A, s1;
	s8 =	simm.s32 @!p0 $0x1BF5;
	p2 =	por !p2, p0  }
0x20: {  	[sflag:s8] =	ssyncset.s32 @!p0 $0xFFFFF086;
	s6 =	sadd.s32 @!p0 s3, s7;
	s7 =	simm.s32 @!p0 $0x108  }
0x21: {  	s3 =	sadd.s32 s3, s9;
	s6 =	sadd.s32 @!p0 $0x88, s6;
	s7 =	simm.s32 @p2 $0x1082  }
0x22: {  	[simem:s7], [sflag:s8] =	dma.local @!p0 [hbm:s6], $0xF7A  }
0x23: {  	s9 =	sor.u32 $0xD0000000, s2;
	s6 =	simm.s32 $0x108;
	_ =	swait.ge @!p0 [sflag:s8], $0x0  }
0x24: {  	s3 =	sadd.s32 $0x88, s3;
	s6 =	simm.s32 @!p1 $0x1082;
	[sflag:s4] =	ssyncset.s32 $0xFFFFF086  }
0x25: {  	[simem:s6], [sflag:s4] =	dma.local [hbm:s3], $0xF7A  }
0x26: {  	[smem:$0x3F8B] =	sst s1;
	(tag) =	ssettag s2;
	_ =	strace s9  }
0x27: {  	s1 =	sld [smem:$0x3F9B]  }
0x28: {  	s2 =	sld [smem:$0x3F9C]  }
0x29: {  	s4 =	sld [smem:$0x3F9E]  }
0x2a: {  	p0 =	seq.s32 s5, $0x0;
	s5 =	sld [smem:$0x3F9F]  }
0x2b: {  	s6 =	sld [smem:$0x3FA0]  }
0x2c: {  	s7 =	sld [smem:$0x3FA1]  }
0x2d: {  	s3 =	simm.s32 $0x108;
	s8 =	sld [smem:$0x3FA2]  }
0x2e: {  	s3 =	simm.s32 @!p0 $0x1082;
	s9 =	sld [smem:$0x3FA3]  }
0x2f: {  	lr =	sadd.s32 s0, s3;
	s0 =	sld [smem:$0x3F9A]  }
0x30: {  	s3 =	sld [smem:$0x3F9D]  }
0x31: {  	[smem:$0x3FA6] =	sst s10  }
0x32: {  	s10 =	sld [smem:$0x3FA4];
	_ =	sdelay $0x3  }
0x33: {  	p0 =	seq.s32 s10, $0x1;
	s10 =	sld [smem:$0x3FA6];
	_ =	sdelay $0x3  }
0x34: {  	[smem:$0x3FA6] =	sst s10  }
0x35: {  	s10 =	sld [smem:$0x3FA5];
	_ =	sdelay $0x3  }
0x36: {  	p1 =	seq.s32 s10, $0x1;
	s10 =	sld [smem:$0x3FA6];
	_ =	sdelay $0x3  }
0x37: {  	[smem:$0x3FA6] =	sst s10  }
0x38: {  	s10 =	sld [smem:$0x3FA7]  }
0x39: {  	_ = 	snop;
	(pc) =	sbr.ind lr, $3  }
0x3a: {  	_ = 	snop  }
0x3b: {  	_ = 	snop  }
0x3c: {  	p2 =	seq.s32 s10, $0x1;
	s10 =	sld [smem:$0x3FA6]  }
0x3d: {  	_ =	shalt  }
0x3e: {  	_ =	shalt  }
0x3f: {  	_ =	shalt  }
0x40: {  	_ =	shalt  }
0x41: {  	_ =	shalt  }
0x42: {  	_ =	shalt  }
0x43: {  	_ =	shalt  }
0x44: {  	_ =	shalt  }
0x45: {  	_ =	shalt  }
0x46: {  	_ =	shalt  }
0x47: {  	_ =	shalt  }
0x48: {  	_ =	shalt  }
0x49: {  	_ =	shalt  }
0x4a: {  	_ =	shalt  }
0x4b: {  	_ =	shalt  }
0x4c: {  	_ =	shalt  }
0x4d: {  	_ =	shalt  }
0x4e: {  	_ =	shalt  }
0x4f: {  	_ =	shalt  }
0x50: {  	_ =	shalt  }
0x51: {  	_ =	shalt  }
0x52: {  	_ =	shalt  }
0x53: {  	_ =	shalt  }
0x54: {  	_ =	shalt  }
0x55: {  	_ =	shalt  }
0x56: {  	_ =	shalt  }
0x57: {  	_ =	shalt  }
0x58: {  	_ =	shalt  }
0x59: {  	_ =	shalt  }
0x5a: {  	_ =	shalt  }
0x5b: {  	_ =	shalt  }
0x5c: {  	_ =	shalt  }
0x5d: {  	_ =	shalt  }
0x5e: {  	_ =	shalt  }
0x5f: {  	_ =	shalt  }
0x60: {  	_ =	shalt  }
0x61: {  	_ =	shalt  }
0x62: {  	_ =	shalt  }
0x63: {  	_ =	shalt  }
0x64: {  	_ =	shalt  }
0x65: {  	_ =	shalt  }
0x66: {  	_ =	shalt  }
0x67: {  	_ =	shalt  }
0x68: {  	_ =	shalt  }
0x69: {  	_ =	shalt  }
0x6a: {  	_ =	shalt  }
0x6b: {  	_ =	shalt  }
0x6c: {  	_ =	shalt  }
0x6d: {  	_ =	shalt  }
0x6e: {  	_ =	shalt  }
0x6f: {  	_ =	shalt  }
0x70: {  	_ =	shalt  }
0x71: {  	_ =	shalt  }
0x72: {  	_ =	shalt  }
0x73: {  	_ =	shalt  }
0x74: {  	_ =	shalt  }
0x75: {  	_ =	shalt  }
0x76: {  	_ =	shalt  }
0x77: {  	_ =	shalt  }
0x78: {  	_ =	shalt  }
0x79: {  	_ =	shalt  }
0x7a: {  	_ =	shalt  }
0x7b: {  	_ =	shalt  }
0x7c: {  	_ =	shalt  }
0x7d: {  	_ =	shalt  }
0x7e: {  	_ =	shalt  }
0x7f: {  	_ =	shalt  }
0x80: {  	_ =	shalt  }
0x81: {  	_ =	shalt  }
0x82: {  	_ =	shalt  }
0x83: {  	_ =	shalt  }
0x84: {  	_ =	shalt  }
0x85: {  	_ =	shalt  }
0x86: {  	_ =	shalt  }
0x87: {  	_ =	shalt  }
.Lfunc_end0:
.L_simem_size_0:
called_computation.4_lowered:
.L_overlay_start_0:
0x88: {  	s2 =	sld [smem:$0x3FD9]  }
0x89: {  	s3 =	sld [smem:$0x3FFE];
	_ =	sdelay $0x1  }
0x8a: {  	s1 =	srdreg.scid  }
0x8b: {  	s0 =	sand.u32 $0x1, s1  }
0x8c: {  	s17 =	sshll.u32 s0, $0xA;
	s2 =	sadd.s32 s3, s2  }
0x8d: {  	s2 =	sadd.s32 s2, s17  }
0x8e: {  	[smem:$0x3FB2] =	sst s2  }
0x8f: {  	_ = 	snop  }
0x90: {  	(tm) =	ssettm $0x1  }
0x91: {  	s18 =	sld [smem:$0x3FFB];
	_ =	sdelay $0x3  }
0x92: {  	_ =	strace s18  }
0x93: {  	s2 =	sld [smem:$0x3FFC];
	_ =	sdelay $0x3  }
0x94: {  	_ =	strace s2  }
0x95: {  	s2 =	sld [smem:$0x3FFD];
	_ =	sdelay $0x3  }
0x96: {  	_ =	strace s2  }
0x97: {  	_ =	strace $0x8FFFFFFF  }
0x98: {  	s19 =	sld [smem:$0x3FDB];
	_ =	sdelay $0x1  }
0x99: {  	s20 =	simm.s32 $_scs_section_size  }
0x9a: {  	s4 =	simm.s32 $_size__tile_overlayer_lowered;
	s5 =	simm.s32 $_tile_overlayer_lowered  }
0x9b: {  	s6 =	simm.s32 $0x1BFF;
	s21 =	sshll.u32 s5, $0x1;
	s3 =	sadd.s32 s20, s19  }
0x9c: {  	s22 =	simm.s32 $0x0;
	s4 =	sshll.u32 s4, $0x1;
	s5 =	sadd.s32 s21, s3  }
0x9d: {  	[timem:s22], [sflag:s6] =	dma.local [hbm:s5], s4  }
0x9e: {  	_ =	swait.ge [sflag:s6], s4  }
0x9f: {  	s4 =	ssub.s32 $0x0, s4;
	[sflag:s6] =	ssyncset.done $0x0  }
0xa0: {  	[sflag:s6] =	ssyncadd.s32 s4;
	_ =	sdelay $0x1  }
0xa1: {  	s23 =	simm.s32 $0x1B8B  }
0xa2: {  	_ =	swait.ge [sflag:s23], $0x1  }
0xa3: {  	[sflag:s23] =	ssyncset.done $0x0  }
0xa4: {  	[sflag:s23] =	ssyncadd.s32 $0xFFFFFFFF  }
0xa5: {  	s4 =	sld [smem:$0x0]  }
0xa6: {  	s5 =	sand.u32 $0xFFFFFFFE, s1  }
0xa7: {  	p0 =	sne.s32 s1, s5  }
0xa8: {  	s5 =	sshll.u32 @p0 s5, $0xE  }
0xa9: {  	s5 =	sadd.s32 @p0 $0x11B8D, s5;
	s6 =	sshll.u32 @p0 s4, $0x11  }
0xaa: {  	s5 =	sor.u32 @p0 s6, s5  }
0xab: {  	[sflag:s5] =	ssyncadd.remote.s32 @p0 $0x1;
	_ =	sdelay $0x1  }
0xac: {  	s5 =	simm.s32 @p0 $0x1B8D  }
0xad: {  	_ =	swait.eq @p0 [sflag:s5], $0x1  }
0xae: {  	[sflag:s5] =	ssyncadd.s32 @p0 $0xFFFFFFFF  }
0xaf: {  	s6 =	sshll.u32 @!p0 s1, $0xE  }
0xb0: {  	s6 =	sor.u32 @!p0 $0x4000, s6;
	s5 =	simm.s32 @!p0 $0x1B8D  }
0xb1: {  	s4 =	sshll.u32 @!p0 s4, $0x11;
	s6 =	sadd.s32 @!p0 $0x11B8D, s6;
	_ =	swait.eq @!p0 [sflag:s5], $0x1  }
0xb2: {  	s4 =	sor.u32 @!p0 s4, s6;
	[sflag:s5] =	ssyncadd.s32 @!p0 $0xFFFFFFFF  }
0xb3: {  	s25 =	simm.s32 $0x1B8E;
	s24 =	sld [smem:$0x3FFE];
	[sflag:s4] =	ssyncadd.remote.s32 @!p0 $0x1  }
0xb4: {  	s26 =	simm.s32 $execute0_lowered;
	[smem:$0x3FD2] =	sst s25  }
0xb5: {  	s5 =	sshll.u32 s26, $0x1;
	_ =	strace $0x80000055;
	[dreg:$0x1] =	wrdreg $0xFFFFFFFF  }
0xb6: {  	s28 =	simm.s32 $_size_execute0_lowered;
	s3 =	sadd.s32 s3, s5;
	[dreg:$0x0] =	wrdreg $0x0  }
0xb7: {  	s5 =	sshll.u32 s28, $0x1;
	[dreg:$0x2] =	wrdreg s3  }
0xb8: {  	[dreg:$0x3] =	wrdreg s5  }
0xb9: {  	[dreg:$0x4] =	wrdreg $0xC0  }
0xba: {  	_ =	task [dreg:s22], $0x5FFFF  }
0xbb: {  	[dreg:$0x1] =	wrdreg $0xFFFFFFFF  }
0xbc: {  	[dreg:$0x0] =	wrdreg $0x60  }
0xbd: {  	[dreg:$0x2] =	wrdreg s24  }
0xbe: {  	[dreg:$0x3] =	wrdreg $0xA  }
0xbf: {  	_ =	task.clear_ibuf [dreg:s22], $0x4FFFF;
	_ =	strace $0x90000055  }
0xc0: {  	s29 =	simm.s32 $0xA;
	_ =	strace $0x80000057  }
0xc1: {  	_ =	swait.ge [sflag:s29], $0x1  }
0xc2: {  	[sflag:s29] =	ssyncadd.s32 $0xFFFFFFFF  }
0xc3: {  	_ =	strace $0x90000057  }
0xc4: {  	_ =	sfence  }
0xc5: {  	s30 =	sld [smem:$0x0];
	_ =	sdelay $0x2  }
0xc6: {  	s31 =	sshll.u32 s1, $0xD;
	s1 =	sshrl.u32 s1, $0x2  }
0xc7: {  	s4 =	sand.u32 $0x4000, s31;
	s1 =	sadd.s32 s1, s30  }
0xc8: {  	s0 =	sor.u32 s4, s0;
	s1 =	sshll.u32 s1, $0x11  }
0xc9: {  	s0 =	sor.u32 s1, s0  }
0xca: {  	s0 =	sadd.s32 $0x8F2B, s0  }
0xcb: {  	[sflag:s0] =	ssyncadd.remote.s32 $0x1  }
0xcc: {  	_ =	sfence.sel $0xFFFF  }
0xcd: {  	[dreg:$0x0] =	wrdreg $0xFFFFFFFF;
	(pc) =	sbr.abs _section_cstart, $3  }
0xce: {  	[dreg:$0x1] =	wrdreg $0xFFFFFFFF  }
0xcf: {  	_ =	task.clear_ibuf [dreg:s22], $0x2FFFF;
	_ =	strace $0x9FFFFFFF  }
0xd0: {  	(tm) =	ssettm $0x7FFFFFFF  }
0xd1: {  	_ =	shalt  }
tec
execute0_lowered:
.L_overlay_start_1:
0x0: {  	(tag) =	ssettag $0x1  }
0x1: {  	s1 =	srdreg.scid;
	s0 =	stileid.u32  }
0x2: {  	s6 =	rddreg [dreg:$0x0];
	s7 =	simm.s32 $0x1;
	s1 =	sshll.u32 s1, $0x4  }
0x3: {  	s30 =	simm.s32 $0x2;
	s2 =	sshll.u32 s0, $0x5;
	s3 =	sand.u32 $0x10, s1  }
0x4: {  	s31 =	simm.s32 $0x3;
	s11 =	simm.s32 $0x0;
	s2 =	sor.u32 s2, s3  }
0x5: {  	s9 =	simm.s32 $0x0;
	s4 =	sadd.s32 $0x3A000, s6;
	s5 =	ssub.s32 $0x620, s2  }
0x6: {  	s1 =	rddreg [dreg:$0x1];
	_ =	strace $0x80000056;
	s8 =	sand.u32 $0x1F0, s5  }
0x7: {  	s3 =	sadd.s32 $0x25E00, s6;
	[sflag:s7] =	ssyncpa.u1 $0x0;
	p0 =	sne.s32 s8, $0x0  }
0x8: {  	s6 =	sadd.s32 $0x2A800, s6;
	s5 =	sshrl.u32 s5, $0x9;
	s7 =	simm.s32 @!p0 $0x0  }
0x9: {  	[sflag:s30] =	ssyncpa.u1 $0x0;
	s10 =	smov.u32 s2;
	s5 =	sadd.s32 s7, s5  }
0xa: {  	[sflag:s31] =	ssyncpa.u1 $0x0;
	s8 =	simm.s32 $0x0;
	s7 =	sadd.s32 $0x1, s5  }
.LBB2_1:
0xb: {  	p0 =	sge.u32 s9, s5  }
0xc: {  	s31 =	sadd.s32 $0xFFFFFFFF, s9;
	s12 =	sxor.u32 @!p0 $0xFFFFFFFF, s8;
	s13 =	sshrl.u32 @!p0 s10, $0x3  }
0xd: {  	s14 =	sand.u32 @!p0 $0x7, s10;
	s12 =	sand.u32 @!p0 $0x10, s12;
	s13 =	sadd.s32 @!p0 s4, s13  }
0xe: {  	[tilespmem:s12], [sflag:$0x2] =	stream.linear.gather @!p0 [hbm4b:s13+s14], $0x10, $0x38;
	[tilespmem:$0x40] =	vst v63  }
0xf: {  	p0 =	sge.u32 s31, s5  }
0x10: {  	s12 =	simm.s32 @!p0 $0x2  }
0x11: {  	_ =	swait.ge @!p0 [sflag:s12], $0x10  }
0x12: {  	[sflag:s12] =	ssyncset.done @!p0 $0x0  }
0x13: {  	[sflag:s12] =	ssyncadd.s32 @!p0 $0xFFFFFFF0;
	s12 =	sand.u32 @!p0 $0x10, s8  }
0x14: {  	(ifvalue) =	ssetifvalue @!p0 $0x7FFFFFFF;
	v0 =	vld.msk @!p0 [tilespmem:s12+$0x0 ss:$0x1], $0xffff;
	_ =	sdelay $0x4  }
0x15: {  	vm0 =	vgt.s32 @!p0 v0, $0x0  }
0x16: {  	v0 =	vnsel @!p0 vm0, $0x0, v0  }
0x17: {  	v0 =	vmin.u32 @!p0 v0, $0x107F;
	_ =	sdelay $0x3  }
0x18: {  	s13 =	simm.s32 @!p0 $0x0;
	s12 =	sor.u32 @!p0 $0x20, s12;
	(ifvalue) =	ssetifvalue @!p0 $0x7FFFFFFF;
	vm0 =	vmmov @!p0 $0xffff  }
0x19: {  	[tilespmem:s12], [sflag:$0x1] =	stream.indirect_vreg.gather @!p0 [hbm4b:s3+s13], $0x1, v0, vm0, $0x4038;
	[tilespmem:$0x40] =	vst v63  }
0x1a: {  	s13 =	simm.s32 @!p0 $0x1  }
0x1b: {  	_ =	swait.ge @!p0 [sflag:s13], $0x10  }
0x1c: {  	s14 =	sshrl.u32 @!p0 s11, $0x3;
	[sflag:s13] =	ssyncset.done @!p0 $0x0  }
0x1d: {  	s11 =	sand.u32 @!p0 $0x7, s11;
	[sflag:s13] =	ssyncadd.s32 @!p0 $0xFFFFFFF0;
	s13 =	sadd.s32 @!p0 s6, s14  }
0x1e: {  	[hbm4b:s13+s11] =	stream.linear.scatter @!p0 [tilespmem:s12], [sflag:$0x3], $0x10, $0x38;
	[tilespmem:$0x40] =	vst v63  }
0x1f: {  	s13 =	sadd.s32 $0x200, s10  }
0x20: {  	p1 =	sgt.s32 s13, $0x61F  }
0x21: {  	s13 =	smov.u32 @p1 s2;
	p1 =	sne.s32 s9, s7  }
.Ltmp0:
0x22: {  	p0 =	slt.u32 s9, $0x2;
	(pc) =	sbr.rel @p1 .LBB2_1-.Ltmp0, $4  }
0x23: {  	s12 =	simm.s32 @!p0 $0x3  }
0x24: {  	_ =	swait.ge @!p0 [sflag:s12], $0x10  }
0x25: {  	s8 =	sadd.s32 $0x10, s8;
	s11 =	smov.u32 s10;
	[sflag:s12] =	ssyncset.done @!p0 $0x0  }
0x26: {  	s9 =	sadd.s32 $0x1, s9;
	s10 =	smov.u32 s13;
	[sflag:s12] =	ssyncadd.s32 @!p0 $0xFFFFFFF0  }
0x27: {  	_ =	sfence.sel $0x180000  }
0x28: {  	s2 =	simm.s32 $0x2;
	[bflag:$0x0] =	sbarrier.arrive $0xFFFF  }
0x29: {  	s30 =	simm.s32 $0x3;
	[sflag:s2] =	ssyncpa.u1 $0x1  }
0x2a: {  	s31 =	simm.s32 $0x1;
	[sflag:s30] =	ssyncpa.u1 $0x1  }
0x2b: {  	[sflag:s31] =	ssyncpa.u1 $0x1  }
0x2c: {  	p0 =	sne.s32 s0, $0x0;
	_ =	strace $0x90000056  }
0x2d: {  	s0 =	sadd.s32 @!p0 $0x100000, s1;
	[bflag:$0x2] =	sbarrier.arrive $0xFFFF  }
0x2e: {  	[sflag:s0] =	ssyncadd.tile.s32 @!p0 $0x1;
	_ =	shalt  }
.Lfunc_end2:
_tile_overlayer_lowered:
.L_overlay_start_2:
0x2f: {  	(tag) =	ssettag $0x2  }
0x30: {  	s0 =	rddreg [dreg:$0x0];
	s2 =	stileid.u32  }
0x31: {  	s1 =	rddreg [dreg:$0x1];
	p0 =	sne.s32 s2, $0x0  }
0x32: {  	s3 =	rddreg [dreg:$0x2];
	[bflag:$0x3] =	sbarrier.arrive $0xFFFF;
	s2 =	simm.s32 @!p0 $0x1C01  }
0x33: {  	[timem:s3], [sflag:s2] =	dma.local @!p0 [hbm:s0], s1  }
0x34: {  	s0 =	simm.s32 @!p0 $0x1  }
0x35: {  	_ =	swait.ge @!p0 [sflag:s0], s1  }
0x36: {  	s1 =	ssub.s32 @!p0 $0x0, s1;
	[sflag:s0] =	ssyncset.done @!p0 $0x0  }
0x37: {  	[sflag:s0] =	ssyncadd.s32 @!p0 s1  }
0x38: {  	[bflag:$0x3] =	sbarrier.arrive $0xFFFF  }
0x39: {  	_ =	shalt  }

// kernel: gather_offload_async_start.5
scs
__scs_entry_jumppad:
0x0: {  	(pc) =	sbr.rel $0x88, $3  }
0x1: {  	(tag) =	ssettag $0x0;
	lr =	simm.s32 $0x1  }
0x2: {  	[smem:$0x3F8B] =	sst lr;
	_ =	strace $0xD0000000  }
0x3: {  	_ = 	snop  }
0x4: {  	_ = 	snop  }
0x5: {  	_ = 	snop  }
0x6: {  	_ = 	snop  }
0x7: {  	_ = 	snop  }
__scs_overlays_trampoline_lowered:
0x8: {  	[smem:$0x3F9A] =	sst s0  }
0x9: {  	[smem:$0x3F9B] =	sst s1  }
0xa: {  	[smem:$0x3F9C] =	sst s2  }
0xb: {  	[smem:$0x3F9D] =	sst s3  }
0xc: {  	[smem:$0x3F9E] =	sst s4  }
0xd: {  	[smem:$0x3F9F] =	sst s5  }
0xe: {  	[smem:$0x3FA0] =	sst s6  }
0xf: {  	[smem:$0x3FA1] =	sst s7  }
0x10: {  	[smem:$0x3FA2] =	sst s8  }
0x11: {  	[smem:$0x3FA3] =	sst s9;
	s0 =	simm.s32 @!p0 $0x0  }
0x12: {  	s1 =	sld [smem:$0x3F89];
	s0 =	simm.s32 @p0 $0x1  }
0x13: {  	[smem:$0x3FA4] =	sst s0;
	s0 =	simm.s32 @!p1 $0x0  }
0x14: {  	s2 =	sld [smem:$0x3F88];
	s0 =	simm.s32 @p1 $0x1  }
0x15: {  	[smem:$0x3FA5] =	sst s0;
	s0 =	simm.s32 @!p2 $0x0  }
0x16: {  	s3 =	sld [smem:$0x3FDB];
	s0 =	simm.s32 @p2 $0x1  }
0x17: {  	s4 =	simm.s32 $0x1BF5;
	[smem:$0x3FA7] =	sst s0  }
0x18: {  	s0 =	sld [smem:$0x3F8A];
	_ =	swait.ge [sflag:s4], $0x0  }
0x19: {  	s7 =	sld [smem:$0x3F8B]  }
0x1a: {  	s8 =	sadd.s32 $0xFFFFE003, lr  }
0x1b: {  	s9 =	sadd.s32 $0xFFFFFEF7, lr;
	s5 =	simm.s32 $0xFFFFFFFF;
	p2 =	slt.u32 s8, $0xFFFFF086  }
0x1c: {  	p1 =	slt.u32 s9, $0xF7A;
	s5 =	simm.s32 @!p2 $0x0  }
0x1d: {  	s5 =	simm.s32 @p1 $0x1;
	p0 =	seq.s32 s7, s2  }
0x1e: {  	s7 =	smul.u32 @!p0 $0xF7A, s2;
	p2 =	seq.s32 @!p0 s5, $0x0  }
0x1f: {  	s9 =	smul.u32 $0xF7A, s1;
	s8 =	simm.s32 @!p0 $0x1BF5;
	p2 =	por !p2, p0  }
0x20: {  	[sflag:s8] =	ssyncset.s32 @!p0 $0xFFFFF086;
	s6 =	sadd.s32 @!p0 s3, s7;
	s7 =	simm.s32 @!p0 $0x108  }
0x21: {  	s3 =	sadd.s32 s3, s9;
	s6 =	sadd.s32 @!p0 $0x88, s6;
	s7 =	simm.s32 @p2 $0x1082  }
0x22: {  	[simem:s7], [sflag:s8] =	dma.local @!p0 [hbm:s6], $0xF7A  }
0x23: {  	s9 =	sor.u32 $0xD0000000, s2;
	s6 =	simm.s32 $0x108;
	_ =	swait.ge @!p0 [sflag:s8], $0x0  }
0x24: {  	s3 =	sadd.s32 $0x88, s3;
	s6 =	simm.s32 @!p1 $0x1082;
	[sflag:s4] =	ssyncset.s32 $0xFFFFF086  }
0x25: {  	[simem:s6], [sflag:s4] =	dma.local [hbm:s3], $0xF7A  }
0x26: {  	[smem:$0x3F8B] =	sst s1;
	(tag) =	ssettag s2;
	_ =	strace s9  }
0x27: {  	s1 =	sld [smem:$0x3F9B]  }
0x28: {  	s2 =	sld [smem:$0x3F9C]  }
0x29: {  	s4 =	sld [smem:$0x3F9E]  }
0x2a: {  	p0 =	seq.s32 s5, $0x0;
	s5 =	sld [smem:$0x3F9F]  }
0x2b: {  	s6 =	sld [smem:$0x3FA0]  }
0x2c: {  	s7 =	sld [smem:$0x3FA1]  }
0x2d: {  	s3 =	simm.s32 $0x108;
	s8 =	sld [smem:$0x3FA2]  }
0x2e: {  	s3 =	simm.s32 @!p0 $0x1082;
	s9 =	sld [smem:$0x3FA3]  }
0x2f: {  	lr =	sadd.s32 s0, s3;
	s0 =	sld [smem:$0x3F9A]  }
0x30: {  	s3 =	sld [smem:$0x3F9D]  }
0x31: {  	[smem:$0x3FA6] =	sst s10  }
0x32: {  	s10 =	sld [smem:$0x3FA4];
	_ =	sdelay $0x3  }
0x33: {  	p0 =	seq.s32 s10, $0x1;
	s10 =	sld [smem:$0x3FA6];
	_ =	sdelay $0x3  }
0x34: {  	[smem:$0x3FA6] =	sst s10  }
0x35: {  	s10 =	sld [smem:$0x3FA5];
	_ =	sdelay $0x3  }
0x36: {  	p1 =	seq.s32 s10, $0x1;
	s10 =	sld [smem:$0x3FA6];
	_ =	sdelay $0x3  }
0x37: {  	[smem:$0x3FA6] =	sst s10  }
0x38: {  	s10 =	sld [smem:$0x3FA7]  }
0x39: {  	_ = 	snop;
	(pc) =	sbr.ind lr, $3  }
0x3a: {  	_ = 	snop  }
0x3b: {  	_ = 	snop  }
0x3c: {  	p2 =	seq.s32 s10, $0x1;
	s10 =	sld [smem:$0x3FA6]  }
0x3d: {  	_ =	shalt  }
0x3e: {  	_ =	shalt  }
0x3f: {  	_ =	shalt  }
0x40: {  	_ =	shalt  }
0x41: {  	_ =	shalt  }
0x42: {  	_ =	shalt  }
0x43: {  	_ =	shalt  }
0x44: {  	_ =	shalt  }
0x45: {  	_ =	shalt  }
0x46: {  	_ =	shalt  }
0x47: {  	_ =	shalt  }
0x48: {  	_ =	shalt  }
0x49: {  	_ =	shalt  }
0x4a: {  	_ =	shalt  }
0x4b: {  	_ =	shalt  }
0x4c: {  	_ =	shalt  }
0x4d: {  	_ =	shalt  }
0x4e: {  	_ =	shalt  }
0x4f: {  	_ =	shalt  }
0x50: {  	_ =	shalt  }
0x51: {  	_ =	shalt  }
0x52: {  	_ =	shalt  }
0x53: {  	_ =	shalt  }
0x54: {  	_ =	shalt  }
0x55: {  	_ =	shalt  }
0x56: {  	_ =	shalt  }
0x57: {  	_ =	shalt  }
0x58: {  	_ =	shalt  }
0x59: {  	_ =	shalt  }
0x5a: {  	_ =	shalt  }
0x5b: {  	_ =	shalt  }
0x5c: {  	_ =	shalt  }
0x5d: {  	_ =	shalt  }
0x5e: {  	_ =	shalt  }
0x5f: {  	_ =	shalt  }
0x60: {  	_ =	shalt  }
0x61: {  	_ =	shalt  }
0x62: {  	_ =	shalt  }
0x63: {  	_ =	shalt  }
0x64: {  	_ =	shalt  }
0x65: {  	_ =	shalt  }
0x66: {  	_ =	shalt  }
0x67: {  	_ =	shalt  }
0x68: {  	_ =	shalt  }
0x69: {  	_ =	shalt  }
0x6a: {  	_ =	shalt  }
0x6b: {  	_ =	shalt  }
0x6c: {  	_ =	shalt  }
0x6d: {  	_ =	shalt  }
0x6e: {  	_ =	shalt  }
0x6f: {  	_ =	shalt  }
0x70: {  	_ =	shalt  }
0x71: {  	_ =	shalt  }
0x72: {  	_ =	shalt  }
0x73: {  	_ =	shalt  }
0x74: {  	_ =	shalt  }
0x75: {  	_ =	shalt  }
0x76: {  	_ =	shalt  }
0x77: {  	_ =	shalt  }
0x78: {  	_ =	shalt  }
0x79: {  	_ =	shalt  }
0x7a: {  	_ =	shalt  }
0x7b: {  	_ =	shalt  }
0x7c: {  	_ =	shalt  }
0x7d: {  	_ =	shalt  }
0x7e: {  	_ =	shalt  }
0x7f: {  	_ =	shalt  }
0x80: {  	_ =	shalt  }
0x81: {  	_ =	shalt  }
0x82: {  	_ =	shalt  }
0x83: {  	_ =	shalt  }
0x84: {  	_ =	shalt  }
0x85: {  	_ =	shalt  }
0x86: {  	_ =	shalt  }
0x87: {  	_ =	shalt  }
.Lfunc_end0:
.L_simem_size_0:
called_computation.5_lowered:
.L_overlay_start_0:
0x88: {  	s2 =	sld [smem:$0x3FD9]  }
0x89: {  	s3 =	sld [smem:$0x3FFE];
	_ =	sdelay $0x1  }
0x8a: {  	s1 =	srdreg.scid  }
0x8b: {  	s0 =	sand.u32 $0x1, s1  }
0x8c: {  	s17 =	sshll.u32 s0, $0xA;
	s2 =	sadd.s32 s3, s2  }
0x8d: {  	s2 =	sadd.s32 s2, s17  }
0x8e: {  	[smem:$0x3FB2] =	sst s2  }
0x8f: {  	_ = 	snop  }
0x90: {  	(tm) =	ssettm $0x1  }
0x91: {  	s18 =	sld [smem:$0x3FFB];
	_ =	sdelay $0x3  }
0x92: {  	_ =	strace s18  }
0x93: {  	s2 =	sld [smem:$0x3FFC];
	_ =	sdelay $0x3  }
0x94: {  	_ =	strace s2  }
0x95: {  	s2 =	sld [smem:$0x3FFD];
	_ =	sdelay $0x3  }
0x96: {  	_ =	strace s2  }
0x97: {  	_ =	strace $0x8FFFFFFF  }
0x98: {  	s19 =	sld [smem:$0x3FDB];
	_ =	sdelay $0x1  }
0x99: {  	s20 =	simm.s32 $_scs_section_size  }
0x9a: {  	s4 =	simm.s32 $_size__tile_overlayer_lowered;
	s5 =	simm.s32 $_tile_overlayer_lowered  }
0x9b: {  	s6 =	simm.s32 $0x1BFF;
	s21 =	sshll.u32 s5, $0x1;
	s3 =	sadd.s32 s20, s19  }
0x9c: {  	s22 =	simm.s32 $0x0;
	s4 =	sshll.u32 s4, $0x1;
	s5 =	sadd.s32 s21, s3  }
0x9d: {  	[timem:s22], [sflag:s6] =	dma.local [hbm:s5], s4  }
0x9e: {  	_ =	swait.ge [sflag:s6], s4  }
0x9f: {  	s4 =	ssub.s32 $0x0, s4;
	[sflag:s6] =	ssyncset.done $0x0  }
0xa0: {  	[sflag:s6] =	ssyncadd.s32 s4;
	_ =	sdelay $0x1  }
0xa1: {  	s23 =	simm.s32 $0x1B8B  }
0xa2: {  	_ =	swait.ge [sflag:s23], $0x1  }
0xa3: {  	[sflag:s23] =	ssyncset.done $0x0  }
0xa4: {  	[sflag:s23] =	ssyncadd.s32 $0xFFFFFFFF  }
0xa5: {  	s4 =	sld [smem:$0x0]  }
0xa6: {  	s5 =	sand.u32 $0xFFFFFFFE, s1  }
0xa7: {  	p0 =	sne.s32 s1, s5  }
0xa8: {  	s5 =	sshll.u32 @p0 s5, $0xE  }
0xa9: {  	s5 =	sadd.s32 @p0 $0x11B8D, s5;
	s6 =	sshll.u32 @p0 s4, $0x11  }
0xaa: {  	s5 =	sor.u32 @p0 s6, s5  }
0xab: {  	[sflag:s5] =	ssyncadd.remote.s32 @p0 $0x1;
	_ =	sdelay $0x1  }
0xac: {  	s5 =	simm.s32 @p0 $0x1B8D  }
0xad: {  	_ =	swait.eq @p0 [sflag:s5], $0x1  }
0xae: {  	[sflag:s5] =	ssyncadd.s32 @p0 $0xFFFFFFFF  }
0xaf: {  	s6 =	sshll.u32 @!p0 s1, $0xE  }
0xb0: {  	s6 =	sor.u32 @!p0 $0x4000, s6;
	s5 =	simm.s32 @!p0 $0x1B8D  }
0xb1: {  	s4 =	sshll.u32 @!p0 s4, $0x11;
	s6 =	sadd.s32 @!p0 $0x11B8D, s6;
	_ =	swait.eq @!p0 [sflag:s5], $0x1  }
0xb2: {  	s4 =	sor.u32 @!p0 s4, s6;
	[sflag:s5] =	ssyncadd.s32 @!p0 $0xFFFFFFFF  }
0xb3: {  	s25 =	simm.s32 $0x1B8E;
	s24 =	sld [smem:$0x3FFE];
	[sflag:s4] =	ssyncadd.remote.s32 @!p0 $0x1  }
0xb4: {  	s26 =	simm.s32 $execute0_lowered;
	[smem:$0x3FD2] =	sst s25  }
0xb5: {  	s5 =	sshll.u32 s26, $0x1;
	_ =	strace $0x80000058;
	[dreg:$0x1] =	wrdreg $0xFFFFFFFF  }
0xb6: {  	s28 =	simm.s32 $_size_execute0_lowered;
	s3 =	sadd.s32 s3, s5;
	[dreg:$0x0] =	wrdreg $0x0  }
0xb7: {  	s5 =	sshll.u32 s28, $0x1;
	[dreg:$0x2] =	wrdreg s3  }
0xb8: {  	[dreg:$0x3] =	wrdreg s5  }
0xb9: {  	[dreg:$0x4] =	wrdreg $0xC0  }
0xba: {  	_ =	task [dreg:s22], $0x5FFFF  }
0xbb: {  	[dreg:$0x1] =	wrdreg $0xFFFFFFFF  }
0xbc: {  	[dreg:$0x0] =	wrdreg $0x60  }
0xbd: {  	[dreg:$0x2] =	wrdreg s24  }
0xbe: {  	[dreg:$0x3] =	wrdreg $0xB  }
0xbf: {  	_ =	task.clear_ibuf [dreg:s22], $0x4FFFF;
	_ =	strace $0x90000058  }
0xc0: {  	s29 =	simm.s32 $0xB;
	_ =	strace $0x8000005A  }
0xc1: {  	_ =	swait.ge [sflag:s29], $0x1  }
0xc2: {  	[sflag:s29] =	ssyncadd.s32 $0xFFFFFFFF  }
0xc3: {  	_ =	strace $0x9000005A  }
0xc4: {  	_ =	sfence  }
0xc5: {  	s30 =	sld [smem:$0x0];
	_ =	sdelay $0x2  }
0xc6: {  	s31 =	sshll.u32 s1, $0xD;
	s1 =	sshrl.u32 s1, $0x2  }
0xc7: {  	s4 =	sand.u32 $0x4000, s31;
	s1 =	sadd.s32 s1, s30  }
0xc8: {  	s0 =	sor.u32 s4, s0;
	s1 =	sshll.u32 s1, $0x11  }
0xc9: {  	s0 =	sor.u32 s1, s0  }
0xca: {  	s0 =	sadd.s32 $0x8F2B, s0  }
0xcb: {  	[sflag:s0] =	ssyncadd.remote.s32 $0x1  }
0xcc: {  	_ =	sfence.sel $0xFFFF  }
0xcd: {  	[dreg:$0x0] =	wrdreg $0xFFFFFFFF;
	(pc) =	sbr.abs _section_cstart, $3  }
0xce: {  	[dreg:$0x1] =	wrdreg $0xFFFFFFFF  }
0xcf: {  	_ =	task.clear_ibuf [dreg:s22], $0x2FFFF;
	_ =	strace $0x9FFFFFFF  }
0xd0: {  	(tm) =	ssettm $0x7FFFFFFF  }
0xd1: {  	_ =	shalt  }
tec
execute0_lowered:
.L_overlay_start_1:
0x0: {  	(tag) =	ssettag $0x1  }
0x1: {  	s0 =	srdreg.scid  }
0x2: {  	s1 =	sshll.u32 s0, $0x4  }
0x3: {  	s0 =	stileid.u32;
	s1 =	sand.u32 $0x10, s1  }
0x4: {  	s1 =	sor.u32 s0, s1  }
0x5: {  	s2 =	smul.u32 $0x3, s1  }
0x6: {  	s9 =	rddreg [dreg:$0x0];
	s6 =	simm.s32 $0x1;
	s3 =	smin.u32 s1, $0x2  }
0x7: {  	p0 =	slt.u32 s1, $0x2;
	s1 =	simm.s32 $0x40;
	s2 =	sadd.s32 s3, s2  }
0x8: {  	s7 =	simm.s32 $0x2;
	s1 =	simm.s32 @!p0 $0x30;
	s2 =	sshll.u32 s2, $0x4  }
0x9: {  	s10 =	simm.s32 $0x3;
	s13 =	simm.s32 $0x0;
	s31 =	sadd.s32 s1, s2  }
0xa: {  	s12 =	simm.s32 $0x0;
	s4 =	sadd.s32 $0xA1400, s9;
	s3 =	smin.u32 s31, $0x620  }
.Ltmp0:
0xb: {  	s5 =	sadd.s32 $0x25400, s9;
	s8 =	ssub.s32 s3, s2;
	(pc) =	sbr.rel .LBB2_1-.Ltmp0, $4  }
0xc: {  	s1 =	rddreg [dreg:$0x1];
	_ =	strace $0x80000059;
	p0 =	sgt.s32 s8, $0x0  }
0xd: {  	s9 =	sadd.s32 $0x3A400, s9;
	[sflag:s6] =	ssyncpa.u1 $0x0;
	s8 =	simm.s32 @!p0 $0x0  }
0xe: {  	s11 =	smov.u32 s2;
	[sflag:s7] =	ssyncpa.u1 $0x0;
	s8 =	sshrl.u32 s8, $0x4  }
0xf: {  	vm0 =	vmmov $0xff;
	vm1 =	vcmask $0x3F20;
	[sflag:s10] =	ssyncpa.u1 $0x0;
	p0 =	por $0x0, $0x0;
	s10 =	sadd.s32 $0x1, s8  }
.LBB2_4:
0x10: {  	_ =	sdelay $0x3  }
0x11: {  	[tilespmem:s18], [sflag:$0x1] =	stream.indirect_vreg.gather [hbm:s4], $0x80, v0, vm1, $0x38;
	[tilespmem:$0x6020] =	vst v63  }
0x12: {  	s16 =	sshrl.u32 s13, $0x3;
	s31 =	sshll.u32 s13, $0x4  }
0x13: {  	_ =	swait.ge [sflag:s6], $0x3000;
	s13 =	sand.u32 $0x70, s31;
	s16 =	smul.u32 $0x300, s16  }
0x14: {  	[sflag:s6] =	ssyncset.done $0x0;
	s13 =	sadd.s32 s9, s13  }
0x15: {  	[sflag:s6] =	ssyncadd.s32 $0xFFFFD000;
	s13 =	sadd.s32 s16, s13  }
0x16: {  	[hbm:s13] =	stream.linear.scatter [tilespmem:s15], [sflag:$0x3], $0x1800, $0x38;
	[tilespmem:$0x6020] =	vst v63  }
0x17: {  	s14 =	sadd.s32 $0x1820, s14;
	s13 =	sadd.s32 $0x300, s13  }
0x18: {  	[hbm:s13] =	stream.linear.scatter [tilespmem:s14], [sflag:$0x3], $0x1800, $0x38;
	[tilespmem:$0x6020] =	vst v63  }
.LBB2_5:
0x19: {  	s13 =	sadd.s32 $0x10, s11  }
0x1a: {  	s15 =	smov.u32 s2;
	p2 =	slt.s32 s13, s3  }
0x1b: {  	s15 =	smov.u32 @p2 s13;
	p2 =	sne.s32 s12, s10  }
.Ltmp1:
0x1c: {  	p1 =	slt.u32 s12, $0x2;
	(pc) =	sbr.rel @!p2 .LBB2_6-.Ltmp1, $4  }
0x1d: {  	s14 =	simm.s32 @!p1 $0x3  }
0x1e: {  	s16 =	sadd.s32 $0x1, s12;
	_ =	swait.ge @!p1 [sflag:s14], $0x3000  }
0x1f: {  	p0 =	por !p0, !p0;
	s13 =	smov.u32 s11;
	[sflag:s14] =	ssyncset.done @!p1 $0x0  }
0x20: {  	s12 =	smov.u32 s16;
	s11 =	smov.u32 s15;
	[sflag:s14] =	ssyncadd.s32 @!p1 $0xFFFFD000  }
.LBB2_1:
0x21: {  	p1 =	sge.u32 s12, s8  }
0x22: {  	s14 =	sxor.u32 @!p1 $0xFFFFFFFF, s12  }
0x23: {  	s31 =	sadd.s32 $0xFFFFFFFF, s12;
	s15 =	sshrl.u32 @!p1 s11, $0x3;
	s14 =	sshll.u32 @!p1 s14, $0x4  }
0x24: {  	s16 =	sand.u32 @!p1 $0x7, s11;
	s15 =	sadd.s32 @!p1 s5, s15;
	s14 =	sand.u32 @!p1 $0x10, s14  }
0x25: {  	[tilespmem:s14], [sflag:$0x2] =	stream.linear.gather @!p1 [hbm4b:s15+s16], $0x10, $0x38;
	[tilespmem:$0x6020] =	vst v63  }
0x26: {  	p1 =	sge.u32 s31, s8  }
.Ltmp2:
0x27: {  	_ = 	snop;
	(pc) =	sbr.rel @p1 .LBB2_5-.Ltmp2, $1  }
0x28: {  	_ =	sdelay $0x3  }
0x29: {  	_ =	swait.ge [sflag:s7], $0x10  }
0x2a: {  	s14 =	sand.u32 $0x1, s12;
	[sflag:s7] =	ssyncset.done $0x0  }
0x2b: {  	s15 =	sshll.u32 s14, $0x4;
	[sflag:s7] =	ssyncadd.s32 $0xFFFFFFF0  }
0x2c: {  	v0 =	vld.msk [tilespmem:s15+$0x0 ss:$0x1], $0xffff;
	_ =	sdelay $0x4  }
0x2d: {  	vm2 =	vgt.s32 v0, $0x0  }
0x2e: {  	v0 =	vnsel vm2, $0x0, v0  }
0x2f: {  	v0 =	vmin.u32 v0, $0x107F  }
0x30: {  	v1 =	vshrl.u32 v0, $0x3  }
0x31: {  	v0 =	vshll.u32 v0, $0x7;
	v1 =	vmul.u32 $0x1800, v1  }
0x32: {  	s15 =	simm.s32 $0x1;
	v0 =	vand.u32 $0x380, v0  }
0x33: {  	s15 =	simm.s32 @!p0 $0x0;
	v0 =	vor.u32 v0, v1  }
0x34: {  	s15 =	smul.u32 $0xC000, s15;
	v0 =	vshrl.u32 v0, $0x3;
	_ =	sdelay $0x1  }
0x35: {  	s14 =	smul.u32 $0xC000, s14;
	s15 =	sshrl.u32 s15, $0x2  }
0x36: {  	s16 =	sor.u32 $0x20, s15  }
0x37: {  	s14 =	sshrl.u32 s14, $0x2;
	s18 =	sadd.s32 $0x0, s16  }
0x38: {  	[tilespmem:s18], [sflag:$0x1] =	stream.indirect_vreg.gather [hbm:s4], $0x80, v0, vm0, $0x38;
	[tilespmem:$0x6020] =	vst v63  }
0x39: {  	s17 =	simm.s32 $0x1000;
	s15 =	sor.u32 $0x20, s14;
	v1 =	vadd.s32 $0x80, v0;
	s18 =	sadd.s32 $0x1800, s18  }
.LBB2_3:
0x3a: {  	[tilespmem:s18], [sflag:$0x1] =	stream.indirect_vreg.gather [hbm:s4], $0x80, v0, vm1, $0x38;
	[tilespmem:$0x6020] =	vst v63  }
0x3b: {  	v0 =	vmov v1;
	s18 =	smov.u32 s17;
	p1 =	sne.s32 s17, $0x5000  }
.Ltmp3:
0x3c: {  	s17 =	sadd.s32 $0x1000, s17;
	(pc) =	sbr.rel @p1 .LBB2_3-.Ltmp3, $4  }
0x3d: {  	s18 =	sshra.s32 s18, $0x2  }
0x3e: {  	s18 =	sadd.s32 s18, s16  }
0x3f: {  	[tilespmem:s18], [sflag:$0x1] =	stream.indirect_vreg.gather [hbm:s4], $0x80, v1, vm0, $0x38;
	[tilespmem:$0x6020] =	vst v63  }
0x40: {  	s18 =	sadd.s32 $0x1800, s18;
	v1 =	vadd.s32 $0x80, v1  }
.Ltmp4:
0x41: {  	_ = 	snop;
	(pc) =	sbr.rel .LBB2_4-.Ltmp4, $1  }
0x42: {  	_ =	sdelay $0x3  }
.LBB2_6:
0x43: {  	_ =	sfence.sel $0x180000  }
0x44: {  	s2 =	simm.s32 $0x2;
	[bflag:$0x0] =	sbarrier.arrive $0xFFFF  }
0x45: {  	s30 =	simm.s32 $0x3;
	[sflag:s2] =	ssyncpa.u1 $0x1  }
0x46: {  	s31 =	simm.s32 $0x1;
	[sflag:s30] =	ssyncpa.u1 $0x1  }
0x47: {  	[sflag:s31] =	ssyncpa.u1 $0x1  }
0x48: {  	p0 =	sne.s32 s0, $0x0;
	_ =	strace $0x90000059  }
0x49: {  	s0 =	sadd.s32 @!p0 $0x100000, s1;
	[bflag:$0x2] =	sbarrier.arrive $0xFFFF  }
0x4a: {  	[sflag:s0] =	ssyncadd.tile.s32 @!p0 $0x1;
	_ =	shalt  }
.Lfunc_end2:
_tile_overlayer_lowered:
.L_overlay_start_2:
0x4b: {  	(tag) =	ssettag $0x2  }
0x4c: {  	s0 =	rddreg [dreg:$0x0];
	s2 =	stileid.u32  }
0x4d: {  	s1 =	rddreg [dreg:$0x1];
	p0 =	sne.s32 s2, $0x0  }
0x4e: {  	s3 =	rddreg [dreg:$0x2];
	[bflag:$0x3] =	sbarrier.arrive $0xFFFF;
	s2 =	simm.s32 @!p0 $0x1C01  }
0x4f: {  	[timem:s3], [sflag:s2] =	dma.local @!p0 [hbm:s0], s1  }
0x50: {  	s0 =	simm.s32 @!p0 $0x1  }
0x51: {  	_ =	swait.ge @!p0 [sflag:s0], s1  }
0x52: {  	s1 =	ssub.s32 @!p0 $0x0, s1;
	[sflag:s0] =	ssyncset.done @!p0 $0x0  }
0x53: {  	[sflag:s0] =	ssyncadd.s32 @!p0 s1  }
0x54: {  	[bflag:$0x3] =	sbarrier.arrive $0xFFFF  }
0x55: {  	_ =	shalt  }

// kernel: gather_offload_async_start.6
scs
__scs_entry_jumppad:
0x0: {  	(pc) =	sbr.rel $0x88, $3  }
0x1: {  	(tag) =	ssettag $0x0;
	lr =	simm.s32 $0x1  }
0x2: {  	[smem:$0x3F8B] =	sst lr;
	_ =	strace $0xD0000000  }
0x3: {  	_ = 	snop  }
0x4: {  	_ = 	snop  }
0x5: {  	_ = 	snop  }
0x6: {  	_ = 	snop  }
0x7: {  	_ = 	snop  }
__scs_overlays_trampoline_lowered:
0x8: {  	[smem:$0x3F9A] =	sst s0  }
0x9: {  	[smem:$0x3F9B] =	sst s1  }
0xa: {  	[smem:$0x3F9C] =	sst s2  }
0xb: {  	[smem:$0x3F9D] =	sst s3  }
0xc: {  	[smem:$0x3F9E] =	sst s4  }
0xd: {  	[smem:$0x3F9F] =	sst s5  }
0xe: {  	[smem:$0x3FA0] =	sst s6  }
0xf: {  	[smem:$0x3FA1] =	sst s7  }
0x10: {  	[smem:$0x3FA2] =	sst s8  }
0x11: {  	[smem:$0x3FA3] =	sst s9;
	s0 =	simm.s32 @!p0 $0x0  }
0x12: {  	s1 =	sld [smem:$0x3F89];
	s0 =	simm.s32 @p0 $0x1  }
0x13: {  	[smem:$0x3FA4] =	sst s0;
	s0 =	simm.s32 @!p1 $0x0  }
0x14: {  	s2 =	sld [smem:$0x3F88];
	s0 =	simm.s32 @p1 $0x1  }
0x15: {  	[smem:$0x3FA5] =	sst s0;
	s0 =	simm.s32 @!p2 $0x0  }
0x16: {  	s3 =	sld [smem:$0x3FDB];
	s0 =	simm.s32 @p2 $0x1  }
0x17: {  	s4 =	simm.s32 $0x1BF5;
	[smem:$0x3FA7] =	sst s0  }
0x18: {  	s0 =	sld [smem:$0x3F8A];
	_ =	swait.ge [sflag:s4], $0x0  }
0x19: {  	s7 =	sld [smem:$0x3F8B]  }
0x1a: {  	s8 =	sadd.s32 $0xFFFFE003, lr  }
0x1b: {  	s9 =	sadd.s32 $0xFFFFFEF7, lr;
	s5 =	simm.s32 $0xFFFFFFFF;
	p2 =	slt.u32 s8, $0xFFFFF086  }
0x1c: {  	p1 =	slt.u32 s9, $0xF7A;
	s5 =	simm.s32 @!p2 $0x0  }
0x1d: {  	s5 =	simm.s32 @p1 $0x1;
	p0 =	seq.s32 s7, s2  }
0x1e: {  	s7 =	smul.u32 @!p0 $0xF7A, s2;
	p2 =	seq.s32 @!p0 s5, $0x0  }
0x1f: {  	s9 =	smul.u32 $0xF7A, s1;
	s8 =	simm.s32 @!p0 $0x1BF5;
	p2 =	por !p2, p0  }
0x20: {  	[sflag:s8] =	ssyncset.s32 @!p0 $0xFFFFF086;
	s6 =	sadd.s32 @!p0 s3, s7;
	s7 =	simm.s32 @!p0 $0x108  }
0x21: {  	s3 =	sadd.s32 s3, s9;
	s6 =	sadd.s32 @!p0 $0x88, s6;
	s7 =	simm.s32 @p2 $0x1082  }
0x22: {  	[simem:s7], [sflag:s8] =	dma.local @!p0 [hbm:s6], $0xF7A  }
0x23: {  	s9 =	sor.u32 $0xD0000000, s2;
	s6 =	simm.s32 $0x108;
	_ =	swait.ge @!p0 [sflag:s8], $0x0  }
0x24: {  	s3 =	sadd.s32 $0x88, s3;
	s6 =	simm.s32 @!p1 $0x1082;
	[sflag:s4] =	ssyncset.s32 $0xFFFFF086  }
0x25: {  	[simem:s6], [sflag:s4] =	dma.local [hbm:s3], $0xF7A  }
0x26: {  	[smem:$0x3F8B] =	sst s1;
	(tag) =	ssettag s2;
	_ =	strace s9  }
0x27: {  	s1 =	sld [smem:$0x3F9B]  }
0x28: {  	s2 =	sld [smem:$0x3F9C]  }
0x29: {  	s4 =	sld [smem:$0x3F9E]  }
0x2a: {  	p0 =	seq.s32 s5, $0x0;
	s5 =	sld [smem:$0x3F9F]  }
0x2b: {  	s6 =	sld [smem:$0x3FA0]  }
0x2c: {  	s7 =	sld [smem:$0x3FA1]  }
0x2d: {  	s3 =	simm.s32 $0x108;
	s8 =	sld [smem:$0x3FA2]  }
0x2e: {  	s3 =	simm.s32 @!p0 $0x1082;
	s9 =	sld [smem:$0x3FA3]  }
0x2f: {  	lr =	sadd.s32 s0, s3;
	s0 =	sld [smem:$0x3F9A]  }
0x30: {  	s3 =	sld [smem:$0x3F9D]  }
0x31: {  	[smem:$0x3FA6] =	sst s10  }
0x32: {  	s10 =	sld [smem:$0x3FA4];
	_ =	sdelay $0x3  }
0x33: {  	p0 =	seq.s32 s10, $0x1;
	s10 =	sld [smem:$0x3FA6];
	_ =	sdelay $0x3  }
0x34: {  	[smem:$0x3FA6] =	sst s10  }
0x35: {  	s10 =	sld [smem:$0x3FA5];
	_ =	sdelay $0x3  }
0x36: {  	p1 =	seq.s32 s10, $0x1;
	s10 =	sld [smem:$0x3FA6];
	_ =	sdelay $0x3  }
0x37: {  	[smem:$0x3FA6] =	sst s10  }
0x38: {  	s10 =	sld [smem:$0x3FA7]  }
0x39: {  	_ = 	snop;
	(pc) =	sbr.ind lr, $3  }
0x3a: {  	_ = 	snop  }
0x3b: {  	_ = 	snop  }
0x3c: {  	p2 =	seq.s32 s10, $0x1;
	s10 =	sld [smem:$0x3FA6]  }
0x3d: {  	_ =	shalt  }
0x3e: {  	_ =	shalt  }
0x3f: {  	_ =	shalt  }
0x40: {  	_ =	shalt  }
0x41: {  	_ =	shalt  }
0x42: {  	_ =	shalt  }
0x43: {  	_ =	shalt  }
0x44: {  	_ =	shalt  }
0x45: {  	_ =	shalt  }
0x46: {  	_ =	shalt  }
0x47: {  	_ =	shalt  }
0x48: {  	_ =	shalt  }
0x49: {  	_ =	shalt  }
0x4a: {  	_ =	shalt  }
0x4b: {  	_ =	shalt  }
0x4c: {  	_ =	shalt  }
0x4d: {  	_ =	shalt  }
0x4e: {  	_ =	shalt  }
0x4f: {  	_ =	shalt  }
0x50: {  	_ =	shalt  }
0x51: {  	_ =	shalt  }
0x52: {  	_ =	shalt  }
0x53: {  	_ =	shalt  }
0x54: {  	_ =	shalt  }
0x55: {  	_ =	shalt  }
0x56: {  	_ =	shalt  }
0x57: {  	_ =	shalt  }
0x58: {  	_ =	shalt  }
0x59: {  	_ =	shalt  }
0x5a: {  	_ =	shalt  }
0x5b: {  	_ =	shalt  }
0x5c: {  	_ =	shalt  }
0x5d: {  	_ =	shalt  }
0x5e: {  	_ =	shalt  }
0x5f: {  	_ =	shalt  }
0x60: {  	_ =	shalt  }
0x61: {  	_ =	shalt  }
0x62: {  	_ =	shalt  }
0x63: {  	_ =	shalt  }
0x64: {  	_ =	shalt  }
0x65: {  	_ =	shalt  }
0x66: {  	_ =	shalt  }
0x67: {  	_ =	shalt  }
0x68: {  	_ =	shalt  }
0x69: {  	_ =	shalt  }
0x6a: {  	_ =	shalt  }
0x6b: {  	_ =	shalt  }
0x6c: {  	_ =	shalt  }
0x6d: {  	_ =	shalt  }
0x6e: {  	_ =	shalt  }
0x6f: {  	_ =	shalt  }
0x70: {  	_ =	shalt  }
0x71: {  	_ =	shalt  }
0x72: {  	_ =	shalt  }
0x73: {  	_ =	shalt  }
0x74: {  	_ =	shalt  }
0x75: {  	_ =	shalt  }
0x76: {  	_ =	shalt  }
0x77: {  	_ =	shalt  }
0x78: {  	_ =	shalt  }
0x79: {  	_ =	shalt  }
0x7a: {  	_ =	shalt  }
0x7b: {  	_ =	shalt  }
0x7c: {  	_ =	shalt  }
0x7d: {  	_ =	shalt  }
0x7e: {  	_ =	shalt  }
0x7f: {  	_ =	shalt  }
0x80: {  	_ =	shalt  }
0x81: {  	_ =	shalt  }
0x82: {  	_ =	shalt  }
0x83: {  	_ =	shalt  }
0x84: {  	_ =	shalt  }
0x85: {  	_ =	shalt  }
0x86: {  	_ =	shalt  }
0x87: {  	_ =	shalt  }
.Lfunc_end0:
.L_simem_size_0:
called_computation.6_lowered:
.L_overlay_start_0:
0x88: {  	s2 =	sld [smem:$0x3FD9]  }
0x89: {  	s3 =	sld [smem:$0x3FFE];
	_ =	sdelay $0x1  }
0x8a: {  	s1 =	srdreg.scid  }
0x8b: {  	s0 =	sand.u32 $0x1, s1  }
0x8c: {  	s16 =	sshll.u32 s0, $0xA;
	s2 =	sadd.s32 s3, s2  }
0x8d: {  	s2 =	sadd.s32 s2, s16  }
0x8e: {  	[smem:$0x3FB2] =	sst s2  }
0x8f: {  	_ = 	snop  }
0x90: {  	(tm) =	ssettm $0x1  }
0x91: {  	s17 =	sld [smem:$0x3FFB];
	_ =	sdelay $0x3  }
0x92: {  	_ =	strace s17  }
0x93: {  	s2 =	sld [smem:$0x3FFC];
	_ =	sdelay $0x3  }
0x94: {  	_ =	strace s2  }
0x95: {  	s2 =	sld [smem:$0x3FFD];
	_ =	sdelay $0x3  }
0x96: {  	_ =	strace s2  }
0x97: {  	_ =	strace $0x8FFFFFFF  }
0x98: {  	s18 =	sld [smem:$0x3FDB];
	_ =	sdelay $0x1  }
0x99: {  	s19 =	simm.s32 $_scs_section_size  }
0x9a: {  	s4 =	simm.s32 $_size__tile_overlayer_lowered;
	s5 =	simm.s32 $_tile_overlayer_lowered  }
0x9b: {  	s22 =	simm.s32 $0x1BFF;
	s21 =	sshll.u32 s5, $0x1;
	s2 =	sadd.s32 s19, s18  }
0x9c: {  	s6 =	simm.s32 $0x0;
	s20 =	sshll.u32 s4, $0x1;
	s4 =	sadd.s32 s21, s2  }
0x9d: {  	[timem:s6], [sflag:s22] =	dma.local [hbm:s4], s20  }
0x9e: {  	_ =	swait.ge [sflag:s22], s20  }
0x9f: {  	s3 =	ssub.s32 $0x0, s20;
	[sflag:s22] =	ssyncset.done $0x0  }
0xa0: {  	[sflag:s22] =	ssyncadd.s32 s3;
	_ =	sdelay $0x1  }
0xa1: {  	s23 =	simm.s32 $0x1B8B  }
0xa2: {  	_ =	swait.ge [sflag:s23], $0x1  }
0xa3: {  	[sflag:s23] =	ssyncset.done $0x0  }
0xa4: {  	s25 =	simm.s32 $0x1B8E;
	s24 =	sld [smem:$0x3FFE];
	[sflag:s23] =	ssyncadd.s32 $0xFFFFFFFF  }
0xa5: {  	s26 =	simm.s32 $execute0_lowered;
	[smem:$0x3FD2] =	sst s25  }
0xa6: {  	s4 =	sshll.u32 s26, $0x1;
	_ =	strace $0x80000052;
	[dreg:$0x1] =	wrdreg $0xFFFFFFFF  }
0xa7: {  	s28 =	simm.s32 $_size_execute0_lowered;
	s2 =	sadd.s32 s2, s4;
	[dreg:$0x0] =	wrdreg $0x0  }
0xa8: {  	s4 =	sshll.u32 s28, $0x1;
	[dreg:$0x2] =	wrdreg s2  }
0xa9: {  	[dreg:$0x3] =	wrdreg s4  }
0xaa: {  	[dreg:$0x4] =	wrdreg $0xC0  }
0xab: {  	_ =	task [dreg:s6], $0x5FFFF  }
0xac: {  	[dreg:$0x1] =	wrdreg $0xFFFFFFFF  }
0xad: {  	[dreg:$0x0] =	wrdreg $0x60  }
0xae: {  	[dreg:$0x2] =	wrdreg s24  }
0xaf: {  	[dreg:$0x3] =	wrdreg $0xC  }
0xb0: {  	_ =	task.clear_ibuf [dreg:s6], $0x4FFFF;
	_ =	strace $0x90000052  }
0xb1: {  	s29 =	simm.s32 $0xC;
	_ =	strace $0x80000054  }
0xb2: {  	_ =	swait.ge [sflag:s29], $0x1  }
0xb3: {  	[sflag:s29] =	ssyncadd.s32 $0xFFFFFFFF  }
0xb4: {  	_ =	strace $0x90000054  }
0xb5: {  	_ =	sfence  }
0xb6: {  	s30 =	sld [smem:$0x0];
	_ =	sdelay $0x2  }
0xb7: {  	s31 =	sshll.u32 s1, $0xD;
	s1 =	sshrl.u32 s1, $0x2  }
0xb8: {  	s3 =	sand.u32 $0x4000, s31;
	s1 =	sadd.s32 s1, s30  }
0xb9: {  	s0 =	sor.u32 s3, s0;
	s1 =	sshll.u32 s1, $0x11  }
0xba: {  	s0 =	sor.u32 s1, s0  }
0xbb: {  	s0 =	sadd.s32 $0x8F2B, s0  }
0xbc: {  	[sflag:s0] =	ssyncadd.remote.s32 $0x1  }
0xbd: {  	_ =	sfence.sel $0xFFFF  }
0xbe: {  	[dreg:$0x0] =	wrdreg $0xFFFFFFFF;
	(pc) =	sbr.abs _section_cstart, $3  }
0xbf: {  	[dreg:$0x1] =	wrdreg $0xFFFFFFFF  }
0xc0: {  	_ =	task.clear_ibuf [dreg:s6], $0x2FFFF;
	_ =	strace $0x9FFFFFFF  }
0xc1: {  	(tm) =	ssettm $0x7FFFFFFF  }
tec
execute0_lowered:
.L_overlay_start_1:
0x0: {  	(tag) =	ssettag $0x1  }
0x1: {  	s1 =	srdreg.scid;
	s0 =	stileid.u32  }
0x2: {  	s6 =	rddreg [dreg:$0x0];
	s7 =	simm.s32 $0x1;
	s1 =	sshll.u32 s1, $0x4  }
0x3: {  	s30 =	simm.s32 $0x2;
	s2 =	sshll.u32 s0, $0x5;
	s3 =	sand.u32 $0x10, s1  }
0x4: {  	s31 =	simm.s32 $0x3;
	s11 =	simm.s32 $0x0;
	s2 =	sor.u32 s2, s3  }
0x5: {  	s9 =	simm.s32 $0x0;
	s4 =	sadd.s32 $0x25400, s6;
	s5 =	ssub.s32 $0x620, s2  }
0x6: {  	s1 =	rddreg [dreg:$0x1];
	_ =	strace $0x80000053;
	s8 =	sand.u32 $0x1F0, s5  }
0x7: {  	s3 =	sadd.s32 $0x25E00, s6;
	[sflag:s7] =	ssyncpa.u1 $0x0;
	p0 =	sne.s32 s8, $0x0  }
0x8: {  	s6 =	sadd.s32 $0x2A600, s6;
	s5 =	sshrl.u32 s5, $0x9;
	s7 =	simm.s32 @!p0 $0x0  }
0x9: {  	[sflag:s30] =	ssyncpa.u1 $0x0;
	s10 =	smov.u32 s2;
	s5 =	sadd.s32 s7, s5  }
0xa: {  	[sflag:s31] =	ssyncpa.u1 $0x0;
	s8 =	simm.s32 $0x0;
	s7 =	sadd.s32 $0x1, s5  }
.LBB2_1:
0xb: {  	p0 =	sge.u32 s9, s5  }
0xc: {  	s31 =	sadd.s32 $0xFFFFFFFF, s9;
	s12 =	sxor.u32 @!p0 $0xFFFFFFFF, s8;
	s13 =	sshrl.u32 @!p0 s10, $0x3  }
0xd: {  	s14 =	sand.u32 @!p0 $0x7, s10;
	s12 =	sand.u32 @!p0 $0x10, s12;
	s13 =	sadd.s32 @!p0 s4, s13  }
0xe: {  	[tilespmem:s12], [sflag:$0x2] =	stream.linear.gather @!p0 [hbm4b:s13+s14], $0x10, $0x38;
	[tilespmem:$0x40] =	vst v63  }
0xf: {  	p0 =	sge.u32 s31, s5  }
0x10: {  	s12 =	simm.s32 @!p0 $0x2  }
0x11: {  	_ =	swait.ge @!p0 [sflag:s12], $0x10  }
0x12: {  	[sflag:s12] =	ssyncset.done @!p0 $0x0  }
0x13: {  	[sflag:s12] =	ssyncadd.s32 @!p0 $0xFFFFFFF0;
	s12 =	sand.u32 @!p0 $0x10, s8  }
0x14: {  	(ifvalue) =	ssetifvalue @!p0 $0x7FFFFFFF;
	v0 =	vld.msk @!p0 [tilespmem:s12+$0x0 ss:$0x1], $0xffff;
	_ =	sdelay $0x4  }
0x15: {  	vm0 =	vgt.s32 @!p0 v0, $0x0  }
0x16: {  	v0 =	vnsel @!p0 vm0, $0x0, v0  }
0x17: {  	v0 =	vmin.u32 @!p0 v0, $0x107F;
	_ =	sdelay $0x3  }
0x18: {  	s13 =	simm.s32 @!p0 $0x0;
	s12 =	sor.u32 @!p0 $0x20, s12;
	(ifvalue) =	ssetifvalue @!p0 $0x7FFFFFFF;
	vm0 =	vmmov @!p0 $0xffff  }
0x19: {  	[tilespmem:s12], [sflag:$0x1] =	stream.indirect_vreg.gather @!p0 [hbm4b:s3+s13], $0x1, v0, vm0, $0x4038;
	[tilespmem:$0x40] =	vst v63  }
0x1a: {  	s13 =	simm.s32 @!p0 $0x1  }
0x1b: {  	_ =	swait.ge @!p0 [sflag:s13], $0x10  }
0x1c: {  	s14 =	sshrl.u32 @!p0 s11, $0x3;
	[sflag:s13] =	ssyncset.done @!p0 $0x0  }
0x1d: {  	s11 =	sand.u32 @!p0 $0x7, s11;
	[sflag:s13] =	ssyncadd.s32 @!p0 $0xFFFFFFF0;
	s13 =	sadd.s32 @!p0 s6, s14  }
0x1e: {  	[hbm4b:s13+s11] =	stream.linear.scatter @!p0 [tilespmem:s12], [sflag:$0x3], $0x10, $0x38;
	[tilespmem:$0x40] =	vst v63  }
0x1f: {  	s13 =	sadd.s32 $0x200, s10  }
0x20: {  	p1 =	sgt.s32 s13, $0x61F  }
0x21: {  	s13 =	smov.u32 @p1 s2;
	p1 =	sne.s32 s9, s7  }
.Ltmp0:
0x22: {  	p0 =	slt.u32 s9, $0x2;
	(pc) =	sbr.rel @p1 .LBB2_1-.Ltmp0, $4  }
0x23: {  	s12 =	simm.s32 @!p0 $0x3  }
0x24: {  	_ =	swait.ge @!p0 [sflag:s12], $0x10  }
0x25: {  	s8 =	sadd.s32 $0x10, s8;
	s11 =	smov.u32 s10;
	[sflag:s12] =	ssyncset.done @!p0 $0x0  }
0x26: {  	s9 =	sadd.s32 $0x1, s9;
	s10 =	smov.u32 s13;
	[sflag:s12] =	ssyncadd.s32 @!p0 $0xFFFFFFF0  }
0x27: {  	_ =	sfence.sel $0x180000  }
0x28: {  	s2 =	simm.s32 $0x2;
	[bflag:$0x0] =	sbarrier.arrive $0xFFFF  }
0x29: {  	s30 =	simm.s32 $0x3;
	[sflag:s2] =	ssyncpa.u1 $0x1  }
0x2a: {  	s31 =	simm.s32 $0x1;
	[sflag:s30] =	ssyncpa.u1 $0x1  }
0x2b: {  	[sflag:s31] =	ssyncpa.u1 $0x1  }
0x2c: {  	p0 =	sne.s32 s0, $0x0;
	_ =	strace $0x90000053  }
0x2d: {  	s0 =	sadd.s32 @!p0 $0x100000, s1;
	[bflag:$0x2] =	sbarrier.arrive $0xFFFF  }
0x2e: {  	[sflag:s0] =	ssyncadd.tile.s32 @!p0 $0x1;
	_ =	shalt  }
.Lfunc_end2:
_tile_overlayer_lowered:
.L_overlay_start_2:
0x2f: {  	(tag) =	ssettag $0x2  }
0x30: {  	s0 =	rddreg [dreg:$0x0];
	s2 =	stileid.u32  }
0x31: {  	s1 =	rddreg [dreg:$0x1];
	p0 =	sne.s32 s2, $0x0  }
0x32: {  	s3 =	rddreg [dreg:$0x2];
	[bflag:$0x3] =	sbarrier.arrive $0xFFFF;
	s2 =	simm.s32 @!p0 $0x1C01  }
0x33: {  	[timem:s3], [sflag:s2] =	dma.local @!p0 [hbm:s0], s1  }
0x34: {  	s0 =	simm.s32 @!p0 $0x1  }
0x35: {  	_ =	swait.ge @!p0 [sflag:s0], s1  }
0x36: {  	s1 =	ssub.s32 @!p0 $0x0, s1;
	[sflag:s0] =	ssyncset.done @!p0 $0x0  }
0x37: {  	[sflag:s0] =	ssyncadd.s32 @!p0 s1  }
0x38: {  	[bflag:$0x3] =	sbarrier.arrive $0xFFFF  }
0x39: {  	_ =	shalt  }

// kernel: gather_offload_async_start.7
scs
__scs_entry_jumppad:
0x0: {  	(pc) =	sbr.rel $0x88, $3  }
0x1: {  	(tag) =	ssettag $0x0;
	lr =	simm.s32 $0x1  }
0x2: {  	[smem:$0x3F8B] =	sst lr;
	_ =	strace $0xD0000000  }
0x3: {  	_ = 	snop  }
0x4: {  	_ = 	snop  }
0x5: {  	_ = 	snop  }
0x6: {  	_ = 	snop  }
0x7: {  	_ = 	snop  }
__scs_overlays_trampoline_lowered:
0x8: {  	[smem:$0x3F9A] =	sst s0  }
0x9: {  	[smem:$0x3F9B] =	sst s1  }
0xa: {  	[smem:$0x3F9C] =	sst s2  }
0xb: {  	[smem:$0x3F9D] =	sst s3  }
0xc: {  	[smem:$0x3F9E] =	sst s4  }
0xd: {  	[smem:$0x3F9F] =	sst s5  }
0xe: {  	[smem:$0x3FA0] =	sst s6  }
0xf: {  	[smem:$0x3FA1] =	sst s7  }
0x10: {  	[smem:$0x3FA2] =	sst s8  }
0x11: {  	[smem:$0x3FA3] =	sst s9;
	s0 =	simm.s32 @!p0 $0x0  }
0x12: {  	s1 =	sld [smem:$0x3F89];
	s0 =	simm.s32 @p0 $0x1  }
0x13: {  	[smem:$0x3FA4] =	sst s0;
	s0 =	simm.s32 @!p1 $0x0  }
0x14: {  	s2 =	sld [smem:$0x3F88];
	s0 =	simm.s32 @p1 $0x1  }
0x15: {  	[smem:$0x3FA5] =	sst s0;
	s0 =	simm.s32 @!p2 $0x0  }
0x16: {  	s3 =	sld [smem:$0x3FDB];
	s0 =	simm.s32 @p2 $0x1  }
0x17: {  	s4 =	simm.s32 $0x1BF5;
	[smem:$0x3FA7] =	sst s0  }
0x18: {  	s0 =	sld [smem:$0x3F8A];
	_ =	swait.ge [sflag:s4], $0x0  }
0x19: {  	s7 =	sld [smem:$0x3F8B]  }
0x1a: {  	s8 =	sadd.s32 $0xFFFFE003, lr  }
0x1b: {  	s9 =	sadd.s32 $0xFFFFFEF7, lr;
	s5 =	simm.s32 $0xFFFFFFFF;
	p2 =	slt.u32 s8, $0xFFFFF086  }
0x1c: {  	p1 =	slt.u32 s9, $0xF7A;
	s5 =	simm.s32 @!p2 $0x0  }
0x1d: {  	s5 =	simm.s32 @p1 $0x1;
	p0 =	seq.s32 s7, s2  }
0x1e: {  	s7 =	smul.u32 @!p0 $0xF7A, s2;
	p2 =	seq.s32 @!p0 s5, $0x0  }
0x1f: {  	s9 =	smul.u32 $0xF7A, s1;
	s8 =	simm.s32 @!p0 $0x1BF5;
	p2 =	por !p2, p0  }
0x20: {  	[sflag:s8] =	ssyncset.s32 @!p0 $0xFFFFF086;
	s6 =	sadd.s32 @!p0 s3, s7;
	s7 =	simm.s32 @!p0 $0x108  }
0x21: {  	s3 =	sadd.s32 s3, s9;
	s6 =	sadd.s32 @!p0 $0x88, s6;
	s7 =	simm.s32 @p2 $0x1082  }
0x22: {  	[simem:s7], [sflag:s8] =	dma.local @!p0 [hbm:s6], $0xF7A  }
0x23: {  	s9 =	sor.u32 $0xD0000000, s2;
	s6 =	simm.s32 $0x108;
	_ =	swait.ge @!p0 [sflag:s8], $0x0  }
0x24: {  	s3 =	sadd.s32 $0x88, s3;
	s6 =	simm.s32 @!p1 $0x1082;
	[sflag:s4] =	ssyncset.s32 $0xFFFFF086  }
0x25: {  	[simem:s6], [sflag:s4] =	dma.local [hbm:s3], $0xF7A  }
0x26: {  	[smem:$0x3F8B] =	sst s1;
	(tag) =	ssettag s2;
	_ =	strace s9  }
0x27: {  	s1 =	sld [smem:$0x3F9B]  }
0x28: {  	s2 =	sld [smem:$0x3F9C]  }
0x29: {  	s4 =	sld [smem:$0x3F9E]  }
0x2a: {  	p0 =	seq.s32 s5, $0x0;
	s5 =	sld [smem:$0x3F9F]  }
0x2b: {  	s6 =	sld [smem:$0x3FA0]  }
0x2c: {  	s7 =	sld [smem:$0x3FA1]  }
0x2d: {  	s3 =	simm.s32 $0x108;
	s8 =	sld [smem:$0x3FA2]  }
0x2e: {  	s3 =	simm.s32 @!p0 $0x1082;
	s9 =	sld [smem:$0x3FA3]  }
0x2f: {  	lr =	sadd.s32 s0, s3;
	s0 =	sld [smem:$0x3F9A]  }
0x30: {  	s3 =	sld [smem:$0x3F9D]  }
0x31: {  	[smem:$0x3FA6] =	sst s10  }
0x32: {  	s10 =	sld [smem:$0x3FA4];
	_ =	sdelay $0x3  }
0x33: {  	p0 =	seq.s32 s10, $0x1;
	s10 =	sld [smem:$0x3FA6];
	_ =	sdelay $0x3  }
0x34: {  	[smem:$0x3FA6] =	sst s10  }
0x35: {  	s10 =	sld [smem:$0x3FA5];
	_ =	sdelay $0x3  }
0x36: {  	p1 =	seq.s32 s10, $0x1;
	s10 =	sld [smem:$0x3FA6];
	_ =	sdelay $0x3  }
0x37: {  	[smem:$0x3FA6] =	sst s10  }
0x38: {  	s10 =	sld [smem:$0x3FA7]  }
0x39: {  	_ = 	snop;
	(pc) =	sbr.ind lr, $3  }
0x3a: {  	_ = 	snop  }
0x3b: {  	_ = 	snop  }
0x3c: {  	p2 =	seq.s32 s10, $0x1;
	s10 =	sld [smem:$0x3FA6]  }
0x3d: {  	_ =	shalt  }
0x3e: {  	_ =	shalt  }
0x3f: {  	_ =	shalt  }
0x40: {  	_ =	shalt  }
0x41: {  	_ =	shalt  }
0x42: {  	_ =	shalt  }
0x43: {  	_ =	shalt  }
0x44: {  	_ =	shalt  }
0x45: {  	_ =	shalt  }
0x46: {  	_ =	shalt  }
0x47: {  	_ =	shalt  }
0x48: {  	_ =	shalt  }
0x49: {  	_ =	shalt  }
0x4a: {  	_ =	shalt  }
0x4b: {  	_ =	shalt  }
0x4c: {  	_ =	shalt  }
0x4d: {  	_ =	shalt  }
0x4e: {  	_ =	shalt  }
0x4f: {  	_ =	shalt  }
0x50: {  	_ =	shalt  }
0x51: {  	_ =	shalt  }
0x52: {  	_ =	shalt  }
0x53: {  	_ =	shalt  }
0x54: {  	_ =	shalt  }
0x55: {  	_ =	shalt  }
0x56: {  	_ =	shalt  }
0x57: {  	_ =	shalt  }
0x58: {  	_ =	shalt  }
0x59: {  	_ =	shalt  }
0x5a: {  	_ =	shalt  }
0x5b: {  	_ =	shalt  }
0x5c: {  	_ =	shalt  }
0x5d: {  	_ =	shalt  }
0x5e: {  	_ =	shalt  }
0x5f: {  	_ =	shalt  }
0x60: {  	_ =	shalt  }
0x61: {  	_ =	shalt  }
0x62: {  	_ =	shalt  }
0x63: {  	_ =	shalt  }
0x64: {  	_ =	shalt  }
0x65: {  	_ =	shalt  }
0x66: {  	_ =	shalt  }
0x67: {  	_ =	shalt  }
0x68: {  	_ =	shalt  }
0x69: {  	_ =	shalt  }
0x6a: {  	_ =	shalt  }
0x6b: {  	_ =	shalt  }
0x6c: {  	_ =	shalt  }
0x6d: {  	_ =	shalt  }
0x6e: {  	_ =	shalt  }
0x6f: {  	_ =	shalt  }
0x70: {  	_ =	shalt  }
0x71: {  	_ =	shalt  }
0x72: {  	_ =	shalt  }
0x73: {  	_ =	shalt  }
0x74: {  	_ =	shalt  }
0x75: {  	_ =	shalt  }
0x76: {  	_ =	shalt  }
0x77: {  	_ =	shalt  }
0x78: {  	_ =	shalt  }
0x79: {  	_ =	shalt  }
0x7a: {  	_ =	shalt  }
0x7b: {  	_ =	shalt  }
0x7c: {  	_ =	shalt  }
0x7d: {  	_ =	shalt  }
0x7e: {  	_ =	shalt  }
0x7f: {  	_ =	shalt  }
0x80: {  	_ =	shalt  }
0x81: {  	_ =	shalt  }
0x82: {  	_ =	shalt  }
0x83: {  	_ =	shalt  }
0x84: {  	_ =	shalt  }
0x85: {  	_ =	shalt  }
0x86: {  	_ =	shalt  }
0x87: {  	_ =	shalt  }
.Lfunc_end0:
.L_simem_size_0:
called_computation.7_lowered:
.L_overlay_start_0:
0x88: {  	s2 =	sld [smem:$0x3FD9]  }
0x89: {  	s3 =	sld [smem:$0x3FFE];
	_ =	sdelay $0x1  }
0x8a: {  	s1 =	srdreg.scid  }
0x8b: {  	s0 =	sand.u32 $0x1, s1  }
0x8c: {  	s16 =	sshll.u32 s0, $0xA;
	s2 =	sadd.s32 s3, s2  }
0x8d: {  	s2 =	sadd.s32 s2, s16  }
0x8e: {  	[smem:$0x3FB2] =	sst s2  }
0x8f: {  	_ = 	snop  }
0x90: {  	(tm) =	ssettm $0x1  }
0x91: {  	s17 =	sld [smem:$0x3FFB];
	_ =	sdelay $0x3  }
0x92: {  	_ =	strace s17  }
0x93: {  	s2 =	sld [smem:$0x3FFC];
	_ =	sdelay $0x3  }
0x94: {  	_ =	strace s2  }
0x95: {  	s2 =	sld [smem:$0x3FFD];
	_ =	sdelay $0x3  }
0x96: {  	_ =	strace s2  }
0x97: {  	_ =	strace $0x8FFFFFFF  }
0x98: {  	s18 =	sld [smem:$0x3FDB];
	_ =	sdelay $0x1  }
0x99: {  	s19 =	simm.s32 $_scs_section_size  }
0x9a: {  	s4 =	simm.s32 $_size__tile_overlayer_lowered;
	s5 =	simm.s32 $_tile_overlayer_lowered  }
0x9b: {  	s22 =	simm.s32 $0x1BFF;
	s21 =	sshll.u32 s5, $0x1;
	s2 =	sadd.s32 s19, s18  }
0x9c: {  	s6 =	simm.s32 $0x0;
	s20 =	sshll.u32 s4, $0x1;
	s4 =	sadd.s32 s21, s2  }
0x9d: {  	[timem:s6], [sflag:s22] =	dma.local [hbm:s4], s20  }
0x9e: {  	_ =	swait.ge [sflag:s22], s20  }
0x9f: {  	s3 =	ssub.s32 $0x0, s20;
	[sflag:s22] =	ssyncset.done $0x0  }
0xa0: {  	[sflag:s22] =	ssyncadd.s32 s3;
	_ =	sdelay $0x1  }
0xa1: {  	s23 =	simm.s32 $0x1B8B  }
0xa2: {  	_ =	swait.ge [sflag:s23], $0x1  }
0xa3: {  	[sflag:s23] =	ssyncset.done $0x0  }
0xa4: {  	s25 =	simm.s32 $0x1B8E;
	s24 =	sld [smem:$0x3FFE];
	[sflag:s23] =	ssyncadd.s32 $0xFFFFFFFF  }
0xa5: {  	s26 =	simm.s32 $execute0_lowered;
	[smem:$0x3FD2] =	sst s25  }
0xa6: {  	s4 =	sshll.u32 s26, $0x1;
	_ =	strace $0x8000005E;
	[dreg:$0x1] =	wrdreg $0xFFFFFFFF  }
0xa7: {  	s28 =	simm.s32 $_size_execute0_lowered;
	s2 =	sadd.s32 s2, s4;
	[dreg:$0x0] =	wrdreg $0x0  }
0xa8: {  	s4 =	sshll.u32 s28, $0x1;
	[dreg:$0x2] =	wrdreg s2  }
0xa9: {  	[dreg:$0x3] =	wrdreg s4  }
0xaa: {  	[dreg:$0x4] =	wrdreg $0xC0  }
0xab: {  	_ =	task [dreg:s6], $0x5FFFF  }
0xac: {  	[dreg:$0x1] =	wrdreg $0xFFFFFFFF  }
0xad: {  	[dreg:$0x0] =	wrdreg $0x60  }
0xae: {  	[dreg:$0x2] =	wrdreg s24  }
0xaf: {  	[dreg:$0x3] =	wrdreg $0x9  }
0xb0: {  	_ =	task.clear_ibuf [dreg:s6], $0x4FFFF;
	_ =	strace $0x9000005E  }
0xb1: {  	s29 =	simm.s32 $0x9;
	_ =	strace $0x80000060  }
0xb2: {  	_ =	swait.ge [sflag:s29], $0x1  }
0xb3: {  	[sflag:s29] =	ssyncadd.s32 $0xFFFFFFFF  }
0xb4: {  	_ =	strace $0x90000060  }
0xb5: {  	_ =	sfence  }
0xb6: {  	s30 =	sld [smem:$0x0];
	_ =	sdelay $0x2  }
0xb7: {  	s31 =	sshll.u32 s1, $0xD;
	s1 =	sshrl.u32 s1, $0x2  }
0xb8: {  	s3 =	sand.u32 $0x4000, s31;
	s1 =	sadd.s32 s1, s30  }
0xb9: {  	s0 =	sor.u32 s3, s0;
	s1 =	sshll.u32 s1, $0x11  }
0xba: {  	s0 =	sor.u32 s1, s0  }
0xbb: {  	s0 =	sadd.s32 $0x8F2B, s0  }
0xbc: {  	[sflag:s0] =	ssyncadd.remote.s32 $0x1  }
0xbd: {  	_ =	sfence.sel $0xFFFF  }
0xbe: {  	[dreg:$0x0] =	wrdreg $0xFFFFFFFF;
	(pc) =	sbr.abs _section_cstart, $3  }
0xbf: {  	[dreg:$0x1] =	wrdreg $0xFFFFFFFF  }
0xc0: {  	_ =	task.clear_ibuf [dreg:s6], $0x2FFFF;
	_ =	strace $0x9FFFFFFF  }
0xc1: {  	(tm) =	ssettm $0x7FFFFFFF  }
tec
execute0_lowered:
.L_overlay_start_1:
0x0: {  	(tag) =	ssettag $0x1  }
0x1: {  	s8 =	rddreg [dreg:$0x0]  }
0x2: {  	s0 =	rddreg [dreg:$0x1];
	_ =	strace $0x8000005F;
	s1 =	stileid.u32  }
0x3: {  	s3 =	srdreg.scid;
	s4 =	simm.s32 $0x1;
	s7 =	simm.s32 $0x1  }
0x4: {  	s9 =	simm.s32 $0x1;
	s10 =	simm.s32 $0x3;
	s13 =	simm.s32 $0x0  }
0x5: {  	s12 =	simm.s32 $0x0;
	s5 =	sand.u32 $0x1, s3;
	s6 =	sshll.u32 s1, $0x1  }
0x6: {  	s2 =	sadd.s32 $0x38C00, s8;
	s3 =	sadd.s32 $0x25400, s8;
	s5 =	sor.u32 s6, s5  }
.Ltmp0:
0x7: {  	[sflag:s4] =	ssyncpa.u1 $0x0;
	p0 =	slt.u32 s5, $0xD;
	(pc) =	sbr.rel .LBB2_1-.Ltmp0, $4  }
0x8: {  	s6 =	simm.s32 $0x2;
	s7 =	simm.s32 @!p0 $0x0;
	p0 =	sne.s32 s5, $0xC  }
0x9: {  	[sflag:s6] =	ssyncpa.u1 $0x0;
	s5 =	smul.u32 $0x60, s5;
	s9 =	simm.s32 @!p0 $0x0  }
0xa: {  	s8 =	sadd.s32 $0x25E00, s8;
	[sflag:s10] =	ssyncpa.u1 $0x0;
	s7 =	sadd.s32 s9, s7  }
0xb: {  	vm0 =	vmmov $0xffff;
	s10 =	simm.s32 $0x0;
	s11 =	smov.u32 s5;
	s9 =	sadd.s32 $0x1, s7  }
.LBB2_4:
0xc: {  	v2 =	vnsel vm1, $0x0, v2  }
0xd: {  	vm1 =	vgt.s32 v0, $0x0;
	v2 =	vmin.u32 v2, $0xC3F  }
0xe: {  	v0 =	vnsel vm1, $0x0, v0  }
0xf: {  	v0 =	vmin.u32 v0, $0xC3F  }
0x10: {  	[tilespmem:s18], [sflag:$0x1] =	stream.indirect_vreg.gather [hbm4b:s2+s10], $0x1, v1, vm0, $0x4038;
	[tilespmem:$0x180] =	vst v63  }
0x11: {  	(ifvalue) =	ssetifvalue $0x7FFFFFFF  }
0x12: {  	[tilespmem:s15], [sflag:$0x1] =	stream.indirect_vreg.gather [hbm4b:s2+s10], $0x1, v2, vm0, $0x4038;
	[tilespmem:$0x180] =	vst v63  }
0x13: {  	s29 =	sadd.s32 $0x10, s15;
	(ifvalue) =	ssetifvalue $0x7FFFFFFF  }
0x14: {  	[tilespmem:s29], [sflag:$0x1] =	stream.indirect_vreg.gather [hbm4b:s2+s10], $0x1, v0, vm0, $0x4038;
	[tilespmem:$0x180] =	vst v63  }
0x15: {  	_ =	swait.ge [sflag:s4], $0x60  }
0x16: {  	s30 =	sshrl.u32 s13, $0x3;
	[sflag:s4] =	ssyncset.done $0x0  }
0x17: {  	s31 =	sand.u32 $0x7, s13;
	s15 =	sadd.s32 s8, s30;
	[sflag:s4] =	ssyncadd.s32 $0xFFFFFFA0  }
0x18: {  	[hbm4b:s15+s31] =	stream.linear.scatter [tilespmem:s14], [sflag:$0x3], $0x60, $0x38;
	[tilespmem:$0x180] =	vst v63  }
.LBB2_5:
0x19: {  	s15 =	sadd.s32 $0xC00, s11  }
0x1a: {  	p1 =	sgt.s32 s15, $0x107F  }
0x1b: {  	s15 =	smov.u32 @p1 s5;
	p1 =	sne.s32 s12, s9  }
.Ltmp1:
0x1c: {  	p0 =	slt.u32 s12, $0x2;
	(pc) =	sbr.rel @!p1 .LBB2_6-.Ltmp1, $4  }
0x1d: {  	s14 =	simm.s32 @!p0 $0x3  }
0x1e: {  	_ =	swait.ge @!p0 [sflag:s14], $0x60  }
0x1f: {  	s16 =	sadd.s32 $0x1, s12;
	s13 =	smov.u32 s11;
	[sflag:s14] =	ssyncset.done @!p0 $0x0  }
0x20: {  	s12 =	smov.u32 s16;
	s11 =	smov.u32 s15;
	[sflag:s14] =	ssyncadd.s32 @!p0 $0xFFFFFFA0  }
.LBB2_1:
0x21: {  	p0 =	sge.u32 s12, s7  }
0x22: {  	s14 =	sxor.u32 @!p0 $0x1, s12  }
0x23: {  	s14 =	smul.u32 @!p0 $0x180, s14  }
0x24: {  	s31 =	sadd.s32 $0xFFFFFFFF, s12;
	s15 =	sshrl.u32 @!p0 s11, $0x3  }
0x25: {  	s16 =	sand.u32 @!p0 $0x7, s11;
	s15 =	sadd.s32 @!p0 s3, s15;
	s14 =	sshra.s32 @!p0 s14, $0x2  }
0x26: {  	[tilespmem:s14], [sflag:$0x2] =	stream.linear.gather @!p0 [hbm4b:s15+s16], $0x60, $0x38;
	[tilespmem:$0x180] =	vst v63  }
0x27: {  	p0 =	sge.u32 s31, s7  }
.Ltmp2:
0x28: {  	_ = 	snop;
	(pc) =	sbr.rel @p0 .LBB2_5-.Ltmp2, $1  }
0x29: {  	_ =	sdelay $0x3  }
0x2a: {  	s14 =	sand.u32 $0x1, s12  }
0x2b: {  	_ =	swait.ge [sflag:s6], $0x60;
	p0 =	seq.s32 s14, $0x1;
	s14 =	simm.s32 $0x60  }
0x2c: {  	[sflag:s6] =	ssyncset.done $0x0;
	s14 =	simm.s32 @!p0 $0x0  }
0x2d: {  	[sflag:s6] =	ssyncadd.s32 $0xFFFFFFA0;
	(ifvalue) =	ssetifvalue $0x7FFFFFFF;
	v0 =	vld.msk [tilespmem:s14+$0x0 ss:$0x1], $0xffff;
	_ =	sdelay $0x4  }
0x2e: {  	s15 =	sadd.s32 $0x10, s14;
	vm1 =	vgt.s32 v0, $0x0  }
0x2f: {  	v2 =	vld.msk [tilespmem:s15+$0x0 ss:$0x1], $0xffff;
	v1 =	vnsel vm1, $0x0, v0  }
0x30: {  	v1 =	vmin.u32 v1, $0xC3F;
	_ =	sdelay $0x2  }
0x31: {  	s17 =	simm.s32 $0x20;
	s14 =	sadd.s32 $0xC0, s14;
	s16 =	sadd.s32 $0x10, s15  }
0x32: {  	s15 =	sadd.s32 $0x10, s14;
	s18 =	smov.u32 s14;
	v0 =	vld.msk [tilespmem:s16+$0x0 ss:$0x1], $0xffff;
	vm1 =	vgt.s32 v2, $0x0;
	(ifvalue) =	ssetifvalue $0x7FFFFFFF  }
.LBB2_3:
0x33: {  	[tilespmem:s18], [sflag:$0x1] =	stream.indirect_vreg.gather [hbm4b:s2+s10], $0x1, v1, vm0, $0x4038;
	[tilespmem:$0x180] =	vst v63  }
0x34: {  	s17 =	sadd.s32 $0x10, s17  }
0x35: {  	v2 =	vnsel vm1, $0x0, v2;
	p0 =	slt.u32 s17, $0x50  }
.Ltmp3:
0x36: {  	s18 =	smov.u32 s15;
	v1 =	vmin.u32 v2, $0xC3F;
	(pc) =	sbr.rel @p0 .LBB2_3-.Ltmp3, $3  }
0x37: {  	_ =	sdelay $0x1  }
0x38: {  	s16 =	sadd.s32 $0x10, s16  }
0x39: {  	vm1 =	vgt.s32 v0, $0x0;
	s15 =	sadd.s32 $0x10, s15;
	v2 =	vmov v0;
	(ifvalue) =	ssetifvalue $0x7FFFFFFF;
	v0 =	vld.msk [tilespmem:s16+$0x0 ss:$0x1], $0xffff  }
.Ltmp4:
0x3a: {  	_ = 	snop;
	(pc) =	sbr.rel .LBB2_4-.Ltmp4, $1  }
0x3b: {  	_ =	sdelay $0x3  }
.LBB2_6:
0x3c: {  	_ =	sfence.sel $0x180000  }
0x3d: {  	s2 =	simm.s32 $0x2;
	[bflag:$0x0] =	sbarrier.arrive $0xFFFF  }
0x3e: {  	s30 =	simm.s32 $0x3;
	[sflag:s2] =	ssyncpa.u1 $0x1  }
0x3f: {  	s31 =	simm.s32 $0x1;
	[sflag:s30] =	ssyncpa.u1 $0x1  }
0x40: {  	[sflag:s31] =	ssyncpa.u1 $0x1  }
0x41: {  	p0 =	sne.s32 s1, $0x0;
	_ =	strace $0x9000005F  }
0x42: {  	s0 =	sadd.s32 @!p0 $0x100000, s0;
	[bflag:$0x2] =	sbarrier.arrive $0xFFFF  }
0x43: {  	[sflag:s0] =	ssyncadd.tile.s32 @!p0 $0x1;
	_ =	shalt  }
.Lfunc_end2:
_tile_overlayer_lowered:
.L_overlay_start_2:
0x44: {  	(tag) =	ssettag $0x2  }
0x45: {  	s0 =	rddreg [dreg:$0x0];
	s2 =	stileid.u32  }
0x46: {  	s1 =	rddreg [dreg:$0x1];
	p0 =	sne.s32 s2, $0x0  }
0x47: {  	s3 =	rddreg [dreg:$0x2];
	[bflag:$0x3] =	sbarrier.arrive $0xFFFF;
	s2 =	simm.s32 @!p0 $0x1C01  }
0x48: {  	[timem:s3], [sflag:s2] =	dma.local @!p0 [hbm:s0], s1  }
0x49: {  	s0 =	simm.s32 @!p0 $0x1  }
0x4a: {  	_ =	swait.ge @!p0 [sflag:s0], s1  }
0x4b: {  	s1 =	ssub.s32 @!p0 $0x0, s1;
	[sflag:s0] =	ssyncset.done @!p0 $0x0  }
0x4c: {  	[sflag:s0] =	ssyncadd.s32 @!p0 s1  }
0x4d: {  	[bflag:$0x3] =	sbarrier.arrive $0xFFFF  }
0x4e: {  	_ =	shalt  }

// kernel: gather_offload_async_start.8
scs
__scs_entry_jumppad:
0x0: {  	(pc) =	sbr.rel $0x88, $3  }
0x1: {  	(tag) =	ssettag $0x0;
	lr =	simm.s32 $0x1  }
0x2: {  	[smem:$0x3F8B] =	sst lr;
	_ =	strace $0xD0000000  }
0x3: {  	_ = 	snop  }
0x4: {  	_ = 	snop  }
0x5: {  	_ = 	snop  }
0x6: {  	_ = 	snop  }
0x7: {  	_ = 	snop  }
__scs_overlays_trampoline_lowered:
0x8: {  	[smem:$0x3F9A] =	sst s0  }
0x9: {  	[smem:$0x3F9B] =	sst s1  }
0xa: {  	[smem:$0x3F9C] =	sst s2  }
0xb: {  	[smem:$0x3F9D] =	sst s3  }
0xc: {  	[smem:$0x3F9E] =	sst s4  }
0xd: {  	[smem:$0x3F9F] =	sst s5  }
0xe: {  	[smem:$0x3FA0] =	sst s6  }
0xf: {  	[smem:$0x3FA1] =	sst s7  }
0x10: {  	[smem:$0x3FA2] =	sst s8  }
0x11: {  	[smem:$0x3FA3] =	sst s9;
	s0 =	simm.s32 @!p0 $0x0  }
0x12: {  	s1 =	sld [smem:$0x3F89];
	s0 =	simm.s32 @p0 $0x1  }
0x13: {  	[smem:$0x3FA4] =	sst s0;
	s0 =	simm.s32 @!p1 $0x0  }
0x14: {  	s2 =	sld [smem:$0x3F88];
	s0 =	simm.s32 @p1 $0x1  }
0x15: {  	[smem:$0x3FA5] =	sst s0;
	s0 =	simm.s32 @!p2 $0x0  }
0x16: {  	s3 =	sld [smem:$0x3FDB];
	s0 =	simm.s32 @p2 $0x1  }
0x17: {  	s4 =	simm.s32 $0x1BF5;
	[smem:$0x3FA7] =	sst s0  }
0x18: {  	s0 =	sld [smem:$0x3F8A];
	_ =	swait.ge [sflag:s4], $0x0  }
0x19: {  	s7 =	sld [smem:$0x3F8B]  }
0x1a: {  	s8 =	sadd.s32 $0xFFFFE003, lr  }
0x1b: {  	s9 =	sadd.s32 $0xFFFFFEF7, lr;
	s5 =	simm.s32 $0xFFFFFFFF;
	p2 =	slt.u32 s8, $0xFFFFF086  }
0x1c: {  	p1 =	slt.u32 s9, $0xF7A;
	s5 =	simm.s32 @!p2 $0x0  }
0x1d: {  	s5 =	simm.s32 @p1 $0x1;
	p0 =	seq.s32 s7, s2  }
0x1e: {  	s7 =	smul.u32 @!p0 $0xF7A, s2;
	p2 =	seq.s32 @!p0 s5, $0x0  }
0x1f: {  	s9 =	smul.u32 $0xF7A, s1;
	s8 =	simm.s32 @!p0 $0x1BF5;
	p2 =	por !p2, p0  }
0x20: {  	[sflag:s8] =	ssyncset.s32 @!p0 $0xFFFFF086;
	s6 =	sadd.s32 @!p0 s3, s7;
	s7 =	simm.s32 @!p0 $0x108  }
0x21: {  	s3 =	sadd.s32 s3, s9;
	s6 =	sadd.s32 @!p0 $0x88, s6;
	s7 =	simm.s32 @p2 $0x1082  }
0x22: {  	[simem:s7], [sflag:s8] =	dma.local @!p0 [hbm:s6], $0xF7A  }
0x23: {  	s9 =	sor.u32 $0xD0000000, s2;
	s6 =	simm.s32 $0x108;
	_ =	swait.ge @!p0 [sflag:s8], $0x0  }
0x24: {  	s3 =	sadd.s32 $0x88, s3;
	s6 =	simm.s32 @!p1 $0x1082;
	[sflag:s4] =	ssyncset.s32 $0xFFFFF086  }
0x25: {  	[simem:s6], [sflag:s4] =	dma.local [hbm:s3], $0xF7A  }
0x26: {  	[smem:$0x3F8B] =	sst s1;
	(tag) =	ssettag s2;
	_ =	strace s9  }
0x27: {  	s1 =	sld [smem:$0x3F9B]  }
0x28: {  	s2 =	sld [smem:$0x3F9C]  }
0x29: {  	s4 =	sld [smem:$0x3F9E]  }
0x2a: {  	p0 =	seq.s32 s5, $0x0;
	s5 =	sld [smem:$0x3F9F]  }
0x2b: {  	s6 =	sld [smem:$0x3FA0]  }
0x2c: {  	s7 =	sld [smem:$0x3FA1]  }
0x2d: {  	s3 =	simm.s32 $0x108;
	s8 =	sld [smem:$0x3FA2]  }
0x2e: {  	s3 =	simm.s32 @!p0 $0x1082;
	s9 =	sld [smem:$0x3FA3]  }
0x2f: {  	lr =	sadd.s32 s0, s3;
	s0 =	sld [smem:$0x3F9A]  }
0x30: {  	s3 =	sld [smem:$0x3F9D]  }
0x31: {  	[smem:$0x3FA6] =	sst s10  }
0x32: {  	s10 =	sld [smem:$0x3FA4];
	_ =	sdelay $0x3  }
0x33: {  	p0 =	seq.s32 s10, $0x1;
	s10 =	sld [smem:$0x3FA6];
	_ =	sdelay $0x3  }
0x34: {  	[smem:$0x3FA6] =	sst s10  }
0x35: {  	s10 =	sld [smem:$0x3FA5];
	_ =	sdelay $0x3  }
0x36: {  	p1 =	seq.s32 s10, $0x1;
	s10 =	sld [smem:$0x3FA6];
	_ =	sdelay $0x3  }
0x37: {  	[smem:$0x3FA6] =	sst s10  }
0x38: {  	s10 =	sld [smem:$0x3FA7]  }
0x39: {  	_ = 	snop;
	(pc) =	sbr.ind lr, $3  }
0x3a: {  	_ = 	snop  }
0x3b: {  	_ = 	snop  }
0x3c: {  	p2 =	seq.s32 s10, $0x1;
	s10 =	sld [smem:$0x3FA6]  }
0x3d: {  	_ =	shalt  }
0x3e: {  	_ =	shalt  }
0x3f: {  	_ =	shalt  }
0x40: {  	_ =	shalt  }
0x41: {  	_ =	shalt  }
0x42: {  	_ =	shalt  }
0x43: {  	_ =	shalt  }
0x44: {  	_ =	shalt  }
0x45: {  	_ =	shalt  }
0x46: {  	_ =	shalt  }
0x47: {  	_ =	shalt  }
0x48: {  	_ =	shalt  }
0x49: {  	_ =	shalt  }
0x4a: {  	_ =	shalt  }
0x4b: {  	_ =	shalt  }
0x4c: {  	_ =	shalt  }
0x4d: {  	_ =	shalt  }
0x4e: {  	_ =	shalt  }
0x4f: {  	_ =	shalt  }
0x50: {  	_ =	shalt  }
0x51: {  	_ =	shalt  }
0x52: {  	_ =	shalt  }
0x53: {  	_ =	shalt  }
0x54: {  	_ =	shalt  }
0x55: {  	_ =	shalt  }
0x56: {  	_ =	shalt  }
0x57: {  	_ =	shalt  }
0x58: {  	_ =	shalt  }
0x59: {  	_ =	shalt  }
0x5a: {  	_ =	shalt  }
0x5b: {  	_ =	shalt  }
0x5c: {  	_ =	shalt  }
0x5d: {  	_ =	shalt  }
0x5e: {  	_ =	shalt  }
0x5f: {  	_ =	shalt  }
0x60: {  	_ =	shalt  }
0x61: {  	_ =	shalt  }
0x62: {  	_ =	shalt  }
0x63: {  	_ =	shalt  }
0x64: {  	_ =	shalt  }
0x65: {  	_ =	shalt  }
0x66: {  	_ =	shalt  }
0x67: {  	_ =	shalt  }
0x68: {  	_ =	shalt  }
0x69: {  	_ =	shalt  }
0x6a: {  	_ =	shalt  }
0x6b: {  	_ =	shalt  }
0x6c: {  	_ =	shalt  }
0x6d: {  	_ =	shalt  }
0x6e: {  	_ =	shalt  }
0x6f: {  	_ =	shalt  }
0x70: {  	_ =	shalt  }
0x71: {  	_ =	shalt  }
0x72: {  	_ =	shalt  }
0x73: {  	_ =	shalt  }
0x74: {  	_ =	shalt  }
0x75: {  	_ =	shalt  }
0x76: {  	_ =	shalt  }
0x77: {  	_ =	shalt  }
0x78: {  	_ =	shalt  }
0x79: {  	_ =	shalt  }
0x7a: {  	_ =	shalt  }
0x7b: {  	_ =	shalt  }
0x7c: {  	_ =	shalt  }
0x7d: {  	_ =	shalt  }
0x7e: {  	_ =	shalt  }
0x7f: {  	_ =	shalt  }
0x80: {  	_ =	shalt  }
0x81: {  	_ =	shalt  }
0x82: {  	_ =	shalt  }
0x83: {  	_ =	shalt  }
0x84: {  	_ =	shalt  }
0x85: {  	_ =	shalt  }
0x86: {  	_ =	shalt  }
0x87: {  	_ =	shalt  }
.Lfunc_end0:
.L_simem_size_0:
called_computation.8_lowered:
.L_overlay_start_0:
0x88: {  	s2 =	sld [smem:$0x3FD9]  }
0x89: {  	s3 =	sld [smem:$0x3FFE];
	_ =	sdelay $0x1  }
0x8a: {  	s1 =	srdreg.scid  }
0x8b: {  	s0 =	sand.u32 $0x1, s1  }
0x8c: {  	s16 =	sshll.u32 s0, $0xA;
	s2 =	sadd.s32 s3, s2  }
0x8d: {  	s2 =	sadd.s32 s2, s16  }
0x8e: {  	[smem:$0x3FB2] =	sst s2  }
0x8f: {  	_ = 	snop  }
0x90: {  	(tm) =	ssettm $0x1  }
0x91: {  	s17 =	sld [smem:$0x3FFB];
	_ =	sdelay $0x3  }
0x92: {  	_ =	strace s17  }
0x93: {  	s2 =	sld [smem:$0x3FFC];
	_ =	sdelay $0x3  }
0x94: {  	_ =	strace s2  }
0x95: {  	s2 =	sld [smem:$0x3FFD];
	_ =	sdelay $0x3  }
0x96: {  	_ =	strace s2  }
0x97: {  	_ =	strace $0x8FFFFFFF  }
0x98: {  	s18 =	sld [smem:$0x3FDB];
	_ =	sdelay $0x1  }
0x99: {  	s19 =	simm.s32 $_scs_section_size  }
0x9a: {  	s4 =	simm.s32 $_size__tile_overlayer_lowered;
	s5 =	simm.s32 $_tile_overlayer_lowered  }
0x9b: {  	s22 =	simm.s32 $0x1BFF;
	s21 =	sshll.u32 s5, $0x1;
	s2 =	sadd.s32 s19, s18  }
0x9c: {  	s6 =	simm.s32 $0x0;
	s20 =	sshll.u32 s4, $0x1;
	s4 =	sadd.s32 s21, s2  }
0x9d: {  	[timem:s6], [sflag:s22] =	dma.local [hbm:s4], s20  }
0x9e: {  	_ =	swait.ge [sflag:s22], s20  }
0x9f: {  	s3 =	ssub.s32 $0x0, s20;
	[sflag:s22] =	ssyncset.done $0x0  }
0xa0: {  	[sflag:s22] =	ssyncadd.s32 s3;
	_ =	sdelay $0x1  }
0xa1: {  	s23 =	simm.s32 $0x1B8B  }
0xa2: {  	_ =	swait.ge [sflag:s23], $0x1  }
0xa3: {  	[sflag:s23] =	ssyncset.done $0x0  }
0xa4: {  	s25 =	simm.s32 $0x1B8E;
	s24 =	sld [smem:$0x3FFE];
	[sflag:s23] =	ssyncadd.s32 $0xFFFFFFFF  }
0xa5: {  	s26 =	simm.s32 $execute0_lowered;
	[smem:$0x3FD2] =	sst s25  }
0xa6: {  	s4 =	sshll.u32 s26, $0x1;
	_ =	strace $0x80000064;
	[dreg:$0x1] =	wrdreg $0xFFFFFFFF  }
0xa7: {  	s28 =	simm.s32 $_size_execute0_lowered;
	s2 =	sadd.s32 s2, s4;
	[dreg:$0x0] =	wrdreg $0x0  }
0xa8: {  	s4 =	sshll.u32 s28, $0x1;
	[dreg:$0x2] =	wrdreg s2  }
0xa9: {  	[dreg:$0x3] =	wrdreg s4  }
0xaa: {  	[dreg:$0x4] =	wrdreg $0xC0  }
0xab: {  	_ =	task [dreg:s6], $0x5FFFF  }
0xac: {  	[dreg:$0x1] =	wrdreg $0xFFFFFFFF  }
0xad: {  	[dreg:$0x0] =	wrdreg $0x60  }
0xae: {  	[dreg:$0x2] =	wrdreg s24  }
0xaf: {  	[dreg:$0x3] =	wrdreg $0x9  }
0xb0: {  	_ =	task.clear_ibuf [dreg:s6], $0x4FFFF;
	_ =	strace $0x90000064  }
0xb1: {  	s29 =	simm.s32 $0x9;
	_ =	strace $0x80000066  }
0xb2: {  	_ =	swait.ge [sflag:s29], $0x1  }
0xb3: {  	[sflag:s29] =	ssyncadd.s32 $0xFFFFFFFF  }
0xb4: {  	_ =	strace $0x90000066  }
0xb5: {  	_ =	sfence  }
0xb6: {  	s30 =	sld [smem:$0x0];
	_ =	sdelay $0x2  }
0xb7: {  	s31 =	sshll.u32 s1, $0xD;
	s1 =	sshrl.u32 s1, $0x2  }
0xb8: {  	s3 =	sand.u32 $0x4000, s31;
	s1 =	sadd.s32 s1, s30  }
0xb9: {  	s0 =	sor.u32 s3, s0;
	s1 =	sshll.u32 s1, $0x11  }
0xba: {  	s0 =	sor.u32 s1, s0  }
0xbb: {  	s0 =	sadd.s32 $0x8F2B, s0  }
0xbc: {  	[sflag:s0] =	ssyncadd.remote.s32 $0x1  }
0xbd: {  	_ =	sfence.sel $0xFFFF  }
0xbe: {  	[dreg:$0x0] =	wrdreg $0xFFFFFFFF;
	(pc) =	sbr.abs _section_cstart, $3  }
0xbf: {  	[dreg:$0x1] =	wrdreg $0xFFFFFFFF  }
0xc0: {  	_ =	task.clear_ibuf [dreg:s6], $0x2FFFF;
	_ =	strace $0x9FFFFFFF  }
0xc1: {  	(tm) =	ssettm $0x7FFFFFFF  }
tec
execute0_lowered:
.L_overlay_start_1:
0x0: {  	(tag) =	ssettag $0x1  }
0x1: {  	s8 =	rddreg [dreg:$0x0]  }
0x2: {  	s0 =	rddreg [dreg:$0x1];
	_ =	strace $0x80000065;
	s1 =	stileid.u32  }
0x3: {  	s3 =	srdreg.scid;
	s4 =	simm.s32 $0x1;
	s7 =	simm.s32 $0x1  }
0x4: {  	s9 =	simm.s32 $0x1;
	s10 =	simm.s32 $0x3;
	s13 =	simm.s32 $0x0  }
0x5: {  	s12 =	simm.s32 $0x0;
	s5 =	sand.u32 $0x1, s3;
	s6 =	sshll.u32 s1, $0x1  }
0x6: {  	s2 =	sadd.s32 $0x27000, s8;
	s3 =	sadd.s32 $0x25400, s8;
	s5 =	sor.u32 s6, s5  }
.Ltmp0:
0x7: {  	[sflag:s4] =	ssyncpa.u1 $0x0;
	p0 =	slt.u32 s5, $0xD;
	(pc) =	sbr.rel .LBB2_1-.Ltmp0, $4  }
0x8: {  	s6 =	simm.s32 $0x2;
	s7 =	simm.s32 @!p0 $0x0;
	p0 =	sne.s32 s5, $0xC  }
0x9: {  	[sflag:s6] =	ssyncpa.u1 $0x0;
	s5 =	smul.u32 $0x60, s5;
	s9 =	simm.s32 @!p0 $0x0  }
0xa: {  	s8 =	sadd.s32 $0x25E00, s8;
	[sflag:s10] =	ssyncpa.u1 $0x0;
	s7 =	sadd.s32 s9, s7  }
0xb: {  	vm0 =	vmmov $0xffff;
	s10 =	simm.s32 $0x0;
	s11 =	smov.u32 s5;
	s9 =	sadd.s32 $0x1, s7  }
.LBB2_4:
0xc: {  	v2 =	vnsel vm1, $0x0, v2  }
0xd: {  	vm1 =	vgt.s32 v0, $0x0;
	v2 =	vmin.u32 v2, $0xC3F  }
0xe: {  	v0 =	vnsel vm1, $0x0, v0  }
0xf: {  	v0 =	vmin.u32 v0, $0xC3F  }
0x10: {  	[tilespmem:s18], [sflag:$0x1] =	stream.indirect_vreg.gather [hbm4b:s2+s10], $0x1, v1, vm0, $0x4038;
	[tilespmem:$0x180] =	vst v63  }
0x11: {  	(ifvalue) =	ssetifvalue $0x7FFFFFFF  }
0x12: {  	[tilespmem:s15], [sflag:$0x1] =	stream.indirect_vreg.gather [hbm4b:s2+s10], $0x1, v2, vm0, $0x4038;
	[tilespmem:$0x180] =	vst v63  }
0x13: {  	s29 =	sadd.s32 $0x10, s15;
	(ifvalue) =	ssetifvalue $0x7FFFFFFF  }
0x14: {  	[tilespmem:s29], [sflag:$0x1] =	stream.indirect_vreg.gather [hbm4b:s2+s10], $0x1, v0, vm0, $0x4038;
	[tilespmem:$0x180] =	vst v63  }
0x15: {  	_ =	swait.ge [sflag:s4], $0x60  }
0x16: {  	s30 =	sshrl.u32 s13, $0x3;
	[sflag:s4] =	ssyncset.done $0x0  }
0x17: {  	s31 =	sand.u32 $0x7, s13;
	s15 =	sadd.s32 s8, s30;
	[sflag:s4] =	ssyncadd.s32 $0xFFFFFFA0  }
0x18: {  	[hbm4b:s15+s31] =	stream.linear.scatter [tilespmem:s14], [sflag:$0x3], $0x60, $0x38;
	[tilespmem:$0x180] =	vst v63  }
.LBB2_5:
0x19: {  	s15 =	sadd.s32 $0xC00, s11  }
0x1a: {  	p1 =	sgt.s32 s15, $0x107F  }
0x1b: {  	s15 =	smov.u32 @p1 s5;
	p1 =	sne.s32 s12, s9  }
.Ltmp1:
0x1c: {  	p0 =	slt.u32 s12, $0x2;
	(pc) =	sbr.rel @!p1 .LBB2_6-.Ltmp1, $4  }
0x1d: {  	s14 =	simm.s32 @!p0 $0x3  }
0x1e: {  	_ =	swait.ge @!p0 [sflag:s14], $0x60  }
0x1f: {  	s16 =	sadd.s32 $0x1, s12;
	s13 =	smov.u32 s11;
	[sflag:s14] =	ssyncset.done @!p0 $0x0  }
0x20: {  	s12 =	smov.u32 s16;
	s11 =	smov.u32 s15;
	[sflag:s14] =	ssyncadd.s32 @!p0 $0xFFFFFFA0  }
.LBB2_1:
0x21: {  	p0 =	sge.u32 s12, s7  }
0x22: {  	s14 =	sxor.u32 @!p0 $0x1, s12  }
0x23: {  	s14 =	smul.u32 @!p0 $0x180, s14  }
0x24: {  	s31 =	sadd.s32 $0xFFFFFFFF, s12;
	s15 =	sshrl.u32 @!p0 s11, $0x3  }
0x25: {  	s16 =	sand.u32 @!p0 $0x7, s11;
	s15 =	sadd.s32 @!p0 s3, s15;
	s14 =	sshra.s32 @!p0 s14, $0x2  }
0x26: {  	[tilespmem:s14], [sflag:$0x2] =	stream.linear.gather @!p0 [hbm4b:s15+s16], $0x60, $0x38;
	[tilespmem:$0x180] =	vst v63  }
0x27: {  	p0 =	sge.u32 s31, s7  }
.Ltmp2:
0x28: {  	_ = 	snop;
	(pc) =	sbr.rel @p0 .LBB2_5-.Ltmp2, $1  }
0x29: {  	_ =	sdelay $0x3  }
0x2a: {  	s14 =	sand.u32 $0x1, s12  }
0x2b: {  	_ =	swait.ge [sflag:s6], $0x60;
	p0 =	seq.s32 s14, $0x1;
	s14 =	simm.s32 $0x60  }
0x2c: {  	[sflag:s6] =	ssyncset.done $0x0;
	s14 =	simm.s32 @!p0 $0x0  }
0x2d: {  	[sflag:s6] =	ssyncadd.s32 $0xFFFFFFA0;
	(ifvalue) =	ssetifvalue $0x7FFFFFFF;
	v0 =	vld.msk [tilespmem:s14+$0x0 ss:$0x1], $0xffff;
	_ =	sdelay $0x4  }
0x2e: {  	s15 =	sadd.s32 $0x10, s14;
	vm1 =	vgt.s32 v0, $0x0  }
0x2f: {  	v2 =	vld.msk [tilespmem:s15+$0x0 ss:$0x1], $0xffff;
	v1 =	vnsel vm1, $0x0, v0  }
0x30: {  	v1 =	vmin.u32 v1, $0xC3F;
	_ =	sdelay $0x2  }
0x31: {  	s17 =	simm.s32 $0x20;
	s14 =	sadd.s32 $0xC0, s14;
	s16 =	sadd.s32 $0x10, s15  }
0x32: {  	s15 =	sadd.s32 $0x10, s14;
	s18 =	smov.u32 s14;
	v0 =	vld.msk [tilespmem:s16+$0x0 ss:$0x1], $0xffff;
	vm1 =	vgt.s32 v2, $0x0;
	(ifvalue) =	ssetifvalue $0x7FFFFFFF  }
.LBB2_3:
0x33: {  	[tilespmem:s18], [sflag:$0x1] =	stream.indirect_vreg.gather [hbm4b:s2+s10], $0x1, v1, vm0, $0x4038;
	[tilespmem:$0x180] =	vst v63  }
0x34: {  	s17 =	sadd.s32 $0x10, s17  }
0x35: {  	v2 =	vnsel vm1, $0x0, v2;
	p0 =	slt.u32 s17, $0x50  }
.Ltmp3:
0x36: {  	s18 =	smov.u32 s15;
	v1 =	vmin.u32 v2, $0xC3F;
	(pc) =	sbr.rel @p0 .LBB2_3-.Ltmp3, $3  }
0x37: {  	_ =	sdelay $0x1  }
0x38: {  	s16 =	sadd.s32 $0x10, s16  }
0x39: {  	vm1 =	vgt.s32 v0, $0x0;
	s15 =	sadd.s32 $0x10, s15;
	v2 =	vmov v0;
	(ifvalue) =	ssetifvalue $0x7FFFFFFF;
	v0 =	vld.msk [tilespmem:s16+$0x0 ss:$0x1], $0xffff  }
.Ltmp4:
0x3a: {  	_ = 	snop;
	(pc) =	sbr.rel .LBB2_4-.Ltmp4, $1  }
0x3b: {  	_ =	sdelay $0x3  }
.LBB2_6:
0x3c: {  	_ =	sfence.sel $0x180000  }
0x3d: {  	s2 =	simm.s32 $0x2;
	[bflag:$0x0] =	sbarrier.arrive $0xFFFF  }
0x3e: {  	s30 =	simm.s32 $0x3;
	[sflag:s2] =	ssyncpa.u1 $0x1  }
0x3f: {  	s31 =	simm.s32 $0x1;
	[sflag:s30] =	ssyncpa.u1 $0x1  }
0x40: {  	[sflag:s31] =	ssyncpa.u1 $0x1  }
0x41: {  	p0 =	sne.s32 s1, $0x0;
	_ =	strace $0x90000065  }
0x42: {  	s0 =	sadd.s32 @!p0 $0x100000, s0;
	[bflag:$0x2] =	sbarrier.arrive $0xFFFF  }
0x43: {  	[sflag:s0] =	ssyncadd.tile.s32 @!p0 $0x1;
	_ =	shalt  }
.Lfunc_end2:
_tile_overlayer_lowered:
.L_overlay_start_2:
0x44: {  	(tag) =	ssettag $0x2  }
0x45: {  	s0 =	rddreg [dreg:$0x0];
	s2 =	stileid.u32  }
0x46: {  	s1 =	rddreg [dreg:$0x1];
	p0 =	sne.s32 s2, $0x0  }
0x47: {  	s3 =	rddreg [dreg:$0x2];
	[bflag:$0x3] =	sbarrier.arrive $0xFFFF;
	s2 =	simm.s32 @!p0 $0x1C01  }
0x48: {  	[timem:s3], [sflag:s2] =	dma.local @!p0 [hbm:s0], s1  }
0x49: {  	s0 =	simm.s32 @!p0 $0x1  }
0x4a: {  	_ =	swait.ge @!p0 [sflag:s0], s1  }
0x4b: {  	s1 =	ssub.s32 @!p0 $0x0, s1;
	[sflag:s0] =	ssyncset.done @!p0 $0x0  }
0x4c: {  	[sflag:s0] =	ssyncadd.s32 @!p0 s1  }
0x4d: {  	[bflag:$0x3] =	sbarrier.arrive $0xFFFF  }
0x4e: {  	_ =	shalt  }

// kernel: gather_offload_async_start.9
scs
__scs_entry_jumppad:
0x0: {  	(pc) =	sbr.rel $0x88, $3  }
0x1: {  	(tag) =	ssettag $0x0;
	lr =	simm.s32 $0x1  }
0x2: {  	[smem:$0x3F8B] =	sst lr;
	_ =	strace $0xD0000000  }
0x3: {  	_ = 	snop  }
0x4: {  	_ = 	snop  }
0x5: {  	_ = 	snop  }
0x6: {  	_ = 	snop  }
0x7: {  	_ = 	snop  }
__scs_overlays_trampoline_lowered:
0x8: {  	[smem:$0x3F9A] =	sst s0  }
0x9: {  	[smem:$0x3F9B] =	sst s1  }
0xa: {  	[smem:$0x3F9C] =	sst s2  }
0xb: {  	[smem:$0x3F9D] =	sst s3  }
0xc: {  	[smem:$0x3F9E] =	sst s4  }
0xd: {  	[smem:$0x3F9F] =	sst s5  }
0xe: {  	[smem:$0x3FA0] =	sst s6  }
0xf: {  	[smem:$0x3FA1] =	sst s7  }
0x10: {  	[smem:$0x3FA2] =	sst s8  }
0x11: {  	[smem:$0x3FA3] =	sst s9;
	s0 =	simm.s32 @!p0 $0x0  }
0x12: {  	s1 =	sld [smem:$0x3F89];
	s0 =	simm.s32 @p0 $0x1  }
0x13: {  	[smem:$0x3FA4] =	sst s0;
	s0 =	simm.s32 @!p1 $0x0  }
0x14: {  	s2 =	sld [smem:$0x3F88];
	s0 =	simm.s32 @p1 $0x1  }
0x15: {  	[smem:$0x3FA5] =	sst s0;
	s0 =	simm.s32 @!p2 $0x0  }
0x16: {  	s3 =	sld [smem:$0x3FDB];
	s0 =	simm.s32 @p2 $0x1  }
0x17: {  	s4 =	simm.s32 $0x1BF5;
	[smem:$0x3FA7] =	sst s0  }
0x18: {  	s0 =	sld [smem:$0x3F8A];
	_ =	swait.ge [sflag:s4], $0x0  }
0x19: {  	s7 =	sld [smem:$0x3F8B]  }
0x1a: {  	s8 =	sadd.s32 $0xFFFFE003, lr  }
0x1b: {  	s9 =	sadd.s32 $0xFFFFFEF7, lr;
	s5 =	simm.s32 $0xFFFFFFFF;
	p2 =	slt.u32 s8, $0xFFFFF086  }
0x1c: {  	p1 =	slt.u32 s9, $0xF7A;
	s5 =	simm.s32 @!p2 $0x0  }
0x1d: {  	s5 =	simm.s32 @p1 $0x1;
	p0 =	seq.s32 s7, s2  }
0x1e: {  	s7 =	smul.u32 @!p0 $0xF7A, s2;
	p2 =	seq.s32 @!p0 s5, $0x0  }
0x1f: {  	s9 =	smul.u32 $0xF7A, s1;
	s8 =	simm.s32 @!p0 $0x1BF5;
	p2 =	por !p2, p0  }
0x20: {  	[sflag:s8] =	ssyncset.s32 @!p0 $0xFFFFF086;
	s6 =	sadd.s32 @!p0 s3, s7;
	s7 =	simm.s32 @!p0 $0x108  }
0x21: {  	s3 =	sadd.s32 s3, s9;
	s6 =	sadd.s32 @!p0 $0x88, s6;
	s7 =	simm.s32 @p2 $0x1082  }
0x22: {  	[simem:s7], [sflag:s8] =	dma.local @!p0 [hbm:s6], $0xF7A  }
0x23: {  	s9 =	sor.u32 $0xD0000000, s2;
	s6 =	simm.s32 $0x108;
	_ =	swait.ge @!p0 [sflag:s8], $0x0  }
0x24: {  	s3 =	sadd.s32 $0x88, s3;
	s6 =	simm.s32 @!p1 $0x1082;
	[sflag:s4] =	ssyncset.s32 $0xFFFFF086  }
0x25: {  	[simem:s6], [sflag:s4] =	dma.local [hbm:s3], $0xF7A  }
0x26: {  	[smem:$0x3F8B] =	sst s1;
	(tag) =	ssettag s2;
	_ =	strace s9  }
0x27: {  	s1 =	sld [smem:$0x3F9B]  }
0x28: {  	s2 =	sld [smem:$0x3F9C]  }
0x29: {  	s4 =	sld [smem:$0x3F9E]  }
0x2a: {  	p0 =	seq.s32 s5, $0x0;
	s5 =	sld [smem:$0x3F9F]  }
0x2b: {  	s6 =	sld [smem:$0x3FA0]  }
0x2c: {  	s7 =	sld [smem:$0x3FA1]  }
0x2d: {  	s3 =	simm.s32 $0x108;
	s8 =	sld [smem:$0x3FA2]  }
0x2e: {  	s3 =	simm.s32 @!p0 $0x1082;
	s9 =	sld [smem:$0x3FA3]  }
0x2f: {  	lr =	sadd.s32 s0, s3;
	s0 =	sld [smem:$0x3F9A]  }
0x30: {  	s3 =	sld [smem:$0x3F9D]  }
0x31: {  	[smem:$0x3FA6] =	sst s10  }
0x32: {  	s10 =	sld [smem:$0x3FA4];
	_ =	sdelay $0x3  }
0x33: {  	p0 =	seq.s32 s10, $0x1;
	s10 =	sld [smem:$0x3FA6];
	_ =	sdelay $0x3  }
0x34: {  	[smem:$0x3FA6] =	sst s10  }
0x35: {  	s10 =	sld [smem:$0x3FA5];
	_ =	sdelay $0x3  }
0x36: {  	p1 =	seq.s32 s10, $0x1;
	s10 =	sld [smem:$0x3FA6];
	_ =	sdelay $0x3  }
0x37: {  	[smem:$0x3FA6] =	sst s10  }
0x38: {  	s10 =	sld [smem:$0x3FA7]  }
0x39: {  	_ = 	snop;
	(pc) =	sbr.ind lr, $3  }
0x3a: {  	_ = 	snop  }
0x3b: {  	_ = 	snop  }
0x3c: {  	p2 =	seq.s32 s10, $0x1;
	s10 =	sld [smem:$0x3FA6]  }
0x3d: {  	_ =	shalt  }
0x3e: {  	_ =	shalt  }
0x3f: {  	_ =	shalt  }
0x40: {  	_ =	shalt  }
0x41: {  	_ =	shalt  }
0x42: {  	_ =	shalt  }
0x43: {  	_ =	shalt  }
0x44: {  	_ =	shalt  }
0x45: {  	_ =	shalt  }
0x46: {  	_ =	shalt  }
0x47: {  	_ =	shalt  }
0x48: {  	_ =	shalt  }
0x49: {  	_ =	shalt  }
0x4a: {  	_ =	shalt  }
0x4b: {  	_ =	shalt  }
0x4c: {  	_ =	shalt  }
0x4d: {  	_ =	shalt  }
0x4e: {  	_ =	shalt  }
0x4f: {  	_ =	shalt  }
0x50: {  	_ =	shalt  }
0x51: {  	_ =	shalt  }
0x52: {  	_ =	shalt  }
0x53: {  	_ =	shalt  }
0x54: {  	_ =	shalt  }
0x55: {  	_ =	shalt  }
0x56: {  	_ =	shalt  }
0x57: {  	_ =	shalt  }
0x58: {  	_ =	shalt  }
0x59: {  	_ =	shalt  }
0x5a: {  	_ =	shalt  }
0x5b: {  	_ =	shalt  }
0x5c: {  	_ =	shalt  }
0x5d: {  	_ =	shalt  }
0x5e: {  	_ =	shalt  }
0x5f: {  	_ =	shalt  }
0x60: {  	_ =	shalt  }
0x61: {  	_ =	shalt  }
0x62: {  	_ =	shalt  }
0x63: {  	_ =	shalt  }
0x64: {  	_ =	shalt  }
0x65: {  	_ =	shalt  }
0x66: {  	_ =	shalt  }
0x67: {  	_ =	shalt  }
0x68: {  	_ =	shalt  }
0x69: {  	_ =	shalt  }
0x6a: {  	_ =	shalt  }
0x6b: {  	_ =	shalt  }
0x6c: {  	_ =	shalt  }
0x6d: {  	_ =	shalt  }
0x6e: {  	_ =	shalt  }
0x6f: {  	_ =	shalt  }
0x70: {  	_ =	shalt  }
0x71: {  	_ =	shalt  }
0x72: {  	_ =	shalt  }
0x73: {  	_ =	shalt  }
0x74: {  	_ =	shalt  }
0x75: {  	_ =	shalt  }
0x76: {  	_ =	shalt  }
0x77: {  	_ =	shalt  }
0x78: {  	_ =	shalt  }
0x79: {  	_ =	shalt  }
0x7a: {  	_ =	shalt  }
0x7b: {  	_ =	shalt  }
0x7c: {  	_ =	shalt  }
0x7d: {  	_ =	shalt  }
0x7e: {  	_ =	shalt  }
0x7f: {  	_ =	shalt  }
0x80: {  	_ =	shalt  }
0x81: {  	_ =	shalt  }
0x82: {  	_ =	shalt  }
0x83: {  	_ =	shalt  }
0x84: {  	_ =	shalt  }
0x85: {  	_ =	shalt  }
0x86: {  	_ =	shalt  }
0x87: {  	_ =	shalt  }
.Lfunc_end0:
.L_simem_size_0:
called_computation.9_lowered:
.L_overlay_start_0:
0x88: {  	s2 =	sld [smem:$0x3FD9]  }
0x89: {  	s3 =	sld [smem:$0x3FFE];
	_ =	sdelay $0x1  }
0x8a: {  	s1 =	srdreg.scid  }
0x8b: {  	s0 =	sand.u32 $0x1, s1  }
0x8c: {  	s16 =	sshll.u32 s0, $0xA;
	s2 =	sadd.s32 s3, s2  }
0x8d: {  	s2 =	sadd.s32 s2, s16  }
0x8e: {  	[smem:$0x3FB2] =	sst s2  }
0x8f: {  	_ = 	snop  }
0x90: {  	(tm) =	ssettm $0x1  }
0x91: {  	s17 =	sld [smem:$0x3FFB];
	_ =	sdelay $0x3  }
0x92: {  	_ =	strace s17  }
0x93: {  	s2 =	sld [smem:$0x3FFC];
	_ =	sdelay $0x3  }
0x94: {  	_ =	strace s2  }
0x95: {  	s2 =	sld [smem:$0x3FFD];
	_ =	sdelay $0x3  }
0x96: {  	_ =	strace s2  }
0x97: {  	_ =	strace $0x8FFFFFFF  }
0x98: {  	s18 =	sld [smem:$0x3FDB];
	_ =	sdelay $0x1  }
0x99: {  	s19 =	simm.s32 $_scs_section_size  }
0x9a: {  	s4 =	simm.s32 $_size__tile_overlayer_lowered;
	s5 =	simm.s32 $_tile_overlayer_lowered  }
0x9b: {  	s22 =	simm.s32 $0x1BFF;
	s21 =	sshll.u32 s5, $0x1;
	s2 =	sadd.s32 s19, s18  }
0x9c: {  	s6 =	simm.s32 $0x0;
	s20 =	sshll.u32 s4, $0x1;
	s4 =	sadd.s32 s21, s2  }
0x9d: {  	[timem:s6], [sflag:s22] =	dma.local [hbm:s4], s20  }
0x9e: {  	_ =	swait.ge [sflag:s22], s20  }
0x9f: {  	s3 =	ssub.s32 $0x0, s20;
	[sflag:s22] =	ssyncset.done $0x0  }
0xa0: {  	[sflag:s22] =	ssyncadd.s32 s3;
	_ =	sdelay $0x1  }
0xa1: {  	s23 =	simm.s32 $0x1B8B  }
0xa2: {  	_ =	swait.ge [sflag:s23], $0x1  }
0xa3: {  	[sflag:s23] =	ssyncset.done $0x0  }
0xa4: {  	s25 =	simm.s32 $0x1B8E;
	s24 =	sld [smem:$0x3FFE];
	[sflag:s23] =	ssyncadd.s32 $0xFFFFFFFF  }
0xa5: {  	s26 =	simm.s32 $execute0_lowered;
	[smem:$0x3FD2] =	sst s25  }
0xa6: {  	s4 =	sshll.u32 s26, $0x1;
	_ =	strace $0x80000067;
	[dreg:$0x1] =	wrdreg $0xFFFFFFFF  }
0xa7: {  	s28 =	simm.s32 $_size_execute0_lowered;
	s2 =	sadd.s32 s2, s4;
	[dreg:$0x0] =	wrdreg $0x0  }
0xa8: {  	s4 =	sshll.u32 s28, $0x1;
	[dreg:$0x2] =	wrdreg s2  }
0xa9: {  	[dreg:$0x3] =	wrdreg s4  }
0xaa: {  	[dreg:$0x4] =	wrdreg $0xC0  }
0xab: {  	_ =	task [dreg:s6], $0x5FFFF  }
0xac: {  	[dreg:$0x1] =	wrdreg $0xFFFFFFFF  }
0xad: {  	[dreg:$0x0] =	wrdreg $0x60  }
0xae: {  	[dreg:$0x2] =	wrdreg s24  }
0xaf: {  	[dreg:$0x3] =	wrdreg $0x9  }
0xb0: {  	_ =	task.clear_ibuf [dreg:s6], $0x4FFFF;
	_ =	strace $0x90000067  }
0xb1: {  	s29 =	simm.s32 $0x9;
	_ =	strace $0x80000069  }
0xb2: {  	_ =	swait.ge [sflag:s29], $0x1  }
0xb3: {  	[sflag:s29] =	ssyncadd.s32 $0xFFFFFFFF  }
0xb4: {  	_ =	strace $0x90000069  }
0xb5: {  	_ =	sfence  }
0xb6: {  	s30 =	sld [smem:$0x0];
	_ =	sdelay $0x2  }
0xb7: {  	s31 =	sshll.u32 s1, $0xD;
	s1 =	sshrl.u32 s1, $0x2  }
0xb8: {  	s3 =	sand.u32 $0x4000, s31;
	s1 =	sadd.s32 s1, s30  }
0xb9: {  	s0 =	sor.u32 s3, s0;
	s1 =	sshll.u32 s1, $0x11  }
0xba: {  	s0 =	sor.u32 s1, s0  }
0xbb: {  	s0 =	sadd.s32 $0x8F2B, s0  }
0xbc: {  	[sflag:s0] =	ssyncadd.remote.s32 $0x1  }
0xbd: {  	_ =	sfence.sel $0xFFFF  }
0xbe: {  	[dreg:$0x0] =	wrdreg $0xFFFFFFFF;
	(pc) =	sbr.abs _section_cstart, $3  }
0xbf: {  	[dreg:$0x1] =	wrdreg $0xFFFFFFFF  }
0xc0: {  	_ =	task.clear_ibuf [dreg:s6], $0x2FFFF;
	_ =	strace $0x9FFFFFFF  }
0xc1: {  	(tm) =	ssettm $0x7FFFFFFF  }
tec
execute0_lowered:
.L_overlay_start_1:
0x0: {  	(tag) =	ssettag $0x1  }
0x1: {  	s8 =	rddreg [dreg:$0x0]  }
0x2: {  	s0 =	rddreg [dreg:$0x1];
	_ =	strace $0x80000068;
	s1 =	stileid.u32  }
0x3: {  	s3 =	srdreg.scid;
	s4 =	simm.s32 $0x1;
	s7 =	simm.s32 $0x1  }
0x4: {  	s9 =	simm.s32 $0x1;
	s10 =	simm.s32 $0x3;
	s13 =	simm.s32 $0x0  }
0x5: {  	s12 =	simm.s32 $0x0;
	s5 =	sand.u32 $0x1, s3;
	s6 =	sshll.u32 s1, $0x1  }
0x6: {  	s2 =	sadd.s32 $0x2B400, s8;
	s3 =	sadd.s32 $0x25400, s8;
	s5 =	sor.u32 s6, s5  }
.Ltmp0:
0x7: {  	[sflag:s4] =	ssyncpa.u1 $0x0;
	p0 =	slt.u32 s5, $0xD;
	(pc) =	sbr.rel .LBB2_1-.Ltmp0, $4  }
0x8: {  	s6 =	simm.s32 $0x2;
	s7 =	simm.s32 @!p0 $0x0;
	p0 =	sne.s32 s5, $0xC  }
0x9: {  	[sflag:s6] =	ssyncpa.u1 $0x0;
	s5 =	smul.u32 $0x60, s5;
	s9 =	simm.s32 @!p0 $0x0  }
0xa: {  	s8 =	sadd.s32 $0x38A00, s8;
	[sflag:s10] =	ssyncpa.u1 $0x0;
	s7 =	sadd.s32 s9, s7  }
0xb: {  	vm0 =	vmmov $0xffff;
	s10 =	simm.s32 $0x0;
	s11 =	smov.u32 s5;
	s9 =	sadd.s32 $0x1, s7  }
.LBB2_4:
0xc: {  	v2 =	vnsel vm1, $0x0, v2  }
0xd: {  	vm1 =	vgt.s32 v0, $0x0;
	v2 =	vmin.u32 v2, $0xC3F  }
0xe: {  	v0 =	vnsel vm1, $0x0, v0  }
0xf: {  	v0 =	vmin.u32 v0, $0xC3F  }
0x10: {  	[tilespmem:s18], [sflag:$0x1] =	stream.indirect_vreg.gather [hbm4b:s2+s10], $0x1, v1, vm0, $0x4038;
	[tilespmem:$0x180] =	vst v63  }
0x11: {  	(ifvalue) =	ssetifvalue $0x7FFFFFFF  }
0x12: {  	[tilespmem:s15], [sflag:$0x1] =	stream.indirect_vreg.gather [hbm4b:s2+s10], $0x1, v2, vm0, $0x4038;
	[tilespmem:$0x180] =	vst v63  }
0x13: {  	s29 =	sadd.s32 $0x10, s15;
	(ifvalue) =	ssetifvalue $0x7FFFFFFF  }
0x14: {  	[tilespmem:s29], [sflag:$0x1] =	stream.indirect_vreg.gather [hbm4b:s2+s10], $0x1, v0, vm0, $0x4038;
	[tilespmem:$0x180] =	vst v63  }
0x15: {  	_ =	swait.ge [sflag:s4], $0x60  }
0x16: {  	s30 =	sshrl.u32 s13, $0x3;
	[sflag:s4] =	ssyncset.done $0x0  }
0x17: {  	s31 =	sand.u32 $0x7, s13;
	s15 =	sadd.s32 s8, s30;
	[sflag:s4] =	ssyncadd.s32 $0xFFFFFFA0  }
0x18: {  	[hbm4b:s15+s31] =	stream.linear.scatter [tilespmem:s14], [sflag:$0x3], $0x60, $0x38;
	[tilespmem:$0x180] =	vst v63  }
.LBB2_5:
0x19: {  	s15 =	sadd.s32 $0xC00, s11  }
0x1a: {  	p1 =	sgt.s32 s15, $0x107F  }
0x1b: {  	s15 =	smov.u32 @p1 s5;
	p1 =	sne.s32 s12, s9  }
.Ltmp1:
0x1c: {  	p0 =	slt.u32 s12, $0x2;
	(pc) =	sbr.rel @!p1 .LBB2_6-.Ltmp1, $4  }
0x1d: {  	s14 =	simm.s32 @!p0 $0x3  }
0x1e: {  	_ =	swait.ge @!p0 [sflag:s14], $0x60  }
0x1f: {  	s16 =	sadd.s32 $0x1, s12;
	s13 =	smov.u32 s11;
	[sflag:s14] =	ssyncset.done @!p0 $0x0  }
0x20: {  	s12 =	smov.u32 s16;
	s11 =	smov.u32 s15;
	[sflag:s14] =	ssyncadd.s32 @!p0 $0xFFFFFFA0  }
.LBB2_1:
0x21: {  	p0 =	sge.u32 s12, s7  }
0x22: {  	s14 =	sxor.u32 @!p0 $0x1, s12  }
0x23: {  	s14 =	smul.u32 @!p0 $0x180, s14  }
0x24: {  	s31 =	sadd.s32 $0xFFFFFFFF, s12;
	s15 =	sshrl.u32 @!p0 s11, $0x3  }
0x25: {  	s16 =	sand.u32 @!p0 $0x7, s11;
	s15 =	sadd.s32 @!p0 s3, s15;
	s14 =	sshra.s32 @!p0 s14, $0x2  }
0x26: {  	[tilespmem:s14], [sflag:$0x2] =	stream.linear.gather @!p0 [hbm4b:s15+s16], $0x60, $0x38;
	[tilespmem:$0x180] =	vst v63  }
0x27: {  	p0 =	sge.u32 s31, s7  }
.Ltmp2:
0x28: {  	_ = 	snop;
	(pc) =	sbr.rel @p0 .LBB2_5-.Ltmp2, $1  }
0x29: {  	_ =	sdelay $0x3  }
0x2a: {  	s14 =	sand.u32 $0x1, s12  }
0x2b: {  	_ =	swait.ge [sflag:s6], $0x60;
	p0 =	seq.s32 s14, $0x1;
	s14 =	simm.s32 $0x60  }
0x2c: {  	[sflag:s6] =	ssyncset.done $0x0;
	s14 =	simm.s32 @!p0 $0x0  }
0x2d: {  	[sflag:s6] =	ssyncadd.s32 $0xFFFFFFA0;
	(ifvalue) =	ssetifvalue $0x7FFFFFFF;
	v0 =	vld.msk [tilespmem:s14+$0x0 ss:$0x1], $0xffff;
	_ =	sdelay $0x4  }
0x2e: {  	s15 =	sadd.s32 $0x10, s14;
	vm1 =	vgt.s32 v0, $0x0  }
0x2f: {  	v2 =	vld.msk [tilespmem:s15+$0x0 ss:$0x1], $0xffff;
	v1 =	vnsel vm1, $0x0, v0  }
0x30: {  	v1 =	vmin.u32 v1, $0xC3F;
	_ =	sdelay $0x2  }
0x31: {  	s17 =	simm.s32 $0x20;
	s14 =	sadd.s32 $0xC0, s14;
	s16 =	sadd.s32 $0x10, s15  }
0x32: {  	s15 =	sadd.s32 $0x10, s14;
	s18 =	smov.u32 s14;
	v0 =	vld.msk [tilespmem:s16+$0x0 ss:$0x1], $0xffff;
	vm1 =	vgt.s32 v2, $0x0;
	(ifvalue) =	ssetifvalue $0x7FFFFFFF  }
.LBB2_3:
0x33: {  	[tilespmem:s18], [sflag:$0x1] =	stream.indirect_vreg.gather [hbm4b:s2+s10], $0x1, v1, vm0, $0x4038;
	[tilespmem:$0x180] =	vst v63  }
0x34: {  	s17 =	sadd.s32 $0x10, s17  }
0x35: {  	v2 =	vnsel vm1, $0x0, v2;
	p0 =	slt.u32 s17, $0x50  }
.Ltmp3:
0x36: {  	s18 =	smov.u32 s15;
	v1 =	vmin.u32 v2, $0xC3F;
	(pc) =	sbr.rel @p0 .LBB2_3-.Ltmp3, $3  }
0x37: {  	_ =	sdelay $0x1  }
0x38: {  	s16 =	sadd.s32 $0x10, s16  }
0x39: {  	vm1 =	vgt.s32 v0, $0x0;
	s15 =	sadd.s32 $0x10, s15;
	v2 =	vmov v0;
	(ifvalue) =	ssetifvalue $0x7FFFFFFF;
	v0 =	vld.msk [tilespmem:s16+$0x0 ss:$0x1], $0xffff  }
.Ltmp4:
0x3a: {  	_ = 	snop;
	(pc) =	sbr.rel .LBB2_4-.Ltmp4, $1  }
0x3b: {  	_ =	sdelay $0x3  }
.LBB2_6:
0x3c: {  	_ =	sfence.sel $0x180000  }
0x3d: {  	s2 =	simm.s32 $0x2;
	[bflag:$0x0] =	sbarrier.arrive $0xFFFF  }
0x3e: {  	s30 =	simm.s32 $0x3;
	[sflag:s2] =	ssyncpa.u1 $0x1  }
0x3f: {  	s31 =	simm.s32 $0x1;
	[sflag:s30] =	ssyncpa.u1 $0x1  }
0x40: {  	[sflag:s31] =	ssyncpa.u1 $0x1  }
0x41: {  	p0 =	sne.s32 s1, $0x0;
	_ =	strace $0x90000068  }
0x42: {  	s0 =	sadd.s32 @!p0 $0x100000, s0;
	[bflag:$0x2] =	sbarrier.arrive $0xFFFF  }
0x43: {  	[sflag:s0] =	ssyncadd.tile.s32 @!p0 $0x1;
	_ =	shalt  }
.Lfunc_end2:
_tile_overlayer_lowered:
.L_overlay_start_2:
0x44: {  	(tag) =	ssettag $0x2  }
0x45: {  	s0 =	rddreg [dreg:$0x0];
	s2 =	stileid.u32  }
0x46: {  	s1 =	rddreg [dreg:$0x1];
	p0 =	sne.s32 s2, $0x0  }
0x47: {  	s3 =	rddreg [dreg:$0x2];
	[bflag:$0x3] =	sbarrier.arrive $0xFFFF;
	s2 =	simm.s32 @!p0 $0x1C01  }
0x48: {  	[timem:s3], [sflag:s2] =	dma.local @!p0 [hbm:s0], s1  }
0x49: {  	s0 =	simm.s32 @!p0 $0x1  }
0x4a: {  	_ =	swait.ge @!p0 [sflag:s0], s1  }
0x4b: {  	s1 =	ssub.s32 @!p0 $0x0, s1;
	[sflag:s0] =	ssyncset.done @!p0 $0x0  }
0x4c: {  	[sflag:s0] =	ssyncadd.s32 @!p0 s1  }
0x4d: {  	[bflag:$0x3] =	sbarrier.arrive $0xFFFF  }
0x4e: {  	_ =	shalt  }

// kernel: gather_offload_async_start
scs
__scs_entry_jumppad:
0x0: {  	(pc) =	sbr.rel $0x88, $3  }
0x1: {  	(tag) =	ssettag $0x0;
	lr =	simm.s32 $0x1  }
0x2: {  	[smem:$0x3F8B] =	sst lr;
	_ =	strace $0xD0000000  }
0x3: {  	_ = 	snop  }
0x4: {  	_ = 	snop  }
0x5: {  	_ = 	snop  }
0x6: {  	_ = 	snop  }
0x7: {  	_ = 	snop  }
__scs_overlays_trampoline_lowered:
0x8: {  	[smem:$0x3F9A] =	sst s0  }
0x9: {  	[smem:$0x3F9B] =	sst s1  }
0xa: {  	[smem:$0x3F9C] =	sst s2  }
0xb: {  	[smem:$0x3F9D] =	sst s3  }
0xc: {  	[smem:$0x3F9E] =	sst s4  }
0xd: {  	[smem:$0x3F9F] =	sst s5  }
0xe: {  	[smem:$0x3FA0] =	sst s6  }
0xf: {  	[smem:$0x3FA1] =	sst s7  }
0x10: {  	[smem:$0x3FA2] =	sst s8  }
0x11: {  	[smem:$0x3FA3] =	sst s9;
	s0 =	simm.s32 @!p0 $0x0  }
0x12: {  	s1 =	sld [smem:$0x3F89];
	s0 =	simm.s32 @p0 $0x1  }
0x13: {  	[smem:$0x3FA4] =	sst s0;
	s0 =	simm.s32 @!p1 $0x0  }
0x14: {  	s2 =	sld [smem:$0x3F88];
	s0 =	simm.s32 @p1 $0x1  }
0x15: {  	[smem:$0x3FA5] =	sst s0;
	s0 =	simm.s32 @!p2 $0x0  }
0x16: {  	s3 =	sld [smem:$0x3FDB];
	s0 =	simm.s32 @p2 $0x1  }
0x17: {  	s4 =	simm.s32 $0x1BF5;
	[smem:$0x3FA7] =	sst s0  }
0x18: {  	s0 =	sld [smem:$0x3F8A];
	_ =	swait.ge [sflag:s4], $0x0  }
0x19: {  	s7 =	sld [smem:$0x3F8B]  }
0x1a: {  	s8 =	sadd.s32 $0xFFFFE003, lr  }
0x1b: {  	s9 =	sadd.s32 $0xFFFFFEF7, lr;
	s5 =	simm.s32 $0xFFFFFFFF;
	p2 =	slt.u32 s8, $0xFFFFF086  }
0x1c: {  	p1 =	slt.u32 s9, $0xF7A;
	s5 =	simm.s32 @!p2 $0x0  }
0x1d: {  	s5 =	simm.s32 @p1 $0x1;
	p0 =	seq.s32 s7, s2  }
0x1e: {  	s7 =	smul.u32 @!p0 $0xF7A, s2;
	p2 =	seq.s32 @!p0 s5, $0x0  }
0x1f: {  	s9 =	smul.u32 $0xF7A, s1;
	s8 =	simm.s32 @!p0 $0x1BF5;
	p2 =	por !p2, p0  }
0x20: {  	[sflag:s8] =	ssyncset.s32 @!p0 $0xFFFFF086;
	s6 =	sadd.s32 @!p0 s3, s7;
	s7 =	simm.s32 @!p0 $0x108  }
0x21: {  	s3 =	sadd.s32 s3, s9;
	s6 =	sadd.s32 @!p0 $0x88, s6;
	s7 =	simm.s32 @p2 $0x1082  }
0x22: {  	[simem:s7], [sflag:s8] =	dma.local @!p0 [hbm:s6], $0xF7A  }
0x23: {  	s9 =	sor.u32 $0xD0000000, s2;
	s6 =	simm.s32 $0x108;
	_ =	swait.ge @!p0 [sflag:s8], $0x0  }
0x24: {  	s3 =	sadd.s32 $0x88, s3;
	s6 =	simm.s32 @!p1 $0x1082;
	[sflag:s4] =	ssyncset.s32 $0xFFFFF086  }
0x25: {  	[simem:s6], [sflag:s4] =	dma.local [hbm:s3], $0xF7A  }
0x26: {  	[smem:$0x3F8B] =	sst s1;
	(tag) =	ssettag s2;
	_ =	strace s9  }
0x27: {  	s1 =	sld [smem:$0x3F9B]  }
0x28: {  	s2 =	sld [smem:$0x3F9C]  }
0x29: {  	s4 =	sld [smem:$0x3F9E]  }
0x2a: {  	p0 =	seq.s32 s5, $0x0;
	s5 =	sld [smem:$0x3F9F]  }
0x2b: {  	s6 =	sld [smem:$0x3FA0]  }
0x2c: {  	s7 =	sld [smem:$0x3FA1]  }
0x2d: {  	s3 =	simm.s32 $0x108;
	s8 =	sld [smem:$0x3FA2]  }
0x2e: {  	s3 =	simm.s32 @!p0 $0x1082;
	s9 =	sld [smem:$0x3FA3]  }
0x2f: {  	lr =	sadd.s32 s0, s3;
	s0 =	sld [smem:$0x3F9A]  }
0x30: {  	s3 =	sld [smem:$0x3F9D]  }
0x31: {  	[smem:$0x3FA6] =	sst s10  }
0x32: {  	s10 =	sld [smem:$0x3FA4];
	_ =	sdelay $0x3  }
0x33: {  	p0 =	seq.s32 s10, $0x1;
	s10 =	sld [smem:$0x3FA6];
	_ =	sdelay $0x3  }
0x34: {  	[smem:$0x3FA6] =	sst s10  }
0x35: {  	s10 =	sld [smem:$0x3FA5];
	_ =	sdelay $0x3  }
0x36: {  	p1 =	seq.s32 s10, $0x1;
	s10 =	sld [smem:$0x3FA6];
	_ =	sdelay $0x3  }
0x37: {  	[smem:$0x3FA6] =	sst s10  }
0x38: {  	s10 =	sld [smem:$0x3FA7]  }
0x39: {  	_ = 	snop;
	(pc) =	sbr.ind lr, $3  }
0x3a: {  	_ = 	snop  }
0x3b: {  	_ = 	snop  }
0x3c: {  	p2 =	seq.s32 s10, $0x1;
	s10 =	sld [smem:$0x3FA6]  }
0x3d: {  	_ =	shalt  }
0x3e: {  	_ =	shalt  }
0x3f: {  	_ =	shalt  }
0x40: {  	_ =	shalt  }
0x41: {  	_ =	shalt  }
0x42: {  	_ =	shalt  }
0x43: {  	_ =	shalt  }
0x44: {  	_ =	shalt  }
0x45: {  	_ =	shalt  }
0x46: {  	_ =	shalt  }
0x47: {  	_ =	shalt  }
0x48: {  	_ =	shalt  }
0x49: {  	_ =	shalt  }
0x4a: {  	_ =	shalt  }
0x4b: {  	_ =	shalt  }
0x4c: {  	_ =	shalt  }
0x4d: {  	_ =	shalt  }
0x4e: {  	_ =	shalt  }
0x4f: {  	_ =	shalt  }
0x50: {  	_ =	shalt  }
0x51: {  	_ =	shalt  }
0x52: {  	_ =	shalt  }
0x53: {  	_ =	shalt  }
0x54: {  	_ =	shalt  }
0x55: {  	_ =	shalt  }
0x56: {  	_ =	shalt  }
0x57: {  	_ =	shalt  }
0x58: {  	_ =	shalt  }
0x59: {  	_ =	shalt  }
0x5a: {  	_ =	shalt  }
0x5b: {  	_ =	shalt  }
0x5c: {  	_ =	shalt  }
0x5d: {  	_ =	shalt  }
0x5e: {  	_ =	shalt  }
0x5f: {  	_ =	shalt  }
0x60: {  	_ =	shalt  }
0x61: {  	_ =	shalt  }
0x62: {  	_ =	shalt  }
0x63: {  	_ =	shalt  }
0x64: {  	_ =	shalt  }
0x65: {  	_ =	shalt  }
0x66: {  	_ =	shalt  }
0x67: {  	_ =	shalt  }
0x68: {  	_ =	shalt  }
0x69: {  	_ =	shalt  }
0x6a: {  	_ =	shalt  }
0x6b: {  	_ =	shalt  }
0x6c: {  	_ =	shalt  }
0x6d: {  	_ =	shalt  }
0x6e: {  	_ =	shalt  }
0x6f: {  	_ =	shalt  }
0x70: {  	_ =	shalt  }
0x71: {  	_ =	shalt  }
0x72: {  	_ =	shalt  }
0x73: {  	_ =	shalt  }
0x74: {  	_ =	shalt  }
0x75: {  	_ =	shalt  }
0x76: {  	_ =	shalt  }
0x77: {  	_ =	shalt  }
0x78: {  	_ =	shalt  }
0x79: {  	_ =	shalt  }
0x7a: {  	_ =	shalt  }
0x7b: {  	_ =	shalt  }
0x7c: {  	_ =	shalt  }
0x7d: {  	_ =	shalt  }
0x7e: {  	_ =	shalt  }
0x7f: {  	_ =	shalt  }
0x80: {  	_ =	shalt  }
0x81: {  	_ =	shalt  }
0x82: {  	_ =	shalt  }
0x83: {  	_ =	shalt  }
0x84: {  	_ =	shalt  }
0x85: {  	_ =	shalt  }
0x86: {  	_ =	shalt  }
0x87: {  	_ =	shalt  }
.Lfunc_end0:
.L_simem_size_0:
called_computation_lowered:
.L_overlay_start_0:
0x88: {  	s2 =	sld [smem:$0x3FD9]  }
0x89: {  	s3 =	sld [smem:$0x3FFE];
	_ =	sdelay $0x1  }
0x8a: {  	s1 =	srdreg.scid  }
0x8b: {  	s0 =	sand.u32 $0x1, s1  }
0x8c: {  	s16 =	sshll.u32 s0, $0xA;
	s2 =	sadd.s32 s3, s2  }
0x8d: {  	s2 =	sadd.s32 s2, s16  }
0x8e: {  	[smem:$0x3FB2] =	sst s2  }
0x8f: {  	_ = 	snop  }
0x90: {  	(tm) =	ssettm $0x1  }
0x91: {  	s17 =	sld [smem:$0x3FFB];
	_ =	sdelay $0x3  }
0x92: {  	_ =	strace s17  }
0x93: {  	s2 =	sld [smem:$0x3FFC];
	_ =	sdelay $0x3  }
0x94: {  	_ =	strace s2  }
0x95: {  	s2 =	sld [smem:$0x3FFD];
	_ =	sdelay $0x3  }
0x96: {  	_ =	strace s2  }
0x97: {  	_ =	strace $0x8FFFFFFF  }
0x98: {  	s18 =	sld [smem:$0x3FDB];
	_ =	sdelay $0x1  }
0x99: {  	s19 =	simm.s32 $_scs_section_size  }
0x9a: {  	s4 =	simm.s32 $_size__tile_overlayer_lowered;
	s5 =	simm.s32 $_tile_overlayer_lowered  }
0x9b: {  	s22 =	simm.s32 $0x1BFF;
	s21 =	sshll.u32 s5, $0x1;
	s2 =	sadd.s32 s19, s18  }
0x9c: {  	s6 =	simm.s32 $0x0;
	s20 =	sshll.u32 s4, $0x1;
	s4 =	sadd.s32 s21, s2  }
0x9d: {  	[timem:s6], [sflag:s22] =	dma.local [hbm:s4], s20  }
0x9e: {  	_ =	swait.ge [sflag:s22], s20  }
0x9f: {  	s3 =	ssub.s32 $0x0, s20;
	[sflag:s22] =	ssyncset.done $0x0  }
0xa0: {  	[sflag:s22] =	ssyncadd.s32 s3;
	_ =	sdelay $0x1  }
0xa1: {  	s23 =	simm.s32 $0x1B8B  }
0xa2: {  	_ =	swait.ge [sflag:s23], $0x1  }
0xa3: {  	[sflag:s23] =	ssyncset.done $0x0  }
0xa4: {  	s25 =	simm.s32 $0x1B8E;
	s24 =	sld [smem:$0x3FFE];
	[sflag:s23] =	ssyncadd.s32 $0xFFFFFFFF  }
0xa5: {  	s26 =	simm.s32 $execute0_lowered;
	[smem:$0x3FD2] =	sst s25  }
0xa6: {  	s4 =	sshll.u32 s26, $0x1;
	_ =	strace $0x80000046;
	[dreg:$0x1] =	wrdreg $0xFFFFFFFF  }
0xa7: {  	s28 =	simm.s32 $_size_execute0_lowered;
	s2 =	sadd.s32 s2, s4;
	[dreg:$0x0] =	wrdreg $0x0  }
0xa8: {  	s4 =	sshll.u32 s28, $0x1;
	[dreg:$0x2] =	wrdreg s2  }
0xa9: {  	[dreg:$0x3] =	wrdreg s4  }
0xaa: {  	[dreg:$0x4] =	wrdreg $0xC0  }
0xab: {  	_ =	task [dreg:s6], $0x5FFFF  }
0xac: {  	[dreg:$0x1] =	wrdreg $0xFFFFFFFF  }
0xad: {  	[dreg:$0x0] =	wrdreg $0x60  }
0xae: {  	[dreg:$0x2] =	wrdreg s24  }
0xaf: {  	[dreg:$0x3] =	wrdreg $0x9  }
0xb0: {  	_ =	task.clear_ibuf [dreg:s6], $0x4FFFF;
	_ =	strace $0x90000046  }
0xb1: {  	s29 =	simm.s32 $0x9;
	_ =	strace $0x80000048  }
0xb2: {  	_ =	swait.ge [sflag:s29], $0x1  }
0xb3: {  	[sflag:s29] =	ssyncadd.s32 $0xFFFFFFFF  }
0xb4: {  	_ =	strace $0x90000048  }
0xb5: {  	_ =	sfence  }
0xb6: {  	s30 =	sld [smem:$0x0];
	_ =	sdelay $0x2  }
0xb7: {  	s31 =	sshll.u32 s1, $0xD;
	s1 =	sshrl.u32 s1, $0x2  }
0xb8: {  	s3 =	sand.u32 $0x4000, s31;
	s1 =	sadd.s32 s1, s30  }
0xb9: {  	s0 =	sor.u32 s3, s0;
	s1 =	sshll.u32 s1, $0x11  }
0xba: {  	s0 =	sor.u32 s1, s0  }
0xbb: {  	s0 =	sadd.s32 $0x8F2B, s0  }
0xbc: {  	[sflag:s0] =	ssyncadd.remote.s32 $0x1  }
0xbd: {  	_ =	sfence.sel $0xFFFF  }
0xbe: {  	[dreg:$0x0] =	wrdreg $0xFFFFFFFF;
	(pc) =	sbr.abs _section_cstart, $3  }
0xbf: {  	[dreg:$0x1] =	wrdreg $0xFFFFFFFF  }
0xc0: {  	_ =	task.clear_ibuf [dreg:s6], $0x2FFFF;
	_ =	strace $0x9FFFFFFF  }
0xc1: {  	(tm) =	ssettm $0x7FFFFFFF  }
tec
execute0_lowered:
.L_overlay_start_1:
0x0: {  	(tag) =	ssettag $0x1  }
0x1: {  	s8 =	rddreg [dreg:$0x0]  }
0x2: {  	s0 =	rddreg [dreg:$0x1];
	_ =	strace $0x80000047;
	s1 =	stileid.u32  }
0x3: {  	s3 =	srdreg.scid;
	s4 =	simm.s32 $0x1;
	s7 =	simm.s32 $0x1  }
0x4: {  	s9 =	simm.s32 $0x1;
	s10 =	simm.s32 $0x3;
	s13 =	simm.s32 $0x0  }
0x5: {  	s12 =	simm.s32 $0x0;
	s5 =	sand.u32 $0x1, s3;
	s6 =	sshll.u32 s1, $0x1  }
0x6: {  	s2 =	sadd.s32 $0x3A000, s8;
	s3 =	sadd.s32 $0x2B000, s8;
	s5 =	sor.u32 s6, s5  }
.Ltmp0:
0x7: {  	[sflag:s4] =	ssyncpa.u1 $0x0;
	p0 =	slt.u32 s5, $0xD;
	(pc) =	sbr.rel .LBB2_1-.Ltmp0, $4  }
0x8: {  	s6 =	simm.s32 $0x2;
	s7 =	simm.s32 @!p0 $0x0;
	p0 =	sne.s32 s5, $0xC  }
0x9: {  	[sflag:s6] =	ssyncpa.u1 $0x0;
	s5 =	smul.u32 $0x60, s5;
	s9 =	simm.s32 @!p0 $0x0  }
0xa: {  	s8 =	sadd.s32 $0x25E00, s8;
	[sflag:s10] =	ssyncpa.u1 $0x0;
	s7 =	sadd.s32 s9, s7  }
0xb: {  	vm0 =	vmmov $0xffff;
	s10 =	simm.s32 $0x0;
	s11 =	smov.u32 s5;
	s9 =	sadd.s32 $0x1, s7  }
.LBB2_4:
0xc: {  	v2 =	vnsel vm1, $0x0, v2  }
0xd: {  	vm1 =	vgt.s32 v0, $0x0;
	v2 =	vmin.u32 v2, $0xC3F  }
0xe: {  	v0 =	vnsel vm1, $0x0, v0  }
0xf: {  	v0 =	vmin.u32 v0, $0xC3F  }
0x10: {  	[tilespmem:s18], [sflag:$0x1] =	stream.indirect_vreg.gather [hbm4b:s2+s10], $0x1, v1, vm0, $0x4038;
	[tilespmem:$0x180] =	vst v63  }
0x11: {  	(ifvalue) =	ssetifvalue $0x7FFFFFFF  }
0x12: {  	[tilespmem:s15], [sflag:$0x1] =	stream.indirect_vreg.gather [hbm4b:s2+s10], $0x1, v2, vm0, $0x4038;
	[tilespmem:$0x180] =	vst v63  }
0x13: {  	s29 =	sadd.s32 $0x10, s15;
	(ifvalue) =	ssetifvalue $0x7FFFFFFF  }
0x14: {  	[tilespmem:s29], [sflag:$0x1] =	stream.indirect_vreg.gather [hbm4b:s2+s10], $0x1, v0, vm0, $0x4038;
	[tilespmem:$0x180] =	vst v63  }
0x15: {  	_ =	swait.ge [sflag:s4], $0x60  }
0x16: {  	s30 =	sshrl.u32 s13, $0x3;
	[sflag:s4] =	ssyncset.done $0x0  }
0x17: {  	s31 =	sand.u32 $0x7, s13;
	s15 =	sadd.s32 s8, s30;
	[sflag:s4] =	ssyncadd.s32 $0xFFFFFFA0  }
0x18: {  	[hbm4b:s15+s31] =	stream.linear.scatter [tilespmem:s14], [sflag:$0x3], $0x60, $0x38;
	[tilespmem:$0x180] =	vst v63  }
.LBB2_5:
0x19: {  	s15 =	sadd.s32 $0xC00, s11  }
0x1a: {  	p1 =	sgt.s32 s15, $0x107F  }
0x1b: {  	s15 =	smov.u32 @p1 s5;
	p1 =	sne.s32 s12, s9  }
.Ltmp1:
0x1c: {  	p0 =	slt.u32 s12, $0x2;
	(pc) =	sbr.rel @!p1 .LBB2_6-.Ltmp1, $4  }
0x1d: {  	s14 =	simm.s32 @!p0 $0x3  }
0x1e: {  	_ =	swait.ge @!p0 [sflag:s14], $0x60  }
0x1f: {  	s16 =	sadd.s32 $0x1, s12;
	s13 =	smov.u32 s11;
	[sflag:s14] =	ssyncset.done @!p0 $0x0  }
0x20: {  	s12 =	smov.u32 s16;
	s11 =	smov.u32 s15;
	[sflag:s14] =	ssyncadd.s32 @!p0 $0xFFFFFFA0  }
.LBB2_1:
0x21: {  	p0 =	sge.u32 s12, s7  }
0x22: {  	s14 =	sxor.u32 @!p0 $0x1, s12  }
0x23: {  	s14 =	smul.u32 @!p0 $0x180, s14  }
0x24: {  	s31 =	sadd.s32 $0xFFFFFFFF, s12;
	s15 =	sshrl.u32 @!p0 s11, $0x3  }
0x25: {  	s16 =	sand.u32 @!p0 $0x7, s11;
	s15 =	sadd.s32 @!p0 s3, s15;
	s14 =	sshra.s32 @!p0 s14, $0x2  }
0x26: {  	[tilespmem:s14], [sflag:$0x2] =	stream.linear.gather @!p0 [hbm4b:s15+s16], $0x60, $0x38;
	[tilespmem:$0x180] =	vst v63  }
0x27: {  	p0 =	sge.u32 s31, s7  }
.Ltmp2:
0x28: {  	_ = 	snop;
	(pc) =	sbr.rel @p0 .LBB2_5-.Ltmp2, $1  }
0x29: {  	_ =	sdelay $0x3  }
0x2a: {  	s14 =	sand.u32 $0x1, s12  }
0x2b: {  	_ =	swait.ge [sflag:s6], $0x60;
	p0 =	seq.s32 s14, $0x1;
	s14 =	simm.s32 $0x60  }
0x2c: {  	[sflag:s6] =	ssyncset.done $0x0;
	s14 =	simm.s32 @!p0 $0x0  }
0x2d: {  	[sflag:s6] =	ssyncadd.s32 $0xFFFFFFA0;
	(ifvalue) =	ssetifvalue $0x7FFFFFFF;
	v0 =	vld.msk [tilespmem:s14+$0x0 ss:$0x1], $0xffff;
	_ =	sdelay $0x4  }
0x2e: {  	s15 =	sadd.s32 $0x10, s14;
	vm1 =	vgt.s32 v0, $0x0  }
0x2f: {  	v2 =	vld.msk [tilespmem:s15+$0x0 ss:$0x1], $0xffff;
	v1 =	vnsel vm1, $0x0, v0  }
0x30: {  	v1 =	vmin.u32 v1, $0xC3F;
	_ =	sdelay $0x2  }
0x31: {  	s17 =	simm.s32 $0x20;
	s14 =	sadd.s32 $0xC0, s14;
	s16 =	sadd.s32 $0x10, s15  }
0x32: {  	s15 =	sadd.s32 $0x10, s14;
	s18 =	smov.u32 s14;
	v0 =	vld.msk [tilespmem:s16+$0x0 ss:$0x1], $0xffff;
	vm1 =	vgt.s32 v2, $0x0;
	(ifvalue) =	ssetifvalue $0x7FFFFFFF  }
.LBB2_3:
0x33: {  	[tilespmem:s18], [sflag:$0x1] =	stream.indirect_vreg.gather [hbm4b:s2+s10], $0x1, v1, vm0, $0x4038;
	[tilespmem:$0x180] =	vst v63  }
0x34: {  	s17 =	sadd.s32 $0x10, s17  }
0x35: {  	v2 =	vnsel vm1, $0x0, v2;
	p0 =	slt.u32 s17, $0x50  }
.Ltmp3:
0x36: {  	s18 =	smov.u32 s15;
	v1 =	vmin.u32 v2, $0xC3F;
	(pc) =	sbr.rel @p0 .LBB2_3-.Ltmp3, $3  }
0x37: {  	_ =	sdelay $0x1  }
0x38: {  	s16 =	sadd.s32 $0x10, s16  }
0x39: {  	vm1 =	vgt.s32 v0, $0x0;
	s15 =	sadd.s32 $0x10, s15;
	v2 =	vmov v0;
	(ifvalue) =	ssetifvalue $0x7FFFFFFF;
	v0 =	vld.msk [tilespmem:s16+$0x0 ss:$0x1], $0xffff  }
.Ltmp4:
0x3a: {  	_ = 	snop;
	(pc) =	sbr.rel .LBB2_4-.Ltmp4, $1  }
0x3b: {  	_ =	sdelay $0x3  }
.LBB2_6:
0x3c: {  	_ =	sfence.sel $0x180000  }
0x3d: {  	s2 =	simm.s32 $0x2;
	[bflag:$0x0] =	sbarrier.arrive $0xFFFF  }
0x3e: {  	s30 =	simm.s32 $0x3;
	[sflag:s2] =	ssyncpa.u1 $0x1  }
0x3f: {  	s31 =	simm.s32 $0x1;
	[sflag:s30] =	ssyncpa.u1 $0x1  }
0x40: {  	[sflag:s31] =	ssyncpa.u1 $0x1  }
0x41: {  	p0 =	sne.s32 s1, $0x0;
	_ =	strace $0x90000047  }
0x42: {  	s0 =	sadd.s32 @!p0 $0x100000, s0;
	[bflag:$0x2] =	sbarrier.arrive $0xFFFF  }
0x43: {  	[sflag:s0] =	ssyncadd.tile.s32 @!p0 $0x1;
	_ =	shalt  }
.Lfunc_end2:
_tile_overlayer_lowered:
.L_overlay_start_2:
0x44: {  	(tag) =	ssettag $0x2  }
0x45: {  	s0 =	rddreg [dreg:$0x0];
	s2 =	stileid.u32  }
0x46: {  	s1 =	rddreg [dreg:$0x1];
	p0 =	sne.s32 s2, $0x0  }
0x47: {  	s3 =	rddreg [dreg:$0x2];
	[bflag:$0x3] =	sbarrier.arrive $0xFFFF;
	s2 =	simm.s32 @!p0 $0x1C01  }
0x48: {  	[timem:s3], [sflag:s2] =	dma.local @!p0 [hbm:s0], s1  }
0x49: {  	s0 =	simm.s32 @!p0 $0x1  }
0x4a: {  	_ =	swait.ge @!p0 [sflag:s0], s1  }
0x4b: {  	s1 =	ssub.s32 @!p0 $0x0, s1;
	[sflag:s0] =	ssyncset.done @!p0 $0x0  }
0x4c: {  	[sflag:s0] =	ssyncadd.s32 @!p0 s1  }
0x4d: {  	[bflag:$0x3] =	sbarrier.arrive $0xFFFF  }
0x4e: {  	_ =	shalt  }

</sc_bundles>
